<compile_context>
chip_gen: v7x
topology: tpu7x:2x2x1
jax: 0.10.2.dev20260603
libtpu: 0.0.44.dev20260713+nightly
codegen_flags: <defaults>
</compile_context>

<pallas_src>
import functools

import jax
import jax.numpy as jnp
from jax import lax
from jax.experimental import pallas as pl
from jax.experimental.pallas import tpu as pltpu
from jax.experimental.pallas import tpu_sc as plsc

N = 10000
NP = 10112
E = 160000
B = 128
NB = 79
ET = NB * B
EP = 16 * ET
D = 256
H = 512
F = 128
C1 = D // F
C2 = H // F
G = 64
NC, NS = 2, 16
RPT = NP // NS
BN = 1000
GRID = N // BN


def _sc_mesh():
    return plsc.VectorSubcoreMesh(core_axis_name="c", subcore_axis_name="s")


def _sc_degree(cols2d, ones_src, zerosf):

    @functools.partial(
        pl.kernel,
        mesh=_sc_mesh(),
        out_type=jax.ShapeDtypeStruct((NC, NP, F), jnp.float32),
        scratch_types=[
            pltpu.VMEM((NB, B), jnp.int32),
            pltpu.VMEM((B, F), jnp.float32),
            pltpu.VMEM_SHARED((NP, F), jnp.float32),
        ],
    )
    def k(cols_hbm, ones_hbm, z_hbm, out_hbm, cols_v, ones_v, acc):
        c = lax.axis_index("c")
        s = lax.axis_index("s")
        pltpu.sync_copy(cols_hbm.at[s], cols_v)
        pltpu.sync_copy(ones_hbm, ones_v)
        pltpu.sync_copy(z_hbm.at[pl.ds(s * RPT, RPT)], acc.at[pl.ds(s * RPT, RPT)])
        plsc.subcore_barrier()
        lo = c * 40
        hi = 40 + 39 * c

        def body(j, carry):
            pltpu.sync_copy(ones_v, acc.at[cols_v.at[j]], add=True)
            return carry

        lax.fori_loop(lo, hi, body, 0)
        plsc.subcore_barrier()
        pltpu.sync_copy(acc.at[pl.ds(s * RPT, RPT)], out_hbm.at[c, pl.ds(s * RPT, RPT)])

    return k(cols2d, ones_src, zerosf)


def _sc_prop(C, u_flat, rows16, cols2d, zerosf):
    cpc = C // NC

    @functools.partial(
        pl.kernel,
        mesh=_sc_mesh(),
        out_type=jax.ShapeDtypeStruct((C, NP, F), jnp.float32),
        scratch_types=[
            pltpu.VMEM((ET,), jnp.int32),
            pltpu.VMEM((NB, B), jnp.int32),
            pltpu.VMEM((B,), jnp.int32),
            pltpu.VMEM((B, F), jnp.float32),
            pltpu.VMEM_SHARED((NP, F), jnp.float32),
            pltpu.SemaphoreType.DMA,
        ],
    )
    def k(u_hbm, rows_hbm, cols_hbm, z_hbm, out_hbm, rows_v, cols_v, gidx, gbuf, acc, sem):
        c = lax.axis_index("c")
        s = lax.axis_index("s")
        pltpu.sync_copy(rows_hbm.at[s], rows_v)
        pltpu.sync_copy(cols_hbm.at[s], cols_v)
        for ci in range(cpc):
            q = c + NC * ci
            off = q * N
            pltpu.sync_copy(z_hbm.at[pl.ds(s * RPT, RPT)], acc.at[pl.ds(s * RPT, RPT)])
            plsc.subcore_barrier()

            def body(j, carry):
                for jj in range(B // 16):
                    rv = rows_v[pl.ds(j * B + jj * 16, 16)]
                    gidx[pl.ds(jj * 16, 16)] = rv + off
                pltpu.async_copy(u_hbm.at[gidx], gbuf, sem).wait()
                pltpu.sync_copy(gbuf, acc.at[cols_v.at[j]], add=True)
                return carry

            lax.fori_loop(0, NB, body, 0)
            plsc.subcore_barrier()
            pltpu.sync_copy(acc.at[pl.ds(s * RPT, RPT)], out_hbm.at[q, pl.ds(s * RPT, RPT)])

    return k(u_flat, rows16, cols2d, zerosf)


def _prelu(v):
    return jnp.where(v >= 0, v, 0.25 * v)


def _prep_call(deg2, x):

    def body(deg_ref, x_ref, dinv_ref, d2_ref, u0_ref):
        deg = deg_ref[0] + deg_ref[1]
        dinv = jnp.where(deg > 0, lax.rsqrt(deg), 0.0)
        dinv_ref[...] = dinv
        d2_ref[...] = dinv * dinv
        for q in range(C1):
            u0_ref[q] = x_ref[:, q * F:(q + 1) * F] * dinv

    return pl.pallas_call(
        body,
        grid=(GRID,),
        in_specs=[
            pl.BlockSpec((NC, BN, 1), lambda i: (0, i, 0)),
            pl.BlockSpec((BN, D), lambda i: (i, 0)),
        ],
        out_specs=[
            pl.BlockSpec((BN, 1), lambda i: (i, 0)),
            pl.BlockSpec((BN, 1), lambda i: (i, 0)),
            pl.BlockSpec((C1, BN, F), lambda i: (0, i, 0)),
        ],
        out_shape=[
            jax.ShapeDtypeStruct((N, 1), jnp.float32),
            jax.ShapeDtypeStruct((N, 1), jnp.float32),
            jax.ShapeDtypeStruct((C1, N, F), jnp.float32),
        ],
    )(deg2, x)


def _scale_call(C, p, d2):

    def body(p_ref, d2_ref, u_ref):
        u_ref[0] = p_ref[0] * d2_ref[...]

    return pl.pallas_call(
        body,
        grid=(C, GRID),
        in_specs=[
            pl.BlockSpec((1, BN, F), lambda c, i: (c, i, 0)),
            pl.BlockSpec((BN, 1), lambda c, i: (i, 0)),
        ],
        out_specs=pl.BlockSpec((1, BN, F), lambda c, i: (c, i, 0)),
        out_shape=jax.ShapeDtypeStruct((C, N, F), jnp.float32),
    )(p, d2)


def _layer1_call(x, p1, p2, p3, dinv, W0, b0r):

    def body(x_ref, p1_ref, p2_ref, p3_ref, dinv_ref, w_ref, b_ref, out_ref, u_ref):
        dinv = dinv_ref[...]
        acc = jnp.dot(x_ref[...], w_ref[0], preferred_element_type=jnp.float32)
        for k, p_ref in ((1, p1_ref), (2, p2_ref), (3, p3_ref)):
            for q in range(C1):
                acc += jnp.dot(p_ref[q] * dinv, w_ref[k, q * F:(q + 1) * F, :],
                               preferred_element_type=jnp.float32)
        o = _prelu(acc + b_ref[...])
        out_ref[...] = o
        for q in range(C2):
            u_ref[q] = o[:, q * F:(q + 1) * F] * dinv

    pspec = pl.BlockSpec((C1, BN, F), lambda i: (0, i, 0))
    return pl.pallas_call(
        body,
        grid=(GRID,),
        in_specs=[
            pl.BlockSpec((BN, D), lambda i: (i, 0)),
            pspec, pspec, pspec,
            pl.BlockSpec((BN, 1), lambda i: (i, 0)),
            pl.BlockSpec((4, D, H), lambda i: (0, 0, 0)),
            pl.BlockSpec((1, H), lambda i: (0, 0)),
        ],
        out_specs=[
            pl.BlockSpec((BN, H), lambda i: (i, 0)),
            pl.BlockSpec((C2, BN, F), lambda i: (0, i, 0)),
        ],
        out_shape=[
            jax.ShapeDtypeStruct((N, H), jnp.float32),
            jax.ShapeDtypeStruct((C2, N, F), jnp.float32),
        ],
    )(x, p1, p2, p3, dinv, W0, b0r)


def _layer2_call(h, p1, p2, p3, dinv, batch2, W1, b1r, Wout):

    def body(h_ref, p1_ref, p2_ref, p3_ref, dinv_ref, b_ref, w_ref, bias_ref,
             wout_ref, out_ref):
        i = pl.program_id(0)
        dinv = dinv_ref[...]
        acc = jnp.dot(h_ref[...], w_ref[0], preferred_element_type=jnp.float32)
        for k, p_ref in ((1, p1_ref), (2, p2_ref), (3, p3_ref)):
            for q in range(C2):
                acc += jnp.dot(p_ref[q] * dinv, w_ref[k, q * F:(q + 1) * F, :],
                               preferred_element_type=jnp.float32)
        o = _prelu(acc + bias_ref[...])
        z = jnp.dot(o, wout_ref[...], preferred_element_type=jnp.float32)
        gids = lax.broadcasted_iota(jnp.int32, (BN, G), 1)
        mask = (b_ref[...] == gids).astype(jnp.float32)
        pool = jnp.sum(mask * z, axis=0, keepdims=True)

        @pl.when(i == 0)
        def _():
            out_ref[...] = jnp.zeros_like(out_ref)

        out_ref[...] += pool

    pspec = pl.BlockSpec((C2, BN, F), lambda i: (0, i, 0))
    return pl.pallas_call(
        body,
        grid=(GRID,),
        in_specs=[
            pl.BlockSpec((BN, H), lambda i: (i, 0)),
            pspec, pspec, pspec,
            pl.BlockSpec((BN, 1), lambda i: (i, 0)),
            pl.BlockSpec((BN, 1), lambda i: (i, 0)),
            pl.BlockSpec((4, H, H), lambda i: (0, 0, 0)),
            pl.BlockSpec((1, H), lambda i: (0, 0)),
            pl.BlockSpec((H, 1), lambda i: (0, 0)),
        ],
        out_specs=pl.BlockSpec((1, G), lambda i: (0, 0)),
        out_shape=jax.ShapeDtypeStruct((1, G), jnp.float32),
    )(h, p1, p2, p3, dinv, batch2, W1, b1r, Wout)


def kernel(x, edge_index, batch, W0, b0, W1, b1, Wout, bout):
    row = edge_index[0].astype(jnp.int32)
    col = edge_index[1].astype(jnp.int32)
    rows_p = jnp.concatenate([row, jnp.zeros((EP - E,), jnp.int32)])
    cols_p = jnp.concatenate([col, jnp.full((EP - E,), N, jnp.int32)])
    rows16 = rows_p.reshape(NS, ET)
    cols2d = cols_p.reshape(NS, NB, B)
    ones_src = jnp.ones((B, F), jnp.float32)
    zerosf = jnp.zeros((NP, F), jnp.float32)

    degacc = _sc_degree(cols2d, ones_src, zerosf)
    deg2 = degacc[:, :N, 0:1]
    dinv, d2, u0 = _prep_call(deg2, x)

    p1 = _sc_prop(C1, u0.reshape(C1 * N, F), rows16, cols2d, zerosf)[:, :N]
    u1 = _scale_call(C1, p1, d2)
    p2 = _sc_prop(C1, u1.reshape(C1 * N, F), rows16, cols2d, zerosf)[:, :N]
    u2 = _scale_call(C1, p2, d2)
    p3 = _sc_prop(C1, u2.reshape(C1 * N, F), rows16, cols2d, zerosf)[:, :N]

    out1, u0b = _layer1_call(x, p1, p2, p3, dinv, W0, b0.reshape(1, H))

    q1 = _sc_prop(C2, u0b.reshape(C2 * N, F), rows16, cols2d, zerosf)[:, :N]
    v1 = _scale_call(C2, q1, d2)
    q2 = _sc_prop(C2, v1.reshape(C2 * N, F), rows16, cols2d, zerosf)[:, :N]
    v2 = _scale_call(C2, q2, d2)
    q3 = _sc_prop(C2, v2.reshape(C2 * N, F), rows16, cols2d, zerosf)[:, :N]

    pooled = _layer2_call(out1, q1, q2, q3, dinv, batch.reshape(N, 1),
                          W1, b1.reshape(1, H), Wout)
    return pooled.reshape(G, 1) + bout

# --- scband reference (transcript-rebuilt; emitter-appended) ---
"""Pipeline reference for scband-discriminator-13280038880016 (READ-ONLY COPY).

The authoritative reference and input builder live on the scoring server;
editing this copy changes nothing except your own understanding.
"""

import jax, jax.numpy as jnp
import numpy as np

K = 3
NUM_GRAPHS = 64


def _tagconv(x, row, col, W, b):
    # W: [K+1, d_in, d_out] stacked weights of the K+1 linear layers (no bias each),
    # b: [d_out] shared bias. Mirrors PyG TAGConv with normalize=True, add_self_loops=False.
    n = x.shape[0]
    deg = jnp.zeros((n,), dtype=x.dtype).at[col].add(1.0)
    dinv = jnp.where(deg > 0, deg ** -0.5, 0.0)
    norm = dinv[row] * dinv[col]
    out = x @ W[0]
    h = x
    for k in range(1, K + 1):
        h = jnp.zeros((n, h.shape[1]), dtype=h.dtype).at[col].add(norm[:, None] * h[row])
        out = out + h @ W[k]
    return out + b


def _prelu(x, a=0.25):
    # fresh nn.PReLU() each forward -> weight is always its init value 0.25
    return jnp.where(x >= 0, x, a * x)


def setup_inputs(seed: int = 0):
    key = jax.random.key(seed)
    ks = jax.random.split(key, 12)
    N, E, D, H = 10000, 160000, 256, 512
    x = jax.random.normal(ks[0], (N, D), dtype=jnp.float32)
    edge_index = jax.random.randint(ks[1], (2, E), 0, N, dtype=jnp.int32)
    batch = jnp.sort(jax.random.randint(ks[2], (N,), 0, NUM_GRAPHS, dtype=jnp.int32))
    W0 = jax.random.normal(ks[3], (K + 1, D, H), dtype=jnp.float32) * (1.0 / np.sqrt(D))
    b0 = jnp.zeros((H,), dtype=jnp.float32)
    W1 = jax.random.normal(ks[4], (K + 1, H, H), dtype=jnp.float32) * (1.0 / np.sqrt(H))
    b1 = jnp.zeros((H,), dtype=jnp.float32)
    Wout = jax.random.normal(ks[5], (H, 1), dtype=jnp.float32) * (1.0 / np.sqrt(H))
    bout = jnp.zeros((1,), dtype=jnp.float32)
    return {"x": x, "edge_index": edge_index, "batch": batch,
            "W0": W0, "b0": b0, "W1": W1, "b1": b1, "Wout": Wout, "bout": bout}


def reference(x, edge_index, batch, W0, b0, W1, b1, Wout, bout):
    row, col = edge_index[0], edge_index[1]
    # layer 1: TAGConv -> dropout(identity in deterministic reference) -> PReLU
    h = _tagconv(x, row, col, W0, b0)
    h = _prelu(h)
    # layer 2
    h = _tagconv(h, row, col, W1, b1)
    h = _prelu(h)
    # global_add_pool over graph ids
    pooled = jax.ops.segment_sum(h, batch, num_segments=NUM_GRAPHS)
    # final critic linear -> [num_graphs, 1]
    return pooled @ Wout + bout

if __name__ == "__main__":
    import jax
    _d = setup_inputs()
    print(jax.jit(kernel)(*tuple(_d.values())))

</pallas_src>

<mosaic_0001>
#map = affine_map<(d0, d1) -> (0, 0, 0)>
#map1 = affine_map<(d0, d1) -> (0, 0)>
module attributes {stable_mosaic.version = 14 : i64} {
  func.func @k(%arg0: i32, %arg1: i32, %arg2: memref<16x79x128xi32, #tpu.memory_space<hbm>>, %arg3: memref<128x128xf32, #tpu.memory_space<hbm>>, %arg4: memref<10112x128xf32, #tpu.memory_space<hbm>>, %arg5: memref<2x10112x128xf32, #tpu.memory_space<hbm>>, %arg6: memref<79x128xi32, #tpu.memory_space<vmem>>, %arg7: memref<128x128xf32, #tpu.memory_space<vmem>>, %arg8: memref<10112x128xf32, #tpu.memory_space<vmem_shared>>) attributes {dimension_semantics = [#tpu.dimension_semantics<core_parallel>, #tpu.dimension_semantics<subcore_parallel>], iteration_bounds = array<i64: 2, 16>, scalar_prefetch = 0 : i64, scratch_operands = 3 : i64, tpu.core_type = #tpu.core_type<sc_vector_subcore>, window_params = [{transform_indices = #map}, {transform_indices = #map1}, {transform_indices = #map1}, {transform_indices = #map}]} {
    "tpu.region"() ({
      %run_scoped3A = tpu.sem_alloc : memref<!tpu.dma_semaphore, #tpu.memory_space<semaphore_mem>>
      %dma_start3A = arith.constant 0 : i32
      %dma_start3A_21 = arith.constant 0 : i32
      %dma_start3A_22 = tpu.memref_slice %arg2[%arg1, %dma_start3A, %dma_start3A_21] : memref<16x79x128xi32, #tpu.memory_space<hbm>> -> memref<1x79x128xi32, #tpu.memory_space<hbm>>
      %dma_start3A_23 = tpu.memref_squeeze %dma_start3A_22 : memref<1x79x128xi32, #tpu.memory_space<hbm>> -> memref<79x128xi32, #tpu.memory_space<hbm>>
      %dma_start3A_24 = arith.constant 0 : i32
      %dma_start3A_25 = arith.constant 0 : i32
      %dma_start3A_26 = tpu.memref_slice %arg2[%arg1, %dma_start3A_24, %dma_start3A_25] : memref<16x79x128xi32, #tpu.memory_space<hbm>> -> memref<1x79x128xi32, #tpu.memory_space<hbm>>
      %dma_start3A_27 = tpu.memref_squeeze %dma_start3A_26 : memref<1x79x128xi32, #tpu.memory_space<hbm>> -> memref<79x128xi32, #tpu.memory_space<hbm>>
      tpu.enqueue_dma source(%dma_start3A_27 : memref<79x128xi32, #tpu.memory_space<hbm>>) target(%arg6 : memref<79x128xi32, #tpu.memory_space<vmem>>) target_semaphore(%run_scoped3A : memref<!tpu.dma_semaphore, #tpu.memory_space<semaphore_mem>>)
      %dma_wait3A = arith.constant 0 : i32
      %dma_wait3A_28 = arith.constant 0 : i32
      %dma_wait3A_29 = tpu.memref_slice %arg2[%arg1, %dma_wait3A, %dma_wait3A_28] : memref<16x79x128xi32, #tpu.memory_space<hbm>> -> memref<1x79x128xi32, #tpu.memory_space<hbm>>
      %dma_wait3A_30 = tpu.memref_squeeze %dma_wait3A_29 : memref<1x79x128xi32, #tpu.memory_space<hbm>> -> memref<79x128xi32, #tpu.memory_space<hbm>>
      %dma_wait3A_31 = arith.constant 0 : i32
      %dma_wait3A_32 = arith.constant 0 : i32
      %dma_wait3A_33 = tpu.memref_slice %arg2[%arg1, %dma_wait3A_31, %dma_wait3A_32] : memref<16x79x128xi32, #tpu.memory_space<hbm>> -> memref<1x79x128xi32, #tpu.memory_space<hbm>>
      %dma_wait3A_34 = tpu.memref_squeeze %dma_wait3A_33 : memref<1x79x128xi32, #tpu.memory_space<hbm>> -> memref<79x128xi32, #tpu.memory_space<hbm>>
      tpu.wait_dma2 semaphore(%run_scoped3A : memref<!tpu.dma_semaphore, #tpu.memory_space<semaphore_mem>>) src(%dma_wait3A_34 : memref<79x128xi32, #tpu.memory_space<hbm>>) dst(%arg6 : memref<79x128xi32, #tpu.memory_space<vmem>>)
      tpu.yield
    }) : () -> ()
    "tpu.region"() ({
      %run_scoped3A = tpu.sem_alloc : memref<!tpu.dma_semaphore, #tpu.memory_space<semaphore_mem>>
      tpu.enqueue_dma source(%arg3 : memref<128x128xf32, #tpu.memory_space<hbm>>) target(%arg7 : memref<128x128xf32, #tpu.memory_space<vmem>>) target_semaphore(%run_scoped3A : memref<!tpu.dma_semaphore, #tpu.memory_space<semaphore_mem>>)
      tpu.wait_dma2 semaphore(%run_scoped3A : memref<!tpu.dma_semaphore, #tpu.memory_space<semaphore_mem>>) src(%arg3 : memref<128x128xf32, #tpu.memory_space<hbm>>) dst(%arg7 : memref<128x128xf32, #tpu.memory_space<vmem>>)
      tpu.yield
    }) : () -> ()
    %mul3A = arith.constant 632 : i32
    %mul3A_0 = arith.muli %arg1, %mul3A : i32
    %mul3A_1 = arith.constant 632 : i32
    %mul3A_2 = arith.muli %arg1, %mul3A_1 : i32
    "tpu.region"() ({
      %run_scoped3A = tpu.sem_alloc : memref<!tpu.dma_semaphore, #tpu.memory_space<semaphore_mem>>
      %dma_start3A = arith.constant 0 : i32
      %dma_start3A_21 = tpu.memref_slice %arg8[%mul3A_2, %dma_start3A] : memref<10112x128xf32, #tpu.memory_space<vmem_shared>> -> memref<632x128xf32, #tpu.memory_space<vmem_shared>>
      %dma_start3A_22 = arith.constant 0 : i32
      %dma_start3A_23 = tpu.memref_slice %arg4[%mul3A_0, %dma_start3A_22] : memref<10112x128xf32, #tpu.memory_space<hbm>> -> memref<632x128xf32, #tpu.memory_space<hbm>>
      tpu.enqueue_dma source(%dma_start3A_23 : memref<632x128xf32, #tpu.memory_space<hbm>>) target(%dma_start3A_21 : memref<632x128xf32, #tpu.memory_space<vmem_shared>>) target_semaphore(%run_scoped3A : memref<!tpu.dma_semaphore, #tpu.memory_space<semaphore_mem>>)
      %dma_wait3A = arith.constant 0 : i32
      %dma_wait3A_24 = tpu.memref_slice %arg8[%mul3A_2, %dma_wait3A] : memref<10112x128xf32, #tpu.memory_space<vmem_shared>> -> memref<632x128xf32, #tpu.memory_space<vmem_shared>>
      %dma_wait3A_25 = arith.constant 0 : i32
      %dma_wait3A_26 = tpu.memref_slice %arg4[%mul3A_0, %dma_wait3A_25] : memref<10112x128xf32, #tpu.memory_space<hbm>> -> memref<632x128xf32, #tpu.memory_space<hbm>>
      tpu.wait_dma2 semaphore(%run_scoped3A : memref<!tpu.dma_semaphore, #tpu.memory_space<semaphore_mem>>) src(%dma_wait3A_26 : memref<632x128xf32, #tpu.memory_space<hbm>>) dst(%dma_wait3A_24 : memref<632x128xf32, #tpu.memory_space<vmem_shared>>)
      tpu.yield
    }) : () -> ()
    %barrier3A = arith.constant 0 : index
    tpu.barrier barrier_id(%barrier3A)
    %mul3A_3 = arith.constant 40 : i32
    %mul3A_4 = arith.muli %arg0, %mul3A_3 : i32
    %mul3A_5 = arith.constant 39 : i32
    %mul3A_6 = arith.muli %mul3A_5, %arg0 : i32
    %add3A = arith.constant 40 : i32
    %add3A_7 = arith.addi %add3A, %mul3A_6 : i32
    %while3A = arith.constant 0 : i32
    %while3A_8 = arith.subi %add3A_7, %mul3A_4 : i32
    %while3A_9 = arith.addi %mul3A_4, %while3A_8 : i32
    %while3A_10 = arith.constant 1 : i32
    %while3A_11 = arith.divsi %while3A_8, %while3A_10 : i32
    %while3A_12 = arith.muli %while3A_11, %while3A_10 : i32
    %while3A_13 = arith.addi %mul3A_4, %while3A_12 : i32
    %while3A_14 = arith.constant 1 : i32
    scf.for %while3A_21 = %mul3A_4 to %while3A_13 step %while3A_14  : i32 {
      "tpu.region"() ({
        %run_scoped3A = tpu.sem_alloc : memref<!tpu.dma_semaphore, #tpu.memory_space<semaphore_mem>>
        %dma_start3A = arith.constant 0 : i32
        %dma_start3A_22 = tpu.memref_slice %arg6[%while3A_21, %dma_start3A] : memref<79x128xi32, #tpu.memory_space<vmem>> -> memref<1x128xi32, #tpu.memory_space<vmem>>
        %dma_start3A_23 = tpu.memref_squeeze %dma_start3A_22 : memref<1x128xi32, #tpu.memory_space<vmem>> -> memref<128xi32, #tpu.memory_space<vmem>>
        %dma_start3A_24 = arith.constant 0 : i32
        %dma_start3A_25 = arith.constant 0 : i32
        %dma_start3A_26 = tpu.memref_slice %arg8[%dma_start3A_24, %dma_start3A_25] : memref<10112x128xf32, #tpu.memory_space<vmem_shared>> -> memref<10112x128xf32, #tpu.memory_space<vmem_shared>>
        tpu.enqueue_indirect_dma source(%arg7 : memref<128x128xf32, #tpu.memory_space<vmem>>) target(%dma_start3A_26 : memref<10112x128xf32, #tpu.memory_space<vmem_shared>>) offsets(%dma_start3A_23 : memref<128xi32, #tpu.memory_space<vmem>>) semaphore(%run_scoped3A : memref<!tpu.dma_semaphore, #tpu.memory_space<semaphore_mem>>) {add = true}
        %dma_wait3A = arith.constant 0 : i32
        %dma_wait3A_27 = tpu.memref_slice %arg6[%while3A_21, %dma_wait3A] : memref<79x128xi32, #tpu.memory_space<vmem>> -> memref<1x128xi32, #tpu.memory_space<vmem>>
        %dma_wait3A_28 = tpu.memref_squeeze %dma_wait3A_27 : memref<1x128xi32, #tpu.memory_space<vmem>> -> memref<128xi32, #tpu.memory_space<vmem>>
        %dma_wait3A_29 = arith.constant 0 : i32
        %dma_wait3A_30 = arith.constant 0 : i32
        %dma_wait3A_31 = tpu.memref_slice %arg8[%dma_wait3A_29, %dma_wait3A_30] : memref<10112x128xf32, #tpu.memory_space<vmem_shared>> -> memref<10112x128xf32, #tpu.memory_space<vmem_shared>>
        tpu.wait_indirect_dma semaphore(%run_scoped3A : memref<!tpu.dma_semaphore, #tpu.memory_space<semaphore_mem>>) src(%arg7 : memref<128x128xf32, #tpu.memory_space<vmem>>) dst(%dma_wait3A_31 : memref<10112x128xf32, #tpu.memory_space<vmem_shared>>)
        tpu.yield
      }) : () -> ()
    }
    %while3A_15 = arith.constant 1 : i32
    scf.for %while3A_21 = %while3A_13 to %while3A_9 step %while3A_15  : i32 {
      "tpu.region"() ({
        %run_scoped3A = tpu.sem_alloc : memref<!tpu.dma_semaphore, #tpu.memory_space<semaphore_mem>>
        %dma_start3A = arith.constant 0 : i32
        %dma_start3A_22 = tpu.memref_slice %arg6[%while3A_21, %dma_start3A] : memref<79x128xi32, #tpu.memory_space<vmem>> -> memref<1x128xi32, #tpu.memory_space<vmem>>
        %dma_start3A_23 = tpu.memref_squeeze %dma_start3A_22 : memref<1x128xi32, #tpu.memory_space<vmem>> -> memref<128xi32, #tpu.memory_space<vmem>>
        %dma_start3A_24 = arith.constant 0 : i32
        %dma_start3A_25 = arith.constant 0 : i32
        %dma_start3A_26 = tpu.memref_slice %arg8[%dma_start3A_24, %dma_start3A_25] : memref<10112x128xf32, #tpu.memory_space<vmem_shared>> -> memref<10112x128xf32, #tpu.memory_space<vmem_shared>>
        tpu.enqueue_indirect_dma source(%arg7 : memref<128x128xf32, #tpu.memory_space<vmem>>) target(%dma_start3A_26 : memref<10112x128xf32, #tpu.memory_space<vmem_shared>>) offsets(%dma_start3A_23 : memref<128xi32, #tpu.memory_space<vmem>>) semaphore(%run_scoped3A : memref<!tpu.dma_semaphore, #tpu.memory_space<semaphore_mem>>) {add = true}
        %dma_wait3A = arith.constant 0 : i32
        %dma_wait3A_27 = tpu.memref_slice %arg6[%while3A_21, %dma_wait3A] : memref<79x128xi32, #tpu.memory_space<vmem>> -> memref<1x128xi32, #tpu.memory_space<vmem>>
        %dma_wait3A_28 = tpu.memref_squeeze %dma_wait3A_27 : memref<1x128xi32, #tpu.memory_space<vmem>> -> memref<128xi32, #tpu.memory_space<vmem>>
        %dma_wait3A_29 = arith.constant 0 : i32
        %dma_wait3A_30 = arith.constant 0 : i32
        %dma_wait3A_31 = tpu.memref_slice %arg8[%dma_wait3A_29, %dma_wait3A_30] : memref<10112x128xf32, #tpu.memory_space<vmem_shared>> -> memref<10112x128xf32, #tpu.memory_space<vmem_shared>>
        tpu.wait_indirect_dma semaphore(%run_scoped3A : memref<!tpu.dma_semaphore, #tpu.memory_space<semaphore_mem>>) src(%arg7 : memref<128x128xf32, #tpu.memory_space<vmem>>) dst(%dma_wait3A_31 : memref<10112x128xf32, #tpu.memory_space<vmem_shared>>)
        tpu.yield
      }) : () -> ()
    }
    %barrier3A_16 = arith.constant 0 : index
    tpu.barrier barrier_id(%barrier3A_16)
    %mul3A_17 = arith.constant 632 : i32
    %mul3A_18 = arith.muli %arg1, %mul3A_17 : i32
    %mul3A_19 = arith.constant 632 : i32
    %mul3A_20 = arith.muli %arg1, %mul3A_19 : i32
    "tpu.region"() ({
      %run_scoped3A = tpu.sem_alloc : memref<!tpu.dma_semaphore, #tpu.memory_space<semaphore_mem>>
      %dma_start3A = arith.constant 0 : i32
      %dma_start3A_21 = tpu.memref_slice %arg5[%arg0, %mul3A_20, %dma_start3A] : memref<2x10112x128xf32, #tpu.memory_space<hbm>> -> memref<1x632x128xf32, #tpu.memory_space<hbm>>
      %dma_start3A_22 = tpu.memref_squeeze %dma_start3A_21 : memref<1x632x128xf32, #tpu.memory_space<hbm>> -> memref<632x128xf32, #tpu.memory_space<hbm>>
      %dma_start3A_23 = arith.constant 0 : i32
      %dma_start3A_24 = tpu.memref_slice %arg8[%mul3A_18, %dma_start3A_23] : memref<10112x128xf32, #tpu.memory_space<vmem_shared>> -> memref<632x128xf32, #tpu.memory_space<vmem_shared>>
      tpu.enqueue_dma source(%dma_start3A_24 : memref<632x128xf32, #tpu.memory_space<vmem_shared>>) target(%dma_start3A_22 : memref<632x128xf32, #tpu.memory_space<hbm>>) target_semaphore(%run_scoped3A : memref<!tpu.dma_semaphore, #tpu.memory_space<semaphore_mem>>)
      %dma_wait3A = arith.constant 0 : i32
      %dma_wait3A_25 = tpu.memref_slice %arg5[%arg0, %mul3A_20, %dma_wait3A] : memref<2x10112x128xf32, #tpu.memory_space<hbm>> -> memref<1x632x128xf32, #tpu.memory_space<hbm>>
      %dma_wait3A_26 = tpu.memref_squeeze %dma_wait3A_25 : memref<1x632x128xf32, #tpu.memory_space<hbm>> -> memref<632x128xf32, #tpu.memory_space<hbm>>
      %dma_wait3A_27 = arith.constant 0 : i32
      %dma_wait3A_28 = tpu.memref_slice %arg8[%mul3A_18, %dma_wait3A_27] : memref<10112x128xf32, #tpu.memory_space<vmem_shared>> -> memref<632x128xf32, #tpu.memory_space<vmem_shared>>
      tpu.wait_dma2 semaphore(%run_scoped3A : memref<!tpu.dma_semaphore, #tpu.memory_space<semaphore_mem>>) src(%dma_wait3A_28 : memref<632x128xf32, #tpu.memory_space<vmem_shared>>) dst(%dma_wait3A_26 : memref<632x128xf32, #tpu.memory_space<hbm>>)
      tpu.yield
    }) : () -> ()
    return
  }
}

#map = affine_map<(d0, d1) -> (0, 0)>
#map1 = affine_map<(d0, d1) -> (0, 0, 0)>
module attributes {stable_mosaic.version = 14 : i64} {
  func.func @k(%arg0: i32, %arg1: i32, %arg2: memref<20000x128xf32, #tpu.memory_space<hbm>>, %arg3: memref<16x10112xi32, #tpu.memory_space<hbm>>, %arg4: memref<16x79x128xi32, #tpu.memory_space<hbm>>, %arg5: memref<10112x128xf32, #tpu.memory_space<hbm>>, %arg6: memref<2x10112x128xf32, #tpu.memory_space<hbm>>, %arg7: memref<10112xi32, #tpu.memory_space<vmem>>, %arg8: memref<79x128xi32, #tpu.memory_space<vmem>>, %arg9: memref<128xi32, #tpu.memory_space<vmem>>, %arg10: memref<128x128xf32, #tpu.memory_space<vmem>>, %arg11: memref<10112x128xf32, #tpu.memory_space<vmem_shared>>, %arg12: memref<!tpu.dma_semaphore, #tpu.memory_space<semaphore_mem>>) attributes {dimension_semantics = [#tpu.dimension_semantics<core_parallel>, #tpu.dimension_semantics<subcore_parallel>], iteration_bounds = array<i64: 2, 16>, scalar_prefetch = 0 : i64, scratch_operands = 6 : i64, tpu.core_type = #tpu.core_type<sc_vector_subcore>, window_params = [{transform_indices = #map}, {transform_indices = #map}, {transform_indices = #map1}, {transform_indices = #map}, {transform_indices = #map1}]} {
    "tpu.region"() ({
      %run_scoped3A = tpu.sem_alloc : memref<!tpu.dma_semaphore, #tpu.memory_space<semaphore_mem>>
      %dma_start3A = arith.constant 0 : i32
      %dma_start3A_16 = tpu.memref_slice %arg3[%arg1, %dma_start3A] : memref<16x10112xi32, #tpu.memory_space<hbm>> -> memref<1x10112xi32, #tpu.memory_space<hbm>>
      %dma_start3A_17 = tpu.memref_squeeze %dma_start3A_16 : memref<1x10112xi32, #tpu.memory_space<hbm>> -> memref<10112xi32, #tpu.memory_space<hbm>>
      %dma_start3A_18 = arith.constant 0 : i32
      %dma_start3A_19 = tpu.memref_slice %arg3[%arg1, %dma_start3A_18] : memref<16x10112xi32, #tpu.memory_space<hbm>> -> memref<1x10112xi32, #tpu.memory_space<hbm>>
      %dma_start3A_20 = tpu.memref_squeeze %dma_start3A_19 : memref<1x10112xi32, #tpu.memory_space<hbm>> -> memref<10112xi32, #tpu.memory_space<hbm>>
      tpu.enqueue_dma source(%dma_start3A_20 : memref<10112xi32, #tpu.memory_space<hbm>>) target(%arg7 : memref<10112xi32, #tpu.memory_space<vmem>>) target_semaphore(%run_scoped3A : memref<!tpu.dma_semaphore, #tpu.memory_space<semaphore_mem>>)
      %dma_wait3A = arith.constant 0 : i32
      %dma_wait3A_21 = tpu.memref_slice %arg3[%arg1, %dma_wait3A] : memref<16x10112xi32, #tpu.memory_space<hbm>> -> memref<1x10112xi32, #tpu.memory_space<hbm>>
      %dma_wait3A_22 = tpu.memref_squeeze %dma_wait3A_21 : memref<1x10112xi32, #tpu.memory_space<hbm>> -> memref<10112xi32, #tpu.memory_space<hbm>>
      %dma_wait3A_23 = arith.constant 0 : i32
      %dma_wait3A_24 = tpu.memref_slice %arg3[%arg1, %dma_wait3A_23] : memref<16x10112xi32, #tpu.memory_space<hbm>> -> memref<1x10112xi32, #tpu.memory_space<hbm>>
      %dma_wait3A_25 = tpu.memref_squeeze %dma_wait3A_24 : memref<1x10112xi32, #tpu.memory_space<hbm>> -> memref<10112xi32, #tpu.memory_space<hbm>>
      tpu.wait_dma2 semaphore(%run_scoped3A : memref<!tpu.dma_semaphore, #tpu.memory_space<semaphore_mem>>) src(%dma_wait3A_25 : memref<10112xi32, #tpu.memory_space<hbm>>) dst(%arg7 : memref<10112xi32, #tpu.memory_space<vmem>>)
      tpu.yield
    }) : () -> ()
    "tpu.region"() ({
      %run_scoped3A = tpu.sem_alloc : memref<!tpu.dma_semaphore, #tpu.memory_space<semaphore_mem>>
      %dma_start3A = arith.constant 0 : i32
      %dma_start3A_16 = arith.constant 0 : i32
      %dma_start3A_17 = tpu.memref_slice %arg4[%arg1, %dma_start3A, %dma_start3A_16] : memref<16x79x128xi32, #tpu.memory_space<hbm>> -> memref<1x79x128xi32, #tpu.memory_space<hbm>>
      %dma_start3A_18 = tpu.memref_squeeze %dma_start3A_17 : memref<1x79x128xi32, #tpu.memory_space<hbm>> -> memref<79x128xi32, #tpu.memory_space<hbm>>
      %dma_start3A_19 = arith.constant 0 : i32
      %dma_start3A_20 = arith.constant 0 : i32
      %dma_start3A_21 = tpu.memref_slice %arg4[%arg1, %dma_start3A_19, %dma_start3A_20] : memref<16x79x128xi32, #tpu.memory_space<hbm>> -> memref<1x79x128xi32, #tpu.memory_space<hbm>>
      %dma_start3A_22 = tpu.memref_squeeze %dma_start3A_21 : memref<1x79x128xi32, #tpu.memory_space<hbm>> -> memref<79x128xi32, #tpu.memory_space<hbm>>
      tpu.enqueue_dma source(%dma_start3A_22 : memref<79x128xi32, #tpu.memory_space<hbm>>) target(%arg8 : memref<79x128xi32, #tpu.memory_space<vmem>>) target_semaphore(%run_scoped3A : memref<!tpu.dma_semaphore, #tpu.memory_space<semaphore_mem>>)
      %dma_wait3A = arith.constant 0 : i32
      %dma_wait3A_23 = arith.constant 0 : i32
      %dma_wait3A_24 = tpu.memref_slice %arg4[%arg1, %dma_wait3A, %dma_wait3A_23] : memref<16x79x128xi32, #tpu.memory_space<hbm>> -> memref<1x79x128xi32, #tpu.memory_space<hbm>>
      %dma_wait3A_25 = tpu.memref_squeeze %dma_wait3A_24 : memref<1x79x128xi32, #tpu.memory_space<hbm>> -> memref<79x128xi32, #tpu.memory_space<hbm>>
      %dma_wait3A_26 = arith.constant 0 : i32
      %dma_wait3A_27 = arith.constant 0 : i32
      %dma_wait3A_28 = tpu.memref_slice %arg4[%arg1, %dma_wait3A_26, %dma_wait3A_27] : memref<16x79x128xi32, #tpu.memory_space<hbm>> -> memref<1x79x128xi32, #tpu.memory_space<hbm>>
      %dma_wait3A_29 = tpu.memref_squeeze %dma_wait3A_28 : memref<1x79x128xi32, #tpu.memory_space<hbm>> -> memref<79x128xi32, #tpu.memory_space<hbm>>
      tpu.wait_dma2 semaphore(%run_scoped3A : memref<!tpu.dma_semaphore, #tpu.memory_space<semaphore_mem>>) src(%dma_wait3A_29 : memref<79x128xi32, #tpu.memory_space<hbm>>) dst(%arg8 : memref<79x128xi32, #tpu.memory_space<vmem>>)
      tpu.yield
    }) : () -> ()
    %add3A = arith.constant 0 : i32
    %add3A_0 = arith.addi %arg0, %add3A : i32
    %mul3A = arith.constant 10000 : i32
    %mul3A_1 = arith.muli %add3A_0, %mul3A : i32
    %mul3A_2 = arith.constant 632 : i32
    %mul3A_3 = arith.muli %arg1, %mul3A_2 : i32
    %mul3A_4 = arith.constant 632 : i32
    %mul3A_5 = arith.muli %arg1, %mul3A_4 : i32
    "tpu.region"() ({
      %run_scoped3A = tpu.sem_alloc : memref<!tpu.dma_semaphore, #tpu.memory_space<semaphore_mem>>
      %dma_start3A = arith.constant 0 : i32
      %dma_start3A_16 = tpu.memref_slice %arg11[%mul3A_5, %dma_start3A] : memref<10112x128xf32, #tpu.memory_space<vmem_shared>> -> memref<632x128xf32, #tpu.memory_space<vmem_shared>>
      %dma_start3A_17 = arith.constant 0 : i32
      %dma_start3A_18 = tpu.memref_slice %arg5[%mul3A_3, %dma_start3A_17] : memref<10112x128xf32, #tpu.memory_space<hbm>> -> memref<632x128xf32, #tpu.memory_space<hbm>>
      tpu.enqueue_dma source(%dma_start3A_18 : memref<632x128xf32, #tpu.memory_space<hbm>>) target(%dma_start3A_16 : memref<632x128xf32, #tpu.memory_space<vmem_shared>>) target_semaphore(%run_scoped3A : memref<!tpu.dma_semaphore, #tpu.memory_space<semaphore_mem>>)
      %dma_wait3A = arith.constant 0 : i32
      %dma_wait3A_19 = tpu.memref_slice %arg11[%mul3A_5, %dma_wait3A] : memref<10112x128xf32, #tpu.memory_space<vmem_shared>> -> memref<632x128xf32, #tpu.memory_space<vmem_shared>>
      %dma_wait3A_20 = arith.constant 0 : i32
      %dma_wait3A_21 = tpu.memref_slice %arg5[%mul3A_3, %dma_wait3A_20] : memref<10112x128xf32, #tpu.memory_space<hbm>> -> memref<632x128xf32, #tpu.memory_space<hbm>>
      tpu.wait_dma2 semaphore(%run_scoped3A : memref<!tpu.dma_semaphore, #tpu.memory_space<semaphore_mem>>) src(%dma_wait3A_21 : memref<632x128xf32, #tpu.memory_space<hbm>>) dst(%dma_wait3A_19 : memref<632x128xf32, #tpu.memory_space<vmem_shared>>)
      tpu.yield
    }) : () -> ()
    %barrier3A = arith.constant 0 : index
    tpu.barrier barrier_id(%barrier3A)
    %scan3A = arith.constant 0 : i32
    %scan3A_6 = arith.constant 0 : i32
    %scan3A_7 = arith.constant 79 : i32
    %scan3A_8 = arith.addi %scan3A_6, %scan3A_7 : i32
    %scan3A_9 = arith.constant 1 : i32
    scf.for %scan3A_16 = %scan3A_6 to %scan3A_8 step %scan3A_9  : i32 {
      %mul3A_17 = arith.constant 128 : i32
      %mul3A_18 = arith.muli %scan3A_16, %mul3A_17 : i32
      %add3A_19 = arith.constant 0 : i32
      %add3A_20 = arith.addi %mul3A_18, %add3A_19 : i32
      %get3A = arith.index_cast %add3A_20 : i32 to index
      %get3A_21 = tpu.vector_load %arg7[%get3A] {strides = array<i32>} : memref<10112xi32, #tpu.memory_space<vmem>>, vector<16xi32>,
      %get3A_22 = vector.shape_cast %get3A_21 : vector<16xi32> to vector<16xi32>
      %add3A_23 = vector.broadcast %mul3A_1 : i32 to vector<16xi32>
      %add3A_24 = arith.addi %get3A_22, %add3A_23 : vector<16xi32>
      %swap3A = arith.constant 0 : index
      %swap3A_25 = tpu.vector_load %arg9[%swap3A] {strides = array<i32>} : memref<128xi32, #tpu.memory_space<vmem>>, vector<16xi32>,
      %swap3A_26 = vector.shape_cast %swap3A_25 : vector<16xi32> to vector<16xi32>
      %swap3A_27 = vector.shape_cast %add3A_24 : vector<16xi32> to vector<16xi32>
      tpu.vector_store %arg9[%swap3A], %swap3A_27 {strides = array<i32>} : memref<128xi32, #tpu.memory_space<vmem>>, vector<16xi32>,
      %mul3A_28 = arith.constant 128 : i32
      %mul3A_29 = arith.muli %scan3A_16, %mul3A_28 : i32
      %add3A_30 = arith.constant 16 : i32
      %add3A_31 = arith.addi %mul3A_29, %add3A_30 : i32
      %get3A_32 = arith.index_cast %add3A_31 : i32 to index
      %get3A_33 = tpu.vector_load %arg7[%get3A_32] {strides = array<i32>} : memref<10112xi32, #tpu.memory_space<vmem>>, vector<16xi32>,
      %get3A_34 = vector.shape_cast %get3A_33 : vector<16xi32> to vector<16xi32>
      %add3A_35 = vector.broadcast %mul3A_1 : i32 to vector<16xi32>
      %add3A_36 = arith.addi %get3A_34, %add3A_35 : vector<16xi32>
      %swap3A_37 = arith.constant 16 : index
      %swap3A_38 = tpu.vector_load %arg9[%swap3A_37] {strides = array<i32>} : memref<128xi32, #tpu.memory_space<vmem>>, vector<16xi32>,
      %swap3A_39 = vector.shape_cast %swap3A_38 : vector<16xi32> to vector<16xi32>
      %swap3A_40 = vector.shape_cast %add3A_36 : vector<16xi32> to vector<16xi32>
      tpu.vector_store %arg9[%swap3A_37], %swap3A_40 {strides = array<i32>} : memref<128xi32, #tpu.memory_space<vmem>>, vector<16xi32>,
      %mul3A_41 = arith.constant 128 : i32
      %mul3A_42 = arith.muli %scan3A_16, %mul3A_41 : i32
      %add3A_43 = arith.constant 32 : i32
      %add3A_44 = arith.addi %mul3A_42, %add3A_43 : i32
      %get3A_45 = arith.index_cast %add3A_44 : i32 to index
      %get3A_46 = tpu.vector_load %arg7[%get3A_45] {strides = array<i32>} : memref<10112xi32, #tpu.memory_space<vmem>>, vector<16xi32>,
      %get3A_47 = vector.shape_cast %get3A_46 : vector<16xi32> to vector<16xi32>
      %add3A_48 = vector.broadcast %mul3A_1 : i32 to vector<16xi32>
      %add3A_49 = arith.addi %get3A_47, %add3A_48 : vector<16xi32>
      %swap3A_50 = arith.constant 32 : index
      %swap3A_51 = tpu.vector_load %arg9[%swap3A_50] {strides = array<i32>} : memref<128xi32, #tpu.memory_space<vmem>>, vector<16xi32>,
      %swap3A_52 = vector.shape_cast %swap3A_51 : vector<16xi32> to vector<16xi32>
      %swap3A_53 = vector.shape_cast %add3A_49 : vector<16xi32> to vector<16xi32>
      tpu.vector_store %arg9[%swap3A_50], %swap3A_53 {strides = array<i32>} : memref<128xi32, #tpu.memory_space<vmem>>, vector<16xi32>,
      %mul3A_54 = arith.constant 128 : i32
      %mul3A_55 = arith.muli %scan3A_16, %mul3A_54 : i32
      %add3A_56 = arith.constant 48 : i32
      %add3A_57 = arith.addi %mul3A_55, %add3A_56 : i32
      %get3A_58 = arith.index_cast %add3A_57 : i32 to index
      %get3A_59 = tpu.vector_load %arg7[%get3A_58] {strides = array<i32>} : memref<10112xi32, #tpu.memory_space<vmem>>, vector<16xi32>,
      %get3A_60 = vector.shape_cast %get3A_59 : vector<16xi32> to vector<16xi32>
      %add3A_61 = vector.broadcast %mul3A_1 : i32 to vector<16xi32>
      %add3A_62 = arith.addi %get3A_60, %add3A_61 : vector<16xi32>
      %swap3A_63 = arith.constant 48 : index
      %swap3A_64 = tpu.vector_load %arg9[%swap3A_63] {strides = array<i32>} : memref<128xi32, #tpu.memory_space<vmem>>, vector<16xi32>,
      %swap3A_65 = vector.shape_cast %swap3A_64 : vector<16xi32> to vector<16xi32>
      %swap3A_66 = vector.shape_cast %add3A_62 : vector<16xi32> to vector<16xi32>
      tpu.vector_store %arg9[%swap3A_63], %swap3A_66 {strides = array<i32>} : memref<128xi32, #tpu.memory_space<vmem>>, vector<16xi32>,
      %mul3A_67 = arith.constant 128 : i32
      %mul3A_68 = arith.muli %scan3A_16, %mul3A_67 : i32
      %add3A_69 = arith.constant 64 : i32
      %add3A_70 = arith.addi %mul3A_68, %add3A_69 : i32
      %get3A_71 = arith.index_cast %add3A_70 : i32 to index
      %get3A_72 = tpu.vector_load %arg7[%get3A_71] {strides = array<i32>} : memref<10112xi32, #tpu.memory_space<vmem>>, vector<16xi32>,
      %get3A_73 = vector.shape_cast %get3A_72 : vector<16xi32> to vector<16xi32>
      %add3A_74 = vector.broadcast %mul3A_1 : i32 to vector<16xi32>
      %add3A_75 = arith.addi %get3A_73, %add3A_74 : vector<16xi32>
      %swap3A_76 = arith.constant 64 : index
      %swap3A_77 = tpu.vector_load %arg9[%swap3A_76] {strides = array<i32>} : memref<128xi32, #tpu.memory_space<vmem>>, vector<16xi32>,
      %swap3A_78 = vector.shape_cast %swap3A_77 : vector<16xi32> to vector<16xi32>
      %swap3A_79 = vector.shape_cast %add3A_75 : vector<16xi32> to vector<16xi32>
      tpu.vector_store %arg9[%swap3A_76], %swap3A_79 {strides = array<i32>} : memref<128xi32, #tpu.memory_space<vmem>>, vector<16xi32>,
      %mul3A_80 = arith.constant 128 : i32
      %mul3A_81 = arith.muli %scan3A_16, %mul3A_80 : i32
      %add3A_82 = arith.constant 80 : i32
      %add3A_83 = arith.addi %mul3A_81, %add3A_82 : i32
      %get3A_84 = arith.index_cast %add3A_83 : i32 to index
      %get3A_85 = tpu.vector_load %arg7[%get3A_84] {strides = array<i32>} : memref<10112xi32, #tpu.memory_space<vmem>>, vector<16xi32>,
      %get3A_86 = vector.shape_cast %get3A_85 : vector<16xi32> to vector<16xi32>
      %add3A_87 = vector.broadcast %mul3A_1 : i32 to vector<16xi32>
      %add3A_88 = arith.addi %get3A_86, %add3A_87 : vector<16xi32>
      %swap3A_89 = arith.constant 80 : index
      %swap3A_90 = tpu.vector_load %arg9[%swap3A_89] {strides = array<i32>} : memref<128xi32, #tpu.memory_space<vmem>>, vector<16xi32>,
      %swap3A_91 = vector.shape_cast %swap3A_90 : vector<16xi32> to vector<16xi32>
      %swap3A_92 = vector.shape_cast %add3A_88 : vector<16xi32> to vector<16xi32>
      tpu.vector_store %arg9[%swap3A_89], %swap3A_92 {strides = array<i32>} : memref<128xi32, #tpu.memory_space<vmem>>, vector<16xi32>,
      %mul3A_93 = arith.constant 128 : i32
      %mul3A_94 = arith.muli %scan3A_16, %mul3A_93 : i32
      %add3A_95 = arith.constant 96 : i32
      %add3A_96 = arith.addi %mul3A_94, %add3A_95 : i32
      %get3A_97 = arith.index_cast %add3A_96 : i32 to index
      %get3A_98 = tpu.vector_load %arg7[%get3A_97] {strides = array<i32>} : memref<10112xi32, #tpu.memory_space<vmem>>, vector<16xi32>,
      %get3A_99 = vector.shape_cast %get3A_98 : vector<16xi32> to vector<16xi32>
      %add3A_100 = vector.broadcast %mul3A_1 : i32 to vector<16xi32>
      %add3A_101 = arith.addi %get3A_99, %add3A_100 : vector<16xi32>
      %swap3A_102 = arith.constant 96 : index
      %swap3A_103 = tpu.vector_load %arg9[%swap3A_102] {strides = array<i32>} : memref<128xi32, #tpu.memory_space<vmem>>, vector<16xi32>,
      %swap3A_104 = vector.shape_cast %swap3A_103 : vector<16xi32> to vector<16xi32>
      %swap3A_105 = vector.shape_cast %add3A_101 : vector<16xi32> to vector<16xi32>
      tpu.vector_store %arg9[%swap3A_102], %swap3A_105 {strides = array<i32>} : memref<128xi32, #tpu.memory_space<vmem>>, vector<16xi32>,
      %mul3A_106 = arith.constant 128 : i32
      %mul3A_107 = arith.muli %scan3A_16, %mul3A_106 : i32
      %add3A_108 = arith.constant 112 : i32
      %add3A_109 = arith.addi %mul3A_107, %add3A_108 : i32
      %get3A_110 = arith.index_cast %add3A_109 : i32 to index
      %get3A_111 = tpu.vector_load %arg7[%get3A_110] {strides = array<i32>} : memref<10112xi32, #tpu.memory_space<vmem>>, vector<16xi32>,
      %get3A_112 = vector.shape_cast %get3A_111 : vector<16xi32> to vector<16xi32>
      %add3A_113 = vector.broadcast %mul3A_1 : i32 to vector<16xi32>
      %add3A_114 = arith.addi %get3A_112, %add3A_113 : vector<16xi32>
      %swap3A_115 = arith.constant 112 : index
      %swap3A_116 = tpu.vector_load %arg9[%swap3A_115] {strides = array<i32>} : memref<128xi32, #tpu.memory_space<vmem>>, vector<16xi32>,
      %swap3A_117 = vector.shape_cast %swap3A_116 : vector<16xi32> to vector<16xi32>
      %swap3A_118 = vector.shape_cast %add3A_114 : vector<16xi32> to vector<16xi32>
      tpu.vector_store %arg9[%swap3A_115], %swap3A_118 {strides = array<i32>} : memref<128xi32, #tpu.memory_space<vmem>>, vector<16xi32>,
      %dma_start3A = arith.constant 0 : i32
      %dma_start3A_119 = arith.constant 0 : i32
      %dma_start3A_120 = tpu.memref_slice %arg2[%dma_start3A, %dma_start3A_119] : memref<20000x128xf32, #tpu.memory_space<hbm>> -> memref<20000x128xf32, #tpu.memory_space<hbm>>
      tpu.enqueue_indirect_dma source(%dma_start3A_120 : memref<20000x128xf32, #tpu.memory_space<hbm>>) target(%arg10 : memref<128x128xf32, #tpu.memory_space<vmem>>) offsets(%arg9 : memref<128xi32, #tpu.memory_space<vmem>>) semaphore(%arg12 : memref<!tpu.dma_semaphore, #tpu.memory_space<semaphore_mem>>)
      %dma_wait3A = arith.constant 0 : i32
      %dma_wait3A_121 = arith.constant 0 : i32
      %dma_wait3A_122 = tpu.memref_slice %arg2[%dma_wait3A, %dma_wait3A_121] : memref<20000x128xf32, #tpu.memory_space<hbm>> -> memref<20000x128xf32, #tpu.memory_space<hbm>>
      tpu.wait_indirect_dma semaphore(%arg12 : memref<!tpu.dma_semaphore, #tpu.memory_space<semaphore_mem>>) src(%dma_wait3A_122 : memref<20000x128xf32, #tpu.memory_space<hbm>>) dst(%arg10 : memref<128x128xf32, #tpu.memory_space<vmem>>)
      "tpu.region"() ({
        %run_scoped3A = tpu.sem_alloc : memref<!tpu.dma_semaphore, #tpu.memory_space<semaphore_mem>>
        %dma_start3A_123 = arith.constant 0 : i32
        %dma_start3A_124 = tpu.memref_slice %arg8[%scan3A_16, %dma_start3A_123] : memref<79x128xi32, #tpu.memory_space<vmem>> -> memref<1x128xi32, #tpu.memory_space<vmem>>
        %dma_start3A_125 = tpu.memref_squeeze %dma_start3A_124 : memref<1x128xi32, #tpu.memory_space<vmem>> -> memref<128xi32, #tpu.memory_space<vmem>>
        %dma_start3A_126 = arith.constant 0 : i32
        %dma_start3A_127 = arith.constant 0 : i32
        %dma_start3A_128 = tpu.memref_slice %arg11[%dma_start3A_126, %dma_start3A_127] : memref<10112x128xf32, #tpu.memory_space<vmem_shared>> -> memref<10112x128xf32, #tpu.memory_space<vmem_shared>>
        tpu.enqueue_indirect_dma source(%arg10 : memref<128x128xf32, #tpu.memory_space<vmem>>) target(%dma_start3A_128 : memref<10112x128xf32, #tpu.memory_space<vmem_shared>>) offsets(%dma_start3A_125 : memref<128xi32, #tpu.memory_space<vmem>>) semaphore(%run_scoped3A : memref<!tpu.dma_semaphore, #tpu.memory_space<semaphore_mem>>) {add = true}
        %dma_wait3A_129 = arith.constant 0 : i32
        %dma_wait3A_130 = tpu.memref_slice %arg8[%scan3A_16, %dma_wait3A_129] : memref<79x128xi32, #tpu.memory_space<vmem>> -> memref<1x128xi32, #tpu.memory_space<vmem>>
        %dma_wait3A_131 = tpu.memref_squeeze %dma_wait3A_130 : memref<1x128xi32, #tpu.memory_space<vmem>> -> memref<128xi32, #tpu.memory_space<vmem>>
        %dma_wait3A_132 = arith.constant 0 : i32
        %dma_wait3A_133 = arith.constant 0 : i32
        %dma_wait3A_134 = tpu.memref_slice %arg11[%dma_wait3A_132, %dma_wait3A_133] : memref<10112x128xf32, #tpu.memory_space<vmem_shared>> -> memref<10112x128xf32, #tpu.memory_space<vmem_shared>>
        tpu.wait_indirect_dma semaphore(%run_scoped3A : memref<!tpu.dma_semaphore, #tpu.memory_space<semaphore_mem>>) src(%arg10 : memref<128x128xf32, #tpu.memory_space<vmem>>) dst(%dma_wait3A_134 : memref<10112x128xf32, #tpu.memory_space<vmem_shared>>)
        tpu.yield
      }) : () -> ()
    }
    %scan3A_10 = arith.constant 79 : i32
    %barrier3A_11 = arith.constant 0 : index
    tpu.barrier barrier_id(%barrier3A_11)
    %mul3A_12 = arith.constant 632 : i32
    %mul3A_13 = arith.muli %arg1, %mul3A_12 : i32
    %mul3A_14 = arith.constant 632 : i32
    %mul3A_15 = arith.muli %arg1, %mul3A_14 : i32
    "tpu.region"() ({
      %run_scoped3A = tpu.sem_alloc : memref<!tpu.dma_semaphore, #tpu.memory_space<semaphore_mem>>
      %dma_start3A = arith.constant 0 : i32
      %dma_start3A_16 = tpu.memref_slice %arg6[%add3A_0, %mul3A_15, %dma_start3A] : memref<2x10112x128xf32, #tpu.memory_space<hbm>> -> memref<1x632x128xf32, #tpu.memory_space<hbm>>
      %dma_start3A_17 = tpu.memref_squeeze %dma_start3A_16 : memref<1x632x128xf32, #tpu.memory_space<hbm>> -> memref<632x128xf32, #tpu.memory_space<hbm>>
      %dma_start3A_18 = arith.constant 0 : i32
      %dma_start3A_19 = tpu.memref_slice %arg11[%mul3A_13, %dma_start3A_18] : memref<10112x128xf32, #tpu.memory_space<vmem_shared>> -> memref<632x128xf32, #tpu.memory_space<vmem_shared>>
      tpu.enqueue_dma source(%dma_start3A_19 : memref<632x128xf32, #tpu.memory_space<vmem_shared>>) target(%dma_start3A_17 : memref<632x128xf32, #tpu.memory_space<hbm>>) target_semaphore(%run_scoped3A : memref<!tpu.dma_semaphore, #tpu.memory_space<semaphore_mem>>)
      %dma_wait3A = arith.constant 0 : i32
      %dma_wait3A_20 = tpu.memref_slice %arg6[%add3A_0, %mul3A_15, %dma_wait3A] : memref<2x10112x128xf32, #tpu.memory_space<hbm>> -> memref<1x632x128xf32, #tpu.memory_space<hbm>>
      %dma_wait3A_21 = tpu.memref_squeeze %dma_wait3A_20 : memref<1x632x128xf32, #tpu.memory_space<hbm>> -> memref<632x128xf32, #tpu.memory_space<hbm>>
      %dma_wait3A_22 = arith.constant 0 : i32
      %dma_wait3A_23 = tpu.memref_slice %arg11[%mul3A_13, %dma_wait3A_22] : memref<10112x128xf32, #tpu.memory_space<vmem_shared>> -> memref<632x128xf32, #tpu.memory_space<vmem_shared>>
      tpu.wait_dma2 semaphore(%run_scoped3A : memref<!tpu.dma_semaphore, #tpu.memory_space<semaphore_mem>>) src(%dma_wait3A_23 : memref<632x128xf32, #tpu.memory_space<vmem_shared>>) dst(%dma_wait3A_21 : memref<632x128xf32, #tpu.memory_space<hbm>>)
      tpu.yield
    }) : () -> ()
    return
  }
}

#map = affine_map<(d0, d1) -> (0, 0)>
#map1 = affine_map<(d0, d1) -> (0, 0, 0)>
module attributes {stable_mosaic.version = 14 : i64} {
  func.func @k(%arg0: i32, %arg1: i32, %arg2: memref<20000x128xf32, #tpu.memory_space<hbm>>, %arg3: memref<16x10112xi32, #tpu.memory_space<hbm>>, %arg4: memref<16x79x128xi32, #tpu.memory_space<hbm>>, %arg5: memref<10112x128xf32, #tpu.memory_space<hbm>>, %arg6: memref<2x10112x128xf32, #tpu.memory_space<hbm>>, %arg7: memref<10112xi32, #tpu.memory_space<vmem>>, %arg8: memref<79x128xi32, #tpu.memory_space<vmem>>, %arg9: memref<128xi32, #tpu.memory_space<vmem>>, %arg10: memref<128x128xf32, #tpu.memory_space<vmem>>, %arg11: memref<10112x128xf32, #tpu.memory_space<vmem_shared>>, %arg12: memref<!tpu.dma_semaphore, #tpu.memory_space<semaphore_mem>>) attributes {dimension_semantics = [#tpu.dimension_semantics<core_parallel>, #tpu.dimension_semantics<subcore_parallel>], iteration_bounds = array<i64: 2, 16>, scalar_prefetch = 0 : i64, scratch_operands = 6 : i64, tpu.core_type = #tpu.core_type<sc_vector_subcore>, window_params = [{transform_indices = #map}, {transform_indices = #map}, {transform_indices = #map1}, {transform_indices = #map}, {transform_indices = #map1}]} {
    "tpu.region"() ({
      %run_scoped3A = tpu.sem_alloc : memref<!tpu.dma_semaphore, #tpu.memory_space<semaphore_mem>>
      %dma_start3A = arith.constant 0 : i32
      %dma_start3A_16 = tpu.memref_slice %arg3[%arg1, %dma_start3A] : memref<16x10112xi32, #tpu.memory_space<hbm>> -> memref<1x10112xi32, #tpu.memory_space<hbm>>
      %dma_start3A_17 = tpu.memref_squeeze %dma_start3A_16 : memref<1x10112xi32, #tpu.memory_space<hbm>> -> memref<10112xi32, #tpu.memory_space<hbm>>
      %dma_start3A_18 = arith.constant 0 : i32
      %dma_start3A_19 = tpu.memref_slice %arg3[%arg1, %dma_start3A_18] : memref<16x10112xi32, #tpu.memory_space<hbm>> -> memref<1x10112xi32, #tpu.memory_space<hbm>>
      %dma_start3A_20 = tpu.memref_squeeze %dma_start3A_19 : memref<1x10112xi32, #tpu.memory_space<hbm>> -> memref<10112xi32, #tpu.memory_space<hbm>>
      tpu.enqueue_dma source(%dma_start3A_20 : memref<10112xi32, #tpu.memory_space<hbm>>) target(%arg7 : memref<10112xi32, #tpu.memory_space<vmem>>) target_semaphore(%run_scoped3A : memref<!tpu.dma_semaphore, #tpu.memory_space<semaphore_mem>>)
      %dma_wait3A = arith.constant 0 : i32
      %dma_wait3A_21 = tpu.memref_slice %arg3[%arg1, %dma_wait3A] : memref<16x10112xi32, #tpu.memory_space<hbm>> -> memref<1x10112xi32, #tpu.memory_space<hbm>>
      %dma_wait3A_22 = tpu.memref_squeeze %dma_wait3A_21 : memref<1x10112xi32, #tpu.memory_space<hbm>> -> memref<10112xi32, #tpu.memory_space<hbm>>
      %dma_wait3A_23 = arith.constant 0 : i32
      %dma_wait3A_24 = tpu.memref_slice %arg3[%arg1, %dma_wait3A_23] : memref<16x10112xi32, #tpu.memory_space<hbm>> -> memref<1x10112xi32, #tpu.memory_space<hbm>>
      %dma_wait3A_25 = tpu.memref_squeeze %dma_wait3A_24 : memref<1x10112xi32, #tpu.memory_space<hbm>> -> memref<10112xi32, #tpu.memory_space<hbm>>
      tpu.wait_dma2 semaphore(%run_scoped3A : memref<!tpu.dma_semaphore, #tpu.memory_space<semaphore_mem>>) src(%dma_wait3A_25 : memref<10112xi32, #tpu.memory_space<hbm>>) dst(%arg7 : memref<10112xi32, #tpu.memory_space<vmem>>)
      tpu.yield
    }) : () -> ()
    "tpu.region"() ({
      %run_scoped3A = tpu.sem_alloc : memref<!tpu.dma_semaphore, #tpu.memory_space<semaphore_mem>>
      %dma_start3A = arith.constant 0 : i32
      %dma_start3A_16 = arith.constant 0 : i32
      %dma_start3A_17 = tpu.memref_slice %arg4[%arg1, %dma_start3A, %dma_start3A_16] : memref<16x79x128xi32, #tpu.memory_space<hbm>> -> memref<1x79x128xi32, #tpu.memory_space<hbm>>
      %dma_start3A_18 = tpu.memref_squeeze %dma_start3A_17 : memref<1x79x128xi32, #tpu.memory_space<hbm>> -> memref<79x128xi32, #tpu.memory_space<hbm>>
      %dma_start3A_19 = arith.constant 0 : i32
      %dma_start3A_20 = arith.constant 0 : i32
      %dma_start3A_21 = tpu.memref_slice %arg4[%arg1, %dma_start3A_19, %dma_start3A_20] : memref<16x79x128xi32, #tpu.memory_space<hbm>> -> memref<1x79x128xi32, #tpu.memory_space<hbm>>
      %dma_start3A_22 = tpu.memref_squeeze %dma_start3A_21 : memref<1x79x128xi32, #tpu.memory_space<hbm>> -> memref<79x128xi32, #tpu.memory_space<hbm>>
      tpu.enqueue_dma source(%dma_start3A_22 : memref<79x128xi32, #tpu.memory_space<hbm>>) target(%arg8 : memref<79x128xi32, #tpu.memory_space<vmem>>) target_semaphore(%run_scoped3A : memref<!tpu.dma_semaphore, #tpu.memory_space<semaphore_mem>>)
      %dma_wait3A = arith.constant 0 : i32
      %dma_wait3A_23 = arith.constant 0 : i32
      %dma_wait3A_24 = tpu.memref_slice %arg4[%arg1, %dma_wait3A, %dma_wait3A_23] : memref<16x79x128xi32, #tpu.memory_space<hbm>> -> memref<1x79x128xi32, #tpu.memory_space<hbm>>
      %dma_wait3A_25 = tpu.memref_squeeze %dma_wait3A_24 : memref<1x79x128xi32, #tpu.memory_space<hbm>> -> memref<79x128xi32, #tpu.memory_space<hbm>>
      %dma_wait3A_26 = arith.constant 0 : i32
      %dma_wait3A_27 = arith.constant 0 : i32
      %dma_wait3A_28 = tpu.memref_slice %arg4[%arg1, %dma_wait3A_26, %dma_wait3A_27] : memref<16x79x128xi32, #tpu.memory_space<hbm>> -> memref<1x79x128xi32, #tpu.memory_space<hbm>>
      %dma_wait3A_29 = tpu.memref_squeeze %dma_wait3A_28 : memref<1x79x128xi32, #tpu.memory_space<hbm>> -> memref<79x128xi32, #tpu.memory_space<hbm>>
      tpu.wait_dma2 semaphore(%run_scoped3A : memref<!tpu.dma_semaphore, #tpu.memory_space<semaphore_mem>>) src(%dma_wait3A_29 : memref<79x128xi32, #tpu.memory_space<hbm>>) dst(%arg8 : memref<79x128xi32, #tpu.memory_space<vmem>>)
      tpu.yield
    }) : () -> ()
    %add3A = arith.constant 0 : i32
    %add3A_0 = arith.addi %arg0, %add3A : i32
    %mul3A = arith.constant 10000 : i32
    %mul3A_1 = arith.muli %add3A_0, %mul3A : i32
    %mul3A_2 = arith.constant 632 : i32
    %mul3A_3 = arith.muli %arg1, %mul3A_2 : i32
    %mul3A_4 = arith.constant 632 : i32
    %mul3A_5 = arith.muli %arg1, %mul3A_4 : i32
    "tpu.region"() ({
      %run_scoped3A = tpu.sem_alloc : memref<!tpu.dma_semaphore, #tpu.memory_space<semaphore_mem>>
      %dma_start3A = arith.constant 0 : i32
      %dma_start3A_16 = tpu.memref_slice %arg11[%mul3A_5, %dma_start3A] : memref<10112x128xf32, #tpu.memory_space<vmem_shared>> -> memref<632x128xf32, #tpu.memory_space<vmem_shared>>
      %dma_start3A_17 = arith.constant 0 : i32
      %dma_start3A_18 = tpu.memref_slice %arg5[%mul3A_3, %dma_start3A_17] : memref<10112x128xf32, #tpu.memory_space<hbm>> -> memref<632x128xf32, #tpu.memory_space<hbm>>
      tpu.enqueue_dma source(%dma_start3A_18 : memref<632x128xf32, #tpu.memory_space<hbm>>) target(%dma_start3A_16 : memref<632x128xf32, #tpu.memory_space<vmem_shared>>) target_semaphore(%run_scoped3A : memref<!tpu.dma_semaphore, #tpu.memory_space<semaphore_mem>>)
      %dma_wait3A = arith.constant 0 : i32
      %dma_wait3A_19 = tpu.memref_slice %arg11[%mul3A_5, %dma_wait3A] : memref<10112x128xf32, #tpu.memory_space<vmem_shared>> -> memref<632x128xf32, #tpu.memory_space<vmem_shared>>
      %dma_wait3A_20 = arith.constant 0 : i32
      %dma_wait3A_21 = tpu.memref_slice %arg5[%mul3A_3, %dma_wait3A_20] : memref<10112x128xf32, #tpu.memory_space<hbm>> -> memref<632x128xf32, #tpu.memory_space<hbm>>
      tpu.wait_dma2 semaphore(%run_scoped3A : memref<!tpu.dma_semaphore, #tpu.memory_space<semaphore_mem>>) src(%dma_wait3A_21 : memref<632x128xf32, #tpu.memory_space<hbm>>) dst(%dma_wait3A_19 : memref<632x128xf32, #tpu.memory_space<vmem_shared>>)
      tpu.yield
    }) : () -> ()
    %barrier3A = arith.constant 0 : index
    tpu.barrier barrier_id(%barrier3A)
    %scan3A = arith.constant 0 : i32
    %scan3A_6 = arith.constant 0 : i32
    %scan3A_7 = arith.constant 79 : i32
    %scan3A_8 = arith.addi %scan3A_6, %scan3A_7 : i32
    %scan3A_9 = arith.constant 1 : i32
    scf.for %scan3A_16 = %scan3A_6 to %scan3A_8 step %scan3A_9  : i32 {
      %mul3A_17 = arith.constant 128 : i32
      %mul3A_18 = arith.muli %scan3A_16, %mul3A_17 : i32
      %add3A_19 = arith.constant 0 : i32
      %add3A_20 = arith.addi %mul3A_18, %add3A_19 : i32
      %get3A = arith.index_cast %add3A_20 : i32 to index
      %get3A_21 = tpu.vector_load %arg7[%get3A] {strides = array<i32>} : memref<10112xi32, #tpu.memory_space<vmem>>, vector<16xi32>,
      %get3A_22 = vector.shape_cast %get3A_21 : vector<16xi32> to vector<16xi32>
      %add3A_23 = vector.broadcast %mul3A_1 : i32 to vector<16xi32>
      %add3A_24 = arith.addi %get3A_22, %add3A_23 : vector<16xi32>
      %swap3A = arith.constant 0 : index
      %swap3A_25 = tpu.vector_load %arg9[%swap3A] {strides = array<i32>} : memref<128xi32, #tpu.memory_space<vmem>>, vector<16xi32>,
      %swap3A_26 = vector.shape_cast %swap3A_25 : vector<16xi32> to vector<16xi32>
      %swap3A_27 = vector.shape_cast %add3A_24 : vector<16xi32> to vector<16xi32>
      tpu.vector_store %arg9[%swap3A], %swap3A_27 {strides = array<i32>} : memref<128xi32, #tpu.memory_space<vmem>>, vector<16xi32>,
      %mul3A_28 = arith.constant 128 : i32
      %mul3A_29 = arith.muli %scan3A_16, %mul3A_28 : i32
      %add3A_30 = arith.constant 16 : i32
      %add3A_31 = arith.addi %mul3A_29, %add3A_30 : i32
      %get3A_32 = arith.index_cast %add3A_31 : i32 to index
      %get3A_33 = tpu.vector_load %arg7[%get3A_32] {strides = array<i32>} : memref<10112xi32, #tpu.memory_space<vmem>>, vector<16xi32>,
      %get3A_34 = vector.shape_cast %get3A_33 : vector<16xi32> to vector<16xi32>
      %add3A_35 = vector.broadcast %mul3A_1 : i32 to vector<16xi32>
      %add3A_36 = arith.addi %get3A_34, %add3A_35 : vector<16xi32>
      %swap3A_37 = arith.constant 16 : index
      %swap3A_38 = tpu.vector_load %arg9[%swap3A_37] {strides = array<i32>} : memref<128xi32, #tpu.memory_space<vmem>>, vector<16xi32>,
      %swap3A_39 = vector.shape_cast %swap3A_38 : vector<16xi32> to vector<16xi32>
      %swap3A_40 = vector.shape_cast %add3A_36 : vector<16xi32> to vector<16xi32>
      tpu.vector_store %arg9[%swap3A_37], %swap3A_40 {strides = array<i32>} : memref<128xi32, #tpu.memory_space<vmem>>, vector<16xi32>,
      %mul3A_41 = arith.constant 128 : i32
      %mul3A_42 = arith.muli %scan3A_16, %mul3A_41 : i32
      %add3A_43 = arith.constant 32 : i32
      %add3A_44 = arith.addi %mul3A_42, %add3A_43 : i32
      %get3A_45 = arith.index_cast %add3A_44 : i32 to index
      %get3A_46 = tpu.vector_load %arg7[%get3A_45] {strides = array<i32>} : memref<10112xi32, #tpu.memory_space<vmem>>, vector<16xi32>,
      %get3A_47 = vector.shape_cast %get3A_46 : vector<16xi32> to vector<16xi32>
      %add3A_48 = vector.broadcast %mul3A_1 : i32 to vector<16xi32>
      %add3A_49 = arith.addi %get3A_47, %add3A_48 : vector<16xi32>
      %swap3A_50 = arith.constant 32 : index
      %swap3A_51 = tpu.vector_load %arg9[%swap3A_50] {strides = array<i32>} : memref<128xi32, #tpu.memory_space<vmem>>, vector<16xi32>,
      %swap3A_52 = vector.shape_cast %swap3A_51 : vector<16xi32> to vector<16xi32>
      %swap3A_53 = vector.shape_cast %add3A_49 : vector<16xi32> to vector<16xi32>
      tpu.vector_store %arg9[%swap3A_50], %swap3A_53 {strides = array<i32>} : memref<128xi32, #tpu.memory_space<vmem>>, vector<16xi32>,
      %mul3A_54 = arith.constant 128 : i32
      %mul3A_55 = arith.muli %scan3A_16, %mul3A_54 : i32
      %add3A_56 = arith.constant 48 : i32
      %add3A_57 = arith.addi %mul3A_55, %add3A_56 : i32
      %get3A_58 = arith.index_cast %add3A_57 : i32 to index
      %get3A_59 = tpu.vector_load %arg7[%get3A_58] {strides = array<i32>} : memref<10112xi32, #tpu.memory_space<vmem>>, vector<16xi32>,
      %get3A_60 = vector.shape_cast %get3A_59 : vector<16xi32> to vector<16xi32>
      %add3A_61 = vector.broadcast %mul3A_1 : i32 to vector<16xi32>
      %add3A_62 = arith.addi %get3A_60, %add3A_61 : vector<16xi32>
      %swap3A_63 = arith.constant 48 : index
      %swap3A_64 = tpu.vector_load %arg9[%swap3A_63] {strides = array<i32>} : memref<128xi32, #tpu.memory_space<vmem>>, vector<16xi32>,
      %swap3A_65 = vector.shape_cast %swap3A_64 : vector<16xi32> to vector<16xi32>
      %swap3A_66 = vector.shape_cast %add3A_62 : vector<16xi32> to vector<16xi32>
      tpu.vector_store %arg9[%swap3A_63], %swap3A_66 {strides = array<i32>} : memref<128xi32, #tpu.memory_space<vmem>>, vector<16xi32>,
      %mul3A_67 = arith.constant 128 : i32
      %mul3A_68 = arith.muli %scan3A_16, %mul3A_67 : i32
      %add3A_69 = arith.constant 64 : i32
      %add3A_70 = arith.addi %mul3A_68, %add3A_69 : i32
      %get3A_71 = arith.index_cast %add3A_70 : i32 to index
      %get3A_72 = tpu.vector_load %arg7[%get3A_71] {strides = array<i32>} : memref<10112xi32, #tpu.memory_space<vmem>>, vector<16xi32>,
      %get3A_73 = vector.shape_cast %get3A_72 : vector<16xi32> to vector<16xi32>
      %add3A_74 = vector.broadcast %mul3A_1 : i32 to vector<16xi32>
      %add3A_75 = arith.addi %get3A_73, %add3A_74 : vector<16xi32>
      %swap3A_76 = arith.constant 64 : index
      %swap3A_77 = tpu.vector_load %arg9[%swap3A_76] {strides = array<i32>} : memref<128xi32, #tpu.memory_space<vmem>>, vector<16xi32>,
      %swap3A_78 = vector.shape_cast %swap3A_77 : vector<16xi32> to vector<16xi32>
      %swap3A_79 = vector.shape_cast %add3A_75 : vector<16xi32> to vector<16xi32>
      tpu.vector_store %arg9[%swap3A_76], %swap3A_79 {strides = array<i32>} : memref<128xi32, #tpu.memory_space<vmem>>, vector<16xi32>,
      %mul3A_80 = arith.constant 128 : i32
      %mul3A_81 = arith.muli %scan3A_16, %mul3A_80 : i32
      %add3A_82 = arith.constant 80 : i32
      %add3A_83 = arith.addi %mul3A_81, %add3A_82 : i32
      %get3A_84 = arith.index_cast %add3A_83 : i32 to index
      %get3A_85 = tpu.vector_load %arg7[%get3A_84] {strides = array<i32>} : memref<10112xi32, #tpu.memory_space<vmem>>, vector<16xi32>,
      %get3A_86 = vector.shape_cast %get3A_85 : vector<16xi32> to vector<16xi32>
      %add3A_87 = vector.broadcast %mul3A_1 : i32 to vector<16xi32>
      %add3A_88 = arith.addi %get3A_86, %add3A_87 : vector<16xi32>
      %swap3A_89 = arith.constant 80 : index
      %swap3A_90 = tpu.vector_load %arg9[%swap3A_89] {strides = array<i32>} : memref<128xi32, #tpu.memory_space<vmem>>, vector<16xi32>,
      %swap3A_91 = vector.shape_cast %swap3A_90 : vector<16xi32> to vector<16xi32>
      %swap3A_92 = vector.shape_cast %add3A_88 : vector<16xi32> to vector<16xi32>
      tpu.vector_store %arg9[%swap3A_89], %swap3A_92 {strides = array<i32>} : memref<128xi32, #tpu.memory_space<vmem>>, vector<16xi32>,
      %mul3A_93 = arith.constant 128 : i32
      %mul3A_94 = arith.muli %scan3A_16, %mul3A_93 : i32
      %add3A_95 = arith.constant 96 : i32
      %add3A_96 = arith.addi %mul3A_94, %add3A_95 : i32
      %get3A_97 = arith.index_cast %add3A_96 : i32 to index
      %get3A_98 = tpu.vector_load %arg7[%get3A_97] {strides = array<i32>} : memref<10112xi32, #tpu.memory_space<vmem>>, vector<16xi32>,
      %get3A_99 = vector.shape_cast %get3A_98 : vector<16xi32> to vector<16xi32>
      %add3A_100 = vector.broadcast %mul3A_1 : i32 to vector<16xi32>
      %add3A_101 = arith.addi %get3A_99, %add3A_100 : vector<16xi32>
      %swap3A_102 = arith.constant 96 : index
      %swap3A_103 = tpu.vector_load %arg9[%swap3A_102] {strides = array<i32>} : memref<128xi32, #tpu.memory_space<vmem>>, vector<16xi32>,
      %swap3A_104 = vector.shape_cast %swap3A_103 : vector<16xi32> to vector<16xi32>
      %swap3A_105 = vector.shape_cast %add3A_101 : vector<16xi32> to vector<16xi32>
      tpu.vector_store %arg9[%swap3A_102], %swap3A_105 {strides = array<i32>} : memref<128xi32, #tpu.memory_space<vmem>>, vector<16xi32>,
      %mul3A_106 = arith.constant 128 : i32
      %mul3A_107 = arith.muli %scan3A_16, %mul3A_106 : i32
      %add3A_108 = arith.constant 112 : i32
      %add3A_109 = arith.addi %mul3A_107, %add3A_108 : i32
      %get3A_110 = arith.index_cast %add3A_109 : i32 to index
      %get3A_111 = tpu.vector_load %arg7[%get3A_110] {strides = array<i32>} : memref<10112xi32, #tpu.memory_space<vmem>>, vector<16xi32>,
      %get3A_112 = vector.shape_cast %get3A_111 : vector<16xi32> to vector<16xi32>
      %add3A_113 = vector.broadcast %mul3A_1 : i32 to vector<16xi32>
      %add3A_114 = arith.addi %get3A_112, %add3A_113 : vector<16xi32>
      %swap3A_115 = arith.constant 112 : index
      %swap3A_116 = tpu.vector_load %arg9[%swap3A_115] {strides = array<i32>} : memref<128xi32, #tpu.memory_space<vmem>>, vector<16xi32>,
      %swap3A_117 = vector.shape_cast %swap3A_116 : vector<16xi32> to vector<16xi32>
      %swap3A_118 = vector.shape_cast %add3A_114 : vector<16xi32> to vector<16xi32>
      tpu.vector_store %arg9[%swap3A_115], %swap3A_118 {strides = array<i32>} : memref<128xi32, #tpu.memory_space<vmem>>, vector<16xi32>,
      %dma_start3A = arith.constant 0 : i32
      %dma_start3A_119 = arith.constant 0 : i32
      %dma_start3A_120 = tpu.memref_slice %arg2[%dma_start3A, %dma_start3A_119] : memref<20000x128xf32, #tpu.memory_space<hbm>> -> memref<20000x128xf32, #tpu.memory_space<hbm>>
      tpu.enqueue_indirect_dma source(%dma_start3A_120 : memref<20000x128xf32, #tpu.memory_space<hbm>>) target(%arg10 : memref<128x128xf32, #tpu.memory_space<vmem>>) offsets(%arg9 : memref<128xi32, #tpu.memory_space<vmem>>) semaphore(%arg12 : memref<!tpu.dma_semaphore, #tpu.memory_space<semaphore_mem>>)
      %dma_wait3A = arith.constant 0 : i32
      %dma_wait3A_121 = arith.constant 0 : i32
      %dma_wait3A_122 = tpu.memref_slice %arg2[%dma_wait3A, %dma_wait3A_121] : memref<20000x128xf32, #tpu.memory_space<hbm>> -> memref<20000x128xf32, #tpu.memory_space<hbm>>
      tpu.wait_indirect_dma semaphore(%arg12 : memref<!tpu.dma_semaphore, #tpu.memory_space<semaphore_mem>>) src(%dma_wait3A_122 : memref<20000x128xf32, #tpu.memory_space<hbm>>) dst(%arg10 : memref<128x128xf32, #tpu.memory_space<vmem>>)
      "tpu.region"() ({
        %run_scoped3A = tpu.sem_alloc : memref<!tpu.dma_semaphore, #tpu.memory_space<semaphore_mem>>
        %dma_start3A_123 = arith.constant 0 : i32
        %dma_start3A_124 = tpu.memref_slice %arg8[%scan3A_16, %dma_start3A_123] : memref<79x128xi32, #tpu.memory_space<vmem>> -> memref<1x128xi32, #tpu.memory_space<vmem>>
        %dma_start3A_125 = tpu.memref_squeeze %dma_start3A_124 : memref<1x128xi32, #tpu.memory_space<vmem>> -> memref<128xi32, #tpu.memory_space<vmem>>
        %dma_start3A_126 = arith.constant 0 : i32
        %dma_start3A_127 = arith.constant 0 : i32
        %dma_start3A_128 = tpu.memref_slice %arg11[%dma_start3A_126, %dma_start3A_127] : memref<10112x128xf32, #tpu.memory_space<vmem_shared>> -> memref<10112x128xf32, #tpu.memory_space<vmem_shared>>
        tpu.enqueue_indirect_dma source(%arg10 : memref<128x128xf32, #tpu.memory_space<vmem>>) target(%dma_start3A_128 : memref<10112x128xf32, #tpu.memory_space<vmem_shared>>) offsets(%dma_start3A_125 : memref<128xi32, #tpu.memory_space<vmem>>) semaphore(%run_scoped3A : memref<!tpu.dma_semaphore, #tpu.memory_space<semaphore_mem>>) {add = true}
        %dma_wait3A_129 = arith.constant 0 : i32
        %dma_wait3A_130 = tpu.memref_slice %arg8[%scan3A_16, %dma_wait3A_129] : memref<79x128xi32, #tpu.memory_space<vmem>> -> memref<1x128xi32, #tpu.memory_space<vmem>>
        %dma_wait3A_131 = tpu.memref_squeeze %dma_wait3A_130 : memref<1x128xi32, #tpu.memory_space<vmem>> -> memref<128xi32, #tpu.memory_space<vmem>>
        %dma_wait3A_132 = arith.constant 0 : i32
        %dma_wait3A_133 = arith.constant 0 : i32
        %dma_wait3A_134 = tpu.memref_slice %arg11[%dma_wait3A_132, %dma_wait3A_133] : memref<10112x128xf32, #tpu.memory_space<vmem_shared>> -> memref<10112x128xf32, #tpu.memory_space<vmem_shared>>
        tpu.wait_indirect_dma semaphore(%run_scoped3A : memref<!tpu.dma_semaphore, #tpu.memory_space<semaphore_mem>>) src(%arg10 : memref<128x128xf32, #tpu.memory_space<vmem>>) dst(%dma_wait3A_134 : memref<10112x128xf32, #tpu.memory_space<vmem_shared>>)
        tpu.yield
      }) : () -> ()
    }
    %scan3A_10 = arith.constant 79 : i32
    %barrier3A_11 = arith.constant 0 : index
    tpu.barrier barrier_id(%barrier3A_11)
    %mul3A_12 = arith.constant 632 : i32
    %mul3A_13 = arith.muli %arg1, %mul3A_12 : i32
    %mul3A_14 = arith.constant 632 : i32
    %mul3A_15 = arith.muli %arg1, %mul3A_14 : i32
    "tpu.region"() ({
      %run_scoped3A = tpu.sem_alloc : memref<!tpu.dma_semaphore, #tpu.memory_space<semaphore_mem>>
      %dma_start3A = arith.constant 0 : i32
      %dma_start3A_16 = tpu.memref_slice %arg6[%add3A_0, %mul3A_15, %dma_start3A] : memref<2x10112x128xf32, #tpu.memory_space<hbm>> -> memref<1x632x128xf32, #tpu.memory_space<hbm>>
      %dma_start3A_17 = tpu.memref_squeeze %dma_start3A_16 : memref<1x632x128xf32, #tpu.memory_space<hbm>> -> memref<632x128xf32, #tpu.memory_space<hbm>>
      %dma_start3A_18 = arith.constant 0 : i32
      %dma_start3A_19 = tpu.memref_slice %arg11[%mul3A_13, %dma_start3A_18] : memref<10112x128xf32, #tpu.memory_space<vmem_shared>> -> memref<632x128xf32, #tpu.memory_space<vmem_shared>>
      tpu.enqueue_dma source(%dma_start3A_19 : memref<632x128xf32, #tpu.memory_space<vmem_shared>>) target(%dma_start3A_17 : memref<632x128xf32, #tpu.memory_space<hbm>>) target_semaphore(%run_scoped3A : memref<!tpu.dma_semaphore, #tpu.memory_space<semaphore_mem>>)
      %dma_wait3A = arith.constant 0 : i32
      %dma_wait3A_20 = tpu.memref_slice %arg6[%add3A_0, %mul3A_15, %dma_wait3A] : memref<2x10112x128xf32, #tpu.memory_space<hbm>> -> memref<1x632x128xf32, #tpu.memory_space<hbm>>
      %dma_wait3A_21 = tpu.memref_squeeze %dma_wait3A_20 : memref<1x632x128xf32, #tpu.memory_space<hbm>> -> memref<632x128xf32, #tpu.memory_space<hbm>>
      %dma_wait3A_22 = arith.constant 0 : i32
      %dma_wait3A_23 = tpu.memref_slice %arg11[%mul3A_13, %dma_wait3A_22] : memref<10112x128xf32, #tpu.memory_space<vmem_shared>> -> memref<632x128xf32, #tpu.memory_space<vmem_shared>>
      tpu.wait_dma2 semaphore(%run_scoped3A : memref<!tpu.dma_semaphore, #tpu.memory_space<semaphore_mem>>) src(%dma_wait3A_23 : memref<632x128xf32, #tpu.memory_space<vmem_shared>>) dst(%dma_wait3A_21 : memref<632x128xf32, #tpu.memory_space<hbm>>)
      tpu.yield
    }) : () -> ()
    return
  }
}

#map = affine_map<(d0, d1) -> (0, 0)>
#map1 = affine_map<(d0, d1) -> (0, 0, 0)>
module attributes {stable_mosaic.version = 14 : i64} {
  func.func @k(%arg0: i32, %arg1: i32, %arg2: memref<20000x128xf32, #tpu.memory_space<hbm>>, %arg3: memref<16x10112xi32, #tpu.memory_space<hbm>>, %arg4: memref<16x79x128xi32, #tpu.memory_space<hbm>>, %arg5: memref<10112x128xf32, #tpu.memory_space<hbm>>, %arg6: memref<2x10112x128xf32, #tpu.memory_space<hbm>>, %arg7: memref<10112xi32, #tpu.memory_space<vmem>>, %arg8: memref<79x128xi32, #tpu.memory_space<vmem>>, %arg9: memref<128xi32, #tpu.memory_space<vmem>>, %arg10: memref<128x128xf32, #tpu.memory_space<vmem>>, %arg11: memref<10112x128xf32, #tpu.memory_space<vmem_shared>>, %arg12: memref<!tpu.dma_semaphore, #tpu.memory_space<semaphore_mem>>) attributes {dimension_semantics = [#tpu.dimension_semantics<core_parallel>, #tpu.dimension_semantics<subcore_parallel>], iteration_bounds = array<i64: 2, 16>, scalar_prefetch = 0 : i64, scratch_operands = 6 : i64, tpu.core_type = #tpu.core_type<sc_vector_subcore>, window_params = [{transform_indices = #map}, {transform_indices = #map}, {transform_indices = #map1}, {transform_indices = #map}, {transform_indices = #map1}]} {
    "tpu.region"() ({
      %run_scoped3A = tpu.sem_alloc : memref<!tpu.dma_semaphore, #tpu.memory_space<semaphore_mem>>
      %dma_start3A = arith.constant 0 : i32
      %dma_start3A_16 = tpu.memref_slice %arg3[%arg1, %dma_start3A] : memref<16x10112xi32, #tpu.memory_space<hbm>> -> memref<1x10112xi32, #tpu.memory_space<hbm>>
      %dma_start3A_17 = tpu.memref_squeeze %dma_start3A_16 : memref<1x10112xi32, #tpu.memory_space<hbm>> -> memref<10112xi32, #tpu.memory_space<hbm>>
      %dma_start3A_18 = arith.constant 0 : i32
      %dma_start3A_19 = tpu.memref_slice %arg3[%arg1, %dma_start3A_18] : memref<16x10112xi32, #tpu.memory_space<hbm>> -> memref<1x10112xi32, #tpu.memory_space<hbm>>
      %dma_start3A_20 = tpu.memref_squeeze %dma_start3A_19 : memref<1x10112xi32, #tpu.memory_space<hbm>> -> memref<10112xi32, #tpu.memory_space<hbm>>
      tpu.enqueue_dma source(%dma_start3A_20 : memref<10112xi32, #tpu.memory_space<hbm>>) target(%arg7 : memref<10112xi32, #tpu.memory_space<vmem>>) target_semaphore(%run_scoped3A : memref<!tpu.dma_semaphore, #tpu.memory_space<semaphore_mem>>)
      %dma_wait3A = arith.constant 0 : i32
      %dma_wait3A_21 = tpu.memref_slice %arg3[%arg1, %dma_wait3A] : memref<16x10112xi32, #tpu.memory_space<hbm>> -> memref<1x10112xi32, #tpu.memory_space<hbm>>
      %dma_wait3A_22 = tpu.memref_squeeze %dma_wait3A_21 : memref<1x10112xi32, #tpu.memory_space<hbm>> -> memref<10112xi32, #tpu.memory_space<hbm>>
      %dma_wait3A_23 = arith.constant 0 : i32
      %dma_wait3A_24 = tpu.memref_slice %arg3[%arg1, %dma_wait3A_23] : memref<16x10112xi32, #tpu.memory_space<hbm>> -> memref<1x10112xi32, #tpu.memory_space<hbm>>
      %dma_wait3A_25 = tpu.memref_squeeze %dma_wait3A_24 : memref<1x10112xi32, #tpu.memory_space<hbm>> -> memref<10112xi32, #tpu.memory_space<hbm>>
      tpu.wait_dma2 semaphore(%run_scoped3A : memref<!tpu.dma_semaphore, #tpu.memory_space<semaphore_mem>>) src(%dma_wait3A_25 : memref<10112xi32, #tpu.memory_space<hbm>>) dst(%arg7 : memref<10112xi32, #tpu.memory_space<vmem>>)
      tpu.yield
    }) : () -> ()
    "tpu.region"() ({
      %run_scoped3A = tpu.sem_alloc : memref<!tpu.dma_semaphore, #tpu.memory_space<semaphore_mem>>
      %dma_start3A = arith.constant 0 : i32
      %dma_start3A_16 = arith.constant 0 : i32
      %dma_start3A_17 = tpu.memref_slice %arg4[%arg1, %dma_start3A, %dma_start3A_16] : memref<16x79x128xi32, #tpu.memory_space<hbm>> -> memref<1x79x128xi32, #tpu.memory_space<hbm>>
      %dma_start3A_18 = tpu.memref_squeeze %dma_start3A_17 : memref<1x79x128xi32, #tpu.memory_space<hbm>> -> memref<79x128xi32, #tpu.memory_space<hbm>>
      %dma_start3A_19 = arith.constant 0 : i32
      %dma_start3A_20 = arith.constant 0 : i32
      %dma_start3A_21 = tpu.memref_slice %arg4[%arg1, %dma_start3A_19, %dma_start3A_20] : memref<16x79x128xi32, #tpu.memory_space<hbm>> -> memref<1x79x128xi32, #tpu.memory_space<hbm>>
      %dma_start3A_22 = tpu.memref_squeeze %dma_start3A_21 : memref<1x79x128xi32, #tpu.memory_space<hbm>> -> memref<79x128xi32, #tpu.memory_space<hbm>>
      tpu.enqueue_dma source(%dma_start3A_22 : memref<79x128xi32, #tpu.memory_space<hbm>>) target(%arg8 : memref<79x128xi32, #tpu.memory_space<vmem>>) target_semaphore(%run_scoped3A : memref<!tpu.dma_semaphore, #tpu.memory_space<semaphore_mem>>)
      %dma_wait3A = arith.constant 0 : i32
      %dma_wait3A_23 = arith.constant 0 : i32
      %dma_wait3A_24 = tpu.memref_slice %arg4[%arg1, %dma_wait3A, %dma_wait3A_23] : memref<16x79x128xi32, #tpu.memory_space<hbm>> -> memref<1x79x128xi32, #tpu.memory_space<hbm>>
      %dma_wait3A_25 = tpu.memref_squeeze %dma_wait3A_24 : memref<1x79x128xi32, #tpu.memory_space<hbm>> -> memref<79x128xi32, #tpu.memory_space<hbm>>
      %dma_wait3A_26 = arith.constant 0 : i32
      %dma_wait3A_27 = arith.constant 0 : i32
      %dma_wait3A_28 = tpu.memref_slice %arg4[%arg1, %dma_wait3A_26, %dma_wait3A_27] : memref<16x79x128xi32, #tpu.memory_space<hbm>> -> memref<1x79x128xi32, #tpu.memory_space<hbm>>
      %dma_wait3A_29 = tpu.memref_squeeze %dma_wait3A_28 : memref<1x79x128xi32, #tpu.memory_space<hbm>> -> memref<79x128xi32, #tpu.memory_space<hbm>>
      tpu.wait_dma2 semaphore(%run_scoped3A : memref<!tpu.dma_semaphore, #tpu.memory_space<semaphore_mem>>) src(%dma_wait3A_29 : memref<79x128xi32, #tpu.memory_space<hbm>>) dst(%arg8 : memref<79x128xi32, #tpu.memory_space<vmem>>)
      tpu.yield
    }) : () -> ()
    %add3A = arith.constant 0 : i32
    %add3A_0 = arith.addi %arg0, %add3A : i32
    %mul3A = arith.constant 10000 : i32
    %mul3A_1 = arith.muli %add3A_0, %mul3A : i32
    %mul3A_2 = arith.constant 632 : i32
    %mul3A_3 = arith.muli %arg1, %mul3A_2 : i32
    %mul3A_4 = arith.constant 632 : i32
    %mul3A_5 = arith.muli %arg1, %mul3A_4 : i32
    "tpu.region"() ({
      %run_scoped3A = tpu.sem_alloc : memref<!tpu.dma_semaphore, #tpu.memory_space<semaphore_mem>>
      %dma_start3A = arith.constant 0 : i32
      %dma_start3A_16 = tpu.memref_slice %arg11[%mul3A_5, %dma_start3A] : memref<10112x128xf32, #tpu.memory_space<vmem_shared>> -> memref<632x128xf32, #tpu.memory_space<vmem_shared>>
      %dma_start3A_17 = arith.constant 0 : i32
      %dma_start3A_18 = tpu.memref_slice %arg5[%mul3A_3, %dma_start3A_17] : memref<10112x128xf32, #tpu.memory_space<hbm>> -> memref<632x128xf32, #tpu.memory_space<hbm>>
      tpu.enqueue_dma source(%dma_start3A_18 : memref<632x128xf32, #tpu.memory_space<hbm>>) target(%dma_start3A_16 : memref<632x128xf32, #tpu.memory_space<vmem_shared>>) target_semaphore(%run_scoped3A : memref<!tpu.dma_semaphore, #tpu.memory_space<semaphore_mem>>)
      %dma_wait3A = arith.constant 0 : i32
      %dma_wait3A_19 = tpu.memref_slice %arg11[%mul3A_5, %dma_wait3A] : memref<10112x128xf32, #tpu.memory_space<vmem_shared>> -> memref<632x128xf32, #tpu.memory_space<vmem_shared>>
      %dma_wait3A_20 = arith.constant 0 : i32
      %dma_wait3A_21 = tpu.memref_slice %arg5[%mul3A_3, %dma_wait3A_20] : memref<10112x128xf32, #tpu.memory_space<hbm>> -> memref<632x128xf32, #tpu.memory_space<hbm>>
      tpu.wait_dma2 semaphore(%run_scoped3A : memref<!tpu.dma_semaphore, #tpu.memory_space<semaphore_mem>>) src(%dma_wait3A_21 : memref<632x128xf32, #tpu.memory_space<hbm>>) dst(%dma_wait3A_19 : memref<632x128xf32, #tpu.memory_space<vmem_shared>>)
      tpu.yield
    }) : () -> ()
    %barrier3A = arith.constant 0 : index
    tpu.barrier barrier_id(%barrier3A)
    %scan3A = arith.constant 0 : i32
    %scan3A_6 = arith.constant 0 : i32
    %scan3A_7 = arith.constant 79 : i32
    %scan3A_8 = arith.addi %scan3A_6, %scan3A_7 : i32
    %scan3A_9 = arith.constant 1 : i32
    scf.for %scan3A_16 = %scan3A_6 to %scan3A_8 step %scan3A_9  : i32 {
      %mul3A_17 = arith.constant 128 : i32
      %mul3A_18 = arith.muli %scan3A_16, %mul3A_17 : i32
      %add3A_19 = arith.constant 0 : i32
      %add3A_20 = arith.addi %mul3A_18, %add3A_19 : i32
      %get3A = arith.index_cast %add3A_20 : i32 to index
      %get3A_21 = tpu.vector_load %arg7[%get3A] {strides = array<i32>} : memref<10112xi32, #tpu.memory_space<vmem>>, vector<16xi32>,
      %get3A_22 = vector.shape_cast %get3A_21 : vector<16xi32> to vector<16xi32>
      %add3A_23 = vector.broadcast %mul3A_1 : i32 to vector<16xi32>
      %add3A_24 = arith.addi %get3A_22, %add3A_23 : vector<16xi32>
      %swap3A = arith.constant 0 : index
      %swap3A_25 = tpu.vector_load %arg9[%swap3A] {strides = array<i32>} : memref<128xi32, #tpu.memory_space<vmem>>, vector<16xi32>,
      %swap3A_26 = vector.shape_cast %swap3A_25 : vector<16xi32> to vector<16xi32>
      %swap3A_27 = vector.shape_cast %add3A_24 : vector<16xi32> to vector<16xi32>
      tpu.vector_store %arg9[%swap3A], %swap3A_27 {strides = array<i32>} : memref<128xi32, #tpu.memory_space<vmem>>, vector<16xi32>,
      %mul3A_28 = arith.constant 128 : i32
      %mul3A_29 = arith.muli %scan3A_16, %mul3A_28 : i32
      %add3A_30 = arith.constant 16 : i32
      %add3A_31 = arith.addi %mul3A_29, %add3A_30 : i32
      %get3A_32 = arith.index_cast %add3A_31 : i32 to index
      %get3A_33 = tpu.vector_load %arg7[%get3A_32] {strides = array<i32>} : memref<10112xi32, #tpu.memory_space<vmem>>, vector<16xi32>,
      %get3A_34 = vector.shape_cast %get3A_33 : vector<16xi32> to vector<16xi32>
      %add3A_35 = vector.broadcast %mul3A_1 : i32 to vector<16xi32>
      %add3A_36 = arith.addi %get3A_34, %add3A_35 : vector<16xi32>
      %swap3A_37 = arith.constant 16 : index
      %swap3A_38 = tpu.vector_load %arg9[%swap3A_37] {strides = array<i32>} : memref<128xi32, #tpu.memory_space<vmem>>, vector<16xi32>,
      %swap3A_39 = vector.shape_cast %swap3A_38 : vector<16xi32> to vector<16xi32>
      %swap3A_40 = vector.shape_cast %add3A_36 : vector<16xi32> to vector<16xi32>
      tpu.vector_store %arg9[%swap3A_37], %swap3A_40 {strides = array<i32>} : memref<128xi32, #tpu.memory_space<vmem>>, vector<16xi32>,
      %mul3A_41 = arith.constant 128 : i32
      %mul3A_42 = arith.muli %scan3A_16, %mul3A_41 : i32
      %add3A_43 = arith.constant 32 : i32
      %add3A_44 = arith.addi %mul3A_42, %add3A_43 : i32
      %get3A_45 = arith.index_cast %add3A_44 : i32 to index
      %get3A_46 = tpu.vector_load %arg7[%get3A_45] {strides = array<i32>} : memref<10112xi32, #tpu.memory_space<vmem>>, vector<16xi32>,
      %get3A_47 = vector.shape_cast %get3A_46 : vector<16xi32> to vector<16xi32>
      %add3A_48 = vector.broadcast %mul3A_1 : i32 to vector<16xi32>
      %add3A_49 = arith.addi %get3A_47, %add3A_48 : vector<16xi32>
      %swap3A_50 = arith.constant 32 : index
      %swap3A_51 = tpu.vector_load %arg9[%swap3A_50] {strides = array<i32>} : memref<128xi32, #tpu.memory_space<vmem>>, vector<16xi32>,
      %swap3A_52 = vector.shape_cast %swap3A_51 : vector<16xi32> to vector<16xi32>
      %swap3A_53 = vector.shape_cast %add3A_49 : vector<16xi32> to vector<16xi32>
      tpu.vector_store %arg9[%swap3A_50], %swap3A_53 {strides = array<i32>} : memref<128xi32, #tpu.memory_space<vmem>>, vector<16xi32>,
      %mul3A_54 = arith.constant 128 : i32
      %mul3A_55 = arith.muli %scan3A_16, %mul3A_54 : i32
      %add3A_56 = arith.constant 48 : i32
      %add3A_57 = arith.addi %mul3A_55, %add3A_56 : i32
      %get3A_58 = arith.index_cast %add3A_57 : i32 to index
      %get3A_59 = tpu.vector_load %arg7[%get3A_58] {strides = array<i32>} : memref<10112xi32, #tpu.memory_space<vmem>>, vector<16xi32>,
      %get3A_60 = vector.shape_cast %get3A_59 : vector<16xi32> to vector<16xi32>
      %add3A_61 = vector.broadcast %mul3A_1 : i32 to vector<16xi32>
      %add3A_62 = arith.addi %get3A_60, %add3A_61 : vector<16xi32>
      %swap3A_63 = arith.constant 48 : index
      %swap3A_64 = tpu.vector_load %arg9[%swap3A_63] {strides = array<i32>} : memref<128xi32, #tpu.memory_space<vmem>>, vector<16xi32>,
      %swap3A_65 = vector.shape_cast %swap3A_64 : vector<16xi32> to vector<16xi32>
      %swap3A_66 = vector.shape_cast %add3A_62 : vector<16xi32> to vector<16xi32>
      tpu.vector_store %arg9[%swap3A_63], %swap3A_66 {strides = array<i32>} : memref<128xi32, #tpu.memory_space<vmem>>, vector<16xi32>,
      %mul3A_67 = arith.constant 128 : i32
      %mul3A_68 = arith.muli %scan3A_16, %mul3A_67 : i32
      %add3A_69 = arith.constant 64 : i32
      %add3A_70 = arith.addi %mul3A_68, %add3A_69 : i32
      %get3A_71 = arith.index_cast %add3A_70 : i32 to index
      %get3A_72 = tpu.vector_load %arg7[%get3A_71] {strides = array<i32>} : memref<10112xi32, #tpu.memory_space<vmem>>, vector<16xi32>,
      %get3A_73 = vector.shape_cast %get3A_72 : vector<16xi32> to vector<16xi32>
      %add3A_74 = vector.broadcast %mul3A_1 : i32 to vector<16xi32>
      %add3A_75 = arith.addi %get3A_73, %add3A_74 : vector<16xi32>
      %swap3A_76 = arith.constant 64 : index
      %swap3A_77 = tpu.vector_load %arg9[%swap3A_76] {strides = array<i32>} : memref<128xi32, #tpu.memory_space<vmem>>, vector<16xi32>,
      %swap3A_78 = vector.shape_cast %swap3A_77 : vector<16xi32> to vector<16xi32>
      %swap3A_79 = vector.shape_cast %add3A_75 : vector<16xi32> to vector<16xi32>
      tpu.vector_store %arg9[%swap3A_76], %swap3A_79 {strides = array<i32>} : memref<128xi32, #tpu.memory_space<vmem>>, vector<16xi32>,
      %mul3A_80 = arith.constant 128 : i32
      %mul3A_81 = arith.muli %scan3A_16, %mul3A_80 : i32
      %add3A_82 = arith.constant 80 : i32
      %add3A_83 = arith.addi %mul3A_81, %add3A_82 : i32
      %get3A_84 = arith.index_cast %add3A_83 : i32 to index
      %get3A_85 = tpu.vector_load %arg7[%get3A_84] {strides = array<i32>} : memref<10112xi32, #tpu.memory_space<vmem>>, vector<16xi32>,
      %get3A_86 = vector.shape_cast %get3A_85 : vector<16xi32> to vector<16xi32>
      %add3A_87 = vector.broadcast %mul3A_1 : i32 to vector<16xi32>
      %add3A_88 = arith.addi %get3A_86, %add3A_87 : vector<16xi32>
      %swap3A_89 = arith.constant 80 : index
      %swap3A_90 = tpu.vector_load %arg9[%swap3A_89] {strides = array<i32>} : memref<128xi32, #tpu.memory_space<vmem>>, vector<16xi32>,
      %swap3A_91 = vector.shape_cast %swap3A_90 : vector<16xi32> to vector<16xi32>
      %swap3A_92 = vector.shape_cast %add3A_88 : vector<16xi32> to vector<16xi32>
      tpu.vector_store %arg9[%swap3A_89], %swap3A_92 {strides = array<i32>} : memref<128xi32, #tpu.memory_space<vmem>>, vector<16xi32>,
      %mul3A_93 = arith.constant 128 : i32
      %mul3A_94 = arith.muli %scan3A_16, %mul3A_93 : i32
      %add3A_95 = arith.constant 96 : i32
      %add3A_96 = arith.addi %mul3A_94, %add3A_95 : i32
      %get3A_97 = arith.index_cast %add3A_96 : i32 to index
      %get3A_98 = tpu.vector_load %arg7[%get3A_97] {strides = array<i32>} : memref<10112xi32, #tpu.memory_space<vmem>>, vector<16xi32>,
      %get3A_99 = vector.shape_cast %get3A_98 : vector<16xi32> to vector<16xi32>
      %add3A_100 = vector.broadcast %mul3A_1 : i32 to vector<16xi32>
      %add3A_101 = arith.addi %get3A_99, %add3A_100 : vector<16xi32>
      %swap3A_102 = arith.constant 96 : index
      %swap3A_103 = tpu.vector_load %arg9[%swap3A_102] {strides = array<i32>} : memref<128xi32, #tpu.memory_space<vmem>>, vector<16xi32>,
      %swap3A_104 = vector.shape_cast %swap3A_103 : vector<16xi32> to vector<16xi32>
      %swap3A_105 = vector.shape_cast %add3A_101 : vector<16xi32> to vector<16xi32>
      tpu.vector_store %arg9[%swap3A_102], %swap3A_105 {strides = array<i32>} : memref<128xi32, #tpu.memory_space<vmem>>, vector<16xi32>,
      %mul3A_106 = arith.constant 128 : i32
      %mul3A_107 = arith.muli %scan3A_16, %mul3A_106 : i32
      %add3A_108 = arith.constant 112 : i32
      %add3A_109 = arith.addi %mul3A_107, %add3A_108 : i32
      %get3A_110 = arith.index_cast %add3A_109 : i32 to index
      %get3A_111 = tpu.vector_load %arg7[%get3A_110] {strides = array<i32>} : memref<10112xi32, #tpu.memory_space<vmem>>, vector<16xi32>,
      %get3A_112 = vector.shape_cast %get3A_111 : vector<16xi32> to vector<16xi32>
      %add3A_113 = vector.broadcast %mul3A_1 : i32 to vector<16xi32>
      %add3A_114 = arith.addi %get3A_112, %add3A_113 : vector<16xi32>
      %swap3A_115 = arith.constant 112 : index
      %swap3A_116 = tpu.vector_load %arg9[%swap3A_115] {strides = array<i32>} : memref<128xi32, #tpu.memory_space<vmem>>, vector<16xi32>,
      %swap3A_117 = vector.shape_cast %swap3A_116 : vector<16xi32> to vector<16xi32>
      %swap3A_118 = vector.shape_cast %add3A_114 : vector<16xi32> to vector<16xi32>
      tpu.vector_store %arg9[%swap3A_115], %swap3A_118 {strides = array<i32>} : memref<128xi32, #tpu.memory_space<vmem>>, vector<16xi32>,
      %dma_start3A = arith.constant 0 : i32
      %dma_start3A_119 = arith.constant 0 : i32
      %dma_start3A_120 = tpu.memref_slice %arg2[%dma_start3A, %dma_start3A_119] : memref<20000x128xf32, #tpu.memory_space<hbm>> -> memref<20000x128xf32, #tpu.memory_space<hbm>>
      tpu.enqueue_indirect_dma source(%dma_start3A_120 : memref<20000x128xf32, #tpu.memory_space<hbm>>) target(%arg10 : memref<128x128xf32, #tpu.memory_space<vmem>>) offsets(%arg9 : memref<128xi32, #tpu.memory_space<vmem>>) semaphore(%arg12 : memref<!tpu.dma_semaphore, #tpu.memory_space<semaphore_mem>>)
      %dma_wait3A = arith.constant 0 : i32
      %dma_wait3A_121 = arith.constant 0 : i32
      %dma_wait3A_122 = tpu.memref_slice %arg2[%dma_wait3A, %dma_wait3A_121] : memref<20000x128xf32, #tpu.memory_space<hbm>> -> memref<20000x128xf32, #tpu.memory_space<hbm>>
      tpu.wait_indirect_dma semaphore(%arg12 : memref<!tpu.dma_semaphore, #tpu.memory_space<semaphore_mem>>) src(%dma_wait3A_122 : memref<20000x128xf32, #tpu.memory_space<hbm>>) dst(%arg10 : memref<128x128xf32, #tpu.memory_space<vmem>>)
      "tpu.region"() ({
        %run_scoped3A = tpu.sem_alloc : memref<!tpu.dma_semaphore, #tpu.memory_space<semaphore_mem>>
        %dma_start3A_123 = arith.constant 0 : i32
        %dma_start3A_124 = tpu.memref_slice %arg8[%scan3A_16, %dma_start3A_123] : memref<79x128xi32, #tpu.memory_space<vmem>> -> memref<1x128xi32, #tpu.memory_space<vmem>>
        %dma_start3A_125 = tpu.memref_squeeze %dma_start3A_124 : memref<1x128xi32, #tpu.memory_space<vmem>> -> memref<128xi32, #tpu.memory_space<vmem>>
        %dma_start3A_126 = arith.constant 0 : i32
        %dma_start3A_127 = arith.constant 0 : i32
        %dma_start3A_128 = tpu.memref_slice %arg11[%dma_start3A_126, %dma_start3A_127] : memref<10112x128xf32, #tpu.memory_space<vmem_shared>> -> memref<10112x128xf32, #tpu.memory_space<vmem_shared>>
        tpu.enqueue_indirect_dma source(%arg10 : memref<128x128xf32, #tpu.memory_space<vmem>>) target(%dma_start3A_128 : memref<10112x128xf32, #tpu.memory_space<vmem_shared>>) offsets(%dma_start3A_125 : memref<128xi32, #tpu.memory_space<vmem>>) semaphore(%run_scoped3A : memref<!tpu.dma_semaphore, #tpu.memory_space<semaphore_mem>>) {add = true}
        %dma_wait3A_129 = arith.constant 0 : i32
        %dma_wait3A_130 = tpu.memref_slice %arg8[%scan3A_16, %dma_wait3A_129] : memref<79x128xi32, #tpu.memory_space<vmem>> -> memref<1x128xi32, #tpu.memory_space<vmem>>
        %dma_wait3A_131 = tpu.memref_squeeze %dma_wait3A_130 : memref<1x128xi32, #tpu.memory_space<vmem>> -> memref<128xi32, #tpu.memory_space<vmem>>
        %dma_wait3A_132 = arith.constant 0 : i32
        %dma_wait3A_133 = arith.constant 0 : i32
        %dma_wait3A_134 = tpu.memref_slice %arg11[%dma_wait3A_132, %dma_wait3A_133] : memref<10112x128xf32, #tpu.memory_space<vmem_shared>> -> memref<10112x128xf32, #tpu.memory_space<vmem_shared>>
        tpu.wait_indirect_dma semaphore(%run_scoped3A : memref<!tpu.dma_semaphore, #tpu.memory_space<semaphore_mem>>) src(%arg10 : memref<128x128xf32, #tpu.memory_space<vmem>>) dst(%dma_wait3A_134 : memref<10112x128xf32, #tpu.memory_space<vmem_shared>>)
        tpu.yield
      }) : () -> ()
    }
    %scan3A_10 = arith.constant 79 : i32
    %barrier3A_11 = arith.constant 0 : index
    tpu.barrier barrier_id(%barrier3A_11)
    %mul3A_12 = arith.constant 632 : i32
    %mul3A_13 = arith.muli %arg1, %mul3A_12 : i32
    %mul3A_14 = arith.constant 632 : i32
    %mul3A_15 = arith.muli %arg1, %mul3A_14 : i32
    "tpu.region"() ({
      %run_scoped3A = tpu.sem_alloc : memref<!tpu.dma_semaphore, #tpu.memory_space<semaphore_mem>>
      %dma_start3A = arith.constant 0 : i32
      %dma_start3A_16 = tpu.memref_slice %arg6[%add3A_0, %mul3A_15, %dma_start3A] : memref<2x10112x128xf32, #tpu.memory_space<hbm>> -> memref<1x632x128xf32, #tpu.memory_space<hbm>>
      %dma_start3A_17 = tpu.memref_squeeze %dma_start3A_16 : memref<1x632x128xf32, #tpu.memory_space<hbm>> -> memref<632x128xf32, #tpu.memory_space<hbm>>
      %dma_start3A_18 = arith.constant 0 : i32
      %dma_start3A_19 = tpu.memref_slice %arg11[%mul3A_13, %dma_start3A_18] : memref<10112x128xf32, #tpu.memory_space<vmem_shared>> -> memref<632x128xf32, #tpu.memory_space<vmem_shared>>
      tpu.enqueue_dma source(%dma_start3A_19 : memref<632x128xf32, #tpu.memory_space<vmem_shared>>) target(%dma_start3A_17 : memref<632x128xf32, #tpu.memory_space<hbm>>) target_semaphore(%run_scoped3A : memref<!tpu.dma_semaphore, #tpu.memory_space<semaphore_mem>>)
      %dma_wait3A = arith.constant 0 : i32
      %dma_wait3A_20 = tpu.memref_slice %arg6[%add3A_0, %mul3A_15, %dma_wait3A] : memref<2x10112x128xf32, #tpu.memory_space<hbm>> -> memref<1x632x128xf32, #tpu.memory_space<hbm>>
      %dma_wait3A_21 = tpu.memref_squeeze %dma_wait3A_20 : memref<1x632x128xf32, #tpu.memory_space<hbm>> -> memref<632x128xf32, #tpu.memory_space<hbm>>
      %dma_wait3A_22 = arith.constant 0 : i32
      %dma_wait3A_23 = tpu.memref_slice %arg11[%mul3A_13, %dma_wait3A_22] : memref<10112x128xf32, #tpu.memory_space<vmem_shared>> -> memref<632x128xf32, #tpu.memory_space<vmem_shared>>
      tpu.wait_dma2 semaphore(%run_scoped3A : memref<!tpu.dma_semaphore, #tpu.memory_space<semaphore_mem>>) src(%dma_wait3A_23 : memref<632x128xf32, #tpu.memory_space<vmem_shared>>) dst(%dma_wait3A_21 : memref<632x128xf32, #tpu.memory_space<hbm>>)
      tpu.yield
    }) : () -> ()
    return
  }
}

#map = affine_map<(d0, d1) -> (0, 0)>
#map1 = affine_map<(d0, d1) -> (0, 0, 0)>
module attributes {stable_mosaic.version = 14 : i64} {
  func.func @k(%arg0: i32, %arg1: i32, %arg2: memref<40000x128xf32, #tpu.memory_space<hbm>>, %arg3: memref<16x10112xi32, #tpu.memory_space<hbm>>, %arg4: memref<16x79x128xi32, #tpu.memory_space<hbm>>, %arg5: memref<10112x128xf32, #tpu.memory_space<hbm>>, %arg6: memref<4x10112x128xf32, #tpu.memory_space<hbm>>, %arg7: memref<10112xi32, #tpu.memory_space<vmem>>, %arg8: memref<79x128xi32, #tpu.memory_space<vmem>>, %arg9: memref<128xi32, #tpu.memory_space<vmem>>, %arg10: memref<128x128xf32, #tpu.memory_space<vmem>>, %arg11: memref<10112x128xf32, #tpu.memory_space<vmem_shared>>, %arg12: memref<!tpu.dma_semaphore, #tpu.memory_space<semaphore_mem>>) attributes {dimension_semantics = [#tpu.dimension_semantics<core_parallel>, #tpu.dimension_semantics<subcore_parallel>], iteration_bounds = array<i64: 2, 16>, scalar_prefetch = 0 : i64, scratch_operands = 6 : i64, tpu.core_type = #tpu.core_type<sc_vector_subcore>, window_params = [{transform_indices = #map}, {transform_indices = #map}, {transform_indices = #map1}, {transform_indices = #map}, {transform_indices = #map1}]} {
    "tpu.region"() ({
      %run_scoped3A = tpu.sem_alloc : memref<!tpu.dma_semaphore, #tpu.memory_space<semaphore_mem>>
      %dma_start3A = arith.constant 0 : i32
      %dma_start3A_36 = tpu.memref_slice %arg3[%arg1, %dma_start3A] : memref<16x10112xi32, #tpu.memory_space<hbm>> -> memref<1x10112xi32, #tpu.memory_space<hbm>>
      %dma_start3A_37 = tpu.memref_squeeze %dma_start3A_36 : memref<1x10112xi32, #tpu.memory_space<hbm>> -> memref<10112xi32, #tpu.memory_space<hbm>>
      %dma_start3A_38 = arith.constant 0 : i32
      %dma_start3A_39 = tpu.memref_slice %arg3[%arg1, %dma_start3A_38] : memref<16x10112xi32, #tpu.memory_space<hbm>> -> memref<1x10112xi32, #tpu.memory_space<hbm>>
      %dma_start3A_40 = tpu.memref_squeeze %dma_start3A_39 : memref<1x10112xi32, #tpu.memory_space<hbm>> -> memref<10112xi32, #tpu.memory_space<hbm>>
      tpu.enqueue_dma source(%dma_start3A_40 : memref<10112xi32, #tpu.memory_space<hbm>>) target(%arg7 : memref<10112xi32, #tpu.memory_space<vmem>>) target_semaphore(%run_scoped3A : memref<!tpu.dma_semaphore, #tpu.memory_space<semaphore_mem>>)
      %dma_wait3A = arith.constant 0 : i32
      %dma_wait3A_41 = tpu.memref_slice %arg3[%arg1, %dma_wait3A] : memref<16x10112xi32, #tpu.memory_space<hbm>> -> memref<1x10112xi32, #tpu.memory_space<hbm>>
      %dma_wait3A_42 = tpu.memref_squeeze %dma_wait3A_41 : memref<1x10112xi32, #tpu.memory_space<hbm>> -> memref<10112xi32, #tpu.memory_space<hbm>>
      %dma_wait3A_43 = arith.constant 0 : i32
      %dma_wait3A_44 = tpu.memref_slice %arg3[%arg1, %dma_wait3A_43] : memref<16x10112xi32, #tpu.memory_space<hbm>> -> memref<1x10112xi32, #tpu.memory_space<hbm>>
      %dma_wait3A_45 = tpu.memref_squeeze %dma_wait3A_44 : memref<1x10112xi32, #tpu.memory_space<hbm>> -> memref<10112xi32, #tpu.memory_space<hbm>>
      tpu.wait_dma2 semaphore(%run_scoped3A : memref<!tpu.dma_semaphore, #tpu.memory_space<semaphore_mem>>) src(%dma_wait3A_45 : memref<10112xi32, #tpu.memory_space<hbm>>) dst(%arg7 : memref<10112xi32, #tpu.memory_space<vmem>>)
      tpu.yield
    }) : () -> ()
    "tpu.region"() ({
      %run_scoped3A = tpu.sem_alloc : memref<!tpu.dma_semaphore, #tpu.memory_space<semaphore_mem>>
      %dma_start3A = arith.constant 0 : i32
      %dma_start3A_36 = arith.constant 0 : i32
      %dma_start3A_37 = tpu.memref_slice %arg4[%arg1, %dma_start3A, %dma_start3A_36] : memref<16x79x128xi32, #tpu.memory_space<hbm>> -> memref<1x79x128xi32, #tpu.memory_space<hbm>>
      %dma_start3A_38 = tpu.memref_squeeze %dma_start3A_37 : memref<1x79x128xi32, #tpu.memory_space<hbm>> -> memref<79x128xi32, #tpu.memory_space<hbm>>
      %dma_start3A_39 = arith.constant 0 : i32
      %dma_start3A_40 = arith.constant 0 : i32
      %dma_start3A_41 = tpu.memref_slice %arg4[%arg1, %dma_start3A_39, %dma_start3A_40] : memref<16x79x128xi32, #tpu.memory_space<hbm>> -> memref<1x79x128xi32, #tpu.memory_space<hbm>>
      %dma_start3A_42 = tpu.memref_squeeze %dma_start3A_41 : memref<1x79x128xi32, #tpu.memory_space<hbm>> -> memref<79x128xi32, #tpu.memory_space<hbm>>
      tpu.enqueue_dma source(%dma_start3A_42 : memref<79x128xi32, #tpu.memory_space<hbm>>) target(%arg8 : memref<79x128xi32, #tpu.memory_space<vmem>>) target_semaphore(%run_scoped3A : memref<!tpu.dma_semaphore, #tpu.memory_space<semaphore_mem>>)
      %dma_wait3A = arith.constant 0 : i32
      %dma_wait3A_43 = arith.constant 0 : i32
      %dma_wait3A_44 = tpu.memref_slice %arg4[%arg1, %dma_wait3A, %dma_wait3A_43] : memref<16x79x128xi32, #tpu.memory_space<hbm>> -> memref<1x79x128xi32, #tpu.memory_space<hbm>>
      %dma_wait3A_45 = tpu.memref_squeeze %dma_wait3A_44 : memref<1x79x128xi32, #tpu.memory_space<hbm>> -> memref<79x128xi32, #tpu.memory_space<hbm>>
      %dma_wait3A_46 = arith.constant 0 : i32
      %dma_wait3A_47 = arith.constant 0 : i32
      %dma_wait3A_48 = tpu.memref_slice %arg4[%arg1, %dma_wait3A_46, %dma_wait3A_47] : memref<16x79x128xi32, #tpu.memory_space<hbm>> -> memref<1x79x128xi32, #tpu.memory_space<hbm>>
      %dma_wait3A_49 = tpu.memref_squeeze %dma_wait3A_48 : memref<1x79x128xi32, #tpu.memory_space<hbm>> -> memref<79x128xi32, #tpu.memory_space<hbm>>
      tpu.wait_dma2 semaphore(%run_scoped3A : memref<!tpu.dma_semaphore, #tpu.memory_space<semaphore_mem>>) src(%dma_wait3A_49 : memref<79x128xi32, #tpu.memory_space<hbm>>) dst(%arg8 : memref<79x128xi32, #tpu.memory_space<vmem>>)
      tpu.yield
    }) : () -> ()
    %add3A = arith.constant 0 : i32
    %add3A_0 = arith.addi %arg0, %add3A : i32
    %mul3A = arith.constant 10000 : i32
    %mul3A_1 = arith.muli %add3A_0, %mul3A : i32
    %mul3A_2 = arith.constant 632 : i32
    %mul3A_3 = arith.muli %arg1, %mul3A_2 : i32
    %mul3A_4 = arith.constant 632 : i32
    %mul3A_5 = arith.muli %arg1, %mul3A_4 : i32
    "tpu.region"() ({
      %run_scoped3A = tpu.sem_alloc : memref<!tpu.dma_semaphore, #tpu.memory_space<semaphore_mem>>
      %dma_start3A = arith.constant 0 : i32
      %dma_start3A_36 = tpu.memref_slice %arg11[%mul3A_5, %dma_start3A] : memref<10112x128xf32, #tpu.memory_space<vmem_shared>> -> memref<632x128xf32, #tpu.memory_space<vmem_shared>>
      %dma_start3A_37 = arith.constant 0 : i32
      %dma_start3A_38 = tpu.memref_slice %arg5[%mul3A_3, %dma_start3A_37] : memref<10112x128xf32, #tpu.memory_space<hbm>> -> memref<632x128xf32, #tpu.memory_space<hbm>>
      tpu.enqueue_dma source(%dma_start3A_38 : memref<632x128xf32, #tpu.memory_space<hbm>>) target(%dma_start3A_36 : memref<632x128xf32, #tpu.memory_space<vmem_shared>>) target_semaphore(%run_scoped3A : memref<!tpu.dma_semaphore, #tpu.memory_space<semaphore_mem>>)
      %dma_wait3A = arith.constant 0 : i32
      %dma_wait3A_39 = tpu.memref_slice %arg11[%mul3A_5, %dma_wait3A] : memref<10112x128xf32, #tpu.memory_space<vmem_shared>> -> memref<632x128xf32, #tpu.memory_space<vmem_shared>>
      %dma_wait3A_40 = arith.constant 0 : i32
      %dma_wait3A_41 = tpu.memref_slice %arg5[%mul3A_3, %dma_wait3A_40] : memref<10112x128xf32, #tpu.memory_space<hbm>> -> memref<632x128xf32, #tpu.memory_space<hbm>>
      tpu.wait_dma2 semaphore(%run_scoped3A : memref<!tpu.dma_semaphore, #tpu.memory_space<semaphore_mem>>) src(%dma_wait3A_41 : memref<632x128xf32, #tpu.memory_space<hbm>>) dst(%dma_wait3A_39 : memref<632x128xf32, #tpu.memory_space<vmem_shared>>)
      tpu.yield
    }) : () -> ()
    %barrier3A = arith.constant 0 : index
    tpu.barrier barrier_id(%barrier3A)
    %scan3A = arith.constant 0 : i32
    %scan3A_6 = arith.constant 0 : i32
    %scan3A_7 = arith.constant 79 : i32
    %scan3A_8 = arith.addi %scan3A_6, %scan3A_7 : i32
    %scan3A_9 = arith.constant 1 : i32
    scf.for %scan3A_36 = %scan3A_6 to %scan3A_8 step %scan3A_9  : i32 {
      %mul3A_37 = arith.constant 128 : i32
      %mul3A_38 = arith.muli %scan3A_36, %mul3A_37 : i32
      %add3A_39 = arith.constant 0 : i32
      %add3A_40 = arith.addi %mul3A_38, %add3A_39 : i32
      %get3A = arith.index_cast %add3A_40 : i32 to index
      %get3A_41 = tpu.vector_load %arg7[%get3A] {strides = array<i32>} : memref<10112xi32, #tpu.memory_space<vmem>>, vector<16xi32>,
      %get3A_42 = vector.shape_cast %get3A_41 : vector<16xi32> to vector<16xi32>
      %add3A_43 = vector.broadcast %mul3A_1 : i32 to vector<16xi32>
      %add3A_44 = arith.addi %get3A_42, %add3A_43 : vector<16xi32>
      %swap3A = arith.constant 0 : index
      %swap3A_45 = tpu.vector_load %arg9[%swap3A] {strides = array<i32>} : memref<128xi32, #tpu.memory_space<vmem>>, vector<16xi32>,
      %swap3A_46 = vector.shape_cast %swap3A_45 : vector<16xi32> to vector<16xi32>
      %swap3A_47 = vector.shape_cast %add3A_44 : vector<16xi32> to vector<16xi32>
      tpu.vector_store %arg9[%swap3A], %swap3A_47 {strides = array<i32>} : memref<128xi32, #tpu.memory_space<vmem>>, vector<16xi32>,
      %mul3A_48 = arith.constant 128 : i32
      %mul3A_49 = arith.muli %scan3A_36, %mul3A_48 : i32
      %add3A_50 = arith.constant 16 : i32
      %add3A_51 = arith.addi %mul3A_49, %add3A_50 : i32
      %get3A_52 = arith.index_cast %add3A_51 : i32 to index
      %get3A_53 = tpu.vector_load %arg7[%get3A_52] {strides = array<i32>} : memref<10112xi32, #tpu.memory_space<vmem>>, vector<16xi32>,
      %get3A_54 = vector.shape_cast %get3A_53 : vector<16xi32> to vector<16xi32>
      %add3A_55 = vector.broadcast %mul3A_1 : i32 to vector<16xi32>
      %add3A_56 = arith.addi %get3A_54, %add3A_55 : vector<16xi32>
      %swap3A_57 = arith.constant 16 : index
      %swap3A_58 = tpu.vector_load %arg9[%swap3A_57] {strides = array<i32>} : memref<128xi32, #tpu.memory_space<vmem>>, vector<16xi32>,
      %swap3A_59 = vector.shape_cast %swap3A_58 : vector<16xi32> to vector<16xi32>
      %swap3A_60 = vector.shape_cast %add3A_56 : vector<16xi32> to vector<16xi32>
      tpu.vector_store %arg9[%swap3A_57], %swap3A_60 {strides = array<i32>} : memref<128xi32, #tpu.memory_space<vmem>>, vector<16xi32>,
      %mul3A_61 = arith.constant 128 : i32
      %mul3A_62 = arith.muli %scan3A_36, %mul3A_61 : i32
      %add3A_63 = arith.constant 32 : i32
      %add3A_64 = arith.addi %mul3A_62, %add3A_63 : i32
      %get3A_65 = arith.index_cast %add3A_64 : i32 to index
      %get3A_66 = tpu.vector_load %arg7[%get3A_65] {strides = array<i32>} : memref<10112xi32, #tpu.memory_space<vmem>>, vector<16xi32>,
      %get3A_67 = vector.shape_cast %get3A_66 : vector<16xi32> to vector<16xi32>
      %add3A_68 = vector.broadcast %mul3A_1 : i32 to vector<16xi32>
      %add3A_69 = arith.addi %get3A_67, %add3A_68 : vector<16xi32>
      %swap3A_70 = arith.constant 32 : index
      %swap3A_71 = tpu.vector_load %arg9[%swap3A_70] {strides = array<i32>} : memref<128xi32, #tpu.memory_space<vmem>>, vector<16xi32>,
      %swap3A_72 = vector.shape_cast %swap3A_71 : vector<16xi32> to vector<16xi32>
      %swap3A_73 = vector.shape_cast %add3A_69 : vector<16xi32> to vector<16xi32>
      tpu.vector_store %arg9[%swap3A_70], %swap3A_73 {strides = array<i32>} : memref<128xi32, #tpu.memory_space<vmem>>, vector<16xi32>,
      %mul3A_74 = arith.constant 128 : i32
      %mul3A_75 = arith.muli %scan3A_36, %mul3A_74 : i32
      %add3A_76 = arith.constant 48 : i32
      %add3A_77 = arith.addi %mul3A_75, %add3A_76 : i32
      %get3A_78 = arith.index_cast %add3A_77 : i32 to index
      %get3A_79 = tpu.vector_load %arg7[%get3A_78] {strides = array<i32>} : memref<10112xi32, #tpu.memory_space<vmem>>, vector<16xi32>,
      %get3A_80 = vector.shape_cast %get3A_79 : vector<16xi32> to vector<16xi32>
      %add3A_81 = vector.broadcast %mul3A_1 : i32 to vector<16xi32>
      %add3A_82 = arith.addi %get3A_80, %add3A_81 : vector<16xi32>
      %swap3A_83 = arith.constant 48 : index
      %swap3A_84 = tpu.vector_load %arg9[%swap3A_83] {strides = array<i32>} : memref<128xi32, #tpu.memory_space<vmem>>, vector<16xi32>,
      %swap3A_85 = vector.shape_cast %swap3A_84 : vector<16xi32> to vector<16xi32>
      %swap3A_86 = vector.shape_cast %add3A_82 : vector<16xi32> to vector<16xi32>
      tpu.vector_store %arg9[%swap3A_83], %swap3A_86 {strides = array<i32>} : memref<128xi32, #tpu.memory_space<vmem>>, vector<16xi32>,
      %mul3A_87 = arith.constant 128 : i32
      %mul3A_88 = arith.muli %scan3A_36, %mul3A_87 : i32
      %add3A_89 = arith.constant 64 : i32
      %add3A_90 = arith.addi %mul3A_88, %add3A_89 : i32
      %get3A_91 = arith.index_cast %add3A_90 : i32 to index
      %get3A_92 = tpu.vector_load %arg7[%get3A_91] {strides = array<i32>} : memref<10112xi32, #tpu.memory_space<vmem>>, vector<16xi32>,
      %get3A_93 = vector.shape_cast %get3A_92 : vector<16xi32> to vector<16xi32>
      %add3A_94 = vector.broadcast %mul3A_1 : i32 to vector<16xi32>
      %add3A_95 = arith.addi %get3A_93, %add3A_94 : vector<16xi32>
      %swap3A_96 = arith.constant 64 : index
      %swap3A_97 = tpu.vector_load %arg9[%swap3A_96] {strides = array<i32>} : memref<128xi32, #tpu.memory_space<vmem>>, vector<16xi32>,
      %swap3A_98 = vector.shape_cast %swap3A_97 : vector<16xi32> to vector<16xi32>
      %swap3A_99 = vector.shape_cast %add3A_95 : vector<16xi32> to vector<16xi32>
      tpu.vector_store %arg9[%swap3A_96], %swap3A_99 {strides = array<i32>} : memref<128xi32, #tpu.memory_space<vmem>>, vector<16xi32>,
      %mul3A_100 = arith.constant 128 : i32
      %mul3A_101 = arith.muli %scan3A_36, %mul3A_100 : i32
      %add3A_102 = arith.constant 80 : i32
      %add3A_103 = arith.addi %mul3A_101, %add3A_102 : i32
      %get3A_104 = arith.index_cast %add3A_103 : i32 to index
      %get3A_105 = tpu.vector_load %arg7[%get3A_104] {strides = array<i32>} : memref<10112xi32, #tpu.memory_space<vmem>>, vector<16xi32>,
      %get3A_106 = vector.shape_cast %get3A_105 : vector<16xi32> to vector<16xi32>
      %add3A_107 = vector.broadcast %mul3A_1 : i32 to vector<16xi32>
      %add3A_108 = arith.addi %get3A_106, %add3A_107 : vector<16xi32>
      %swap3A_109 = arith.constant 80 : index
      %swap3A_110 = tpu.vector_load %arg9[%swap3A_109] {strides = array<i32>} : memref<128xi32, #tpu.memory_space<vmem>>, vector<16xi32>,
      %swap3A_111 = vector.shape_cast %swap3A_110 : vector<16xi32> to vector<16xi32>
      %swap3A_112 = vector.shape_cast %add3A_108 : vector<16xi32> to vector<16xi32>
      tpu.vector_store %arg9[%swap3A_109], %swap3A_112 {strides = array<i32>} : memref<128xi32, #tpu.memory_space<vmem>>, vector<16xi32>,
      %mul3A_113 = arith.constant 128 : i32
      %mul3A_114 = arith.muli %scan3A_36, %mul3A_113 : i32
      %add3A_115 = arith.constant 96 : i32
      %add3A_116 = arith.addi %mul3A_114, %add3A_115 : i32
      %get3A_117 = arith.index_cast %add3A_116 : i32 to index
      %get3A_118 = tpu.vector_load %arg7[%get3A_117] {strides = array<i32>} : memref<10112xi32, #tpu.memory_space<vmem>>, vector<16xi32>,
      %get3A_119 = vector.shape_cast %get3A_118 : vector<16xi32> to vector<16xi32>
      %add3A_120 = vector.broadcast %mul3A_1 : i32 to vector<16xi32>
      %add3A_121 = arith.addi %get3A_119, %add3A_120 : vector<16xi32>
      %swap3A_122 = arith.constant 96 : index
      %swap3A_123 = tpu.vector_load %arg9[%swap3A_122] {strides = array<i32>} : memref<128xi32, #tpu.memory_space<vmem>>, vector<16xi32>,
      %swap3A_124 = vector.shape_cast %swap3A_123 : vector<16xi32> to vector<16xi32>
      %swap3A_125 = vector.shape_cast %add3A_121 : vector<16xi32> to vector<16xi32>
      tpu.vector_store %arg9[%swap3A_122], %swap3A_125 {strides = array<i32>} : memref<128xi32, #tpu.memory_space<vmem>>, vector<16xi32>,
      %mul3A_126 = arith.constant 128 : i32
      %mul3A_127 = arith.muli %scan3A_36, %mul3A_126 : i32
      %add3A_128 = arith.constant 112 : i32
      %add3A_129 = arith.addi %mul3A_127, %add3A_128 : i32
      %get3A_130 = arith.index_cast %add3A_129 : i32 to index
      %get3A_131 = tpu.vector_load %arg7[%get3A_130] {strides = array<i32>} : memref<10112xi32, #tpu.memory_space<vmem>>, vector<16xi32>,
      %get3A_132 = vector.shape_cast %get3A_131 : vector<16xi32> to vector<16xi32>
      %add3A_133 = vector.broadcast %mul3A_1 : i32 to vector<16xi32>
      %add3A_134 = arith.addi %get3A_132, %add3A_133 : vector<16xi32>
      %swap3A_135 = arith.constant 112 : index
      %swap3A_136 = tpu.vector_load %arg9[%swap3A_135] {strides = array<i32>} : memref<128xi32, #tpu.memory_space<vmem>>, vector<16xi32>,
      %swap3A_137 = vector.shape_cast %swap3A_136 : vector<16xi32> to vector<16xi32>
      %swap3A_138 = vector.shape_cast %add3A_134 : vector<16xi32> to vector<16xi32>
      tpu.vector_store %arg9[%swap3A_135], %swap3A_138 {strides = array<i32>} : memref<128xi32, #tpu.memory_space<vmem>>, vector<16xi32>,
      %dma_start3A = arith.constant 0 : i32
      %dma_start3A_139 = arith.constant 0 : i32
      %dma_start3A_140 = tpu.memref_slice %arg2[%dma_start3A, %dma_start3A_139] : memref<40000x128xf32, #tpu.memory_space<hbm>> -> memref<40000x128xf32, #tpu.memory_space<hbm>>
      tpu.enqueue_indirect_dma source(%dma_start3A_140 : memref<40000x128xf32, #tpu.memory_space<hbm>>) target(%arg10 : memref<128x128xf32, #tpu.memory_space<vmem>>) offsets(%arg9 : memref<128xi32, #tpu.memory_space<vmem>>) semaphore(%arg12 : memref<!tpu.dma_semaphore, #tpu.memory_space<semaphore_mem>>)
      %dma_wait3A = arith.constant 0 : i32
      %dma_wait3A_141 = arith.constant 0 : i32
      %dma_wait3A_142 = tpu.memref_slice %arg2[%dma_wait3A, %dma_wait3A_141] : memref<40000x128xf32, #tpu.memory_space<hbm>> -> memref<40000x128xf32, #tpu.memory_space<hbm>>
      tpu.wait_indirect_dma semaphore(%arg12 : memref<!tpu.dma_semaphore, #tpu.memory_space<semaphore_mem>>) src(%dma_wait3A_142 : memref<40000x128xf32, #tpu.memory_space<hbm>>) dst(%arg10 : memref<128x128xf32, #tpu.memory_space<vmem>>)
      "tpu.region"() ({
        %run_scoped3A = tpu.sem_alloc : memref<!tpu.dma_semaphore, #tpu.memory_space<semaphore_mem>>
        %dma_start3A_143 = arith.constant 0 : i32
        %dma_start3A_144 = tpu.memref_slice %arg8[%scan3A_36, %dma_start3A_143] : memref<79x128xi32, #tpu.memory_space<vmem>> -> memref<1x128xi32, #tpu.memory_space<vmem>>
        %dma_start3A_145 = tpu.memref_squeeze %dma_start3A_144 : memref<1x128xi32, #tpu.memory_space<vmem>> -> memref<128xi32, #tpu.memory_space<vmem>>
        %dma_start3A_146 = arith.constant 0 : i32
        %dma_start3A_147 = arith.constant 0 : i32
        %dma_start3A_148 = tpu.memref_slice %arg11[%dma_start3A_146, %dma_start3A_147] : memref<10112x128xf32, #tpu.memory_space<vmem_shared>> -> memref<10112x128xf32, #tpu.memory_space<vmem_shared>>
        tpu.enqueue_indirect_dma source(%arg10 : memref<128x128xf32, #tpu.memory_space<vmem>>) target(%dma_start3A_148 : memref<10112x128xf32, #tpu.memory_space<vmem_shared>>) offsets(%dma_start3A_145 : memref<128xi32, #tpu.memory_space<vmem>>) semaphore(%run_scoped3A : memref<!tpu.dma_semaphore, #tpu.memory_space<semaphore_mem>>) {add = true}
        %dma_wait3A_149 = arith.constant 0 : i32
        %dma_wait3A_150 = tpu.memref_slice %arg8[%scan3A_36, %dma_wait3A_149] : memref<79x128xi32, #tpu.memory_space<vmem>> -> memref<1x128xi32, #tpu.memory_space<vmem>>
        %dma_wait3A_151 = tpu.memref_squeeze %dma_wait3A_150 : memref<1x128xi32, #tpu.memory_space<vmem>> -> memref<128xi32, #tpu.memory_space<vmem>>
        %dma_wait3A_152 = arith.constant 0 : i32
        %dma_wait3A_153 = arith.constant 0 : i32
        %dma_wait3A_154 = tpu.memref_slice %arg11[%dma_wait3A_152, %dma_wait3A_153] : memref<10112x128xf32, #tpu.memory_space<vmem_shared>> -> memref<10112x128xf32, #tpu.memory_space<vmem_shared>>
        tpu.wait_indirect_dma semaphore(%run_scoped3A : memref<!tpu.dma_semaphore, #tpu.memory_space<semaphore_mem>>) src(%arg10 : memref<128x128xf32, #tpu.memory_space<vmem>>) dst(%dma_wait3A_154 : memref<10112x128xf32, #tpu.memory_space<vmem_shared>>)
        tpu.yield
      }) : () -> ()
    }
    %scan3A_10 = arith.constant 79 : i32
    %barrier3A_11 = arith.constant 0 : index
    tpu.barrier barrier_id(%barrier3A_11)
    %mul3A_12 = arith.constant 632 : i32
    %mul3A_13 = arith.muli %arg1, %mul3A_12 : i32
    %mul3A_14 = arith.constant 632 : i32
    %mul3A_15 = arith.muli %arg1, %mul3A_14 : i32
    "tpu.region"() ({
      %run_scoped3A = tpu.sem_alloc : memref<!tpu.dma_semaphore, #tpu.memory_space<semaphore_mem>>
      %dma_start3A = arith.constant 0 : i32
      %dma_start3A_36 = tpu.memref_slice %arg6[%add3A_0, %mul3A_15, %dma_start3A] : memref<4x10112x128xf32, #tpu.memory_space<hbm>> -> memref<1x632x128xf32, #tpu.memory_space<hbm>>
      %dma_start3A_37 = tpu.memref_squeeze %dma_start3A_36 : memref<1x632x128xf32, #tpu.memory_space<hbm>> -> memref<632x128xf32, #tpu.memory_space<hbm>>
      %dma_start3A_38 = arith.constant 0 : i32
      %dma_start3A_39 = tpu.memref_slice %arg11[%mul3A_13, %dma_start3A_38] : memref<10112x128xf32, #tpu.memory_space<vmem_shared>> -> memref<632x128xf32, #tpu.memory_space<vmem_shared>>
      tpu.enqueue_dma source(%dma_start3A_39 : memref<632x128xf32, #tpu.memory_space<vmem_shared>>) target(%dma_start3A_37 : memref<632x128xf32, #tpu.memory_space<hbm>>) target_semaphore(%run_scoped3A : memref<!tpu.dma_semaphore, #tpu.memory_space<semaphore_mem>>)
      %dma_wait3A = arith.constant 0 : i32
      %dma_wait3A_40 = tpu.memref_slice %arg6[%add3A_0, %mul3A_15, %dma_wait3A] : memref<4x10112x128xf32, #tpu.memory_space<hbm>> -> memref<1x632x128xf32, #tpu.memory_space<hbm>>
      %dma_wait3A_41 = tpu.memref_squeeze %dma_wait3A_40 : memref<1x632x128xf32, #tpu.memory_space<hbm>> -> memref<632x128xf32, #tpu.memory_space<hbm>>
      %dma_wait3A_42 = arith.constant 0 : i32
      %dma_wait3A_43 = tpu.memref_slice %arg11[%mul3A_13, %dma_wait3A_42] : memref<10112x128xf32, #tpu.memory_space<vmem_shared>> -> memref<632x128xf32, #tpu.memory_space<vmem_shared>>
      tpu.wait_dma2 semaphore(%run_scoped3A : memref<!tpu.dma_semaphore, #tpu.memory_space<semaphore_mem>>) src(%dma_wait3A_43 : memref<632x128xf32, #tpu.memory_space<vmem_shared>>) dst(%dma_wait3A_41 : memref<632x128xf32, #tpu.memory_space<hbm>>)
      tpu.yield
    }) : () -> ()
    %add3A_16 = arith.constant 2 : i32
    %add3A_17 = arith.addi %arg0, %add3A_16 : i32
    %mul3A_18 = arith.constant 10000 : i32
    %mul3A_19 = arith.muli %add3A_17, %mul3A_18 : i32
    %mul3A_20 = arith.constant 632 : i32
    %mul3A_21 = arith.muli %arg1, %mul3A_20 : i32
    %mul3A_22 = arith.constant 632 : i32
    %mul3A_23 = arith.muli %arg1, %mul3A_22 : i32
    "tpu.region"() ({
      %run_scoped3A = tpu.sem_alloc : memref<!tpu.dma_semaphore, #tpu.memory_space<semaphore_mem>>
      %dma_start3A = arith.constant 0 : i32
      %dma_start3A_36 = tpu.memref_slice %arg11[%mul3A_23, %dma_start3A] : memref<10112x128xf32, #tpu.memory_space<vmem_shared>> -> memref<632x128xf32, #tpu.memory_space<vmem_shared>>
      %dma_start3A_37 = arith.constant 0 : i32
      %dma_start3A_38 = tpu.memref_slice %arg5[%mul3A_21, %dma_start3A_37] : memref<10112x128xf32, #tpu.memory_space<hbm>> -> memref<632x128xf32, #tpu.memory_space<hbm>>
      tpu.enqueue_dma source(%dma_start3A_38 : memref<632x128xf32, #tpu.memory_space<hbm>>) target(%dma_start3A_36 : memref<632x128xf32, #tpu.memory_space<vmem_shared>>) target_semaphore(%run_scoped3A : memref<!tpu.dma_semaphore, #tpu.memory_space<semaphore_mem>>)
      %dma_wait3A = arith.constant 0 : i32
      %dma_wait3A_39 = tpu.memref_slice %arg11[%mul3A_23, %dma_wait3A] : memref<10112x128xf32, #tpu.memory_space<vmem_shared>> -> memref<632x128xf32, #tpu.memory_space<vmem_shared>>
      %dma_wait3A_40 = arith.constant 0 : i32
      %dma_wait3A_41 = tpu.memref_slice %arg5[%mul3A_21, %dma_wait3A_40] : memref<10112x128xf32, #tpu.memory_space<hbm>> -> memref<632x128xf32, #tpu.memory_space<hbm>>
      tpu.wait_dma2 semaphore(%run_scoped3A : memref<!tpu.dma_semaphore, #tpu.memory_space<semaphore_mem>>) src(%dma_wait3A_41 : memref<632x128xf32, #tpu.memory_space<hbm>>) dst(%dma_wait3A_39 : memref<632x128xf32, #tpu.memory_space<vmem_shared>>)
      tpu.yield
    }) : () -> ()
    %barrier3A_24 = arith.constant 0 : index
    tpu.barrier barrier_id(%barrier3A_24)
    %scan3A_25 = arith.constant 0 : i32
    %scan3A_26 = arith.constant 0 : i32
    %scan3A_27 = arith.constant 79 : i32
    %scan3A_28 = arith.addi %scan3A_26, %scan3A_27 : i32
    %scan3A_29 = arith.constant 1 : i32
    scf.for %scan3A_36 = %scan3A_26 to %scan3A_28 step %scan3A_29  : i32 {
      %mul3A_37 = arith.constant 128 : i32
      %mul3A_38 = arith.muli %scan3A_36, %mul3A_37 : i32
      %add3A_39 = arith.constant 0 : i32
      %add3A_40 = arith.addi %mul3A_38, %add3A_39 : i32
      %get3A = arith.index_cast %add3A_40 : i32 to index
      %get3A_41 = tpu.vector_load %arg7[%get3A] {strides = array<i32>} : memref<10112xi32, #tpu.memory_space<vmem>>, vector<16xi32>,
      %get3A_42 = vector.shape_cast %get3A_41 : vector<16xi32> to vector<16xi32>
      %add3A_43 = vector.broadcast %mul3A_19 : i32 to vector<16xi32>
      %add3A_44 = arith.addi %get3A_42, %add3A_43 : vector<16xi32>
      %swap3A = arith.constant 0 : index
      %swap3A_45 = tpu.vector_load %arg9[%swap3A] {strides = array<i32>} : memref<128xi32, #tpu.memory_space<vmem>>, vector<16xi32>,
      %swap3A_46 = vector.shape_cast %swap3A_45 : vector<16xi32> to vector<16xi32>
      %swap3A_47 = vector.shape_cast %add3A_44 : vector<16xi32> to vector<16xi32>
      tpu.vector_store %arg9[%swap3A], %swap3A_47 {strides = array<i32>} : memref<128xi32, #tpu.memory_space<vmem>>, vector<16xi32>,
      %mul3A_48 = arith.constant 128 : i32
      %mul3A_49 = arith.muli %scan3A_36, %mul3A_48 : i32
      %add3A_50 = arith.constant 16 : i32
      %add3A_51 = arith.addi %mul3A_49, %add3A_50 : i32
      %get3A_52 = arith.index_cast %add3A_51 : i32 to index
      %get3A_53 = tpu.vector_load %arg7[%get3A_52] {strides = array<i32>} : memref<10112xi32, #tpu.memory_space<vmem>>, vector<16xi32>,
      %get3A_54 = vector.shape_cast %get3A_53 : vector<16xi32> to vector<16xi32>
      %add3A_55 = vector.broadcast %mul3A_19 : i32 to vector<16xi32>
      %add3A_56 = arith.addi %get3A_54, %add3A_55 : vector<16xi32>
      %swap3A_57 = arith.constant 16 : index
      %swap3A_58 = tpu.vector_load %arg9[%swap3A_57] {strides = array<i32>} : memref<128xi32, #tpu.memory_space<vmem>>, vector<16xi32>,
      %swap3A_59 = vector.shape_cast %swap3A_58 : vector<16xi32> to vector<16xi32>
      %swap3A_60 = vector.shape_cast %add3A_56 : vector<16xi32> to vector<16xi32>
      tpu.vector_store %arg9[%swap3A_57], %swap3A_60 {strides = array<i32>} : memref<128xi32, #tpu.memory_space<vmem>>, vector<16xi32>,
      %mul3A_61 = arith.constant 128 : i32
      %mul3A_62 = arith.muli %scan3A_36, %mul3A_61 : i32
      %add3A_63 = arith.constant 32 : i32
      %add3A_64 = arith.addi %mul3A_62, %add3A_63 : i32
      %get3A_65 = arith.index_cast %add3A_64 : i32 to index
      %get3A_66 = tpu.vector_load %arg7[%get3A_65] {strides = array<i32>} : memref<10112xi32, #tpu.memory_space<vmem>>, vector<16xi32>,
      %get3A_67 = vector.shape_cast %get3A_66 : vector<16xi32> to vector<16xi32>
      %add3A_68 = vector.broadcast %mul3A_19 : i32 to vector<16xi32>
      %add3A_69 = arith.addi %get3A_67, %add3A_68 : vector<16xi32>
      %swap3A_70 = arith.constant 32 : index
      %swap3A_71 = tpu.vector_load %arg9[%swap3A_70] {strides = array<i32>} : memref<128xi32, #tpu.memory_space<vmem>>, vector<16xi32>,
      %swap3A_72 = vector.shape_cast %swap3A_71 : vector<16xi32> to vector<16xi32>
      %swap3A_73 = vector.shape_cast %add3A_69 : vector<16xi32> to vector<16xi32>
      tpu.vector_store %arg9[%swap3A_70], %swap3A_73 {strides = array<i32>} : memref<128xi32, #tpu.memory_space<vmem>>, vector<16xi32>,
      %mul3A_74 = arith.constant 128 : i32
      %mul3A_75 = arith.muli %scan3A_36, %mul3A_74 : i32
      %add3A_76 = arith.constant 48 : i32
      %add3A_77 = arith.addi %mul3A_75, %add3A_76 : i32
      %get3A_78 = arith.index_cast %add3A_77 : i32 to index
      %get3A_79 = tpu.vector_load %arg7[%get3A_78] {strides = array<i32>} : memref<10112xi32, #tpu.memory_space<vmem>>, vector<16xi32>,
      %get3A_80 = vector.shape_cast %get3A_79 : vector<16xi32> to vector<16xi32>
      %add3A_81 = vector.broadcast %mul3A_19 : i32 to vector<16xi32>
      %add3A_82 = arith.addi %get3A_80, %add3A_81 : vector<16xi32>
      %swap3A_83 = arith.constant 48 : index
      %swap3A_84 = tpu.vector_load %arg9[%swap3A_83] {strides = array<i32>} : memref<128xi32, #tpu.memory_space<vmem>>, vector<16xi32>,
      %swap3A_85 = vector.shape_cast %swap3A_84 : vector<16xi32> to vector<16xi32>
      %swap3A_86 = vector.shape_cast %add3A_82 : vector<16xi32> to vector<16xi32>
      tpu.vector_store %arg9[%swap3A_83], %swap3A_86 {strides = array<i32>} : memref<128xi32, #tpu.memory_space<vmem>>, vector<16xi32>,
      %mul3A_87 = arith.constant 128 : i32
      %mul3A_88 = arith.muli %scan3A_36, %mul3A_87 : i32
      %add3A_89 = arith.constant 64 : i32
      %add3A_90 = arith.addi %mul3A_88, %add3A_89 : i32
      %get3A_91 = arith.index_cast %add3A_90 : i32 to index
      %get3A_92 = tpu.vector_load %arg7[%get3A_91] {strides = array<i32>} : memref<10112xi32, #tpu.memory_space<vmem>>, vector<16xi32>,
      %get3A_93 = vector.shape_cast %get3A_92 : vector<16xi32> to vector<16xi32>
      %add3A_94 = vector.broadcast %mul3A_19 : i32 to vector<16xi32>
      %add3A_95 = arith.addi %get3A_93, %add3A_94 : vector<16xi32>
      %swap3A_96 = arith.constant 64 : index
      %swap3A_97 = tpu.vector_load %arg9[%swap3A_96] {strides = array<i32>} : memref<128xi32, #tpu.memory_space<vmem>>, vector<16xi32>,
      %swap3A_98 = vector.shape_cast %swap3A_97 : vector<16xi32> to vector<16xi32>
      %swap3A_99 = vector.shape_cast %add3A_95 : vector<16xi32> to vector<16xi32>
      tpu.vector_store %arg9[%swap3A_96], %swap3A_99 {strides = array<i32>} : memref<128xi32, #tpu.memory_space<vmem>>, vector<16xi32>,
      %mul3A_100 = arith.constant 128 : i32
      %mul3A_101 = arith.muli %scan3A_36, %mul3A_100 : i32
      %add3A_102 = arith.constant 80 : i32
      %add3A_103 = arith.addi %mul3A_101, %add3A_102 : i32
      %get3A_104 = arith.index_cast %add3A_103 : i32 to index
      %get3A_105 = tpu.vector_load %arg7[%get3A_104] {strides = array<i32>} : memref<10112xi32, #tpu.memory_space<vmem>>, vector<16xi32>,
      %get3A_106 = vector.shape_cast %get3A_105 : vector<16xi32> to vector<16xi32>
      %add3A_107 = vector.broadcast %mul3A_19 : i32 to vector<16xi32>
      %add3A_108 = arith.addi %get3A_106, %add3A_107 : vector<16xi32>
      %swap3A_109 = arith.constant 80 : index
      %swap3A_110 = tpu.vector_load %arg9[%swap3A_109] {strides = array<i32>} : memref<128xi32, #tpu.memory_space<vmem>>, vector<16xi32>,
      %swap3A_111 = vector.shape_cast %swap3A_110 : vector<16xi32> to vector<16xi32>
      %swap3A_112 = vector.shape_cast %add3A_108 : vector<16xi32> to vector<16xi32>
      tpu.vector_store %arg9[%swap3A_109], %swap3A_112 {strides = array<i32>} : memref<128xi32, #tpu.memory_space<vmem>>, vector<16xi32>,
      %mul3A_113 = arith.constant 128 : i32
      %mul3A_114 = arith.muli %scan3A_36, %mul3A_113 : i32
      %add3A_115 = arith.constant 96 : i32
      %add3A_116 = arith.addi %mul3A_114, %add3A_115 : i32
      %get3A_117 = arith.index_cast %add3A_116 : i32 to index
      %get3A_118 = tpu.vector_load %arg7[%get3A_117] {strides = array<i32>} : memref<10112xi32, #tpu.memory_space<vmem>>, vector<16xi32>,
      %get3A_119 = vector.shape_cast %get3A_118 : vector<16xi32> to vector<16xi32>
      %add3A_120 = vector.broadcast %mul3A_19 : i32 to vector<16xi32>
      %add3A_121 = arith.addi %get3A_119, %add3A_120 : vector<16xi32>
      %swap3A_122 = arith.constant 96 : index
      %swap3A_123 = tpu.vector_load %arg9[%swap3A_122] {strides = array<i32>} : memref<128xi32, #tpu.memory_space<vmem>>, vector<16xi32>,
      %swap3A_124 = vector.shape_cast %swap3A_123 : vector<16xi32> to vector<16xi32>
      %swap3A_125 = vector.shape_cast %add3A_121 : vector<16xi32> to vector<16xi32>
      tpu.vector_store %arg9[%swap3A_122], %swap3A_125 {strides = array<i32>} : memref<128xi32, #tpu.memory_space<vmem>>, vector<16xi32>,
      %mul3A_126 = arith.constant 128 : i32
      %mul3A_127 = arith.muli %scan3A_36, %mul3A_126 : i32
      %add3A_128 = arith.constant 112 : i32
      %add3A_129 = arith.addi %mul3A_127, %add3A_128 : i32
      %get3A_130 = arith.index_cast %add3A_129 : i32 to index
      %get3A_131 = tpu.vector_load %arg7[%get3A_130] {strides = array<i32>} : memref<10112xi32, #tpu.memory_space<vmem>>, vector<16xi32>,
      %get3A_132 = vector.shape_cast %get3A_131 : vector<16xi32> to vector<16xi32>
      %add3A_133 = vector.broadcast %mul3A_19 : i32 to vector<16xi32>
      %add3A_134 = arith.addi %get3A_132, %add3A_133 : vector<16xi32>
      %swap3A_135 = arith.constant 112 : index
      %swap3A_136 = tpu.vector_load %arg9[%swap3A_135] {strides = array<i32>} : memref<128xi32, #tpu.memory_space<vmem>>, vector<16xi32>,
      %swap3A_137 = vector.shape_cast %swap3A_136 : vector<16xi32> to vector<16xi32>
      %swap3A_138 = vector.shape_cast %add3A_134 : vector<16xi32> to vector<16xi32>
      tpu.vector_store %arg9[%swap3A_135], %swap3A_138 {strides = array<i32>} : memref<128xi32, #tpu.memory_space<vmem>>, vector<16xi32>,
      %dma_start3A = arith.constant 0 : i32
      %dma_start3A_139 = arith.constant 0 : i32
      %dma_start3A_140 = tpu.memref_slice %arg2[%dma_start3A, %dma_start3A_139] : memref<40000x128xf32, #tpu.memory_space<hbm>> -> memref<40000x128xf32, #tpu.memory_space<hbm>>
      tpu.enqueue_indirect_dma source(%dma_start3A_140 : memref<40000x128xf32, #tpu.memory_space<hbm>>) target(%arg10 : memref<128x128xf32, #tpu.memory_space<vmem>>) offsets(%arg9 : memref<128xi32, #tpu.memory_space<vmem>>) semaphore(%arg12 : memref<!tpu.dma_semaphore, #tpu.memory_space<semaphore_mem>>)
      %dma_wait3A = arith.constant 0 : i32
      %dma_wait3A_141 = arith.constant 0 : i32
      %dma_wait3A_142 = tpu.memref_slice %arg2[%dma_wait3A, %dma_wait3A_141] : memref<40000x128xf32, #tpu.memory_space<hbm>> -> memref<40000x128xf32, #tpu.memory_space<hbm>>
      tpu.wait_indirect_dma semaphore(%arg12 : memref<!tpu.dma_semaphore, #tpu.memory_space<semaphore_mem>>) src(%dma_wait3A_142 : memref<40000x128xf32, #tpu.memory_space<hbm>>) dst(%arg10 : memref<128x128xf32, #tpu.memory_space<vmem>>)
      "tpu.region"() ({
        %run_scoped3A = tpu.sem_alloc : memref<!tpu.dma_semaphore, #tpu.memory_space<semaphore_mem>>
        %dma_start3A_143 = arith.constant 0 : i32
        %dma_start3A_144 = tpu.memref_slice %arg8[%scan3A_36, %dma_start3A_143] : memref<79x128xi32, #tpu.memory_space<vmem>> -> memref<1x128xi32, #tpu.memory_space<vmem>>
        %dma_start3A_145 = tpu.memref_squeeze %dma_start3A_144 : memref<1x128xi32, #tpu.memory_space<vmem>> -> memref<128xi32, #tpu.memory_space<vmem>>
        %dma_start3A_146 = arith.constant 0 : i32
        %dma_start3A_147 = arith.constant 0 : i32
        %dma_start3A_148 = tpu.memref_slice %arg11[%dma_start3A_146, %dma_start3A_147] : memref<10112x128xf32, #tpu.memory_space<vmem_shared>> -> memref<10112x128xf32, #tpu.memory_space<vmem_shared>>
        tpu.enqueue_indirect_dma source(%arg10 : memref<128x128xf32, #tpu.memory_space<vmem>>) target(%dma_start3A_148 : memref<10112x128xf32, #tpu.memory_space<vmem_shared>>) offsets(%dma_start3A_145 : memref<128xi32, #tpu.memory_space<vmem>>) semaphore(%run_scoped3A : memref<!tpu.dma_semaphore, #tpu.memory_space<semaphore_mem>>) {add = true}
        %dma_wait3A_149 = arith.constant 0 : i32
        %dma_wait3A_150 = tpu.memref_slice %arg8[%scan3A_36, %dma_wait3A_149] : memref<79x128xi32, #tpu.memory_space<vmem>> -> memref<1x128xi32, #tpu.memory_space<vmem>>
        %dma_wait3A_151 = tpu.memref_squeeze %dma_wait3A_150 : memref<1x128xi32, #tpu.memory_space<vmem>> -> memref<128xi32, #tpu.memory_space<vmem>>
        %dma_wait3A_152 = arith.constant 0 : i32
        %dma_wait3A_153 = arith.constant 0 : i32
        %dma_wait3A_154 = tpu.memref_slice %arg11[%dma_wait3A_152, %dma_wait3A_153] : memref<10112x128xf32, #tpu.memory_space<vmem_shared>> -> memref<10112x128xf32, #tpu.memory_space<vmem_shared>>
        tpu.wait_indirect_dma semaphore(%run_scoped3A : memref<!tpu.dma_semaphore, #tpu.memory_space<semaphore_mem>>) src(%arg10 : memref<128x128xf32, #tpu.memory_space<vmem>>) dst(%dma_wait3A_154 : memref<10112x128xf32, #tpu.memory_space<vmem_shared>>)
        tpu.yield
      }) : () -> ()
    }
    %scan3A_30 = arith.constant 79 : i32
    %barrier3A_31 = arith.constant 0 : index
    tpu.barrier barrier_id(%barrier3A_31)
    %mul3A_32 = arith.constant 632 : i32
    %mul3A_33 = arith.muli %arg1, %mul3A_32 : i32
    %mul3A_34 = arith.constant 632 : i32
    %mul3A_35 = arith.muli %arg1, %mul3A_34 : i32
    "tpu.region"() ({
      %run_scoped3A = tpu.sem_alloc : memref<!tpu.dma_semaphore, #tpu.memory_space<semaphore_mem>>
      %dma_start3A = arith.constant 0 : i32
      %dma_start3A_36 = tpu.memref_slice %arg6[%add3A_17, %mul3A_35, %dma_start3A] : memref<4x10112x128xf32, #tpu.memory_space<hbm>> -> memref<1x632x128xf32, #tpu.memory_space<hbm>>
      %dma_start3A_37 = tpu.memref_squeeze %dma_start3A_36 : memref<1x632x128xf32, #tpu.memory_space<hbm>> -> memref<632x128xf32, #tpu.memory_space<hbm>>
      %dma_start3A_38 = arith.constant 0 : i32
      %dma_start3A_39 = tpu.memref_slice %arg11[%mul3A_33, %dma_start3A_38] : memref<10112x128xf32, #tpu.memory_space<vmem_shared>> -> memref<632x128xf32, #tpu.memory_space<vmem_shared>>
      tpu.enqueue_dma source(%dma_start3A_39 : memref<632x128xf32, #tpu.memory_space<vmem_shared>>) target(%dma_start3A_37 : memref<632x128xf32, #tpu.memory_space<hbm>>) target_semaphore(%run_scoped3A : memref<!tpu.dma_semaphore, #tpu.memory_space<semaphore_mem>>)
      %dma_wait3A = arith.constant 0 : i32
      %dma_wait3A_40 = tpu.memref_slice %arg6[%add3A_17, %mul3A_35, %dma_wait3A] : memref<4x10112x128xf32, #tpu.memory_space<hbm>> -> memref<1x632x128xf32, #tpu.memory_space<hbm>>
      %dma_wait3A_41 = tpu.memref_squeeze %dma_wait3A_40 : memref<1x632x128xf32, #tpu.memory_space<hbm>> -> memref<632x128xf32, #tpu.memory_space<hbm>>
      %dma_wait3A_42 = arith.constant 0 : i32
      %dma_wait3A_43 = tpu.memref_slice %arg11[%mul3A_33, %dma_wait3A_42] : memref<10112x128xf32, #tpu.memory_space<vmem_shared>> -> memref<632x128xf32, #tpu.memory_space<vmem_shared>>
      tpu.wait_dma2 semaphore(%run_scoped3A : memref<!tpu.dma_semaphore, #tpu.memory_space<semaphore_mem>>) src(%dma_wait3A_43 : memref<632x128xf32, #tpu.memory_space<vmem_shared>>) dst(%dma_wait3A_41 : memref<632x128xf32, #tpu.memory_space<hbm>>)
      tpu.yield
    }) : () -> ()
    return
  }
}

#map = affine_map<(d0, d1) -> (0, 0)>
#map1 = affine_map<(d0, d1) -> (0, 0, 0)>
module attributes {stable_mosaic.version = 14 : i64} {
  func.func @k(%arg0: i32, %arg1: i32, %arg2: memref<40000x128xf32, #tpu.memory_space<hbm>>, %arg3: memref<16x10112xi32, #tpu.memory_space<hbm>>, %arg4: memref<16x79x128xi32, #tpu.memory_space<hbm>>, %arg5: memref<10112x128xf32, #tpu.memory_space<hbm>>, %arg6: memref<4x10112x128xf32, #tpu.memory_space<hbm>>, %arg7: memref<10112xi32, #tpu.memory_space<vmem>>, %arg8: memref<79x128xi32, #tpu.memory_space<vmem>>, %arg9: memref<128xi32, #tpu.memory_space<vmem>>, %arg10: memref<128x128xf32, #tpu.memory_space<vmem>>, %arg11: memref<10112x128xf32, #tpu.memory_space<vmem_shared>>, %arg12: memref<!tpu.dma_semaphore, #tpu.memory_space<semaphore_mem>>) attributes {dimension_semantics = [#tpu.dimension_semantics<core_parallel>, #tpu.dimension_semantics<subcore_parallel>], iteration_bounds = array<i64: 2, 16>, scalar_prefetch = 0 : i64, scratch_operands = 6 : i64, tpu.core_type = #tpu.core_type<sc_vector_subcore>, window_params = [{transform_indices = #map}, {transform_indices = #map}, {transform_indices = #map1}, {transform_indices = #map}, {transform_indices = #map1}]} {
    "tpu.region"() ({
      %run_scoped3A = tpu.sem_alloc : memref<!tpu.dma_semaphore, #tpu.memory_space<semaphore_mem>>
      %dma_start3A = arith.constant 0 : i32
      %dma_start3A_36 = tpu.memref_slice %arg3[%arg1, %dma_start3A] : memref<16x10112xi32, #tpu.memory_space<hbm>> -> memref<1x10112xi32, #tpu.memory_space<hbm>>
      %dma_start3A_37 = tpu.memref_squeeze %dma_start3A_36 : memref<1x10112xi32, #tpu.memory_space<hbm>> -> memref<10112xi32, #tpu.memory_space<hbm>>
      %dma_start3A_38 = arith.constant 0 : i32
      %dma_start3A_39 = tpu.memref_slice %arg3[%arg1, %dma_start3A_38] : memref<16x10112xi32, #tpu.memory_space<hbm>> -> memref<1x10112xi32, #tpu.memory_space<hbm>>
      %dma_start3A_40 = tpu.memref_squeeze %dma_start3A_39 : memref<1x10112xi32, #tpu.memory_space<hbm>> -> memref<10112xi32, #tpu.memory_space<hbm>>
      tpu.enqueue_dma source(%dma_start3A_40 : memref<10112xi32, #tpu.memory_space<hbm>>) target(%arg7 : memref<10112xi32, #tpu.memory_space<vmem>>) target_semaphore(%run_scoped3A : memref<!tpu.dma_semaphore, #tpu.memory_space<semaphore_mem>>)
      %dma_wait3A = arith.constant 0 : i32
      %dma_wait3A_41 = tpu.memref_slice %arg3[%arg1, %dma_wait3A] : memref<16x10112xi32, #tpu.memory_space<hbm>> -> memref<1x10112xi32, #tpu.memory_space<hbm>>
      %dma_wait3A_42 = tpu.memref_squeeze %dma_wait3A_41 : memref<1x10112xi32, #tpu.memory_space<hbm>> -> memref<10112xi32, #tpu.memory_space<hbm>>
      %dma_wait3A_43 = arith.constant 0 : i32
      %dma_wait3A_44 = tpu.memref_slice %arg3[%arg1, %dma_wait3A_43] : memref<16x10112xi32, #tpu.memory_space<hbm>> -> memref<1x10112xi32, #tpu.memory_space<hbm>>
      %dma_wait3A_45 = tpu.memref_squeeze %dma_wait3A_44 : memref<1x10112xi32, #tpu.memory_space<hbm>> -> memref<10112xi32, #tpu.memory_space<hbm>>
      tpu.wait_dma2 semaphore(%run_scoped3A : memref<!tpu.dma_semaphore, #tpu.memory_space<semaphore_mem>>) src(%dma_wait3A_45 : memref<10112xi32, #tpu.memory_space<hbm>>) dst(%arg7 : memref<10112xi32, #tpu.memory_space<vmem>>)
      tpu.yield
    }) : () -> ()
    "tpu.region"() ({
      %run_scoped3A = tpu.sem_alloc : memref<!tpu.dma_semaphore, #tpu.memory_space<semaphore_mem>>
      %dma_start3A = arith.constant 0 : i32
      %dma_start3A_36 = arith.constant 0 : i32
      %dma_start3A_37 = tpu.memref_slice %arg4[%arg1, %dma_start3A, %dma_start3A_36] : memref<16x79x128xi32, #tpu.memory_space<hbm>> -> memref<1x79x128xi32, #tpu.memory_space<hbm>>
      %dma_start3A_38 = tpu.memref_squeeze %dma_start3A_37 : memref<1x79x128xi32, #tpu.memory_space<hbm>> -> memref<79x128xi32, #tpu.memory_space<hbm>>
      %dma_start3A_39 = arith.constant 0 : i32
      %dma_start3A_40 = arith.constant 0 : i32
      %dma_start3A_41 = tpu.memref_slice %arg4[%arg1, %dma_start3A_39, %dma_start3A_40] : memref<16x79x128xi32, #tpu.memory_space<hbm>> -> memref<1x79x128xi32, #tpu.memory_space<hbm>>
      %dma_start3A_42 = tpu.memref_squeeze %dma_start3A_41 : memref<1x79x128xi32, #tpu.memory_space<hbm>> -> memref<79x128xi32, #tpu.memory_space<hbm>>
      tpu.enqueue_dma source(%dma_start3A_42 : memref<79x128xi32, #tpu.memory_space<hbm>>) target(%arg8 : memref<79x128xi32, #tpu.memory_space<vmem>>) target_semaphore(%run_scoped3A : memref<!tpu.dma_semaphore, #tpu.memory_space<semaphore_mem>>)
      %dma_wait3A = arith.constant 0 : i32
      %dma_wait3A_43 = arith.constant 0 : i32
      %dma_wait3A_44 = tpu.memref_slice %arg4[%arg1, %dma_wait3A, %dma_wait3A_43] : memref<16x79x128xi32, #tpu.memory_space<hbm>> -> memref<1x79x128xi32, #tpu.memory_space<hbm>>
      %dma_wait3A_45 = tpu.memref_squeeze %dma_wait3A_44 : memref<1x79x128xi32, #tpu.memory_space<hbm>> -> memref<79x128xi32, #tpu.memory_space<hbm>>
      %dma_wait3A_46 = arith.constant 0 : i32
      %dma_wait3A_47 = arith.constant 0 : i32
      %dma_wait3A_48 = tpu.memref_slice %arg4[%arg1, %dma_wait3A_46, %dma_wait3A_47] : memref<16x79x128xi32, #tpu.memory_space<hbm>> -> memref<1x79x128xi32, #tpu.memory_space<hbm>>
      %dma_wait3A_49 = tpu.memref_squeeze %dma_wait3A_48 : memref<1x79x128xi32, #tpu.memory_space<hbm>> -> memref<79x128xi32, #tpu.memory_space<hbm>>
      tpu.wait_dma2 semaphore(%run_scoped3A : memref<!tpu.dma_semaphore, #tpu.memory_space<semaphore_mem>>) src(%dma_wait3A_49 : memref<79x128xi32, #tpu.memory_space<hbm>>) dst(%arg8 : memref<79x128xi32, #tpu.memory_space<vmem>>)
      tpu.yield
    }) : () -> ()
    %add3A = arith.constant 0 : i32
    %add3A_0 = arith.addi %arg0, %add3A : i32
    %mul3A = arith.constant 10000 : i32
    %mul3A_1 = arith.muli %add3A_0, %mul3A : i32
    %mul3A_2 = arith.constant 632 : i32
    %mul3A_3 = arith.muli %arg1, %mul3A_2 : i32
    %mul3A_4 = arith.constant 632 : i32
    %mul3A_5 = arith.muli %arg1, %mul3A_4 : i32
    "tpu.region"() ({
      %run_scoped3A = tpu.sem_alloc : memref<!tpu.dma_semaphore, #tpu.memory_space<semaphore_mem>>
      %dma_start3A = arith.constant 0 : i32
      %dma_start3A_36 = tpu.memref_slice %arg11[%mul3A_5, %dma_start3A] : memref<10112x128xf32, #tpu.memory_space<vmem_shared>> -> memref<632x128xf32, #tpu.memory_space<vmem_shared>>
      %dma_start3A_37 = arith.constant 0 : i32
      %dma_start3A_38 = tpu.memref_slice %arg5[%mul3A_3, %dma_start3A_37] : memref<10112x128xf32, #tpu.memory_space<hbm>> -> memref<632x128xf32, #tpu.memory_space<hbm>>
      tpu.enqueue_dma source(%dma_start3A_38 : memref<632x128xf32, #tpu.memory_space<hbm>>) target(%dma_start3A_36 : memref<632x128xf32, #tpu.memory_space<vmem_shared>>) target_semaphore(%run_scoped3A : memref<!tpu.dma_semaphore, #tpu.memory_space<semaphore_mem>>)
      %dma_wait3A = arith.constant 0 : i32
      %dma_wait3A_39 = tpu.memref_slice %arg11[%mul3A_5, %dma_wait3A] : memref<10112x128xf32, #tpu.memory_space<vmem_shared>> -> memref<632x128xf32, #tpu.memory_space<vmem_shared>>
      %dma_wait3A_40 = arith.constant 0 : i32
      %dma_wait3A_41 = tpu.memref_slice %arg5[%mul3A_3, %dma_wait3A_40] : memref<10112x128xf32, #tpu.memory_space<hbm>> -> memref<632x128xf32, #tpu.memory_space<hbm>>
      tpu.wait_dma2 semaphore(%run_scoped3A : memref<!tpu.dma_semaphore, #tpu.memory_space<semaphore_mem>>) src(%dma_wait3A_41 : memref<632x128xf32, #tpu.memory_space<hbm>>) dst(%dma_wait3A_39 : memref<632x128xf32, #tpu.memory_space<vmem_shared>>)
      tpu.yield
    }) : () -> ()
    %barrier3A = arith.constant 0 : index
    tpu.barrier barrier_id(%barrier3A)
    %scan3A = arith.constant 0 : i32
    %scan3A_6 = arith.constant 0 : i32
    %scan3A_7 = arith.constant 79 : i32
    %scan3A_8 = arith.addi %scan3A_6, %scan3A_7 : i32
    %scan3A_9 = arith.constant 1 : i32
    scf.for %scan3A_36 = %scan3A_6 to %scan3A_8 step %scan3A_9  : i32 {
      %mul3A_37 = arith.constant 128 : i32
      %mul3A_38 = arith.muli %scan3A_36, %mul3A_37 : i32
      %add3A_39 = arith.constant 0 : i32
      %add3A_40 = arith.addi %mul3A_38, %add3A_39 : i32
      %get3A = arith.index_cast %add3A_40 : i32 to index
      %get3A_41 = tpu.vector_load %arg7[%get3A] {strides = array<i32>} : memref<10112xi32, #tpu.memory_space<vmem>>, vector<16xi32>,
      %get3A_42 = vector.shape_cast %get3A_41 : vector<16xi32> to vector<16xi32>
      %add3A_43 = vector.broadcast %mul3A_1 : i32 to vector<16xi32>
      %add3A_44 = arith.addi %get3A_42, %add3A_43 : vector<16xi32>
      %swap3A = arith.constant 0 : index
      %swap3A_45 = tpu.vector_load %arg9[%swap3A] {strides = array<i32>} : memref<128xi32, #tpu.memory_space<vmem>>, vector<16xi32>,
      %swap3A_46 = vector.shape_cast %swap3A_45 : vector<16xi32> to vector<16xi32>
      %swap3A_47 = vector.shape_cast %add3A_44 : vector<16xi32> to vector<16xi32>
      tpu.vector_store %arg9[%swap3A], %swap3A_47 {strides = array<i32>} : memref<128xi32, #tpu.memory_space<vmem>>, vector<16xi32>,
      %mul3A_48 = arith.constant 128 : i32
      %mul3A_49 = arith.muli %scan3A_36, %mul3A_48 : i32
      %add3A_50 = arith.constant 16 : i32
      %add3A_51 = arith.addi %mul3A_49, %add3A_50 : i32
      %get3A_52 = arith.index_cast %add3A_51 : i32 to index
      %get3A_53 = tpu.vector_load %arg7[%get3A_52] {strides = array<i32>} : memref<10112xi32, #tpu.memory_space<vmem>>, vector<16xi32>,
      %get3A_54 = vector.shape_cast %get3A_53 : vector<16xi32> to vector<16xi32>
      %add3A_55 = vector.broadcast %mul3A_1 : i32 to vector<16xi32>
      %add3A_56 = arith.addi %get3A_54, %add3A_55 : vector<16xi32>
      %swap3A_57 = arith.constant 16 : index
      %swap3A_58 = tpu.vector_load %arg9[%swap3A_57] {strides = array<i32>} : memref<128xi32, #tpu.memory_space<vmem>>, vector<16xi32>,
      %swap3A_59 = vector.shape_cast %swap3A_58 : vector<16xi32> to vector<16xi32>
      %swap3A_60 = vector.shape_cast %add3A_56 : vector<16xi32> to vector<16xi32>
      tpu.vector_store %arg9[%swap3A_57], %swap3A_60 {strides = array<i32>} : memref<128xi32, #tpu.memory_space<vmem>>, vector<16xi32>,
      %mul3A_61 = arith.constant 128 : i32
      %mul3A_62 = arith.muli %scan3A_36, %mul3A_61 : i32
      %add3A_63 = arith.constant 32 : i32
      %add3A_64 = arith.addi %mul3A_62, %add3A_63 : i32
      %get3A_65 = arith.index_cast %add3A_64 : i32 to index
      %get3A_66 = tpu.vector_load %arg7[%get3A_65] {strides = array<i32>} : memref<10112xi32, #tpu.memory_space<vmem>>, vector<16xi32>,
      %get3A_67 = vector.shape_cast %get3A_66 : vector<16xi32> to vector<16xi32>
      %add3A_68 = vector.broadcast %mul3A_1 : i32 to vector<16xi32>
      %add3A_69 = arith.addi %get3A_67, %add3A_68 : vector<16xi32>
      %swap3A_70 = arith.constant 32 : index
      %swap3A_71 = tpu.vector_load %arg9[%swap3A_70] {strides = array<i32>} : memref<128xi32, #tpu.memory_space<vmem>>, vector<16xi32>,
      %swap3A_72 = vector.shape_cast %swap3A_71 : vector<16xi32> to vector<16xi32>
      %swap3A_73 = vector.shape_cast %add3A_69 : vector<16xi32> to vector<16xi32>
      tpu.vector_store %arg9[%swap3A_70], %swap3A_73 {strides = array<i32>} : memref<128xi32, #tpu.memory_space<vmem>>, vector<16xi32>,
      %mul3A_74 = arith.constant 128 : i32
      %mul3A_75 = arith.muli %scan3A_36, %mul3A_74 : i32
      %add3A_76 = arith.constant 48 : i32
      %add3A_77 = arith.addi %mul3A_75, %add3A_76 : i32
      %get3A_78 = arith.index_cast %add3A_77 : i32 to index
      %get3A_79 = tpu.vector_load %arg7[%get3A_78] {strides = array<i32>} : memref<10112xi32, #tpu.memory_space<vmem>>, vector<16xi32>,
      %get3A_80 = vector.shape_cast %get3A_79 : vector<16xi32> to vector<16xi32>
      %add3A_81 = vector.broadcast %mul3A_1 : i32 to vector<16xi32>
      %add3A_82 = arith.addi %get3A_80, %add3A_81 : vector<16xi32>
      %swap3A_83 = arith.constant 48 : index
      %swap3A_84 = tpu.vector_load %arg9[%swap3A_83] {strides = array<i32>} : memref<128xi32, #tpu.memory_space<vmem>>, vector<16xi32>,
      %swap3A_85 = vector.shape_cast %swap3A_84 : vector<16xi32> to vector<16xi32>
      %swap3A_86 = vector.shape_cast %add3A_82 : vector<16xi32> to vector<16xi32>
      tpu.vector_store %arg9[%swap3A_83], %swap3A_86 {strides = array<i32>} : memref<128xi32, #tpu.memory_space<vmem>>, vector<16xi32>,
      %mul3A_87 = arith.constant 128 : i32
      %mul3A_88 = arith.muli %scan3A_36, %mul3A_87 : i32
      %add3A_89 = arith.constant 64 : i32
      %add3A_90 = arith.addi %mul3A_88, %add3A_89 : i32
      %get3A_91 = arith.index_cast %add3A_90 : i32 to index
      %get3A_92 = tpu.vector_load %arg7[%get3A_91] {strides = array<i32>} : memref<10112xi32, #tpu.memory_space<vmem>>, vector<16xi32>,
      %get3A_93 = vector.shape_cast %get3A_92 : vector<16xi32> to vector<16xi32>
      %add3A_94 = vector.broadcast %mul3A_1 : i32 to vector<16xi32>
      %add3A_95 = arith.addi %get3A_93, %add3A_94 : vector<16xi32>
      %swap3A_96 = arith.constant 64 : index
      %swap3A_97 = tpu.vector_load %arg9[%swap3A_96] {strides = array<i32>} : memref<128xi32, #tpu.memory_space<vmem>>, vector<16xi32>,
      %swap3A_98 = vector.shape_cast %swap3A_97 : vector<16xi32> to vector<16xi32>
      %swap3A_99 = vector.shape_cast %add3A_95 : vector<16xi32> to vector<16xi32>
      tpu.vector_store %arg9[%swap3A_96], %swap3A_99 {strides = array<i32>} : memref<128xi32, #tpu.memory_space<vmem>>, vector<16xi32>,
      %mul3A_100 = arith.constant 128 : i32
      %mul3A_101 = arith.muli %scan3A_36, %mul3A_100 : i32
      %add3A_102 = arith.constant 80 : i32
      %add3A_103 = arith.addi %mul3A_101, %add3A_102 : i32
      %get3A_104 = arith.index_cast %add3A_103 : i32 to index
      %get3A_105 = tpu.vector_load %arg7[%get3A_104] {strides = array<i32>} : memref<10112xi32, #tpu.memory_space<vmem>>, vector<16xi32>,
      %get3A_106 = vector.shape_cast %get3A_105 : vector<16xi32> to vector<16xi32>
      %add3A_107 = vector.broadcast %mul3A_1 : i32 to vector<16xi32>
      %add3A_108 = arith.addi %get3A_106, %add3A_107 : vector<16xi32>
      %swap3A_109 = arith.constant 80 : index
      %swap3A_110 = tpu.vector_load %arg9[%swap3A_109] {strides = array<i32>} : memref<128xi32, #tpu.memory_space<vmem>>, vector<16xi32>,
      %swap3A_111 = vector.shape_cast %swap3A_110 : vector<16xi32> to vector<16xi32>
      %swap3A_112 = vector.shape_cast %add3A_108 : vector<16xi32> to vector<16xi32>
      tpu.vector_store %arg9[%swap3A_109], %swap3A_112 {strides = array<i32>} : memref<128xi32, #tpu.memory_space<vmem>>, vector<16xi32>,
      %mul3A_113 = arith.constant 128 : i32
      %mul3A_114 = arith.muli %scan3A_36, %mul3A_113 : i32
      %add3A_115 = arith.constant 96 : i32
      %add3A_116 = arith.addi %mul3A_114, %add3A_115 : i32
      %get3A_117 = arith.index_cast %add3A_116 : i32 to index
      %get3A_118 = tpu.vector_load %arg7[%get3A_117] {strides = array<i32>} : memref<10112xi32, #tpu.memory_space<vmem>>, vector<16xi32>,
      %get3A_119 = vector.shape_cast %get3A_118 : vector<16xi32> to vector<16xi32>
      %add3A_120 = vector.broadcast %mul3A_1 : i32 to vector<16xi32>
      %add3A_121 = arith.addi %get3A_119, %add3A_120 : vector<16xi32>
      %swap3A_122 = arith.constant 96 : index
      %swap3A_123 = tpu.vector_load %arg9[%swap3A_122] {strides = array<i32>} : memref<128xi32, #tpu.memory_space<vmem>>, vector<16xi32>,
      %swap3A_124 = vector.shape_cast %swap3A_123 : vector<16xi32> to vector<16xi32>
      %swap3A_125 = vector.shape_cast %add3A_121 : vector<16xi32> to vector<16xi32>
      tpu.vector_store %arg9[%swap3A_122], %swap3A_125 {strides = array<i32>} : memref<128xi32, #tpu.memory_space<vmem>>, vector<16xi32>,
      %mul3A_126 = arith.constant 128 : i32
      %mul3A_127 = arith.muli %scan3A_36, %mul3A_126 : i32
      %add3A_128 = arith.constant 112 : i32
      %add3A_129 = arith.addi %mul3A_127, %add3A_128 : i32
      %get3A_130 = arith.index_cast %add3A_129 : i32 to index
      %get3A_131 = tpu.vector_load %arg7[%get3A_130] {strides = array<i32>} : memref<10112xi32, #tpu.memory_space<vmem>>, vector<16xi32>,
      %get3A_132 = vector.shape_cast %get3A_131 : vector<16xi32> to vector<16xi32>
      %add3A_133 = vector.broadcast %mul3A_1 : i32 to vector<16xi32>
      %add3A_134 = arith.addi %get3A_132, %add3A_133 : vector<16xi32>
      %swap3A_135 = arith.constant 112 : index
      %swap3A_136 = tpu.vector_load %arg9[%swap3A_135] {strides = array<i32>} : memref<128xi32, #tpu.memory_space<vmem>>, vector<16xi32>,
      %swap3A_137 = vector.shape_cast %swap3A_136 : vector<16xi32> to vector<16xi32>
      %swap3A_138 = vector.shape_cast %add3A_134 : vector<16xi32> to vector<16xi32>
      tpu.vector_store %arg9[%swap3A_135], %swap3A_138 {strides = array<i32>} : memref<128xi32, #tpu.memory_space<vmem>>, vector<16xi32>,
      %dma_start3A = arith.constant 0 : i32
      %dma_start3A_139 = arith.constant 0 : i32
      %dma_start3A_140 = tpu.memref_slice %arg2[%dma_start3A, %dma_start3A_139] : memref<40000x128xf32, #tpu.memory_space<hbm>> -> memref<40000x128xf32, #tpu.memory_space<hbm>>
      tpu.enqueue_indirect_dma source(%dma_start3A_140 : memref<40000x128xf32, #tpu.memory_space<hbm>>) target(%arg10 : memref<128x128xf32, #tpu.memory_space<vmem>>) offsets(%arg9 : memref<128xi32, #tpu.memory_space<vmem>>) semaphore(%arg12 : memref<!tpu.dma_semaphore, #tpu.memory_space<semaphore_mem>>)
      %dma_wait3A = arith.constant 0 : i32
      %dma_wait3A_141 = arith.constant 0 : i32
      %dma_wait3A_142 = tpu.memref_slice %arg2[%dma_wait3A, %dma_wait3A_141] : memref<40000x128xf32, #tpu.memory_space<hbm>> -> memref<40000x128xf32, #tpu.memory_space<hbm>>
      tpu.wait_indirect_dma semaphore(%arg12 : memref<!tpu.dma_semaphore, #tpu.memory_space<semaphore_mem>>) src(%dma_wait3A_142 : memref<40000x128xf32, #tpu.memory_space<hbm>>) dst(%arg10 : memref<128x128xf32, #tpu.memory_space<vmem>>)
      "tpu.region"() ({
        %run_scoped3A = tpu.sem_alloc : memref<!tpu.dma_semaphore, #tpu.memory_space<semaphore_mem>>
        %dma_start3A_143 = arith.constant 0 : i32
        %dma_start3A_144 = tpu.memref_slice %arg8[%scan3A_36, %dma_start3A_143] : memref<79x128xi32, #tpu.memory_space<vmem>> -> memref<1x128xi32, #tpu.memory_space<vmem>>
        %dma_start3A_145 = tpu.memref_squeeze %dma_start3A_144 : memref<1x128xi32, #tpu.memory_space<vmem>> -> memref<128xi32, #tpu.memory_space<vmem>>
        %dma_start3A_146 = arith.constant 0 : i32
        %dma_start3A_147 = arith.constant 0 : i32
        %dma_start3A_148 = tpu.memref_slice %arg11[%dma_start3A_146, %dma_start3A_147] : memref<10112x128xf32, #tpu.memory_space<vmem_shared>> -> memref<10112x128xf32, #tpu.memory_space<vmem_shared>>
        tpu.enqueue_indirect_dma source(%arg10 : memref<128x128xf32, #tpu.memory_space<vmem>>) target(%dma_start3A_148 : memref<10112x128xf32, #tpu.memory_space<vmem_shared>>) offsets(%dma_start3A_145 : memref<128xi32, #tpu.memory_space<vmem>>) semaphore(%run_scoped3A : memref<!tpu.dma_semaphore, #tpu.memory_space<semaphore_mem>>) {add = true}
        %dma_wait3A_149 = arith.constant 0 : i32
        %dma_wait3A_150 = tpu.memref_slice %arg8[%scan3A_36, %dma_wait3A_149] : memref<79x128xi32, #tpu.memory_space<vmem>> -> memref<1x128xi32, #tpu.memory_space<vmem>>
        %dma_wait3A_151 = tpu.memref_squeeze %dma_wait3A_150 : memref<1x128xi32, #tpu.memory_space<vmem>> -> memref<128xi32, #tpu.memory_space<vmem>>
        %dma_wait3A_152 = arith.constant 0 : i32
        %dma_wait3A_153 = arith.constant 0 : i32
        %dma_wait3A_154 = tpu.memref_slice %arg11[%dma_wait3A_152, %dma_wait3A_153] : memref<10112x128xf32, #tpu.memory_space<vmem_shared>> -> memref<10112x128xf32, #tpu.memory_space<vmem_shared>>
        tpu.wait_indirect_dma semaphore(%run_scoped3A : memref<!tpu.dma_semaphore, #tpu.memory_space<semaphore_mem>>) src(%arg10 : memref<128x128xf32, #tpu.memory_space<vmem>>) dst(%dma_wait3A_154 : memref<10112x128xf32, #tpu.memory_space<vmem_shared>>)
        tpu.yield
      }) : () -> ()
    }
    %scan3A_10 = arith.constant 79 : i32
    %barrier3A_11 = arith.constant 0 : index
    tpu.barrier barrier_id(%barrier3A_11)
    %mul3A_12 = arith.constant 632 : i32
    %mul3A_13 = arith.muli %arg1, %mul3A_12 : i32
    %mul3A_14 = arith.constant 632 : i32
    %mul3A_15 = arith.muli %arg1, %mul3A_14 : i32
    "tpu.region"() ({
      %run_scoped3A = tpu.sem_alloc : memref<!tpu.dma_semaphore, #tpu.memory_space<semaphore_mem>>
      %dma_start3A = arith.constant 0 : i32
      %dma_start3A_36 = tpu.memref_slice %arg6[%add3A_0, %mul3A_15, %dma_start3A] : memref<4x10112x128xf32, #tpu.memory_space<hbm>> -> memref<1x632x128xf32, #tpu.memory_space<hbm>>
      %dma_start3A_37 = tpu.memref_squeeze %dma_start3A_36 : memref<1x632x128xf32, #tpu.memory_space<hbm>> -> memref<632x128xf32, #tpu.memory_space<hbm>>
      %dma_start3A_38 = arith.constant 0 : i32
      %dma_start3A_39 = tpu.memref_slice %arg11[%mul3A_13, %dma_start3A_38] : memref<10112x128xf32, #tpu.memory_space<vmem_shared>> -> memref<632x128xf32, #tpu.memory_space<vmem_shared>>
      tpu.enqueue_dma source(%dma_start3A_39 : memref<632x128xf32, #tpu.memory_space<vmem_shared>>) target(%dma_start3A_37 : memref<632x128xf32, #tpu.memory_space<hbm>>) target_semaphore(%run_scoped3A : memref<!tpu.dma_semaphore, #tpu.memory_space<semaphore_mem>>)
      %dma_wait3A = arith.constant 0 : i32
      %dma_wait3A_40 = tpu.memref_slice %arg6[%add3A_0, %mul3A_15, %dma_wait3A] : memref<4x10112x128xf32, #tpu.memory_space<hbm>> -> memref<1x632x128xf32, #tpu.memory_space<hbm>>
      %dma_wait3A_41 = tpu.memref_squeeze %dma_wait3A_40 : memref<1x632x128xf32, #tpu.memory_space<hbm>> -> memref<632x128xf32, #tpu.memory_space<hbm>>
      %dma_wait3A_42 = arith.constant 0 : i32
      %dma_wait3A_43 = tpu.memref_slice %arg11[%mul3A_13, %dma_wait3A_42] : memref<10112x128xf32, #tpu.memory_space<vmem_shared>> -> memref<632x128xf32, #tpu.memory_space<vmem_shared>>
      tpu.wait_dma2 semaphore(%run_scoped3A : memref<!tpu.dma_semaphore, #tpu.memory_space<semaphore_mem>>) src(%dma_wait3A_43 : memref<632x128xf32, #tpu.memory_space<vmem_shared>>) dst(%dma_wait3A_41 : memref<632x128xf32, #tpu.memory_space<hbm>>)
      tpu.yield
    }) : () -> ()
    %add3A_16 = arith.constant 2 : i32
    %add3A_17 = arith.addi %arg0, %add3A_16 : i32
    %mul3A_18 = arith.constant 10000 : i32
    %mul3A_19 = arith.muli %add3A_17, %mul3A_18 : i32
    %mul3A_20 = arith.constant 632 : i32
    %mul3A_21 = arith.muli %arg1, %mul3A_20 : i32
    %mul3A_22 = arith.constant 632 : i32
    %mul3A_23 = arith.muli %arg1, %mul3A_22 : i32
    "tpu.region"() ({
      %run_scoped3A = tpu.sem_alloc : memref<!tpu.dma_semaphore, #tpu.memory_space<semaphore_mem>>
      %dma_start3A = arith.constant 0 : i32
      %dma_start3A_36 = tpu.memref_slice %arg11[%mul3A_23, %dma_start3A] : memref<10112x128xf32, #tpu.memory_space<vmem_shared>> -> memref<632x128xf32, #tpu.memory_space<vmem_shared>>
      %dma_start3A_37 = arith.constant 0 : i32
      %dma_start3A_38 = tpu.memref_slice %arg5[%mul3A_21, %dma_start3A_37] : memref<10112x128xf32, #tpu.memory_space<hbm>> -> memref<632x128xf32, #tpu.memory_space<hbm>>
      tpu.enqueue_dma source(%dma_start3A_38 : memref<632x128xf32, #tpu.memory_space<hbm>>) target(%dma_start3A_36 : memref<632x128xf32, #tpu.memory_space<vmem_shared>>) target_semaphore(%run_scoped3A : memref<!tpu.dma_semaphore, #tpu.memory_space<semaphore_mem>>)
      %dma_wait3A = arith.constant 0 : i32
      %dma_wait3A_39 = tpu.memref_slice %arg11[%mul3A_23, %dma_wait3A] : memref<10112x128xf32, #tpu.memory_space<vmem_shared>> -> memref<632x128xf32, #tpu.memory_space<vmem_shared>>
      %dma_wait3A_40 = arith.constant 0 : i32
      %dma_wait3A_41 = tpu.memref_slice %arg5[%mul3A_21, %dma_wait3A_40] : memref<10112x128xf32, #tpu.memory_space<hbm>> -> memref<632x128xf32, #tpu.memory_space<hbm>>
      tpu.wait_dma2 semaphore(%run_scoped3A : memref<!tpu.dma_semaphore, #tpu.memory_space<semaphore_mem>>) src(%dma_wait3A_41 : memref<632x128xf32, #tpu.memory_space<hbm>>) dst(%dma_wait3A_39 : memref<632x128xf32, #tpu.memory_space<vmem_shared>>)
      tpu.yield
    }) : () -> ()
    %barrier3A_24 = arith.constant 0 : index
    tpu.barrier barrier_id(%barrier3A_24)
    %scan3A_25 = arith.constant 0 : i32
    %scan3A_26 = arith.constant 0 : i32
    %scan3A_27 = arith.constant 79 : i32
    %scan3A_28 = arith.addi %scan3A_26, %scan3A_27 : i32
    %scan3A_29 = arith.constant 1 : i32
    scf.for %scan3A_36 = %scan3A_26 to %scan3A_28 step %scan3A_29  : i32 {
      %mul3A_37 = arith.constant 128 : i32
      %mul3A_38 = arith.muli %scan3A_36, %mul3A_37 : i32
      %add3A_39 = arith.constant 0 : i32
      %add3A_40 = arith.addi %mul3A_38, %add3A_39 : i32
      %get3A = arith.index_cast %add3A_40 : i32 to index
      %get3A_41 = tpu.vector_load %arg7[%get3A] {strides = array<i32>} : memref<10112xi32, #tpu.memory_space<vmem>>, vector<16xi32>,
      %get3A_42 = vector.shape_cast %get3A_41 : vector<16xi32> to vector<16xi32>
      %add3A_43 = vector.broadcast %mul3A_19 : i32 to vector<16xi32>
      %add3A_44 = arith.addi %get3A_42, %add3A_43 : vector<16xi32>
      %swap3A = arith.constant 0 : index
      %swap3A_45 = tpu.vector_load %arg9[%swap3A] {strides = array<i32>} : memref<128xi32, #tpu.memory_space<vmem>>, vector<16xi32>,
      %swap3A_46 = vector.shape_cast %swap3A_45 : vector<16xi32> to vector<16xi32>
      %swap3A_47 = vector.shape_cast %add3A_44 : vector<16xi32> to vector<16xi32>
      tpu.vector_store %arg9[%swap3A], %swap3A_47 {strides = array<i32>} : memref<128xi32, #tpu.memory_space<vmem>>, vector<16xi32>,
      %mul3A_48 = arith.constant 128 : i32
      %mul3A_49 = arith.muli %scan3A_36, %mul3A_48 : i32
      %add3A_50 = arith.constant 16 : i32
      %add3A_51 = arith.addi %mul3A_49, %add3A_50 : i32
      %get3A_52 = arith.index_cast %add3A_51 : i32 to index
      %get3A_53 = tpu.vector_load %arg7[%get3A_52] {strides = array<i32>} : memref<10112xi32, #tpu.memory_space<vmem>>, vector<16xi32>,
      %get3A_54 = vector.shape_cast %get3A_53 : vector<16xi32> to vector<16xi32>
      %add3A_55 = vector.broadcast %mul3A_19 : i32 to vector<16xi32>
      %add3A_56 = arith.addi %get3A_54, %add3A_55 : vector<16xi32>
      %swap3A_57 = arith.constant 16 : index
      %swap3A_58 = tpu.vector_load %arg9[%swap3A_57] {strides = array<i32>} : memref<128xi32, #tpu.memory_space<vmem>>, vector<16xi32>,
      %swap3A_59 = vector.shape_cast %swap3A_58 : vector<16xi32> to vector<16xi32>
      %swap3A_60 = vector.shape_cast %add3A_56 : vector<16xi32> to vector<16xi32>
      tpu.vector_store %arg9[%swap3A_57], %swap3A_60 {strides = array<i32>} : memref<128xi32, #tpu.memory_space<vmem>>, vector<16xi32>,
      %mul3A_61 = arith.constant 128 : i32
      %mul3A_62 = arith.muli %scan3A_36, %mul3A_61 : i32
      %add3A_63 = arith.constant 32 : i32
      %add3A_64 = arith.addi %mul3A_62, %add3A_63 : i32
      %get3A_65 = arith.index_cast %add3A_64 : i32 to index
      %get3A_66 = tpu.vector_load %arg7[%get3A_65] {strides = array<i32>} : memref<10112xi32, #tpu.memory_space<vmem>>, vector<16xi32>,
      %get3A_67 = vector.shape_cast %get3A_66 : vector<16xi32> to vector<16xi32>
      %add3A_68 = vector.broadcast %mul3A_19 : i32 to vector<16xi32>
      %add3A_69 = arith.addi %get3A_67, %add3A_68 : vector<16xi32>
      %swap3A_70 = arith.constant 32 : index
      %swap3A_71 = tpu.vector_load %arg9[%swap3A_70] {strides = array<i32>} : memref<128xi32, #tpu.memory_space<vmem>>, vector<16xi32>,
      %swap3A_72 = vector.shape_cast %swap3A_71 : vector<16xi32> to vector<16xi32>
      %swap3A_73 = vector.shape_cast %add3A_69 : vector<16xi32> to vector<16xi32>
      tpu.vector_store %arg9[%swap3A_70], %swap3A_73 {strides = array<i32>} : memref<128xi32, #tpu.memory_space<vmem>>, vector<16xi32>,
      %mul3A_74 = arith.constant 128 : i32
      %mul3A_75 = arith.muli %scan3A_36, %mul3A_74 : i32
      %add3A_76 = arith.constant 48 : i32
      %add3A_77 = arith.addi %mul3A_75, %add3A_76 : i32
      %get3A_78 = arith.index_cast %add3A_77 : i32 to index
      %get3A_79 = tpu.vector_load %arg7[%get3A_78] {strides = array<i32>} : memref<10112xi32, #tpu.memory_space<vmem>>, vector<16xi32>,
      %get3A_80 = vector.shape_cast %get3A_79 : vector<16xi32> to vector<16xi32>
      %add3A_81 = vector.broadcast %mul3A_19 : i32 to vector<16xi32>
      %add3A_82 = arith.addi %get3A_80, %add3A_81 : vector<16xi32>
      %swap3A_83 = arith.constant 48 : index
      %swap3A_84 = tpu.vector_load %arg9[%swap3A_83] {strides = array<i32>} : memref<128xi32, #tpu.memory_space<vmem>>, vector<16xi32>,
      %swap3A_85 = vector.shape_cast %swap3A_84 : vector<16xi32> to vector<16xi32>
      %swap3A_86 = vector.shape_cast %add3A_82 : vector<16xi32> to vector<16xi32>
      tpu.vector_store %arg9[%swap3A_83], %swap3A_86 {strides = array<i32>} : memref<128xi32, #tpu.memory_space<vmem>>, vector<16xi32>,
      %mul3A_87 = arith.constant 128 : i32
      %mul3A_88 = arith.muli %scan3A_36, %mul3A_87 : i32
      %add3A_89 = arith.constant 64 : i32
      %add3A_90 = arith.addi %mul3A_88, %add3A_89 : i32
      %get3A_91 = arith.index_cast %add3A_90 : i32 to index
      %get3A_92 = tpu.vector_load %arg7[%get3A_91] {strides = array<i32>} : memref<10112xi32, #tpu.memory_space<vmem>>, vector<16xi32>,
      %get3A_93 = vector.shape_cast %get3A_92 : vector<16xi32> to vector<16xi32>
      %add3A_94 = vector.broadcast %mul3A_19 : i32 to vector<16xi32>
      %add3A_95 = arith.addi %get3A_93, %add3A_94 : vector<16xi32>
      %swap3A_96 = arith.constant 64 : index
      %swap3A_97 = tpu.vector_load %arg9[%swap3A_96] {strides = array<i32>} : memref<128xi32, #tpu.memory_space<vmem>>, vector<16xi32>,
      %swap3A_98 = vector.shape_cast %swap3A_97 : vector<16xi32> to vector<16xi32>
      %swap3A_99 = vector.shape_cast %add3A_95 : vector<16xi32> to vector<16xi32>
      tpu.vector_store %arg9[%swap3A_96], %swap3A_99 {strides = array<i32>} : memref<128xi32, #tpu.memory_space<vmem>>, vector<16xi32>,
      %mul3A_100 = arith.constant 128 : i32
      %mul3A_101 = arith.muli %scan3A_36, %mul3A_100 : i32
      %add3A_102 = arith.constant 80 : i32
      %add3A_103 = arith.addi %mul3A_101, %add3A_102 : i32
      %get3A_104 = arith.index_cast %add3A_103 : i32 to index
      %get3A_105 = tpu.vector_load %arg7[%get3A_104] {strides = array<i32>} : memref<10112xi32, #tpu.memory_space<vmem>>, vector<16xi32>,
      %get3A_106 = vector.shape_cast %get3A_105 : vector<16xi32> to vector<16xi32>
      %add3A_107 = vector.broadcast %mul3A_19 : i32 to vector<16xi32>
      %add3A_108 = arith.addi %get3A_106, %add3A_107 : vector<16xi32>
      %swap3A_109 = arith.constant 80 : index
      %swap3A_110 = tpu.vector_load %arg9[%swap3A_109] {strides = array<i32>} : memref<128xi32, #tpu.memory_space<vmem>>, vector<16xi32>,
      %swap3A_111 = vector.shape_cast %swap3A_110 : vector<16xi32> to vector<16xi32>
      %swap3A_112 = vector.shape_cast %add3A_108 : vector<16xi32> to vector<16xi32>
      tpu.vector_store %arg9[%swap3A_109], %swap3A_112 {strides = array<i32>} : memref<128xi32, #tpu.memory_space<vmem>>, vector<16xi32>,
      %mul3A_113 = arith.constant 128 : i32
      %mul3A_114 = arith.muli %scan3A_36, %mul3A_113 : i32
      %add3A_115 = arith.constant 96 : i32
      %add3A_116 = arith.addi %mul3A_114, %add3A_115 : i32
      %get3A_117 = arith.index_cast %add3A_116 : i32 to index
      %get3A_118 = tpu.vector_load %arg7[%get3A_117] {strides = array<i32>} : memref<10112xi32, #tpu.memory_space<vmem>>, vector<16xi32>,
      %get3A_119 = vector.shape_cast %get3A_118 : vector<16xi32> to vector<16xi32>
      %add3A_120 = vector.broadcast %mul3A_19 : i32 to vector<16xi32>
      %add3A_121 = arith.addi %get3A_119, %add3A_120 : vector<16xi32>
      %swap3A_122 = arith.constant 96 : index
      %swap3A_123 = tpu.vector_load %arg9[%swap3A_122] {strides = array<i32>} : memref<128xi32, #tpu.memory_space<vmem>>, vector<16xi32>,
      %swap3A_124 = vector.shape_cast %swap3A_123 : vector<16xi32> to vector<16xi32>
      %swap3A_125 = vector.shape_cast %add3A_121 : vector<16xi32> to vector<16xi32>
      tpu.vector_store %arg9[%swap3A_122], %swap3A_125 {strides = array<i32>} : memref<128xi32, #tpu.memory_space<vmem>>, vector<16xi32>,
      %mul3A_126 = arith.constant 128 : i32
      %mul3A_127 = arith.muli %scan3A_36, %mul3A_126 : i32
      %add3A_128 = arith.constant 112 : i32
      %add3A_129 = arith.addi %mul3A_127, %add3A_128 : i32
      %get3A_130 = arith.index_cast %add3A_129 : i32 to index
      %get3A_131 = tpu.vector_load %arg7[%get3A_130] {strides = array<i32>} : memref<10112xi32, #tpu.memory_space<vmem>>, vector<16xi32>,
      %get3A_132 = vector.shape_cast %get3A_131 : vector<16xi32> to vector<16xi32>
      %add3A_133 = vector.broadcast %mul3A_19 : i32 to vector<16xi32>
      %add3A_134 = arith.addi %get3A_132, %add3A_133 : vector<16xi32>
      %swap3A_135 = arith.constant 112 : index
      %swap3A_136 = tpu.vector_load %arg9[%swap3A_135] {strides = array<i32>} : memref<128xi32, #tpu.memory_space<vmem>>, vector<16xi32>,
      %swap3A_137 = vector.shape_cast %swap3A_136 : vector<16xi32> to vector<16xi32>
      %swap3A_138 = vector.shape_cast %add3A_134 : vector<16xi32> to vector<16xi32>
      tpu.vector_store %arg9[%swap3A_135], %swap3A_138 {strides = array<i32>} : memref<128xi32, #tpu.memory_space<vmem>>, vector<16xi32>,
      %dma_start3A = arith.constant 0 : i32
      %dma_start3A_139 = arith.constant 0 : i32
      %dma_start3A_140 = tpu.memref_slice %arg2[%dma_start3A, %dma_start3A_139] : memref<40000x128xf32, #tpu.memory_space<hbm>> -> memref<40000x128xf32, #tpu.memory_space<hbm>>
      tpu.enqueue_indirect_dma source(%dma_start3A_140 : memref<40000x128xf32, #tpu.memory_space<hbm>>) target(%arg10 : memref<128x128xf32, #tpu.memory_space<vmem>>) offsets(%arg9 : memref<128xi32, #tpu.memory_space<vmem>>) semaphore(%arg12 : memref<!tpu.dma_semaphore, #tpu.memory_space<semaphore_mem>>)
      %dma_wait3A = arith.constant 0 : i32
      %dma_wait3A_141 = arith.constant 0 : i32
      %dma_wait3A_142 = tpu.memref_slice %arg2[%dma_wait3A, %dma_wait3A_141] : memref<40000x128xf32, #tpu.memory_space<hbm>> -> memref<40000x128xf32, #tpu.memory_space<hbm>>
      tpu.wait_indirect_dma semaphore(%arg12 : memref<!tpu.dma_semaphore, #tpu.memory_space<semaphore_mem>>) src(%dma_wait3A_142 : memref<40000x128xf32, #tpu.memory_space<hbm>>) dst(%arg10 : memref<128x128xf32, #tpu.memory_space<vmem>>)
      "tpu.region"() ({
        %run_scoped3A = tpu.sem_alloc : memref<!tpu.dma_semaphore, #tpu.memory_space<semaphore_mem>>
        %dma_start3A_143 = arith.constant 0 : i32
        %dma_start3A_144 = tpu.memref_slice %arg8[%scan3A_36, %dma_start3A_143] : memref<79x128xi32, #tpu.memory_space<vmem>> -> memref<1x128xi32, #tpu.memory_space<vmem>>
        %dma_start3A_145 = tpu.memref_squeeze %dma_start3A_144 : memref<1x128xi32, #tpu.memory_space<vmem>> -> memref<128xi32, #tpu.memory_space<vmem>>
        %dma_start3A_146 = arith.constant 0 : i32
        %dma_start3A_147 = arith.constant 0 : i32
        %dma_start3A_148 = tpu.memref_slice %arg11[%dma_start3A_146, %dma_start3A_147] : memref<10112x128xf32, #tpu.memory_space<vmem_shared>> -> memref<10112x128xf32, #tpu.memory_space<vmem_shared>>
        tpu.enqueue_indirect_dma source(%arg10 : memref<128x128xf32, #tpu.memory_space<vmem>>) target(%dma_start3A_148 : memref<10112x128xf32, #tpu.memory_space<vmem_shared>>) offsets(%dma_start3A_145 : memref<128xi32, #tpu.memory_space<vmem>>) semaphore(%run_scoped3A : memref<!tpu.dma_semaphore, #tpu.memory_space<semaphore_mem>>) {add = true}
        %dma_wait3A_149 = arith.constant 0 : i32
        %dma_wait3A_150 = tpu.memref_slice %arg8[%scan3A_36, %dma_wait3A_149] : memref<79x128xi32, #tpu.memory_space<vmem>> -> memref<1x128xi32, #tpu.memory_space<vmem>>
        %dma_wait3A_151 = tpu.memref_squeeze %dma_wait3A_150 : memref<1x128xi32, #tpu.memory_space<vmem>> -> memref<128xi32, #tpu.memory_space<vmem>>
        %dma_wait3A_152 = arith.constant 0 : i32
        %dma_wait3A_153 = arith.constant 0 : i32
        %dma_wait3A_154 = tpu.memref_slice %arg11[%dma_wait3A_152, %dma_wait3A_153] : memref<10112x128xf32, #tpu.memory_space<vmem_shared>> -> memref<10112x128xf32, #tpu.memory_space<vmem_shared>>
        tpu.wait_indirect_dma semaphore(%run_scoped3A : memref<!tpu.dma_semaphore, #tpu.memory_space<semaphore_mem>>) src(%arg10 : memref<128x128xf32, #tpu.memory_space<vmem>>) dst(%dma_wait3A_154 : memref<10112x128xf32, #tpu.memory_space<vmem_shared>>)
        tpu.yield
      }) : () -> ()
    }
    %scan3A_30 = arith.constant 79 : i32
    %barrier3A_31 = arith.constant 0 : index
    tpu.barrier barrier_id(%barrier3A_31)
    %mul3A_32 = arith.constant 632 : i32
    %mul3A_33 = arith.muli %arg1, %mul3A_32 : i32
    %mul3A_34 = arith.constant 632 : i32
    %mul3A_35 = arith.muli %arg1, %mul3A_34 : i32
    "tpu.region"() ({
      %run_scoped3A = tpu.sem_alloc : memref<!tpu.dma_semaphore, #tpu.memory_space<semaphore_mem>>
      %dma_start3A = arith.constant 0 : i32
      %dma_start3A_36 = tpu.memref_slice %arg6[%add3A_17, %mul3A_35, %dma_start3A] : memref<4x10112x128xf32, #tpu.memory_space<hbm>> -> memref<1x632x128xf32, #tpu.memory_space<hbm>>
      %dma_start3A_37 = tpu.memref_squeeze %dma_start3A_36 : memref<1x632x128xf32, #tpu.memory_space<hbm>> -> memref<632x128xf32, #tpu.memory_space<hbm>>
      %dma_start3A_38 = arith.constant 0 : i32
      %dma_start3A_39 = tpu.memref_slice %arg11[%mul3A_33, %dma_start3A_38] : memref<10112x128xf32, #tpu.memory_space<vmem_shared>> -> memref<632x128xf32, #tpu.memory_space<vmem_shared>>
      tpu.enqueue_dma source(%dma_start3A_39 : memref<632x128xf32, #tpu.memory_space<vmem_shared>>) target(%dma_start3A_37 : memref<632x128xf32, #tpu.memory_space<hbm>>) target_semaphore(%run_scoped3A : memref<!tpu.dma_semaphore, #tpu.memory_space<semaphore_mem>>)
      %dma_wait3A = arith.constant 0 : i32
      %dma_wait3A_40 = tpu.memref_slice %arg6[%add3A_17, %mul3A_35, %dma_wait3A] : memref<4x10112x128xf32, #tpu.memory_space<hbm>> -> memref<1x632x128xf32, #tpu.memory_space<hbm>>
      %dma_wait3A_41 = tpu.memref_squeeze %dma_wait3A_40 : memref<1x632x128xf32, #tpu.memory_space<hbm>> -> memref<632x128xf32, #tpu.memory_space<hbm>>
      %dma_wait3A_42 = arith.constant 0 : i32
      %dma_wait3A_43 = tpu.memref_slice %arg11[%mul3A_33, %dma_wait3A_42] : memref<10112x128xf32, #tpu.memory_space<vmem_shared>> -> memref<632x128xf32, #tpu.memory_space<vmem_shared>>
      tpu.wait_dma2 semaphore(%run_scoped3A : memref<!tpu.dma_semaphore, #tpu.memory_space<semaphore_mem>>) src(%dma_wait3A_43 : memref<632x128xf32, #tpu.memory_space<vmem_shared>>) dst(%dma_wait3A_41 : memref<632x128xf32, #tpu.memory_space<hbm>>)
      tpu.yield
    }) : () -> ()
    return
  }
}

#map = affine_map<(d0, d1) -> (0, 0)>
#map1 = affine_map<(d0, d1) -> (0, 0, 0)>
module attributes {stable_mosaic.version = 14 : i64} {
  func.func @k(%arg0: i32, %arg1: i32, %arg2: memref<40000x128xf32, #tpu.memory_space<hbm>>, %arg3: memref<16x10112xi32, #tpu.memory_space<hbm>>, %arg4: memref<16x79x128xi32, #tpu.memory_space<hbm>>, %arg5: memref<10112x128xf32, #tpu.memory_space<hbm>>, %arg6: memref<4x10112x128xf32, #tpu.memory_space<hbm>>, %arg7: memref<10112xi32, #tpu.memory_space<vmem>>, %arg8: memref<79x128xi32, #tpu.memory_space<vmem>>, %arg9: memref<128xi32, #tpu.memory_space<vmem>>, %arg10: memref<128x128xf32, #tpu.memory_space<vmem>>, %arg11: memref<10112x128xf32, #tpu.memory_space<vmem_shared>>, %arg12: memref<!tpu.dma_semaphore, #tpu.memory_space<semaphore_mem>>) attributes {dimension_semantics = [#tpu.dimension_semantics<core_parallel>, #tpu.dimension_semantics<subcore_parallel>], iteration_bounds = array<i64: 2, 16>, scalar_prefetch = 0 : i64, scratch_operands = 6 : i64, tpu.core_type = #tpu.core_type<sc_vector_subcore>, window_params = [{transform_indices = #map}, {transform_indices = #map}, {transform_indices = #map1}, {transform_indices = #map}, {transform_indices = #map1}]} {
    "tpu.region"() ({
      %run_scoped3A = tpu.sem_alloc : memref<!tpu.dma_semaphore, #tpu.memory_space<semaphore_mem>>
      %dma_start3A = arith.constant 0 : i32
      %dma_start3A_36 = tpu.memref_slice %arg3[%arg1, %dma_start3A] : memref<16x10112xi32, #tpu.memory_space<hbm>> -> memref<1x10112xi32, #tpu.memory_space<hbm>>
      %dma_start3A_37 = tpu.memref_squeeze %dma_start3A_36 : memref<1x10112xi32, #tpu.memory_space<hbm>> -> memref<10112xi32, #tpu.memory_space<hbm>>
      %dma_start3A_38 = arith.constant 0 : i32
      %dma_start3A_39 = tpu.memref_slice %arg3[%arg1, %dma_start3A_38] : memref<16x10112xi32, #tpu.memory_space<hbm>> -> memref<1x10112xi32, #tpu.memory_space<hbm>>
      %dma_start3A_40 = tpu.memref_squeeze %dma_start3A_39 : memref<1x10112xi32, #tpu.memory_space<hbm>> -> memref<10112xi32, #tpu.memory_space<hbm>>
      tpu.enqueue_dma source(%dma_start3A_40 : memref<10112xi32, #tpu.memory_space<hbm>>) target(%arg7 : memref<10112xi32, #tpu.memory_space<vmem>>) target_semaphore(%run_scoped3A : memref<!tpu.dma_semaphore, #tpu.memory_space<semaphore_mem>>)
      %dma_wait3A = arith.constant 0 : i32
      %dma_wait3A_41 = tpu.memref_slice %arg3[%arg1, %dma_wait3A] : memref<16x10112xi32, #tpu.memory_space<hbm>> -> memref<1x10112xi32, #tpu.memory_space<hbm>>
      %dma_wait3A_42 = tpu.memref_squeeze %dma_wait3A_41 : memref<1x10112xi32, #tpu.memory_space<hbm>> -> memref<10112xi32, #tpu.memory_space<hbm>>
      %dma_wait3A_43 = arith.constant 0 : i32
      %dma_wait3A_44 = tpu.memref_slice %arg3[%arg1, %dma_wait3A_43] : memref<16x10112xi32, #tpu.memory_space<hbm>> -> memref<1x10112xi32, #tpu.memory_space<hbm>>
      %dma_wait3A_45 = tpu.memref_squeeze %dma_wait3A_44 : memref<1x10112xi32, #tpu.memory_space<hbm>> -> memref<10112xi32, #tpu.memory_space<hbm>>
      tpu.wait_dma2 semaphore(%run_scoped3A : memref<!tpu.dma_semaphore, #tpu.memory_space<semaphore_mem>>) src(%dma_wait3A_45 : memref<10112xi32, #tpu.memory_space<hbm>>) dst(%arg7 : memref<10112xi32, #tpu.memory_space<vmem>>)
      tpu.yield
    }) : () -> ()
    "tpu.region"() ({
      %run_scoped3A = tpu.sem_alloc : memref<!tpu.dma_semaphore, #tpu.memory_space<semaphore_mem>>
      %dma_start3A = arith.constant 0 : i32
      %dma_start3A_36 = arith.constant 0 : i32
      %dma_start3A_37 = tpu.memref_slice %arg4[%arg1, %dma_start3A, %dma_start3A_36] : memref<16x79x128xi32, #tpu.memory_space<hbm>> -> memref<1x79x128xi32, #tpu.memory_space<hbm>>
      %dma_start3A_38 = tpu.memref_squeeze %dma_start3A_37 : memref<1x79x128xi32, #tpu.memory_space<hbm>> -> memref<79x128xi32, #tpu.memory_space<hbm>>
      %dma_start3A_39 = arith.constant 0 : i32
      %dma_start3A_40 = arith.constant 0 : i32
      %dma_start3A_41 = tpu.memref_slice %arg4[%arg1, %dma_start3A_39, %dma_start3A_40] : memref<16x79x128xi32, #tpu.memory_space<hbm>> -> memref<1x79x128xi32, #tpu.memory_space<hbm>>
      %dma_start3A_42 = tpu.memref_squeeze %dma_start3A_41 : memref<1x79x128xi32, #tpu.memory_space<hbm>> -> memref<79x128xi32, #tpu.memory_space<hbm>>
      tpu.enqueue_dma source(%dma_start3A_42 : memref<79x128xi32, #tpu.memory_space<hbm>>) target(%arg8 : memref<79x128xi32, #tpu.memory_space<vmem>>) target_semaphore(%run_scoped3A : memref<!tpu.dma_semaphore, #tpu.memory_space<semaphore_mem>>)
      %dma_wait3A = arith.constant 0 : i32
      %dma_wait3A_43 = arith.constant 0 : i32
      %dma_wait3A_44 = tpu.memref_slice %arg4[%arg1, %dma_wait3A, %dma_wait3A_43] : memref<16x79x128xi32, #tpu.memory_space<hbm>> -> memref<1x79x128xi32, #tpu.memory_space<hbm>>
      %dma_wait3A_45 = tpu.memref_squeeze %dma_wait3A_44 : memref<1x79x128xi32, #tpu.memory_space<hbm>> -> memref<79x128xi32, #tpu.memory_space<hbm>>
      %dma_wait3A_46 = arith.constant 0 : i32
      %dma_wait3A_47 = arith.constant 0 : i32
      %dma_wait3A_48 = tpu.memref_slice %arg4[%arg1, %dma_wait3A_46, %dma_wait3A_47] : memref<16x79x128xi32, #tpu.memory_space<hbm>> -> memref<1x79x128xi32, #tpu.memory_space<hbm>>
      %dma_wait3A_49 = tpu.memref_squeeze %dma_wait3A_48 : memref<1x79x128xi32, #tpu.memory_space<hbm>> -> memref<79x128xi32, #tpu.memory_space<hbm>>
      tpu.wait_dma2 semaphore(%run_scoped3A : memref<!tpu.dma_semaphore, #tpu.memory_space<semaphore_mem>>) src(%dma_wait3A_49 : memref<79x128xi32, #tpu.memory_space<hbm>>) dst(%arg8 : memref<79x128xi32, #tpu.memory_space<vmem>>)
      tpu.yield
    }) : () -> ()
    %add3A = arith.constant 0 : i32
    %add3A_0 = arith.addi %arg0, %add3A : i32
    %mul3A = arith.constant 10000 : i32
    %mul3A_1 = arith.muli %add3A_0, %mul3A : i32
    %mul3A_2 = arith.constant 632 : i32
    %mul3A_3 = arith.muli %arg1, %mul3A_2 : i32
    %mul3A_4 = arith.constant 632 : i32
    %mul3A_5 = arith.muli %arg1, %mul3A_4 : i32
    "tpu.region"() ({
      %run_scoped3A = tpu.sem_alloc : memref<!tpu.dma_semaphore, #tpu.memory_space<semaphore_mem>>
      %dma_start3A = arith.constant 0 : i32
      %dma_start3A_36 = tpu.memref_slice %arg11[%mul3A_5, %dma_start3A] : memref<10112x128xf32, #tpu.memory_space<vmem_shared>> -> memref<632x128xf32, #tpu.memory_space<vmem_shared>>
      %dma_start3A_37 = arith.constant 0 : i32
      %dma_start3A_38 = tpu.memref_slice %arg5[%mul3A_3, %dma_start3A_37] : memref<10112x128xf32, #tpu.memory_space<hbm>> -> memref<632x128xf32, #tpu.memory_space<hbm>>
      tpu.enqueue_dma source(%dma_start3A_38 : memref<632x128xf32, #tpu.memory_space<hbm>>) target(%dma_start3A_36 : memref<632x128xf32, #tpu.memory_space<vmem_shared>>) target_semaphore(%run_scoped3A : memref<!tpu.dma_semaphore, #tpu.memory_space<semaphore_mem>>)
      %dma_wait3A = arith.constant 0 : i32
      %dma_wait3A_39 = tpu.memref_slice %arg11[%mul3A_5, %dma_wait3A] : memref<10112x128xf32, #tpu.memory_space<vmem_shared>> -> memref<632x128xf32, #tpu.memory_space<vmem_shared>>
      %dma_wait3A_40 = arith.constant 0 : i32
      %dma_wait3A_41 = tpu.memref_slice %arg5[%mul3A_3, %dma_wait3A_40] : memref<10112x128xf32, #tpu.memory_space<hbm>> -> memref<632x128xf32, #tpu.memory_space<hbm>>
      tpu.wait_dma2 semaphore(%run_scoped3A : memref<!tpu.dma_semaphore, #tpu.memory_space<semaphore_mem>>) src(%dma_wait3A_41 : memref<632x128xf32, #tpu.memory_space<hbm>>) dst(%dma_wait3A_39 : memref<632x128xf32, #tpu.memory_space<vmem_shared>>)
      tpu.yield
    }) : () -> ()
    %barrier3A = arith.constant 0 : index
    tpu.barrier barrier_id(%barrier3A)
    %scan3A = arith.constant 0 : i32
    %scan3A_6 = arith.constant 0 : i32
    %scan3A_7 = arith.constant 79 : i32
    %scan3A_8 = arith.addi %scan3A_6, %scan3A_7 : i32
    %scan3A_9 = arith.constant 1 : i32
    scf.for %scan3A_36 = %scan3A_6 to %scan3A_8 step %scan3A_9  : i32 {
      %mul3A_37 = arith.constant 128 : i32
      %mul3A_38 = arith.muli %scan3A_36, %mul3A_37 : i32
      %add3A_39 = arith.constant 0 : i32
      %add3A_40 = arith.addi %mul3A_38, %add3A_39 : i32
      %get3A = arith.index_cast %add3A_40 : i32 to index
      %get3A_41 = tpu.vector_load %arg7[%get3A] {strides = array<i32>} : memref<10112xi32, #tpu.memory_space<vmem>>, vector<16xi32>,
      %get3A_42 = vector.shape_cast %get3A_41 : vector<16xi32> to vector<16xi32>
      %add3A_43 = vector.broadcast %mul3A_1 : i32 to vector<16xi32>
      %add3A_44 = arith.addi %get3A_42, %add3A_43 : vector<16xi32>
      %swap3A = arith.constant 0 : index
      %swap3A_45 = tpu.vector_load %arg9[%swap3A] {strides = array<i32>} : memref<128xi32, #tpu.memory_space<vmem>>, vector<16xi32>,
      %swap3A_46 = vector.shape_cast %swap3A_45 : vector<16xi32> to vector<16xi32>
      %swap3A_47 = vector.shape_cast %add3A_44 : vector<16xi32> to vector<16xi32>
      tpu.vector_store %arg9[%swap3A], %swap3A_47 {strides = array<i32>} : memref<128xi32, #tpu.memory_space<vmem>>, vector<16xi32>,
      %mul3A_48 = arith.constant 128 : i32
      %mul3A_49 = arith.muli %scan3A_36, %mul3A_48 : i32
      %add3A_50 = arith.constant 16 : i32
      %add3A_51 = arith.addi %mul3A_49, %add3A_50 : i32
      %get3A_52 = arith.index_cast %add3A_51 : i32 to index
      %get3A_53 = tpu.vector_load %arg7[%get3A_52] {strides = array<i32>} : memref<10112xi32, #tpu.memory_space<vmem>>, vector<16xi32>,
      %get3A_54 = vector.shape_cast %get3A_53 : vector<16xi32> to vector<16xi32>
      %add3A_55 = vector.broadcast %mul3A_1 : i32 to vector<16xi32>
      %add3A_56 = arith.addi %get3A_54, %add3A_55 : vector<16xi32>
      %swap3A_57 = arith.constant 16 : index
      %swap3A_58 = tpu.vector_load %arg9[%swap3A_57] {strides = array<i32>} : memref<128xi32, #tpu.memory_space<vmem>>, vector<16xi32>,
      %swap3A_59 = vector.shape_cast %swap3A_58 : vector<16xi32> to vector<16xi32>
      %swap3A_60 = vector.shape_cast %add3A_56 : vector<16xi32> to vector<16xi32>
      tpu.vector_store %arg9[%swap3A_57], %swap3A_60 {strides = array<i32>} : memref<128xi32, #tpu.memory_space<vmem>>, vector<16xi32>,
      %mul3A_61 = arith.constant 128 : i32
      %mul3A_62 = arith.muli %scan3A_36, %mul3A_61 : i32
      %add3A_63 = arith.constant 32 : i32
      %add3A_64 = arith.addi %mul3A_62, %add3A_63 : i32
      %get3A_65 = arith.index_cast %add3A_64 : i32 to index
      %get3A_66 = tpu.vector_load %arg7[%get3A_65] {strides = array<i32>} : memref<10112xi32, #tpu.memory_space<vmem>>, vector<16xi32>,
      %get3A_67 = vector.shape_cast %get3A_66 : vector<16xi32> to vector<16xi32>
      %add3A_68 = vector.broadcast %mul3A_1 : i32 to vector<16xi32>
      %add3A_69 = arith.addi %get3A_67, %add3A_68 : vector<16xi32>
      %swap3A_70 = arith.constant 32 : index
      %swap3A_71 = tpu.vector_load %arg9[%swap3A_70] {strides = array<i32>} : memref<128xi32, #tpu.memory_space<vmem>>, vector<16xi32>,
      %swap3A_72 = vector.shape_cast %swap3A_71 : vector<16xi32> to vector<16xi32>
      %swap3A_73 = vector.shape_cast %add3A_69 : vector<16xi32> to vector<16xi32>
      tpu.vector_store %arg9[%swap3A_70], %swap3A_73 {strides = array<i32>} : memref<128xi32, #tpu.memory_space<vmem>>, vector<16xi32>,
      %mul3A_74 = arith.constant 128 : i32
      %mul3A_75 = arith.muli %scan3A_36, %mul3A_74 : i32
      %add3A_76 = arith.constant 48 : i32
      %add3A_77 = arith.addi %mul3A_75, %add3A_76 : i32
      %get3A_78 = arith.index_cast %add3A_77 : i32 to index
      %get3A_79 = tpu.vector_load %arg7[%get3A_78] {strides = array<i32>} : memref<10112xi32, #tpu.memory_space<vmem>>, vector<16xi32>,
      %get3A_80 = vector.shape_cast %get3A_79 : vector<16xi32> to vector<16xi32>
      %add3A_81 = vector.broadcast %mul3A_1 : i32 to vector<16xi32>
      %add3A_82 = arith.addi %get3A_80, %add3A_81 : vector<16xi32>
      %swap3A_83 = arith.constant 48 : index
      %swap3A_84 = tpu.vector_load %arg9[%swap3A_83] {strides = array<i32>} : memref<128xi32, #tpu.memory_space<vmem>>, vector<16xi32>,
      %swap3A_85 = vector.shape_cast %swap3A_84 : vector<16xi32> to vector<16xi32>
      %swap3A_86 = vector.shape_cast %add3A_82 : vector<16xi32> to vector<16xi32>
      tpu.vector_store %arg9[%swap3A_83], %swap3A_86 {strides = array<i32>} : memref<128xi32, #tpu.memory_space<vmem>>, vector<16xi32>,
      %mul3A_87 = arith.constant 128 : i32
      %mul3A_88 = arith.muli %scan3A_36, %mul3A_87 : i32
      %add3A_89 = arith.constant 64 : i32
      %add3A_90 = arith.addi %mul3A_88, %add3A_89 : i32
      %get3A_91 = arith.index_cast %add3A_90 : i32 to index
      %get3A_92 = tpu.vector_load %arg7[%get3A_91] {strides = array<i32>} : memref<10112xi32, #tpu.memory_space<vmem>>, vector<16xi32>,
      %get3A_93 = vector.shape_cast %get3A_92 : vector<16xi32> to vector<16xi32>
      %add3A_94 = vector.broadcast %mul3A_1 : i32 to vector<16xi32>
      %add3A_95 = arith.addi %get3A_93, %add3A_94 : vector<16xi32>
      %swap3A_96 = arith.constant 64 : index
      %swap3A_97 = tpu.vector_load %arg9[%swap3A_96] {strides = array<i32>} : memref<128xi32, #tpu.memory_space<vmem>>, vector<16xi32>,
      %swap3A_98 = vector.shape_cast %swap3A_97 : vector<16xi32> to vector<16xi32>
      %swap3A_99 = vector.shape_cast %add3A_95 : vector<16xi32> to vector<16xi32>
      tpu.vector_store %arg9[%swap3A_96], %swap3A_99 {strides = array<i32>} : memref<128xi32, #tpu.memory_space<vmem>>, vector<16xi32>,
      %mul3A_100 = arith.constant 128 : i32
      %mul3A_101 = arith.muli %scan3A_36, %mul3A_100 : i32
      %add3A_102 = arith.constant 80 : i32
      %add3A_103 = arith.addi %mul3A_101, %add3A_102 : i32
      %get3A_104 = arith.index_cast %add3A_103 : i32 to index
      %get3A_105 = tpu.vector_load %arg7[%get3A_104] {strides = array<i32>} : memref<10112xi32, #tpu.memory_space<vmem>>, vector<16xi32>,
      %get3A_106 = vector.shape_cast %get3A_105 : vector<16xi32> to vector<16xi32>
      %add3A_107 = vector.broadcast %mul3A_1 : i32 to vector<16xi32>
      %add3A_108 = arith.addi %get3A_106, %add3A_107 : vector<16xi32>
      %swap3A_109 = arith.constant 80 : index
      %swap3A_110 = tpu.vector_load %arg9[%swap3A_109] {strides = array<i32>} : memref<128xi32, #tpu.memory_space<vmem>>, vector<16xi32>,
      %swap3A_111 = vector.shape_cast %swap3A_110 : vector<16xi32> to vector<16xi32>
      %swap3A_112 = vector.shape_cast %add3A_108 : vector<16xi32> to vector<16xi32>
      tpu.vector_store %arg9[%swap3A_109], %swap3A_112 {strides = array<i32>} : memref<128xi32, #tpu.memory_space<vmem>>, vector<16xi32>,
      %mul3A_113 = arith.constant 128 : i32
      %mul3A_114 = arith.muli %scan3A_36, %mul3A_113 : i32
      %add3A_115 = arith.constant 96 : i32
      %add3A_116 = arith.addi %mul3A_114, %add3A_115 : i32
      %get3A_117 = arith.index_cast %add3A_116 : i32 to index
      %get3A_118 = tpu.vector_load %arg7[%get3A_117] {strides = array<i32>} : memref<10112xi32, #tpu.memory_space<vmem>>, vector<16xi32>,
      %get3A_119 = vector.shape_cast %get3A_118 : vector<16xi32> to vector<16xi32>
      %add3A_120 = vector.broadcast %mul3A_1 : i32 to vector<16xi32>
      %add3A_121 = arith.addi %get3A_119, %add3A_120 : vector<16xi32>
      %swap3A_122 = arith.constant 96 : index
      %swap3A_123 = tpu.vector_load %arg9[%swap3A_122] {strides = array<i32>} : memref<128xi32, #tpu.memory_space<vmem>>, vector<16xi32>,
      %swap3A_124 = vector.shape_cast %swap3A_123 : vector<16xi32> to vector<16xi32>
      %swap3A_125 = vector.shape_cast %add3A_121 : vector<16xi32> to vector<16xi32>
      tpu.vector_store %arg9[%swap3A_122], %swap3A_125 {strides = array<i32>} : memref<128xi32, #tpu.memory_space<vmem>>, vector<16xi32>,
      %mul3A_126 = arith.constant 128 : i32
      %mul3A_127 = arith.muli %scan3A_36, %mul3A_126 : i32
      %add3A_128 = arith.constant 112 : i32
      %add3A_129 = arith.addi %mul3A_127, %add3A_128 : i32
      %get3A_130 = arith.index_cast %add3A_129 : i32 to index
      %get3A_131 = tpu.vector_load %arg7[%get3A_130] {strides = array<i32>} : memref<10112xi32, #tpu.memory_space<vmem>>, vector<16xi32>,
      %get3A_132 = vector.shape_cast %get3A_131 : vector<16xi32> to vector<16xi32>
      %add3A_133 = vector.broadcast %mul3A_1 : i32 to vector<16xi32>
      %add3A_134 = arith.addi %get3A_132, %add3A_133 : vector<16xi32>
      %swap3A_135 = arith.constant 112 : index
      %swap3A_136 = tpu.vector_load %arg9[%swap3A_135] {strides = array<i32>} : memref<128xi32, #tpu.memory_space<vmem>>, vector<16xi32>,
      %swap3A_137 = vector.shape_cast %swap3A_136 : vector<16xi32> to vector<16xi32>
      %swap3A_138 = vector.shape_cast %add3A_134 : vector<16xi32> to vector<16xi32>
      tpu.vector_store %arg9[%swap3A_135], %swap3A_138 {strides = array<i32>} : memref<128xi32, #tpu.memory_space<vmem>>, vector<16xi32>,
      %dma_start3A = arith.constant 0 : i32
      %dma_start3A_139 = arith.constant 0 : i32
      %dma_start3A_140 = tpu.memref_slice %arg2[%dma_start3A, %dma_start3A_139] : memref<40000x128xf32, #tpu.memory_space<hbm>> -> memref<40000x128xf32, #tpu.memory_space<hbm>>
      tpu.enqueue_indirect_dma source(%dma_start3A_140 : memref<40000x128xf32, #tpu.memory_space<hbm>>) target(%arg10 : memref<128x128xf32, #tpu.memory_space<vmem>>) offsets(%arg9 : memref<128xi32, #tpu.memory_space<vmem>>) semaphore(%arg12 : memref<!tpu.dma_semaphore, #tpu.memory_space<semaphore_mem>>)
      %dma_wait3A = arith.constant 0 : i32
      %dma_wait3A_141 = arith.constant 0 : i32
      %dma_wait3A_142 = tpu.memref_slice %arg2[%dma_wait3A, %dma_wait3A_141] : memref<40000x128xf32, #tpu.memory_space<hbm>> -> memref<40000x128xf32, #tpu.memory_space<hbm>>
      tpu.wait_indirect_dma semaphore(%arg12 : memref<!tpu.dma_semaphore, #tpu.memory_space<semaphore_mem>>) src(%dma_wait3A_142 : memref<40000x128xf32, #tpu.memory_space<hbm>>) dst(%arg10 : memref<128x128xf32, #tpu.memory_space<vmem>>)
      "tpu.region"() ({
        %run_scoped3A = tpu.sem_alloc : memref<!tpu.dma_semaphore, #tpu.memory_space<semaphore_mem>>
        %dma_start3A_143 = arith.constant 0 : i32
        %dma_start3A_144 = tpu.memref_slice %arg8[%scan3A_36, %dma_start3A_143] : memref<79x128xi32, #tpu.memory_space<vmem>> -> memref<1x128xi32, #tpu.memory_space<vmem>>
        %dma_start3A_145 = tpu.memref_squeeze %dma_start3A_144 : memref<1x128xi32, #tpu.memory_space<vmem>> -> memref<128xi32, #tpu.memory_space<vmem>>
        %dma_start3A_146 = arith.constant 0 : i32
        %dma_start3A_147 = arith.constant 0 : i32
        %dma_start3A_148 = tpu.memref_slice %arg11[%dma_start3A_146, %dma_start3A_147] : memref<10112x128xf32, #tpu.memory_space<vmem_shared>> -> memref<10112x128xf32, #tpu.memory_space<vmem_shared>>
        tpu.enqueue_indirect_dma source(%arg10 : memref<128x128xf32, #tpu.memory_space<vmem>>) target(%dma_start3A_148 : memref<10112x128xf32, #tpu.memory_space<vmem_shared>>) offsets(%dma_start3A_145 : memref<128xi32, #tpu.memory_space<vmem>>) semaphore(%run_scoped3A : memref<!tpu.dma_semaphore, #tpu.memory_space<semaphore_mem>>) {add = true}
        %dma_wait3A_149 = arith.constant 0 : i32
        %dma_wait3A_150 = tpu.memref_slice %arg8[%scan3A_36, %dma_wait3A_149] : memref<79x128xi32, #tpu.memory_space<vmem>> -> memref<1x128xi32, #tpu.memory_space<vmem>>
        %dma_wait3A_151 = tpu.memref_squeeze %dma_wait3A_150 : memref<1x128xi32, #tpu.memory_space<vmem>> -> memref<128xi32, #tpu.memory_space<vmem>>
        %dma_wait3A_152 = arith.constant 0 : i32
        %dma_wait3A_153 = arith.constant 0 : i32
        %dma_wait3A_154 = tpu.memref_slice %arg11[%dma_wait3A_152, %dma_wait3A_153] : memref<10112x128xf32, #tpu.memory_space<vmem_shared>> -> memref<10112x128xf32, #tpu.memory_space<vmem_shared>>
        tpu.wait_indirect_dma semaphore(%run_scoped3A : memref<!tpu.dma_semaphore, #tpu.memory_space<semaphore_mem>>) src(%arg10 : memref<128x128xf32, #tpu.memory_space<vmem>>) dst(%dma_wait3A_154 : memref<10112x128xf32, #tpu.memory_space<vmem_shared>>)
        tpu.yield
      }) : () -> ()
    }
    %scan3A_10 = arith.constant 79 : i32
    %barrier3A_11 = arith.constant 0 : index
    tpu.barrier barrier_id(%barrier3A_11)
    %mul3A_12 = arith.constant 632 : i32
    %mul3A_13 = arith.muli %arg1, %mul3A_12 : i32
    %mul3A_14 = arith.constant 632 : i32
    %mul3A_15 = arith.muli %arg1, %mul3A_14 : i32
    "tpu.region"() ({
      %run_scoped3A = tpu.sem_alloc : memref<!tpu.dma_semaphore, #tpu.memory_space<semaphore_mem>>
      %dma_start3A = arith.constant 0 : i32
      %dma_start3A_36 = tpu.memref_slice %arg6[%add3A_0, %mul3A_15, %dma_start3A] : memref<4x10112x128xf32, #tpu.memory_space<hbm>> -> memref<1x632x128xf32, #tpu.memory_space<hbm>>
      %dma_start3A_37 = tpu.memref_squeeze %dma_start3A_36 : memref<1x632x128xf32, #tpu.memory_space<hbm>> -> memref<632x128xf32, #tpu.memory_space<hbm>>
      %dma_start3A_38 = arith.constant 0 : i32
      %dma_start3A_39 = tpu.memref_slice %arg11[%mul3A_13, %dma_start3A_38] : memref<10112x128xf32, #tpu.memory_space<vmem_shared>> -> memref<632x128xf32, #tpu.memory_space<vmem_shared>>
      tpu.enqueue_dma source(%dma_start3A_39 : memref<632x128xf32, #tpu.memory_space<vmem_shared>>) target(%dma_start3A_37 : memref<632x128xf32, #tpu.memory_space<hbm>>) target_semaphore(%run_scoped3A : memref<!tpu.dma_semaphore, #tpu.memory_space<semaphore_mem>>)
      %dma_wait3A = arith.constant 0 : i32
      %dma_wait3A_40 = tpu.memref_slice %arg6[%add3A_0, %mul3A_15, %dma_wait3A] : memref<4x10112x128xf32, #tpu.memory_space<hbm>> -> memref<1x632x128xf32, #tpu.memory_space<hbm>>
      %dma_wait3A_41 = tpu.memref_squeeze %dma_wait3A_40 : memref<1x632x128xf32, #tpu.memory_space<hbm>> -> memref<632x128xf32, #tpu.memory_space<hbm>>
      %dma_wait3A_42 = arith.constant 0 : i32
      %dma_wait3A_43 = tpu.memref_slice %arg11[%mul3A_13, %dma_wait3A_42] : memref<10112x128xf32, #tpu.memory_space<vmem_shared>> -> memref<632x128xf32, #tpu.memory_space<vmem_shared>>
      tpu.wait_dma2 semaphore(%run_scoped3A : memref<!tpu.dma_semaphore, #tpu.memory_space<semaphore_mem>>) src(%dma_wait3A_43 : memref<632x128xf32, #tpu.memory_space<vmem_shared>>) dst(%dma_wait3A_41 : memref<632x128xf32, #tpu.memory_space<hbm>>)
      tpu.yield
    }) : () -> ()
    %add3A_16 = arith.constant 2 : i32
    %add3A_17 = arith.addi %arg0, %add3A_16 : i32
    %mul3A_18 = arith.constant 10000 : i32
    %mul3A_19 = arith.muli %add3A_17, %mul3A_18 : i32
    %mul3A_20 = arith.constant 632 : i32
    %mul3A_21 = arith.muli %arg1, %mul3A_20 : i32
    %mul3A_22 = arith.constant 632 : i32
    %mul3A_23 = arith.muli %arg1, %mul3A_22 : i32
    "tpu.region"() ({
      %run_scoped3A = tpu.sem_alloc : memref<!tpu.dma_semaphore, #tpu.memory_space<semaphore_mem>>
      %dma_start3A = arith.constant 0 : i32
      %dma_start3A_36 = tpu.memref_slice %arg11[%mul3A_23, %dma_start3A] : memref<10112x128xf32, #tpu.memory_space<vmem_shared>> -> memref<632x128xf32, #tpu.memory_space<vmem_shared>>
      %dma_start3A_37 = arith.constant 0 : i32
      %dma_start3A_38 = tpu.memref_slice %arg5[%mul3A_21, %dma_start3A_37] : memref<10112x128xf32, #tpu.memory_space<hbm>> -> memref<632x128xf32, #tpu.memory_space<hbm>>
      tpu.enqueue_dma source(%dma_start3A_38 : memref<632x128xf32, #tpu.memory_space<hbm>>) target(%dma_start3A_36 : memref<632x128xf32, #tpu.memory_space<vmem_shared>>) target_semaphore(%run_scoped3A : memref<!tpu.dma_semaphore, #tpu.memory_space<semaphore_mem>>)
      %dma_wait3A = arith.constant 0 : i32
      %dma_wait3A_39 = tpu.memref_slice %arg11[%mul3A_23, %dma_wait3A] : memref<10112x128xf32, #tpu.memory_space<vmem_shared>> -> memref<632x128xf32, #tpu.memory_space<vmem_shared>>
      %dma_wait3A_40 = arith.constant 0 : i32
      %dma_wait3A_41 = tpu.memref_slice %arg5[%mul3A_21, %dma_wait3A_40] : memref<10112x128xf32, #tpu.memory_space<hbm>> -> memref<632x128xf32, #tpu.memory_space<hbm>>
      tpu.wait_dma2 semaphore(%run_scoped3A : memref<!tpu.dma_semaphore, #tpu.memory_space<semaphore_mem>>) src(%dma_wait3A_41 : memref<632x128xf32, #tpu.memory_space<hbm>>) dst(%dma_wait3A_39 : memref<632x128xf32, #tpu.memory_space<vmem_shared>>)
      tpu.yield
    }) : () -> ()
    %barrier3A_24 = arith.constant 0 : index
    tpu.barrier barrier_id(%barrier3A_24)
    %scan3A_25 = arith.constant 0 : i32
    %scan3A_26 = arith.constant 0 : i32
    %scan3A_27 = arith.constant 79 : i32
    %scan3A_28 = arith.addi %scan3A_26, %scan3A_27 : i32
    %scan3A_29 = arith.constant 1 : i32
    scf.for %scan3A_36 = %scan3A_26 to %scan3A_28 step %scan3A_29  : i32 {
      %mul3A_37 = arith.constant 128 : i32
      %mul3A_38 = arith.muli %scan3A_36, %mul3A_37 : i32
      %add3A_39 = arith.constant 0 : i32
      %add3A_40 = arith.addi %mul3A_38, %add3A_39 : i32
      %get3A = arith.index_cast %add3A_40 : i32 to index
      %get3A_41 = tpu.vector_load %arg7[%get3A] {strides = array<i32>} : memref<10112xi32, #tpu.memory_space<vmem>>, vector<16xi32>,
      %get3A_42 = vector.shape_cast %get3A_41 : vector<16xi32> to vector<16xi32>
      %add3A_43 = vector.broadcast %mul3A_19 : i32 to vector<16xi32>
      %add3A_44 = arith.addi %get3A_42, %add3A_43 : vector<16xi32>
      %swap3A = arith.constant 0 : index
      %swap3A_45 = tpu.vector_load %arg9[%swap3A] {strides = array<i32>} : memref<128xi32, #tpu.memory_space<vmem>>, vector<16xi32>,
      %swap3A_46 = vector.shape_cast %swap3A_45 : vector<16xi32> to vector<16xi32>
      %swap3A_47 = vector.shape_cast %add3A_44 : vector<16xi32> to vector<16xi32>
      tpu.vector_store %arg9[%swap3A], %swap3A_47 {strides = array<i32>} : memref<128xi32, #tpu.memory_space<vmem>>, vector<16xi32>,
      %mul3A_48 = arith.constant 128 : i32
      %mul3A_49 = arith.muli %scan3A_36, %mul3A_48 : i32
      %add3A_50 = arith.constant 16 : i32
      %add3A_51 = arith.addi %mul3A_49, %add3A_50 : i32
      %get3A_52 = arith.index_cast %add3A_51 : i32 to index
      %get3A_53 = tpu.vector_load %arg7[%get3A_52] {strides = array<i32>} : memref<10112xi32, #tpu.memory_space<vmem>>, vector<16xi32>,
      %get3A_54 = vector.shape_cast %get3A_53 : vector<16xi32> to vector<16xi32>
      %add3A_55 = vector.broadcast %mul3A_19 : i32 to vector<16xi32>
      %add3A_56 = arith.addi %get3A_54, %add3A_55 : vector<16xi32>
      %swap3A_57 = arith.constant 16 : index
      %swap3A_58 = tpu.vector_load %arg9[%swap3A_57] {strides = array<i32>} : memref<128xi32, #tpu.memory_space<vmem>>, vector<16xi32>,
      %swap3A_59 = vector.shape_cast %swap3A_58 : vector<16xi32> to vector<16xi32>
      %swap3A_60 = vector.shape_cast %add3A_56 : vector<16xi32> to vector<16xi32>
      tpu.vector_store %arg9[%swap3A_57], %swap3A_60 {strides = array<i32>} : memref<128xi32, #tpu.memory_space<vmem>>, vector<16xi32>,
      %mul3A_61 = arith.constant 128 : i32
      %mul3A_62 = arith.muli %scan3A_36, %mul3A_61 : i32
      %add3A_63 = arith.constant 32 : i32
      %add3A_64 = arith.addi %mul3A_62, %add3A_63 : i32
      %get3A_65 = arith.index_cast %add3A_64 : i32 to index
      %get3A_66 = tpu.vector_load %arg7[%get3A_65] {strides = array<i32>} : memref<10112xi32, #tpu.memory_space<vmem>>, vector<16xi32>,
      %get3A_67 = vector.shape_cast %get3A_66 : vector<16xi32> to vector<16xi32>
      %add3A_68 = vector.broadcast %mul3A_19 : i32 to vector<16xi32>
      %add3A_69 = arith.addi %get3A_67, %add3A_68 : vector<16xi32>
      %swap3A_70 = arith.constant 32 : index
      %swap3A_71 = tpu.vector_load %arg9[%swap3A_70] {strides = array<i32>} : memref<128xi32, #tpu.memory_space<vmem>>, vector<16xi32>,
      %swap3A_72 = vector.shape_cast %swap3A_71 : vector<16xi32> to vector<16xi32>
      %swap3A_73 = vector.shape_cast %add3A_69 : vector<16xi32> to vector<16xi32>
      tpu.vector_store %arg9[%swap3A_70], %swap3A_73 {strides = array<i32>} : memref<128xi32, #tpu.memory_space<vmem>>, vector<16xi32>,
      %mul3A_74 = arith.constant 128 : i32
      %mul3A_75 = arith.muli %scan3A_36, %mul3A_74 : i32
      %add3A_76 = arith.constant 48 : i32
      %add3A_77 = arith.addi %mul3A_75, %add3A_76 : i32
      %get3A_78 = arith.index_cast %add3A_77 : i32 to index
      %get3A_79 = tpu.vector_load %arg7[%get3A_78] {strides = array<i32>} : memref<10112xi32, #tpu.memory_space<vmem>>, vector<16xi32>,
      %get3A_80 = vector.shape_cast %get3A_79 : vector<16xi32> to vector<16xi32>
      %add3A_81 = vector.broadcast %mul3A_19 : i32 to vector<16xi32>
      %add3A_82 = arith.addi %get3A_80, %add3A_81 : vector<16xi32>
      %swap3A_83 = arith.constant 48 : index
      %swap3A_84 = tpu.vector_load %arg9[%swap3A_83] {strides = array<i32>} : memref<128xi32, #tpu.memory_space<vmem>>, vector<16xi32>,
      %swap3A_85 = vector.shape_cast %swap3A_84 : vector<16xi32> to vector<16xi32>
      %swap3A_86 = vector.shape_cast %add3A_82 : vector<16xi32> to vector<16xi32>
      tpu.vector_store %arg9[%swap3A_83], %swap3A_86 {strides = array<i32>} : memref<128xi32, #tpu.memory_space<vmem>>, vector<16xi32>,
      %mul3A_87 = arith.constant 128 : i32
      %mul3A_88 = arith.muli %scan3A_36, %mul3A_87 : i32
      %add3A_89 = arith.constant 64 : i32
      %add3A_90 = arith.addi %mul3A_88, %add3A_89 : i32
      %get3A_91 = arith.index_cast %add3A_90 : i32 to index
      %get3A_92 = tpu.vector_load %arg7[%get3A_91] {strides = array<i32>} : memref<10112xi32, #tpu.memory_space<vmem>>, vector<16xi32>,
      %get3A_93 = vector.shape_cast %get3A_92 : vector<16xi32> to vector<16xi32>
      %add3A_94 = vector.broadcast %mul3A_19 : i32 to vector<16xi32>
      %add3A_95 = arith.addi %get3A_93, %add3A_94 : vector<16xi32>
      %swap3A_96 = arith.constant 64 : index
      %swap3A_97 = tpu.vector_load %arg9[%swap3A_96] {strides = array<i32>} : memref<128xi32, #tpu.memory_space<vmem>>, vector<16xi32>,
      %swap3A_98 = vector.shape_cast %swap3A_97 : vector<16xi32> to vector<16xi32>
      %swap3A_99 = vector.shape_cast %add3A_95 : vector<16xi32> to vector<16xi32>
      tpu.vector_store %arg9[%swap3A_96], %swap3A_99 {strides = array<i32>} : memref<128xi32, #tpu.memory_space<vmem>>, vector<16xi32>,
      %mul3A_100 = arith.constant 128 : i32
      %mul3A_101 = arith.muli %scan3A_36, %mul3A_100 : i32
      %add3A_102 = arith.constant 80 : i32
      %add3A_103 = arith.addi %mul3A_101, %add3A_102 : i32
      %get3A_104 = arith.index_cast %add3A_103 : i32 to index
      %get3A_105 = tpu.vector_load %arg7[%get3A_104] {strides = array<i32>} : memref<10112xi32, #tpu.memory_space<vmem>>, vector<16xi32>,
      %get3A_106 = vector.shape_cast %get3A_105 : vector<16xi32> to vector<16xi32>
      %add3A_107 = vector.broadcast %mul3A_19 : i32 to vector<16xi32>
      %add3A_108 = arith.addi %get3A_106, %add3A_107 : vector<16xi32>
      %swap3A_109 = arith.constant 80 : index
      %swap3A_110 = tpu.vector_load %arg9[%swap3A_109] {strides = array<i32>} : memref<128xi32, #tpu.memory_space<vmem>>, vector<16xi32>,
      %swap3A_111 = vector.shape_cast %swap3A_110 : vector<16xi32> to vector<16xi32>
      %swap3A_112 = vector.shape_cast %add3A_108 : vector<16xi32> to vector<16xi32>
      tpu.vector_store %arg9[%swap3A_109], %swap3A_112 {strides = array<i32>} : memref<128xi32, #tpu.memory_space<vmem>>, vector<16xi32>,
      %mul3A_113 = arith.constant 128 : i32
      %mul3A_114 = arith.muli %scan3A_36, %mul3A_113 : i32
      %add3A_115 = arith.constant 96 : i32
      %add3A_116 = arith.addi %mul3A_114, %add3A_115 : i32
      %get3A_117 = arith.index_cast %add3A_116 : i32 to index
      %get3A_118 = tpu.vector_load %arg7[%get3A_117] {strides = array<i32>} : memref<10112xi32, #tpu.memory_space<vmem>>, vector<16xi32>,
      %get3A_119 = vector.shape_cast %get3A_118 : vector<16xi32> to vector<16xi32>
      %add3A_120 = vector.broadcast %mul3A_19 : i32 to vector<16xi32>
      %add3A_121 = arith.addi %get3A_119, %add3A_120 : vector<16xi32>
      %swap3A_122 = arith.constant 96 : index
      %swap3A_123 = tpu.vector_load %arg9[%swap3A_122] {strides = array<i32>} : memref<128xi32, #tpu.memory_space<vmem>>, vector<16xi32>,
      %swap3A_124 = vector.shape_cast %swap3A_123 : vector<16xi32> to vector<16xi32>
      %swap3A_125 = vector.shape_cast %add3A_121 : vector<16xi32> to vector<16xi32>
      tpu.vector_store %arg9[%swap3A_122], %swap3A_125 {strides = array<i32>} : memref<128xi32, #tpu.memory_space<vmem>>, vector<16xi32>,
      %mul3A_126 = arith.constant 128 : i32
      %mul3A_127 = arith.muli %scan3A_36, %mul3A_126 : i32
      %add3A_128 = arith.constant 112 : i32
      %add3A_129 = arith.addi %mul3A_127, %add3A_128 : i32
      %get3A_130 = arith.index_cast %add3A_129 : i32 to index
      %get3A_131 = tpu.vector_load %arg7[%get3A_130] {strides = array<i32>} : memref<10112xi32, #tpu.memory_space<vmem>>, vector<16xi32>,
      %get3A_132 = vector.shape_cast %get3A_131 : vector<16xi32> to vector<16xi32>
      %add3A_133 = vector.broadcast %mul3A_19 : i32 to vector<16xi32>
      %add3A_134 = arith.addi %get3A_132, %add3A_133 : vector<16xi32>
      %swap3A_135 = arith.constant 112 : index
      %swap3A_136 = tpu.vector_load %arg9[%swap3A_135] {strides = array<i32>} : memref<128xi32, #tpu.memory_space<vmem>>, vector<16xi32>,
      %swap3A_137 = vector.shape_cast %swap3A_136 : vector<16xi32> to vector<16xi32>
      %swap3A_138 = vector.shape_cast %add3A_134 : vector<16xi32> to vector<16xi32>
      tpu.vector_store %arg9[%swap3A_135], %swap3A_138 {strides = array<i32>} : memref<128xi32, #tpu.memory_space<vmem>>, vector<16xi32>,
      %dma_start3A = arith.constant 0 : i32
      %dma_start3A_139 = arith.constant 0 : i32
      %dma_start3A_140 = tpu.memref_slice %arg2[%dma_start3A, %dma_start3A_139] : memref<40000x128xf32, #tpu.memory_space<hbm>> -> memref<40000x128xf32, #tpu.memory_space<hbm>>
      tpu.enqueue_indirect_dma source(%dma_start3A_140 : memref<40000x128xf32, #tpu.memory_space<hbm>>) target(%arg10 : memref<128x128xf32, #tpu.memory_space<vmem>>) offsets(%arg9 : memref<128xi32, #tpu.memory_space<vmem>>) semaphore(%arg12 : memref<!tpu.dma_semaphore, #tpu.memory_space<semaphore_mem>>)
      %dma_wait3A = arith.constant 0 : i32
      %dma_wait3A_141 = arith.constant 0 : i32
      %dma_wait3A_142 = tpu.memref_slice %arg2[%dma_wait3A, %dma_wait3A_141] : memref<40000x128xf32, #tpu.memory_space<hbm>> -> memref<40000x128xf32, #tpu.memory_space<hbm>>
      tpu.wait_indirect_dma semaphore(%arg12 : memref<!tpu.dma_semaphore, #tpu.memory_space<semaphore_mem>>) src(%dma_wait3A_142 : memref<40000x128xf32, #tpu.memory_space<hbm>>) dst(%arg10 : memref<128x128xf32, #tpu.memory_space<vmem>>)
      "tpu.region"() ({
        %run_scoped3A = tpu.sem_alloc : memref<!tpu.dma_semaphore, #tpu.memory_space<semaphore_mem>>
        %dma_start3A_143 = arith.constant 0 : i32
        %dma_start3A_144 = tpu.memref_slice %arg8[%scan3A_36, %dma_start3A_143] : memref<79x128xi32, #tpu.memory_space<vmem>> -> memref<1x128xi32, #tpu.memory_space<vmem>>
        %dma_start3A_145 = tpu.memref_squeeze %dma_start3A_144 : memref<1x128xi32, #tpu.memory_space<vmem>> -> memref<128xi32, #tpu.memory_space<vmem>>
        %dma_start3A_146 = arith.constant 0 : i32
        %dma_start3A_147 = arith.constant 0 : i32
        %dma_start3A_148 = tpu.memref_slice %arg11[%dma_start3A_146, %dma_start3A_147] : memref<10112x128xf32, #tpu.memory_space<vmem_shared>> -> memref<10112x128xf32, #tpu.memory_space<vmem_shared>>
        tpu.enqueue_indirect_dma source(%arg10 : memref<128x128xf32, #tpu.memory_space<vmem>>) target(%dma_start3A_148 : memref<10112x128xf32, #tpu.memory_space<vmem_shared>>) offsets(%dma_start3A_145 : memref<128xi32, #tpu.memory_space<vmem>>) semaphore(%run_scoped3A : memref<!tpu.dma_semaphore, #tpu.memory_space<semaphore_mem>>) {add = true}
        %dma_wait3A_149 = arith.constant 0 : i32
        %dma_wait3A_150 = tpu.memref_slice %arg8[%scan3A_36, %dma_wait3A_149] : memref<79x128xi32, #tpu.memory_space<vmem>> -> memref<1x128xi32, #tpu.memory_space<vmem>>
        %dma_wait3A_151 = tpu.memref_squeeze %dma_wait3A_150 : memref<1x128xi32, #tpu.memory_space<vmem>> -> memref<128xi32, #tpu.memory_space<vmem>>
        %dma_wait3A_152 = arith.constant 0 : i32
        %dma_wait3A_153 = arith.constant 0 : i32
        %dma_wait3A_154 = tpu.memref_slice %arg11[%dma_wait3A_152, %dma_wait3A_153] : memref<10112x128xf32, #tpu.memory_space<vmem_shared>> -> memref<10112x128xf32, #tpu.memory_space<vmem_shared>>
        tpu.wait_indirect_dma semaphore(%run_scoped3A : memref<!tpu.dma_semaphore, #tpu.memory_space<semaphore_mem>>) src(%arg10 : memref<128x128xf32, #tpu.memory_space<vmem>>) dst(%dma_wait3A_154 : memref<10112x128xf32, #tpu.memory_space<vmem_shared>>)
        tpu.yield
      }) : () -> ()
    }
    %scan3A_30 = arith.constant 79 : i32
    %barrier3A_31 = arith.constant 0 : index
    tpu.barrier barrier_id(%barrier3A_31)
    %mul3A_32 = arith.constant 632 : i32
    %mul3A_33 = arith.muli %arg1, %mul3A_32 : i32
    %mul3A_34 = arith.constant 632 : i32
    %mul3A_35 = arith.muli %arg1, %mul3A_34 : i32
    "tpu.region"() ({
      %run_scoped3A = tpu.sem_alloc : memref<!tpu.dma_semaphore, #tpu.memory_space<semaphore_mem>>
      %dma_start3A = arith.constant 0 : i32
      %dma_start3A_36 = tpu.memref_slice %arg6[%add3A_17, %mul3A_35, %dma_start3A] : memref<4x10112x128xf32, #tpu.memory_space<hbm>> -> memref<1x632x128xf32, #tpu.memory_space<hbm>>
      %dma_start3A_37 = tpu.memref_squeeze %dma_start3A_36 : memref<1x632x128xf32, #tpu.memory_space<hbm>> -> memref<632x128xf32, #tpu.memory_space<hbm>>
      %dma_start3A_38 = arith.constant 0 : i32
      %dma_start3A_39 = tpu.memref_slice %arg11[%mul3A_33, %dma_start3A_38] : memref<10112x128xf32, #tpu.memory_space<vmem_shared>> -> memref<632x128xf32, #tpu.memory_space<vmem_shared>>
      tpu.enqueue_dma source(%dma_start3A_39 : memref<632x128xf32, #tpu.memory_space<vmem_shared>>) target(%dma_start3A_37 : memref<632x128xf32, #tpu.memory_space<hbm>>) target_semaphore(%run_scoped3A : memref<!tpu.dma_semaphore, #tpu.memory_space<semaphore_mem>>)
      %dma_wait3A = arith.constant 0 : i32
      %dma_wait3A_40 = tpu.memref_slice %arg6[%add3A_17, %mul3A_35, %dma_wait3A] : memref<4x10112x128xf32, #tpu.memory_space<hbm>> -> memref<1x632x128xf32, #tpu.memory_space<hbm>>
      %dma_wait3A_41 = tpu.memref_squeeze %dma_wait3A_40 : memref<1x632x128xf32, #tpu.memory_space<hbm>> -> memref<632x128xf32, #tpu.memory_space<hbm>>
      %dma_wait3A_42 = arith.constant 0 : i32
      %dma_wait3A_43 = tpu.memref_slice %arg11[%mul3A_33, %dma_wait3A_42] : memref<10112x128xf32, #tpu.memory_space<vmem_shared>> -> memref<632x128xf32, #tpu.memory_space<vmem_shared>>
      tpu.wait_dma2 semaphore(%run_scoped3A : memref<!tpu.dma_semaphore, #tpu.memory_space<semaphore_mem>>) src(%dma_wait3A_43 : memref<632x128xf32, #tpu.memory_space<vmem_shared>>) dst(%dma_wait3A_41 : memref<632x128xf32, #tpu.memory_space<hbm>>)
      tpu.yield
    }) : () -> ()
    return
  }
}

module attributes {stable_mosaic.version = 14 : i64} {
  func.func @body(%arg0: i32, %arg1: memref<2x1000x1xf32, #tpu.memory_space<vmem>>, %arg2: memref<1000x256xf32, #tpu.memory_space<vmem>>, %arg3: memref<1000x1xf32, #tpu.memory_space<vmem>>, %arg4: memref<1000x1xf32, #tpu.memory_space<vmem>>, %arg5: memref<2x1000x128xf32, #tpu.memory_space<vmem>>) attributes {dimension_semantics = [#tpu.dimension_semantics<arbitrary>], iteration_bounds = array<i64: 10>, scalar_prefetch = 0 : i64, scratch_operands = 0 : i64, tpu.core_type = #tpu.core_type<tc>, window_params = [{transform_indices = @transform_0, window_bounds = array<i64: 2, 1000, 1>}, {transform_indices = @transform_1, window_bounds = array<i64: 1000, 256>}, {transform_indices = @transform_2, window_bounds = array<i64: 1000, 1>}, {transform_indices = @transform_3, window_bounds = array<i64: 1000, 1>}, {transform_indices = @transform_4, window_bounds = array<i64: 2, 1000, 128>}]} {
    %get3A = arith.constant 0 : index
    %get3A_0 = arith.constant 0 : index
    %get3A_1 = arith.constant 0 : index
    %get3A_2 = vector.load %arg1[%get3A, %get3A_0, %get3A_1] : memref<2x1000x1xf32, #tpu.memory_space<vmem>>, vector<1x1000x1xf32>
    %get3A_3 = vector.shape_cast %get3A_2 : vector<1x1000x1xf32> to vector<1000x1xf32>
    %get3A_4 = arith.constant 1 : index
    %get3A_5 = arith.constant 0 : index
    %get3A_6 = arith.constant 0 : index
    %get3A_7 = vector.load %arg1[%get3A_4, %get3A_5, %get3A_6] : memref<2x1000x1xf32, #tpu.memory_space<vmem>>, vector<1x1000x1xf32>
    %get3A_8 = vector.shape_cast %get3A_7 : vector<1x1000x1xf32> to vector<1000x1xf32>
    %add3A = arith.addf %get3A_3, %get3A_8 : vector<1000x1xf32>
    %gt3A = arith.constant 0.000000e+00 : f32
    %gt3A_9 = vector.broadcast %gt3A : f32 to vector<1000x1xf32>
    %gt3A_10 = arith.cmpf ogt, %add3A, %gt3A_9 : vector<1000x1xf32>
    %rsqrt3A = math.rsqrt %add3A : vector<1000x1xf32>
    %jit3A = arith.constant 0.000000e+00 : f32
    %broadcast_in_dim3A = vector.broadcast %jit3A : f32 to vector<1000x1xf32>
    %select_n3A = arith.select %gt3A_10, %rsqrt3A, %broadcast_in_dim3A : vector<1000x1xi1>, vector<1000x1xf32>
    %swap3A = arith.constant 0 : index
    %swap3A_11 = arith.constant 0 : index
    %swap3A_12 = vector.load %arg3[%swap3A, %swap3A_11] : memref<1000x1xf32, #tpu.memory_space<vmem>>, vector<1000x1xf32>
    tpu.vector_store %arg3[%swap3A, %swap3A_11], %select_n3A {strides = array<i32>} : memref<1000x1xf32, #tpu.memory_space<vmem>>, vector<1000x1xf32>,
    %mul3A = arith.mulf %select_n3A, %select_n3A : vector<1000x1xf32>
    %swap3A_13 = arith.constant 0 : index
    %swap3A_14 = arith.constant 0 : index
    %swap3A_15 = vector.load %arg4[%swap3A_13, %swap3A_14] : memref<1000x1xf32, #tpu.memory_space<vmem>>, vector<1000x1xf32>
    tpu.vector_store %arg4[%swap3A_13, %swap3A_14], %mul3A {strides = array<i32>} : memref<1000x1xf32, #tpu.memory_space<vmem>>, vector<1000x1xf32>,
    %get3A_16 = arith.constant 0 : index
    %get3A_17 = arith.constant 0 : index
    %get3A_18 = vector.load %arg2[%get3A_16, %get3A_17] : memref<1000x256xf32, #tpu.memory_space<vmem>>, vector<1000x128xf32>
    %mul3A_19 = vector.broadcast %select_n3A : vector<1000x1xf32> to vector<1000x128xf32>
    %mul3A_20 = arith.mulf %get3A_18, %mul3A_19 : vector<1000x128xf32>
    %swap3A_21 = arith.constant 0 : index
    %swap3A_22 = arith.constant 0 : index
    %swap3A_23 = arith.constant 0 : index
    %swap3A_24 = vector.load %arg5[%swap3A_21, %swap3A_22, %swap3A_23] : memref<2x1000x128xf32, #tpu.memory_space<vmem>>, vector<1x1000x128xf32>
    %swap3A_25 = vector.shape_cast %swap3A_24 : vector<1x1000x128xf32> to vector<1000x128xf32>
    %swap3A_26 = vector.shape_cast %mul3A_20 : vector<1000x128xf32> to vector<1x1000x128xf32>
    tpu.vector_store %arg5[%swap3A_21, %swap3A_22, %swap3A_23], %swap3A_26 {strides = array<i32>} : memref<2x1000x128xf32, #tpu.memory_space<vmem>>, vector<1x1000x128xf32>,
    %get3A_27 = arith.constant 0 : index
    %get3A_28 = arith.constant 128 : index
    %get3A_29 = vector.load %arg2[%get3A_27, %get3A_28] : memref<1000x256xf32, #tpu.memory_space<vmem>>, vector<1000x128xf32>
    %mul3A_30 = vector.broadcast %select_n3A : vector<1000x1xf32> to vector<1000x128xf32>
    %mul3A_31 = arith.mulf %get3A_29, %mul3A_30 : vector<1000x128xf32>
    %swap3A_32 = arith.constant 1 : index
    %swap3A_33 = arith.constant 0 : index
    %swap3A_34 = arith.constant 0 : index
    %swap3A_35 = vector.load %arg5[%swap3A_32, %swap3A_33, %swap3A_34] : memref<2x1000x128xf32, #tpu.memory_space<vmem>>, vector<1x1000x128xf32>
    %swap3A_36 = vector.shape_cast %swap3A_35 : vector<1x1000x128xf32> to vector<1000x128xf32>
    %swap3A_37 = vector.shape_cast %mul3A_31 : vector<1000x128xf32> to vector<1x1000x128xf32>
    tpu.vector_store %arg5[%swap3A_32, %swap3A_33, %swap3A_34], %swap3A_37 {strides = array<i32>} : memref<2x1000x128xf32, #tpu.memory_space<vmem>>, vector<1x1000x128xf32>,
    return
  }
  func.func @transform_0(%arg0: i32) -> (i32, i32, i32) {
    %c0_i32 = arith.constant 0 : i32
    %c0_i32_0 = arith.constant 0 : i32
    %c0_i32_1 = arith.constant 0 : i32
    return %c0_i32, %arg0, %c0_i32_0 : i32, i32, i32
  }
  func.func @transform_1(%arg0: i32) -> (i32, i32) {
    %c0_i32 = arith.constant 0 : i32
    %c0_i32_0 = arith.constant 0 : i32
    return %arg0, %c0_i32 : i32, i32
  }
  func.func @transform_2(%arg0: i32) -> (i32, i32) {
    %c0_i32 = arith.constant 0 : i32
    %c0_i32_0 = arith.constant 0 : i32
    return %arg0, %c0_i32 : i32, i32
  }
  func.func @transform_3(%arg0: i32) -> (i32, i32) {
    %c0_i32 = arith.constant 0 : i32
    %c0_i32_0 = arith.constant 0 : i32
    return %arg0, %c0_i32 : i32, i32
  }
  func.func @transform_4(%arg0: i32) -> (i32, i32, i32) {
    %c0_i32 = arith.constant 0 : i32
    %c0_i32_0 = arith.constant 0 : i32
    %c0_i32_1 = arith.constant 0 : i32
    return %c0_i32, %arg0, %c0_i32_0 : i32, i32, i32
  }
}

module attributes {stable_mosaic.version = 14 : i64} {
  func.func @body(%arg0: i32, %arg1: i32, %arg2: memref<1x1000x128xf32, #tpu.memory_space<vmem>>, %arg3: memref<1000x1xf32, #tpu.memory_space<vmem>>, %arg4: memref<1x1000x128xf32, #tpu.memory_space<vmem>>) attributes {dimension_semantics = [#tpu.dimension_semantics<arbitrary>, #tpu.dimension_semantics<arbitrary>], iteration_bounds = array<i64: 2, 10>, scalar_prefetch = 0 : i64, scratch_operands = 0 : i64, tpu.core_type = #tpu.core_type<tc>, window_params = [{transform_indices = @transform_0, window_bounds = array<i64: 1, 1000, 128>}, {transform_indices = @transform_1, window_bounds = array<i64: 1000, 1>}, {transform_indices = @transform_2, window_bounds = array<i64: 1, 1000, 128>}]} {
    %get3A = arith.constant 0 : index
    %get3A_0 = arith.constant 0 : index
    %get3A_1 = arith.constant 0 : index
    %get3A_2 = vector.load %arg2[%get3A, %get3A_0, %get3A_1] : memref<1x1000x128xf32, #tpu.memory_space<vmem>>, vector<1x1000x128xf32>
    %get3A_3 = vector.shape_cast %get3A_2 : vector<1x1000x128xf32> to vector<1000x128xf32>
    %get3A_4 = arith.constant 0 : index
    %get3A_5 = arith.constant 0 : index
    %get3A_6 = vector.load %arg3[%get3A_4, %get3A_5] : memref<1000x1xf32, #tpu.memory_space<vmem>>, vector<1000x1xf32>
    %mul3A = vector.broadcast %get3A_6 : vector<1000x1xf32> to vector<1000x128xf32>
    %mul3A_7 = arith.mulf %get3A_3, %mul3A : vector<1000x128xf32>
    %swap3A = arith.constant 0 : index
    %swap3A_8 = arith.constant 0 : index
    %swap3A_9 = arith.constant 0 : index
    %swap3A_10 = vector.load %arg4[%swap3A, %swap3A_8, %swap3A_9] : memref<1x1000x128xf32, #tpu.memory_space<vmem>>, vector<1x1000x128xf32>
    %swap3A_11 = vector.shape_cast %swap3A_10 : vector<1x1000x128xf32> to vector<1000x128xf32>
    %swap3A_12 = vector.shape_cast %mul3A_7 : vector<1000x128xf32> to vector<1x1000x128xf32>
    tpu.vector_store %arg4[%swap3A, %swap3A_8, %swap3A_9], %swap3A_12 {strides = array<i32>} : memref<1x1000x128xf32, #tpu.memory_space<vmem>>, vector<1x1000x128xf32>,
    return
  }
  func.func @transform_0(%arg0: i32, %arg1: i32) -> (i32, i32, i32) {
    %c0_i32 = arith.constant 0 : i32
    %c0_i32_0 = arith.constant 0 : i32
    return %arg0, %arg1, %c0_i32 : i32, i32, i32
  }
  func.func @transform_1(%arg0: i32, %arg1: i32) -> (i32, i32) {
    %c0_i32 = arith.constant 0 : i32
    %c0_i32_0 = arith.constant 0 : i32
    return %arg1, %c0_i32 : i32, i32
  }
  func.func @transform_2(%arg0: i32, %arg1: i32) -> (i32, i32, i32) {
    %c0_i32 = arith.constant 0 : i32
    %c0_i32_0 = arith.constant 0 : i32
    return %arg0, %arg1, %c0_i32 : i32, i32, i32
  }
}

module attributes {stable_mosaic.version = 14 : i64} {
  func.func @body(%arg0: i32, %arg1: memref<1000x256xf32, #tpu.memory_space<vmem>>, %arg2: memref<2x1000x128xf32, #tpu.memory_space<vmem>>, %arg3: memref<2x1000x128xf32, #tpu.memory_space<vmem>>, %arg4: memref<2x1000x128xf32, #tpu.memory_space<vmem>>, %arg5: memref<1000x1xf32, #tpu.memory_space<vmem>>, %arg6: memref<4x256x512xf32, #tpu.memory_space<vmem>>, %arg7: memref<1x512xf32, #tpu.memory_space<vmem>>, %arg8: memref<1000x512xf32, #tpu.memory_space<vmem>>, %arg9: memref<4x1000x128xf32, #tpu.memory_space<vmem>>) attributes {dimension_semantics = [#tpu.dimension_semantics<arbitrary>], iteration_bounds = array<i64: 10>, scalar_prefetch = 0 : i64, scratch_operands = 0 : i64, tpu.core_type = #tpu.core_type<tc>, window_params = [{transform_indices = @transform_0, window_bounds = array<i64: 1000, 256>}, {transform_indices = @transform_1, window_bounds = array<i64: 2, 1000, 128>}, {transform_indices = @transform_2, window_bounds = array<i64: 2, 1000, 128>}, {transform_indices = @transform_3, window_bounds = array<i64: 2, 1000, 128>}, {transform_indices = @transform_4, window_bounds = array<i64: 1000, 1>}, {pipeline_mode = #tpu.pipeline_mode<synchronous>, transform_indices = @transform_5, window_bounds = array<i64: 4, 256, 512>}, {pipeline_mode = #tpu.pipeline_mode<synchronous>, transform_indices = @transform_6, window_bounds = array<i64: 1, 512>}, {transform_indices = @transform_7, window_bounds = array<i64: 1000, 512>}, {transform_indices = @transform_8, window_bounds = array<i64: 4, 1000, 128>}]} {
    %get3A = arith.constant 0 : index
    %get3A_0 = arith.constant 0 : index
    %get3A_1 = vector.load %arg5[%get3A, %get3A_0] : memref<1000x1xf32, #tpu.memory_space<vmem>>, vector<1000x1xf32>
    %get3A_2 = arith.constant 0 : index
    %get3A_3 = arith.constant 0 : index
    %get3A_4 = vector.load %arg1[%get3A_2, %get3A_3] : memref<1000x256xf32, #tpu.memory_space<vmem>>, vector<1000x256xf32>
    %get3A_5 = arith.constant 0 : index
    %get3A_6 = arith.constant 0 : index
    %get3A_7 = arith.constant 0 : index
    %get3A_8 = vector.load %arg6[%get3A_5, %get3A_6, %get3A_7] : memref<4x256x512xf32, #tpu.memory_space<vmem>>, vector<1x256x512xf32>
    %get3A_9 = vector.shape_cast %get3A_8 : vector<1x256x512xf32> to vector<256x512xf32>
    %dot_general3A = arith.constant dense<0.000000e+00> : vector<1000x512xf32>
    %dot_general3A_10 = tpu.matmul %get3A_4, %get3A_9, %dot_general3A {dimension_numbers = #tpu.dot_dimension_numbers<[1], [0], [0], [1], [0, 0, 1, 1], [], []>, transpose_lhs_hint = false} : vector<1000x256xf32>, vector<256x512xf32>, vector<1000x512xf32> -> vector<1000x512xf32>
    %get3A_11 = arith.constant 0 : index
    %get3A_12 = arith.constant 0 : index
    %get3A_13 = arith.constant 0 : index
    %get3A_14 = vector.load %arg2[%get3A_11, %get3A_12, %get3A_13] : memref<2x1000x128xf32, #tpu.memory_space<vmem>>, vector<1x1000x128xf32>
    %get3A_15 = vector.shape_cast %get3A_14 : vector<1x1000x128xf32> to vector<1000x128xf32>
    %mul3A = vector.broadcast %get3A_1 : vector<1000x1xf32> to vector<1000x128xf32>
    %mul3A_16 = arith.mulf %get3A_15, %mul3A : vector<1000x128xf32>
    %get3A_17 = arith.constant 1 : index
    %get3A_18 = arith.constant 0 : index
    %get3A_19 = arith.constant 0 : index
    %get3A_20 = vector.load %arg6[%get3A_17, %get3A_18, %get3A_19] : memref<4x256x512xf32, #tpu.memory_space<vmem>>, vector<1x128x512xf32>
    %get3A_21 = vector.shape_cast %get3A_20 : vector<1x128x512xf32> to vector<128x512xf32>
    %dot_general3A_22 = arith.constant dense<0.000000e+00> : vector<1000x512xf32>
    %dot_general3A_23 = tpu.matmul %mul3A_16, %get3A_21, %dot_general3A_22 {dimension_numbers = #tpu.dot_dimension_numbers<[1], [0], [0], [1], [0, 0, 1, 1], [], []>, transpose_lhs_hint = false} : vector<1000x128xf32>, vector<128x512xf32>, vector<1000x512xf32> -> vector<1000x512xf32>
    %add3A = arith.addf %dot_general3A_10, %dot_general3A_23 : vector<1000x512xf32>
    %get3A_24 = arith.constant 1 : index
    %get3A_25 = arith.constant 0 : index
    %get3A_26 = arith.constant 0 : index
    %get3A_27 = vector.load %arg2[%get3A_24, %get3A_25, %get3A_26] : memref<2x1000x128xf32, #tpu.memory_space<vmem>>, vector<1x1000x128xf32>
    %get3A_28 = vector.shape_cast %get3A_27 : vector<1x1000x128xf32> to vector<1000x128xf32>
    %mul3A_29 = vector.broadcast %get3A_1 : vector<1000x1xf32> to vector<1000x128xf32>
    %mul3A_30 = arith.mulf %get3A_28, %mul3A_29 : vector<1000x128xf32>
    %get3A_31 = arith.constant 1 : index
    %get3A_32 = arith.constant 128 : index
    %get3A_33 = arith.constant 0 : index
    %get3A_34 = vector.load %arg6[%get3A_31, %get3A_32, %get3A_33] : memref<4x256x512xf32, #tpu.memory_space<vmem>>, vector<1x128x512xf32>
    %get3A_35 = vector.shape_cast %get3A_34 : vector<1x128x512xf32> to vector<128x512xf32>
    %dot_general3A_36 = arith.constant dense<0.000000e+00> : vector<1000x512xf32>
    %dot_general3A_37 = tpu.matmul %mul3A_30, %get3A_35, %dot_general3A_36 {dimension_numbers = #tpu.dot_dimension_numbers<[1], [0], [0], [1], [0, 0, 1, 1], [], []>, transpose_lhs_hint = false} : vector<1000x128xf32>, vector<128x512xf32>, vector<1000x512xf32> -> vector<1000x512xf32>
    %add3A_38 = arith.addf %add3A, %dot_general3A_37 : vector<1000x512xf32>
    %get3A_39 = arith.constant 0 : index
    %get3A_40 = arith.constant 0 : index
    %get3A_41 = arith.constant 0 : index
    %get3A_42 = vector.load %arg3[%get3A_39, %get3A_40, %get3A_41] : memref<2x1000x128xf32, #tpu.memory_space<vmem>>, vector<1x1000x128xf32>
    %get3A_43 = vector.shape_cast %get3A_42 : vector<1x1000x128xf32> to vector<1000x128xf32>
    %mul3A_44 = vector.broadcast %get3A_1 : vector<1000x1xf32> to vector<1000x128xf32>
    %mul3A_45 = arith.mulf %get3A_43, %mul3A_44 : vector<1000x128xf32>
    %get3A_46 = arith.constant 2 : index
    %get3A_47 = arith.constant 0 : index
    %get3A_48 = arith.constant 0 : index
    %get3A_49 = vector.load %arg6[%get3A_46, %get3A_47, %get3A_48] : memref<4x256x512xf32, #tpu.memory_space<vmem>>, vector<1x128x512xf32>
    %get3A_50 = vector.shape_cast %get3A_49 : vector<1x128x512xf32> to vector<128x512xf32>
    %dot_general3A_51 = arith.constant dense<0.000000e+00> : vector<1000x512xf32>
    %dot_general3A_52 = tpu.matmul %mul3A_45, %get3A_50, %dot_general3A_51 {dimension_numbers = #tpu.dot_dimension_numbers<[1], [0], [0], [1], [0, 0, 1, 1], [], []>, transpose_lhs_hint = false} : vector<1000x128xf32>, vector<128x512xf32>, vector<1000x512xf32> -> vector<1000x512xf32>
    %add3A_53 = arith.addf %add3A_38, %dot_general3A_52 : vector<1000x512xf32>
    %get3A_54 = arith.constant 1 : index
    %get3A_55 = arith.constant 0 : index
    %get3A_56 = arith.constant 0 : index
    %get3A_57 = vector.load %arg3[%get3A_54, %get3A_55, %get3A_56] : memref<2x1000x128xf32, #tpu.memory_space<vmem>>, vector<1x1000x128xf32>
    %get3A_58 = vector.shape_cast %get3A_57 : vector<1x1000x128xf32> to vector<1000x128xf32>
    %mul3A_59 = vector.broadcast %get3A_1 : vector<1000x1xf32> to vector<1000x128xf32>
    %mul3A_60 = arith.mulf %get3A_58, %mul3A_59 : vector<1000x128xf32>
    %get3A_61 = arith.constant 2 : index
    %get3A_62 = arith.constant 128 : index
    %get3A_63 = arith.constant 0 : index
    %get3A_64 = vector.load %arg6[%get3A_61, %get3A_62, %get3A_63] : memref<4x256x512xf32, #tpu.memory_space<vmem>>, vector<1x128x512xf32>
    %get3A_65 = vector.shape_cast %get3A_64 : vector<1x128x512xf32> to vector<128x512xf32>
    %dot_general3A_66 = arith.constant dense<0.000000e+00> : vector<1000x512xf32>
    %dot_general3A_67 = tpu.matmul %mul3A_60, %get3A_65, %dot_general3A_66 {dimension_numbers = #tpu.dot_dimension_numbers<[1], [0], [0], [1], [0, 0, 1, 1], [], []>, transpose_lhs_hint = false} : vector<1000x128xf32>, vector<128x512xf32>, vector<1000x512xf32> -> vector<1000x512xf32>
    %add3A_68 = arith.addf %add3A_53, %dot_general3A_67 : vector<1000x512xf32>
    %get3A_69 = arith.constant 0 : index
    %get3A_70 = arith.constant 0 : index
    %get3A_71 = arith.constant 0 : index
    %get3A_72 = vector.load %arg4[%get3A_69, %get3A_70, %get3A_71] : memref<2x1000x128xf32, #tpu.memory_space<vmem>>, vector<1x1000x128xf32>
    %get3A_73 = vector.shape_cast %get3A_72 : vector<1x1000x128xf32> to vector<1000x128xf32>
    %mul3A_74 = vector.broadcast %get3A_1 : vector<1000x1xf32> to vector<1000x128xf32>
    %mul3A_75 = arith.mulf %get3A_73, %mul3A_74 : vector<1000x128xf32>
    %get3A_76 = arith.constant 3 : index
    %get3A_77 = arith.constant 0 : index
    %get3A_78 = arith.constant 0 : index
    %get3A_79 = vector.load %arg6[%get3A_76, %get3A_77, %get3A_78] : memref<4x256x512xf32, #tpu.memory_space<vmem>>, vector<1x128x512xf32>
    %get3A_80 = vector.shape_cast %get3A_79 : vector<1x128x512xf32> to vector<128x512xf32>
    %dot_general3A_81 = arith.constant dense<0.000000e+00> : vector<1000x512xf32>
    %dot_general3A_82 = tpu.matmul %mul3A_75, %get3A_80, %dot_general3A_81 {dimension_numbers = #tpu.dot_dimension_numbers<[1], [0], [0], [1], [0, 0, 1, 1], [], []>, transpose_lhs_hint = false} : vector<1000x128xf32>, vector<128x512xf32>, vector<1000x512xf32> -> vector<1000x512xf32>
    %add3A_83 = arith.addf %add3A_68, %dot_general3A_82 : vector<1000x512xf32>
    %get3A_84 = arith.constant 1 : index
    %get3A_85 = arith.constant 0 : index
    %get3A_86 = arith.constant 0 : index
    %get3A_87 = vector.load %arg4[%get3A_84, %get3A_85, %get3A_86] : memref<2x1000x128xf32, #tpu.memory_space<vmem>>, vector<1x1000x128xf32>
    %get3A_88 = vector.shape_cast %get3A_87 : vector<1x1000x128xf32> to vector<1000x128xf32>
    %mul3A_89 = vector.broadcast %get3A_1 : vector<1000x1xf32> to vector<1000x128xf32>
    %mul3A_90 = arith.mulf %get3A_88, %mul3A_89 : vector<1000x128xf32>
    %get3A_91 = arith.constant 3 : index
    %get3A_92 = arith.constant 128 : index
    %get3A_93 = arith.constant 0 : index
    %get3A_94 = vector.load %arg6[%get3A_91, %get3A_92, %get3A_93] : memref<4x256x512xf32, #tpu.memory_space<vmem>>, vector<1x128x512xf32>
    %get3A_95 = vector.shape_cast %get3A_94 : vector<1x128x512xf32> to vector<128x512xf32>
    %dot_general3A_96 = arith.constant dense<0.000000e+00> : vector<1000x512xf32>
    %dot_general3A_97 = tpu.matmul %mul3A_90, %get3A_95, %dot_general3A_96 {dimension_numbers = #tpu.dot_dimension_numbers<[1], [0], [0], [1], [0, 0, 1, 1], [], []>, transpose_lhs_hint = false} : vector<1000x128xf32>, vector<128x512xf32>, vector<1000x512xf32> -> vector<1000x512xf32>
    %add3A_98 = arith.addf %add3A_83, %dot_general3A_97 : vector<1000x512xf32>
    %get3A_99 = arith.constant 0 : index
    %get3A_100 = arith.constant 0 : index
    %get3A_101 = vector.load %arg7[%get3A_99, %get3A_100] : memref<1x512xf32, #tpu.memory_space<vmem>>, vector<1x512xf32>
    %add3A_102 = vector.broadcast %get3A_101 : vector<1x512xf32> to vector<1000x512xf32>
    %add3A_103 = arith.addf %add3A_98, %add3A_102 : vector<1000x512xf32>
    %ge3A = arith.constant 0.000000e+00 : f32
    %ge3A_104 = vector.broadcast %ge3A : f32 to vector<1000x512xf32>
    %ge3A_105 = arith.cmpf oge, %add3A_103, %ge3A_104 : vector<1000x512xf32>
    %mul3A_106 = arith.constant 2.500000e-01 : f32
    %mul3A_107 = vector.broadcast %mul3A_106 : f32 to vector<1000x512xf32>
    %mul3A_108 = arith.mulf %mul3A_107, %add3A_103 : vector<1000x512xf32>
    %select_n3A = arith.select %ge3A_105, %add3A_103, %mul3A_108 : vector<1000x512xi1>, vector<1000x512xf32>
    %swap3A = arith.constant 0 : index
    %swap3A_109 = arith.constant 0 : index
    %swap3A_110 = vector.load %arg8[%swap3A, %swap3A_109] : memref<1000x512xf32, #tpu.memory_space<vmem>>, vector<1000x512xf32>
    tpu.vector_store %arg8[%swap3A, %swap3A_109], %select_n3A {strides = array<i32>} : memref<1000x512xf32, #tpu.memory_space<vmem>>, vector<1000x512xf32>,
    %slice3A = vector.extract_strided_slice %select_n3A {offsets = [0, 0], sizes = [1000, 128], strides = [1, 1]} : vector<1000x512xf32> to vector<1000x128xf32>
    %mul3A_111 = vector.broadcast %get3A_1 : vector<1000x1xf32> to vector<1000x128xf32>
    %mul3A_112 = arith.mulf %slice3A, %mul3A_111 : vector<1000x128xf32>
    %swap3A_113 = arith.constant 0 : index
    %swap3A_114 = arith.constant 0 : index
    %swap3A_115 = arith.constant 0 : index
    %swap3A_116 = vector.load %arg9[%swap3A_113, %swap3A_114, %swap3A_115] : memref<4x1000x128xf32, #tpu.memory_space<vmem>>, vector<1x1000x128xf32>
    %swap3A_117 = vector.shape_cast %swap3A_116 : vector<1x1000x128xf32> to vector<1000x128xf32>
    %swap3A_118 = vector.shape_cast %mul3A_112 : vector<1000x128xf32> to vector<1x1000x128xf32>
    tpu.vector_store %arg9[%swap3A_113, %swap3A_114, %swap3A_115], %swap3A_118 {strides = array<i32>} : memref<4x1000x128xf32, #tpu.memory_space<vmem>>, vector<1x1000x128xf32>,
    %slice3A_119 = vector.extract_strided_slice %select_n3A {offsets = [0, 128], sizes = [1000, 128], strides = [1, 1]} : vector<1000x512xf32> to vector<1000x128xf32>
    %mul3A_120 = vector.broadcast %get3A_1 : vector<1000x1xf32> to vector<1000x128xf32>
    %mul3A_121 = arith.mulf %slice3A_119, %mul3A_120 : vector<1000x128xf32>
    %swap3A_122 = arith.constant 1 : index
    %swap3A_123 = arith.constant 0 : index
    %swap3A_124 = arith.constant 0 : index
    %swap3A_125 = vector.load %arg9[%swap3A_122, %swap3A_123, %swap3A_124] : memref<4x1000x128xf32, #tpu.memory_space<vmem>>, vector<1x1000x128xf32>
    %swap3A_126 = vector.shape_cast %swap3A_125 : vector<1x1000x128xf32> to vector<1000x128xf32>
    %swap3A_127 = vector.shape_cast %mul3A_121 : vector<1000x128xf32> to vector<1x1000x128xf32>
    tpu.vector_store %arg9[%swap3A_122, %swap3A_123, %swap3A_124], %swap3A_127 {strides = array<i32>} : memref<4x1000x128xf32, #tpu.memory_space<vmem>>, vector<1x1000x128xf32>,
    %slice3A_128 = vector.extract_strided_slice %select_n3A {offsets = [0, 256], sizes = [1000, 128], strides = [1, 1]} : vector<1000x512xf32> to vector<1000x128xf32>
    %mul3A_129 = vector.broadcast %get3A_1 : vector<1000x1xf32> to vector<1000x128xf32>
    %mul3A_130 = arith.mulf %slice3A_128, %mul3A_129 : vector<1000x128xf32>
    %swap3A_131 = arith.constant 2 : index
    %swap3A_132 = arith.constant 0 : index
    %swap3A_133 = arith.constant 0 : index
    %swap3A_134 = vector.load %arg9[%swap3A_131, %swap3A_132, %swap3A_133] : memref<4x1000x128xf32, #tpu.memory_space<vmem>>, vector<1x1000x128xf32>
    %swap3A_135 = vector.shape_cast %swap3A_134 : vector<1x1000x128xf32> to vector<1000x128xf32>
    %swap3A_136 = vector.shape_cast %mul3A_130 : vector<1000x128xf32> to vector<1x1000x128xf32>
    tpu.vector_store %arg9[%swap3A_131, %swap3A_132, %swap3A_133], %swap3A_136 {strides = array<i32>} : memref<4x1000x128xf32, #tpu.memory_space<vmem>>, vector<1x1000x128xf32>,
    %slice3A_137 = vector.extract_strided_slice %select_n3A {offsets = [0, 384], sizes = [1000, 128], strides = [1, 1]} : vector<1000x512xf32> to vector<1000x128xf32>
    %mul3A_138 = vector.broadcast %get3A_1 : vector<1000x1xf32> to vector<1000x128xf32>
    %mul3A_139 = arith.mulf %slice3A_137, %mul3A_138 : vector<1000x128xf32>
    %swap3A_140 = arith.constant 3 : index
    %swap3A_141 = arith.constant 0 : index
    %swap3A_142 = arith.constant 0 : index
    %swap3A_143 = vector.load %arg9[%swap3A_140, %swap3A_141, %swap3A_142] : memref<4x1000x128xf32, #tpu.memory_space<vmem>>, vector<1x1000x128xf32>
    %swap3A_144 = vector.shape_cast %swap3A_143 : vector<1x1000x128xf32> to vector<1000x128xf32>
    %swap3A_145 = vector.shape_cast %mul3A_139 : vector<1000x128xf32> to vector<1x1000x128xf32>
    tpu.vector_store %arg9[%swap3A_140, %swap3A_141, %swap3A_142], %swap3A_145 {strides = array<i32>} : memref<4x1000x128xf32, #tpu.memory_space<vmem>>, vector<1x1000x128xf32>,
    return
  }
  func.func @transform_0(%arg0: i32) -> (i32, i32) {
    %c0_i32 = arith.constant 0 : i32
    %c0_i32_0 = arith.constant 0 : i32
    return %arg0, %c0_i32 : i32, i32
  }
  func.func @transform_1(%arg0: i32) -> (i32, i32, i32) {
    %c0_i32 = arith.constant 0 : i32
    %c0_i32_0 = arith.constant 0 : i32
    %c0_i32_1 = arith.constant 0 : i32
    return %c0_i32, %arg0, %c0_i32_0 : i32, i32, i32
  }
  func.func @transform_2(%arg0: i32) -> (i32, i32, i32) {
    %c0_i32 = arith.constant 0 : i32
    %c0_i32_0 = arith.constant 0 : i32
    %c0_i32_1 = arith.constant 0 : i32
    return %c0_i32, %arg0, %c0_i32_0 : i32, i32, i32
  }
  func.func @transform_3(%arg0: i32) -> (i32, i32, i32) {
    %c0_i32 = arith.constant 0 : i32
    %c0_i32_0 = arith.constant 0 : i32
    %c0_i32_1 = arith.constant 0 : i32
    return %c0_i32, %arg0, %c0_i32_0 : i32, i32, i32
  }
  func.func @transform_4(%arg0: i32) -> (i32, i32) {
    %c0_i32 = arith.constant 0 : i32
    %c0_i32_0 = arith.constant 0 : i32
    return %arg0, %c0_i32 : i32, i32
  }
  func.func @transform_5(%arg0: i32) -> (i32, i32, i32) {
    %c0_i32 = arith.constant 0 : i32
    %c0_i32_0 = arith.constant 0 : i32
    %c0_i32_1 = arith.constant 0 : i32
    %c0_i32_2 = arith.constant 0 : i32
    return %c0_i32, %c0_i32_0, %c0_i32_1 : i32, i32, i32
  }
  func.func @transform_6(%arg0: i32) -> (i32, i32) {
    %c0_i32 = arith.constant 0 : i32
    %c0_i32_0 = arith.constant 0 : i32
    %c0_i32_1 = arith.constant 0 : i32
    return %c0_i32, %c0_i32_0 : i32, i32
  }
  func.func @transform_7(%arg0: i32) -> (i32, i32) {
    %c0_i32 = arith.constant 0 : i32
    %c0_i32_0 = arith.constant 0 : i32
    return %arg0, %c0_i32 : i32, i32
  }
  func.func @transform_8(%arg0: i32) -> (i32, i32, i32) {
    %c0_i32 = arith.constant 0 : i32
    %c0_i32_0 = arith.constant 0 : i32
    %c0_i32_1 = arith.constant 0 : i32
    return %c0_i32, %arg0, %c0_i32_0 : i32, i32, i32
  }
}

module attributes {stable_mosaic.version = 14 : i64} {
  func.func @body(%arg0: i32, %arg1: i32, %arg2: memref<1x1000x128xf32, #tpu.memory_space<vmem>>, %arg3: memref<1000x1xf32, #tpu.memory_space<vmem>>, %arg4: memref<1x1000x128xf32, #tpu.memory_space<vmem>>) attributes {dimension_semantics = [#tpu.dimension_semantics<arbitrary>, #tpu.dimension_semantics<arbitrary>], iteration_bounds = array<i64: 4, 10>, scalar_prefetch = 0 : i64, scratch_operands = 0 : i64, tpu.core_type = #tpu.core_type<tc>, window_params = [{transform_indices = @transform_0, window_bounds = array<i64: 1, 1000, 128>}, {transform_indices = @transform_1, window_bounds = array<i64: 1000, 1>}, {transform_indices = @transform_2, window_bounds = array<i64: 1, 1000, 128>}]} {
    %get3A = arith.constant 0 : index
    %get3A_0 = arith.constant 0 : index
    %get3A_1 = arith.constant 0 : index
    %get3A_2 = vector.load %arg2[%get3A, %get3A_0, %get3A_1] : memref<1x1000x128xf32, #tpu.memory_space<vmem>>, vector<1x1000x128xf32>
    %get3A_3 = vector.shape_cast %get3A_2 : vector<1x1000x128xf32> to vector<1000x128xf32>
    %get3A_4 = arith.constant 0 : index
    %get3A_5 = arith.constant 0 : index
    %get3A_6 = vector.load %arg3[%get3A_4, %get3A_5] : memref<1000x1xf32, #tpu.memory_space<vmem>>, vector<1000x1xf32>
    %mul3A = vector.broadcast %get3A_6 : vector<1000x1xf32> to vector<1000x128xf32>
    %mul3A_7 = arith.mulf %get3A_3, %mul3A : vector<1000x128xf32>
    %swap3A = arith.constant 0 : index
    %swap3A_8 = arith.constant 0 : index
    %swap3A_9 = arith.constant 0 : index
    %swap3A_10 = vector.load %arg4[%swap3A, %swap3A_8, %swap3A_9] : memref<1x1000x128xf32, #tpu.memory_space<vmem>>, vector<1x1000x128xf32>
    %swap3A_11 = vector.shape_cast %swap3A_10 : vector<1x1000x128xf32> to vector<1000x128xf32>
    %swap3A_12 = vector.shape_cast %mul3A_7 : vector<1000x128xf32> to vector<1x1000x128xf32>
    tpu.vector_store %arg4[%swap3A, %swap3A_8, %swap3A_9], %swap3A_12 {strides = array<i32>} : memref<1x1000x128xf32, #tpu.memory_space<vmem>>, vector<1x1000x128xf32>,
    return
  }
  func.func @transform_0(%arg0: i32, %arg1: i32) -> (i32, i32, i32) {
    %c0_i32 = arith.constant 0 : i32
    %c0_i32_0 = arith.constant 0 : i32
    return %arg0, %arg1, %c0_i32 : i32, i32, i32
  }
  func.func @transform_1(%arg0: i32, %arg1: i32) -> (i32, i32) {
    %c0_i32 = arith.constant 0 : i32
    %c0_i32_0 = arith.constant 0 : i32
    return %arg1, %c0_i32 : i32, i32
  }
  func.func @transform_2(%arg0: i32, %arg1: i32) -> (i32, i32, i32) {
    %c0_i32 = arith.constant 0 : i32
    %c0_i32_0 = arith.constant 0 : i32
    return %arg0, %arg1, %c0_i32 : i32, i32, i32
  }
}

module attributes {stable_mosaic.version = 14 : i64} {
  func.func @body(%arg0: i32, %arg1: memref<1000x512xf32, #tpu.memory_space<vmem>>, %arg2: memref<4x1000x128xf32, #tpu.memory_space<vmem>>, %arg3: memref<4x1000x128xf32, #tpu.memory_space<vmem>>, %arg4: memref<4x1000x128xf32, #tpu.memory_space<vmem>>, %arg5: memref<1000x1xf32, #tpu.memory_space<vmem>>, %arg6: memref<1000x1xi32, #tpu.memory_space<vmem>>, %arg7: memref<4x512x512xf32, #tpu.memory_space<vmem>>, %arg8: memref<1x512xf32, #tpu.memory_space<vmem>>, %arg9: memref<512x1xf32, #tpu.memory_space<vmem>>, %arg10: memref<1x64xf32, #tpu.memory_space<vmem>>) attributes {dimension_semantics = [#tpu.dimension_semantics<arbitrary>], iteration_bounds = array<i64: 10>, scalar_prefetch = 0 : i64, scratch_operands = 0 : i64, tpu.core_type = #tpu.core_type<tc>, window_params = [{transform_indices = @transform_0, window_bounds = array<i64: 1000, 512>}, {transform_indices = @transform_1, window_bounds = array<i64: 4, 1000, 128>}, {transform_indices = @transform_2, window_bounds = array<i64: 4, 1000, 128>}, {transform_indices = @transform_3, window_bounds = array<i64: 4, 1000, 128>}, {transform_indices = @transform_4, window_bounds = array<i64: 1000, 1>}, {transform_indices = @transform_5, window_bounds = array<i64: 1000, 1>}, {pipeline_mode = #tpu.pipeline_mode<synchronous>, transform_indices = @transform_6, window_bounds = array<i64: 4, 512, 512>}, {pipeline_mode = #tpu.pipeline_mode<synchronous>, transform_indices = @transform_7, window_bounds = array<i64: 1, 512>}, {pipeline_mode = #tpu.pipeline_mode<synchronous>, transform_indices = @transform_8, window_bounds = array<i64: 512, 1>}, {pipeline_mode = #tpu.pipeline_mode<synchronous>, transform_indices = @transform_9, window_bounds = array<i64: 1, 64>}]} {
    %get3A = arith.constant 0 : index
    %get3A_0 = arith.constant 0 : index
    %get3A_1 = vector.load %arg5[%get3A, %get3A_0] : memref<1000x1xf32, #tpu.memory_space<vmem>>, vector<1000x1xf32>
    %get3A_2 = arith.constant 0 : index
    %get3A_3 = arith.constant 0 : index
    %get3A_4 = vector.load %arg1[%get3A_2, %get3A_3] : memref<1000x512xf32, #tpu.memory_space<vmem>>, vector<1000x512xf32>
    %get3A_5 = arith.constant 0 : index
    %get3A_6 = arith.constant 0 : index
    %get3A_7 = arith.constant 0 : index
    %get3A_8 = vector.load %arg7[%get3A_5, %get3A_6, %get3A_7] : memref<4x512x512xf32, #tpu.memory_space<vmem>>, vector<1x512x512xf32>
    %get3A_9 = vector.shape_cast %get3A_8 : vector<1x512x512xf32> to vector<512x512xf32>
    %dot_general3A = arith.constant dense<0.000000e+00> : vector<1000x512xf32>
    %dot_general3A_10 = tpu.matmul %get3A_4, %get3A_9, %dot_general3A {dimension_numbers = #tpu.dot_dimension_numbers<[1], [0], [0], [1], [0, 0, 1, 1], [], []>, transpose_lhs_hint = false} : vector<1000x512xf32>, vector<512x512xf32>, vector<1000x512xf32> -> vector<1000x512xf32>
    %get3A_11 = arith.constant 0 : index
    %get3A_12 = arith.constant 0 : index
    %get3A_13 = arith.constant 0 : index
    %get3A_14 = vector.load %arg2[%get3A_11, %get3A_12, %get3A_13] : memref<4x1000x128xf32, #tpu.memory_space<vmem>>, vector<1x1000x128xf32>
    %get3A_15 = vector.shape_cast %get3A_14 : vector<1x1000x128xf32> to vector<1000x128xf32>
    %mul3A = vector.broadcast %get3A_1 : vector<1000x1xf32> to vector<1000x128xf32>
    %mul3A_16 = arith.mulf %get3A_15, %mul3A : vector<1000x128xf32>
    %get3A_17 = arith.constant 1 : index
    %get3A_18 = arith.constant 0 : index
    %get3A_19 = arith.constant 0 : index
    %get3A_20 = vector.load %arg7[%get3A_17, %get3A_18, %get3A_19] : memref<4x512x512xf32, #tpu.memory_space<vmem>>, vector<1x128x512xf32>
    %get3A_21 = vector.shape_cast %get3A_20 : vector<1x128x512xf32> to vector<128x512xf32>
    %dot_general3A_22 = arith.constant dense<0.000000e+00> : vector<1000x512xf32>
    %dot_general3A_23 = tpu.matmul %mul3A_16, %get3A_21, %dot_general3A_22 {dimension_numbers = #tpu.dot_dimension_numbers<[1], [0], [0], [1], [0, 0, 1, 1], [], []>, transpose_lhs_hint = false} : vector<1000x128xf32>, vector<128x512xf32>, vector<1000x512xf32> -> vector<1000x512xf32>
    %add3A = arith.addf %dot_general3A_10, %dot_general3A_23 : vector<1000x512xf32>
    %get3A_24 = arith.constant 1 : index
    %get3A_25 = arith.constant 0 : index
    %get3A_26 = arith.constant 0 : index
    %get3A_27 = vector.load %arg2[%get3A_24, %get3A_25, %get3A_26] : memref<4x1000x128xf32, #tpu.memory_space<vmem>>, vector<1x1000x128xf32>
    %get3A_28 = vector.shape_cast %get3A_27 : vector<1x1000x128xf32> to vector<1000x128xf32>
    %mul3A_29 = vector.broadcast %get3A_1 : vector<1000x1xf32> to vector<1000x128xf32>
    %mul3A_30 = arith.mulf %get3A_28, %mul3A_29 : vector<1000x128xf32>
    %get3A_31 = arith.constant 1 : index
    %get3A_32 = arith.constant 128 : index
    %get3A_33 = arith.constant 0 : index
    %get3A_34 = vector.load %arg7[%get3A_31, %get3A_32, %get3A_33] : memref<4x512x512xf32, #tpu.memory_space<vmem>>, vector<1x128x512xf32>
    %get3A_35 = vector.shape_cast %get3A_34 : vector<1x128x512xf32> to vector<128x512xf32>
    %dot_general3A_36 = arith.constant dense<0.000000e+00> : vector<1000x512xf32>
    %dot_general3A_37 = tpu.matmul %mul3A_30, %get3A_35, %dot_general3A_36 {dimension_numbers = #tpu.dot_dimension_numbers<[1], [0], [0], [1], [0, 0, 1, 1], [], []>, transpose_lhs_hint = false} : vector<1000x128xf32>, vector<128x512xf32>, vector<1000x512xf32> -> vector<1000x512xf32>
    %add3A_38 = arith.addf %add3A, %dot_general3A_37 : vector<1000x512xf32>
    %get3A_39 = arith.constant 2 : index
    %get3A_40 = arith.constant 0 : index
    %get3A_41 = arith.constant 0 : index
    %get3A_42 = vector.load %arg2[%get3A_39, %get3A_40, %get3A_41] : memref<4x1000x128xf32, #tpu.memory_space<vmem>>, vector<1x1000x128xf32>
    %get3A_43 = vector.shape_cast %get3A_42 : vector<1x1000x128xf32> to vector<1000x128xf32>
    %mul3A_44 = vector.broadcast %get3A_1 : vector<1000x1xf32> to vector<1000x128xf32>
    %mul3A_45 = arith.mulf %get3A_43, %mul3A_44 : vector<1000x128xf32>
    %get3A_46 = arith.constant 1 : index
    %get3A_47 = arith.constant 256 : index
    %get3A_48 = arith.constant 0 : index
    %get3A_49 = vector.load %arg7[%get3A_46, %get3A_47, %get3A_48] : memref<4x512x512xf32, #tpu.memory_space<vmem>>, vector<1x128x512xf32>
    %get3A_50 = vector.shape_cast %get3A_49 : vector<1x128x512xf32> to vector<128x512xf32>
    %dot_general3A_51 = arith.constant dense<0.000000e+00> : vector<1000x512xf32>
    %dot_general3A_52 = tpu.matmul %mul3A_45, %get3A_50, %dot_general3A_51 {dimension_numbers = #tpu.dot_dimension_numbers<[1], [0], [0], [1], [0, 0, 1, 1], [], []>, transpose_lhs_hint = false} : vector<1000x128xf32>, vector<128x512xf32>, vector<1000x512xf32> -> vector<1000x512xf32>
    %add3A_53 = arith.addf %add3A_38, %dot_general3A_52 : vector<1000x512xf32>
    %get3A_54 = arith.constant 3 : index
    %get3A_55 = arith.constant 0 : index
    %get3A_56 = arith.constant 0 : index
    %get3A_57 = vector.load %arg2[%get3A_54, %get3A_55, %get3A_56] : memref<4x1000x128xf32, #tpu.memory_space<vmem>>, vector<1x1000x128xf32>
    %get3A_58 = vector.shape_cast %get3A_57 : vector<1x1000x128xf32> to vector<1000x128xf32>
    %mul3A_59 = vector.broadcast %get3A_1 : vector<1000x1xf32> to vector<1000x128xf32>
    %mul3A_60 = arith.mulf %get3A_58, %mul3A_59 : vector<1000x128xf32>
    %get3A_61 = arith.constant 1 : index
    %get3A_62 = arith.constant 384 : index
    %get3A_63 = arith.constant 0 : index
    %get3A_64 = vector.load %arg7[%get3A_61, %get3A_62, %get3A_63] : memref<4x512x512xf32, #tpu.memory_space<vmem>>, vector<1x128x512xf32>
    %get3A_65 = vector.shape_cast %get3A_64 : vector<1x128x512xf32> to vector<128x512xf32>
    %dot_general3A_66 = arith.constant dense<0.000000e+00> : vector<1000x512xf32>
    %dot_general3A_67 = tpu.matmul %mul3A_60, %get3A_65, %dot_general3A_66 {dimension_numbers = #tpu.dot_dimension_numbers<[1], [0], [0], [1], [0, 0, 1, 1], [], []>, transpose_lhs_hint = false} : vector<1000x128xf32>, vector<128x512xf32>, vector<1000x512xf32> -> vector<1000x512xf32>
    %add3A_68 = arith.addf %add3A_53, %dot_general3A_67 : vector<1000x512xf32>
    %get3A_69 = arith.constant 0 : index
    %get3A_70 = arith.constant 0 : index
    %get3A_71 = arith.constant 0 : index
    %get3A_72 = vector.load %arg3[%get3A_69, %get3A_70, %get3A_71] : memref<4x1000x128xf32, #tpu.memory_space<vmem>>, vector<1x1000x128xf32>
    %get3A_73 = vector.shape_cast %get3A_72 : vector<1x1000x128xf32> to vector<1000x128xf32>
    %mul3A_74 = vector.broadcast %get3A_1 : vector<1000x1xf32> to vector<1000x128xf32>
    %mul3A_75 = arith.mulf %get3A_73, %mul3A_74 : vector<1000x128xf32>
    %get3A_76 = arith.constant 2 : index
    %get3A_77 = arith.constant 0 : index
    %get3A_78 = arith.constant 0 : index
    %get3A_79 = vector.load %arg7[%get3A_76, %get3A_77, %get3A_78] : memref<4x512x512xf32, #tpu.memory_space<vmem>>, vector<1x128x512xf32>
    %get3A_80 = vector.shape_cast %get3A_79 : vector<1x128x512xf32> to vector<128x512xf32>
    %dot_general3A_81 = arith.constant dense<0.000000e+00> : vector<1000x512xf32>
    %dot_general3A_82 = tpu.matmul %mul3A_75, %get3A_80, %dot_general3A_81 {dimension_numbers = #tpu.dot_dimension_numbers<[1], [0], [0], [1], [0, 0, 1, 1], [], []>, transpose_lhs_hint = false} : vector<1000x128xf32>, vector<128x512xf32>, vector<1000x512xf32> -> vector<1000x512xf32>
    %add3A_83 = arith.addf %add3A_68, %dot_general3A_82 : vector<1000x512xf32>
    %get3A_84 = arith.constant 1 : index
    %get3A_85 = arith.constant 0 : index
    %get3A_86 = arith.constant 0 : index
    %get3A_87 = vector.load %arg3[%get3A_84, %get3A_85, %get3A_86] : memref<4x1000x128xf32, #tpu.memory_space<vmem>>, vector<1x1000x128xf32>
    %get3A_88 = vector.shape_cast %get3A_87 : vector<1x1000x128xf32> to vector<1000x128xf32>
    %mul3A_89 = vector.broadcast %get3A_1 : vector<1000x1xf32> to vector<1000x128xf32>
    %mul3A_90 = arith.mulf %get3A_88, %mul3A_89 : vector<1000x128xf32>
    %get3A_91 = arith.constant 2 : index
    %get3A_92 = arith.constant 128 : index
    %get3A_93 = arith.constant 0 : index
    %get3A_94 = vector.load %arg7[%get3A_91, %get3A_92, %get3A_93] : memref<4x512x512xf32, #tpu.memory_space<vmem>>, vector<1x128x512xf32>
    %get3A_95 = vector.shape_cast %get3A_94 : vector<1x128x512xf32> to vector<128x512xf32>
    %dot_general3A_96 = arith.constant dense<0.000000e+00> : vector<1000x512xf32>
    %dot_general3A_97 = tpu.matmul %mul3A_90, %get3A_95, %dot_general3A_96 {dimension_numbers = #tpu.dot_dimension_numbers<[1], [0], [0], [1], [0, 0, 1, 1], [], []>, transpose_lhs_hint = false} : vector<1000x128xf32>, vector<128x512xf32>, vector<1000x512xf32> -> vector<1000x512xf32>
    %add3A_98 = arith.addf %add3A_83, %dot_general3A_97 : vector<1000x512xf32>
    %get3A_99 = arith.constant 2 : index
    %get3A_100 = arith.constant 0 : index
    %get3A_101 = arith.constant 0 : index
    %get3A_102 = vector.load %arg3[%get3A_99, %get3A_100, %get3A_101] : memref<4x1000x128xf32, #tpu.memory_space<vmem>>, vector<1x1000x128xf32>
    %get3A_103 = vector.shape_cast %get3A_102 : vector<1x1000x128xf32> to vector<1000x128xf32>
    %mul3A_104 = vector.broadcast %get3A_1 : vector<1000x1xf32> to vector<1000x128xf32>
    %mul3A_105 = arith.mulf %get3A_103, %mul3A_104 : vector<1000x128xf32>
    %get3A_106 = arith.constant 2 : index
    %get3A_107 = arith.constant 256 : index
    %get3A_108 = arith.constant 0 : index
    %get3A_109 = vector.load %arg7[%get3A_106, %get3A_107, %get3A_108] : memref<4x512x512xf32, #tpu.memory_space<vmem>>, vector<1x128x512xf32>
    %get3A_110 = vector.shape_cast %get3A_109 : vector<1x128x512xf32> to vector<128x512xf32>
    %dot_general3A_111 = arith.constant dense<0.000000e+00> : vector<1000x512xf32>
    %dot_general3A_112 = tpu.matmul %mul3A_105, %get3A_110, %dot_general3A_111 {dimension_numbers = #tpu.dot_dimension_numbers<[1], [0], [0], [1], [0, 0, 1, 1], [], []>, transpose_lhs_hint = false} : vector<1000x128xf32>, vector<128x512xf32>, vector<1000x512xf32> -> vector<1000x512xf32>
    %add3A_113 = arith.addf %add3A_98, %dot_general3A_112 : vector<1000x512xf32>
    %get3A_114 = arith.constant 3 : index
    %get3A_115 = arith.constant 0 : index
    %get3A_116 = arith.constant 0 : index
    %get3A_117 = vector.load %arg3[%get3A_114, %get3A_115, %get3A_116] : memref<4x1000x128xf32, #tpu.memory_space<vmem>>, vector<1x1000x128xf32>
    %get3A_118 = vector.shape_cast %get3A_117 : vector<1x1000x128xf32> to vector<1000x128xf32>
    %mul3A_119 = vector.broadcast %get3A_1 : vector<1000x1xf32> to vector<1000x128xf32>
    %mul3A_120 = arith.mulf %get3A_118, %mul3A_119 : vector<1000x128xf32>
    %get3A_121 = arith.constant 2 : index
    %get3A_122 = arith.constant 384 : index
    %get3A_123 = arith.constant 0 : index
    %get3A_124 = vector.load %arg7[%get3A_121, %get3A_122, %get3A_123] : memref<4x512x512xf32, #tpu.memory_space<vmem>>, vector<1x128x512xf32>
    %get3A_125 = vector.shape_cast %get3A_124 : vector<1x128x512xf32> to vector<128x512xf32>
    %dot_general3A_126 = arith.constant dense<0.000000e+00> : vector<1000x512xf32>
    %dot_general3A_127 = tpu.matmul %mul3A_120, %get3A_125, %dot_general3A_126 {dimension_numbers = #tpu.dot_dimension_numbers<[1], [0], [0], [1], [0, 0, 1, 1], [], []>, transpose_lhs_hint = false} : vector<1000x128xf32>, vector<128x512xf32>, vector<1000x512xf32> -> vector<1000x512xf32>
    %add3A_128 = arith.addf %add3A_113, %dot_general3A_127 : vector<1000x512xf32>
    %get3A_129 = arith.constant 0 : index
    %get3A_130 = arith.constant 0 : index
    %get3A_131 = arith.constant 0 : index
    %get3A_132 = vector.load %arg4[%get3A_129, %get3A_130, %get3A_131] : memref<4x1000x128xf32, #tpu.memory_space<vmem>>, vector<1x1000x128xf32>
    %get3A_133 = vector.shape_cast %get3A_132 : vector<1x1000x128xf32> to vector<1000x128xf32>
    %mul3A_134 = vector.broadcast %get3A_1 : vector<1000x1xf32> to vector<1000x128xf32>
    %mul3A_135 = arith.mulf %get3A_133, %mul3A_134 : vector<1000x128xf32>
    %get3A_136 = arith.constant 3 : index
    %get3A_137 = arith.constant 0 : index
    %get3A_138 = arith.constant 0 : index
    %get3A_139 = vector.load %arg7[%get3A_136, %get3A_137, %get3A_138] : memref<4x512x512xf32, #tpu.memory_space<vmem>>, vector<1x128x512xf32>
    %get3A_140 = vector.shape_cast %get3A_139 : vector<1x128x512xf32> to vector<128x512xf32>
    %dot_general3A_141 = arith.constant dense<0.000000e+00> : vector<1000x512xf32>
    %dot_general3A_142 = tpu.matmul %mul3A_135, %get3A_140, %dot_general3A_141 {dimension_numbers = #tpu.dot_dimension_numbers<[1], [0], [0], [1], [0, 0, 1, 1], [], []>, transpose_lhs_hint = false} : vector<1000x128xf32>, vector<128x512xf32>, vector<1000x512xf32> -> vector<1000x512xf32>
    %add3A_143 = arith.addf %add3A_128, %dot_general3A_142 : vector<1000x512xf32>
    %get3A_144 = arith.constant 1 : index
    %get3A_145 = arith.constant 0 : index
    %get3A_146 = arith.constant 0 : index
    %get3A_147 = vector.load %arg4[%get3A_144, %get3A_145, %get3A_146] : memref<4x1000x128xf32, #tpu.memory_space<vmem>>, vector<1x1000x128xf32>
    %get3A_148 = vector.shape_cast %get3A_147 : vector<1x1000x128xf32> to vector<1000x128xf32>
    %mul3A_149 = vector.broadcast %get3A_1 : vector<1000x1xf32> to vector<1000x128xf32>
    %mul3A_150 = arith.mulf %get3A_148, %mul3A_149 : vector<1000x128xf32>
    %get3A_151 = arith.constant 3 : index
    %get3A_152 = arith.constant 128 : index
    %get3A_153 = arith.constant 0 : index
    %get3A_154 = vector.load %arg7[%get3A_151, %get3A_152, %get3A_153] : memref<4x512x512xf32, #tpu.memory_space<vmem>>, vector<1x128x512xf32>
    %get3A_155 = vector.shape_cast %get3A_154 : vector<1x128x512xf32> to vector<128x512xf32>
    %dot_general3A_156 = arith.constant dense<0.000000e+00> : vector<1000x512xf32>
    %dot_general3A_157 = tpu.matmul %mul3A_150, %get3A_155, %dot_general3A_156 {dimension_numbers = #tpu.dot_dimension_numbers<[1], [0], [0], [1], [0, 0, 1, 1], [], []>, transpose_lhs_hint = false} : vector<1000x128xf32>, vector<128x512xf32>, vector<1000x512xf32> -> vector<1000x512xf32>
    %add3A_158 = arith.addf %add3A_143, %dot_general3A_157 : vector<1000x512xf32>
    %get3A_159 = arith.constant 2 : index
    %get3A_160 = arith.constant 0 : index
    %get3A_161 = arith.constant 0 : index
    %get3A_162 = vector.load %arg4[%get3A_159, %get3A_160, %get3A_161] : memref<4x1000x128xf32, #tpu.memory_space<vmem>>, vector<1x1000x128xf32>
    %get3A_163 = vector.shape_cast %get3A_162 : vector<1x1000x128xf32> to vector<1000x128xf32>
    %mul3A_164 = vector.broadcast %get3A_1 : vector<1000x1xf32> to vector<1000x128xf32>
    %mul3A_165 = arith.mulf %get3A_163, %mul3A_164 : vector<1000x128xf32>
    %get3A_166 = arith.constant 3 : index
    %get3A_167 = arith.constant 256 : index
    %get3A_168 = arith.constant 0 : index
    %get3A_169 = vector.load %arg7[%get3A_166, %get3A_167, %get3A_168] : memref<4x512x512xf32, #tpu.memory_space<vmem>>, vector<1x128x512xf32>
    %get3A_170 = vector.shape_cast %get3A_169 : vector<1x128x512xf32> to vector<128x512xf32>
    %dot_general3A_171 = arith.constant dense<0.000000e+00> : vector<1000x512xf32>
    %dot_general3A_172 = tpu.matmul %mul3A_165, %get3A_170, %dot_general3A_171 {dimension_numbers = #tpu.dot_dimension_numbers<[1], [0], [0], [1], [0, 0, 1, 1], [], []>, transpose_lhs_hint = false} : vector<1000x128xf32>, vector<128x512xf32>, vector<1000x512xf32> -> vector<1000x512xf32>
    %add3A_173 = arith.addf %add3A_158, %dot_general3A_172 : vector<1000x512xf32>
    %get3A_174 = arith.constant 3 : index
    %get3A_175 = arith.constant 0 : index
    %get3A_176 = arith.constant 0 : index
    %get3A_177 = vector.load %arg4[%get3A_174, %get3A_175, %get3A_176] : memref<4x1000x128xf32, #tpu.memory_space<vmem>>, vector<1x1000x128xf32>
    %get3A_178 = vector.shape_cast %get3A_177 : vector<1x1000x128xf32> to vector<1000x128xf32>
    %mul3A_179 = vector.broadcast %get3A_1 : vector<1000x1xf32> to vector<1000x128xf32>
    %mul3A_180 = arith.mulf %get3A_178, %mul3A_179 : vector<1000x128xf32>
    %get3A_181 = arith.constant 3 : index
    %get3A_182 = arith.constant 384 : index
    %get3A_183 = arith.constant 0 : index
    %get3A_184 = vector.load %arg7[%get3A_181, %get3A_182, %get3A_183] : memref<4x512x512xf32, #tpu.memory_space<vmem>>, vector<1x128x512xf32>
    %get3A_185 = vector.shape_cast %get3A_184 : vector<1x128x512xf32> to vector<128x512xf32>
    %dot_general3A_186 = arith.constant dense<0.000000e+00> : vector<1000x512xf32>
    %dot_general3A_187 = tpu.matmul %mul3A_180, %get3A_185, %dot_general3A_186 {dimension_numbers = #tpu.dot_dimension_numbers<[1], [0], [0], [1], [0, 0, 1, 1], [], []>, transpose_lhs_hint = false} : vector<1000x128xf32>, vector<128x512xf32>, vector<1000x512xf32> -> vector<1000x512xf32>
    %add3A_188 = arith.addf %add3A_173, %dot_general3A_187 : vector<1000x512xf32>
    %get3A_189 = arith.constant 0 : index
    %get3A_190 = arith.constant 0 : index
    %get3A_191 = vector.load %arg8[%get3A_189, %get3A_190] : memref<1x512xf32, #tpu.memory_space<vmem>>, vector<1x512xf32>
    %add3A_192 = vector.broadcast %get3A_191 : vector<1x512xf32> to vector<1000x512xf32>
    %add3A_193 = arith.addf %add3A_188, %add3A_192 : vector<1000x512xf32>
    %ge3A = arith.constant 0.000000e+00 : f32
    %ge3A_194 = vector.broadcast %ge3A : f32 to vector<1000x512xf32>
    %ge3A_195 = arith.cmpf oge, %add3A_193, %ge3A_194 : vector<1000x512xf32>
    %mul3A_196 = arith.constant 2.500000e-01 : f32
    %mul3A_197 = vector.broadcast %mul3A_196 : f32 to vector<1000x512xf32>
    %mul3A_198 = arith.mulf %mul3A_197, %add3A_193 : vector<1000x512xf32>
    %select_n3A = arith.select %ge3A_195, %add3A_193, %mul3A_198 : vector<1000x512xi1>, vector<1000x512xf32>
    %get3A_199 = arith.constant 0 : index
    %get3A_200 = arith.constant 0 : index
    %get3A_201 = vector.load %arg9[%get3A_199, %get3A_200] : memref<512x1xf32, #tpu.memory_space<vmem>>, vector<512x1xf32>
    %dot_general3A_202 = arith.constant dense<0.000000e+00> : vector<1000x1xf32>
    %dot_general3A_203 = tpu.matmul %select_n3A, %get3A_201, %dot_general3A_202 {dimension_numbers = #tpu.dot_dimension_numbers<[1], [0], [0], [1], [0, 0, 1, 1], [], []>, transpose_lhs_hint = false} : vector<1000x512xf32>, vector<512x1xf32>, vector<1000x1xf32> -> vector<1000x1xf32>
    %iota3A = tpu.iota {dimensions = array<i32: 1>} : vector<1000x64xi32>
    %get3A_204 = arith.constant 0 : index
    %get3A_205 = arith.constant 0 : index
    %get3A_206 = vector.load %arg6[%get3A_204, %get3A_205] : memref<1000x1xi32, #tpu.memory_space<vmem>>, vector<1000x1xi32>
    %eq3A = vector.broadcast %get3A_206 : vector<1000x1xi32> to vector<1000x64xi32>
    %eq3A_207 = arith.cmpi eq, %eq3A, %iota3A : vector<1000x64xi32>
    %convert_element_type3A = arith.extui %eq3A_207 : vector<1000x64xi1> to vector<1000x64xi32>
    %convert_element_type3A_208 = arith.sitofp %convert_element_type3A : vector<1000x64xi32> to vector<1000x64xf32>
    %mul3A_209 = vector.broadcast %dot_general3A_203 : vector<1000x1xf32> to vector<1000x64xf32>
    %mul3A_210 = arith.mulf %convert_element_type3A_208, %mul3A_209 : vector<1000x64xf32>
    %reduce_sum3A = arith.constant dense<0.000000e+00> : vector<64xf32>
    %reduce_sum3A_211 = vector.multi_reduction <add>, %mul3A_210, %reduce_sum3A [0] : vector<1000x64xf32> to vector<64xf32>
    %broadcast_in_dim3A = vector.shape_cast %reduce_sum3A_211 : vector<64xf32> to vector<1x64xf32>
    %eq3A_212 = arith.constant 0 : i32
    %eq3A_213 = arith.cmpi eq, %arg0, %eq3A_212 : i32
    %convert_element_type3A_214 = arith.extui %eq3A_213 : i1 to i32
    %cond3A = arith.constant 0 : i32
    %cond3A_215 = arith.cmpi ne, %convert_element_type3A_214, %cond3A : i32
    scf.if %cond3A_215 {
      %broadcast_in_dim3A_222 = arith.constant 0.000000e+00 : f32
      %broadcast_in_dim3A_223 = vector.broadcast %broadcast_in_dim3A_222 : f32 to vector<1x64xf32>
      %swap3A_224 = arith.constant 0 : index
      %swap3A_225 = arith.constant 0 : index
      %swap3A_226 = vector.load %arg10[%swap3A_224, %swap3A_225] : memref<1x64xf32, #tpu.memory_space<vmem>>, vector<1x64xf32>
      tpu.vector_store %arg10[%swap3A_224, %swap3A_225], %broadcast_in_dim3A_223 {strides = array<i32>} : memref<1x64xf32, #tpu.memory_space<vmem>>, vector<1x64xf32>,
    } else {
    }
    %get3A_216 = arith.constant 0 : index
    %get3A_217 = arith.constant 0 : index
    %get3A_218 = vector.load %arg10[%get3A_216, %get3A_217] : memref<1x64xf32, #tpu.memory_space<vmem>>, vector<1x64xf32>
    %add3A_219 = arith.addf %get3A_218, %broadcast_in_dim3A : vector<1x64xf32>
    %swap3A = arith.constant 0 : index
    %swap3A_220 = arith.constant 0 : index
    %swap3A_221 = vector.load %arg10[%swap3A, %swap3A_220] : memref<1x64xf32, #tpu.memory_space<vmem>>, vector<1x64xf32>
    tpu.vector_store %arg10[%swap3A, %swap3A_220], %add3A_219 {strides = array<i32>} : memref<1x64xf32, #tpu.memory_space<vmem>>, vector<1x64xf32>,
    return
  }
  func.func @transform_0(%arg0: i32) -> (i32, i32) {
    %c0_i32 = arith.constant 0 : i32
    %c0_i32_0 = arith.constant 0 : i32
    return %arg0, %c0_i32 : i32, i32
  }
  func.func @transform_1(%arg0: i32) -> (i32, i32, i32) {
    %c0_i32 = arith.constant 0 : i32
    %c0_i32_0 = arith.constant 0 : i32
    %c0_i32_1 = arith.constant 0 : i32
    return %c0_i32, %arg0, %c0_i32_0 : i32, i32, i32
  }
  func.func @transform_2(%arg0: i32) -> (i32, i32, i32) {
    %c0_i32 = arith.constant 0 : i32
    %c0_i32_0 = arith.constant 0 : i32
    %c0_i32_1 = arith.constant 0 : i32
    return %c0_i32, %arg0, %c0_i32_0 : i32, i32, i32
  }
  func.func @transform_3(%arg0: i32) -> (i32, i32, i32) {
    %c0_i32 = arith.constant 0 : i32
    %c0_i32_0 = arith.constant 0 : i32
    %c0_i32_1 = arith.constant 0 : i32
    return %c0_i32, %arg0, %c0_i32_0 : i32, i32, i32
  }
  func.func @transform_4(%arg0: i32) -> (i32, i32) {
    %c0_i32 = arith.constant 0 : i32
    %c0_i32_0 = arith.constant 0 : i32
    return %arg0, %c0_i32 : i32, i32
  }
  func.func @transform_5(%arg0: i32) -> (i32, i32) {
    %c0_i32 = arith.constant 0 : i32
    %c0_i32_0 = arith.constant 0 : i32
    return %arg0, %c0_i32 : i32, i32
  }
  func.func @transform_6(%arg0: i32) -> (i32, i32, i32) {
    %c0_i32 = arith.constant 0 : i32
    %c0_i32_0 = arith.constant 0 : i32
    %c0_i32_1 = arith.constant 0 : i32
    %c0_i32_2 = arith.constant 0 : i32
    return %c0_i32, %c0_i32_0, %c0_i32_1 : i32, i32, i32
  }
  func.func @transform_7(%arg0: i32) -> (i32, i32) {
    %c0_i32 = arith.constant 0 : i32
    %c0_i32_0 = arith.constant 0 : i32
    %c0_i32_1 = arith.constant 0 : i32
    return %c0_i32, %c0_i32_0 : i32, i32
  }
  func.func @transform_8(%arg0: i32) -> (i32, i32) {
    %c0_i32 = arith.constant 0 : i32
    %c0_i32_0 = arith.constant 0 : i32
    %c0_i32_1 = arith.constant 0 : i32
    return %c0_i32, %c0_i32_0 : i32, i32
  }
  func.func @transform_9(%arg0: i32) -> (i32, i32) {
    %c0_i32 = arith.constant 0 : i32
    %c0_i32_0 = arith.constant 0 : i32
    %c0_i32_1 = arith.constant 0 : i32
    return %c0_i32, %c0_i32_0 : i32, i32
  }
}

</mosaic_0001>

<sc_bundles>
// kernel: kernel.16.cloned.1.call-start
scs
__scs_entry_jumppad:
0x0: {  	(pc) =	sbr.rel $0x88, $3  }
0x1: {  	(tag) =	ssettag $0x0;
	lr =	simm.s32 $0x1  }
0x2: {  	[smem:$0x3F98] =	sst lr;
	_ =	strace $0xD0000000  }
0x3: {  	_ = 	snop  }
0x4: {  	_ = 	snop  }
0x5: {  	_ = 	snop  }
0x6: {  	_ = 	snop  }
0x7: {  	_ = 	snop  }
__scs_overlays_trampoline_lowered:
0x8: {  	[smem:$0x3FA7] =	sst s0  }
0x9: {  	[smem:$0x3FA8] =	sst s1  }
0xa: {  	[smem:$0x3FA9] =	sst s2  }
0xb: {  	[smem:$0x3FAA] =	sst s3  }
0xc: {  	[smem:$0x3FAB] =	sst s4  }
0xd: {  	[smem:$0x3FAC] =	sst s5  }
0xe: {  	[smem:$0x3FAD] =	sst s6  }
0xf: {  	[smem:$0x3FAE] =	sst s7  }
0x10: {  	[smem:$0x3FAF] =	sst s8  }
0x11: {  	[smem:$0x3FB0] =	sst s9;
	s0 =	simm.s32 @!p0 $0x0  }
0x12: {  	s1 =	sld [smem:$0x3F96];
	s0 =	simm.s32 @p0 $0x1  }
0x13: {  	[smem:$0x3FB1] =	sst s0;
	s0 =	simm.s32 @!p1 $0x0  }
0x14: {  	s2 =	sld [smem:$0x3F95];
	s0 =	simm.s32 @p1 $0x1  }
0x15: {  	[smem:$0x3FB2] =	sst s0;
	s0 =	simm.s32 @!p2 $0x0  }
0x16: {  	s3 =	sld [smem:$0x3FDB];
	s0 =	simm.s32 @p2 $0x1  }
0x17: {  	s4 =	simm.s32 $0x1BF5;
	[smem:$0x3FB4] =	sst s0  }
0x18: {  	s0 =	sld [smem:$0x3F97];
	_ =	swait.ge [sflag:s4], $0x0  }
0x19: {  	s7 =	sld [smem:$0x3F98]  }
0x1a: {  	s8 =	sadd.s32 $0xFFFFE003, lr  }
0x1b: {  	s9 =	sadd.s32 $0xFFFFFEF7, lr;
	s5 =	simm.s32 $0xFFFFFFFF;
	p2 =	slt.u32 s8, $0xFFFFF086  }
0x1c: {  	p1 =	slt.u32 s9, $0xF7A;
	s5 =	simm.s32 @!p2 $0x0  }
0x1d: {  	s5 =	simm.s32 @p1 $0x1;
	p0 =	seq.s32 s7, s2  }
0x1e: {  	s7 =	smul.u32 @!p0 $0xF7A, s2;
	p2 =	seq.s32 @!p0 s5, $0x0  }
0x1f: {  	s9 =	smul.u32 $0xF7A, s1;
	s8 =	simm.s32 @!p0 $0x1BF5;
	p2 =	por !p2, p0  }
0x20: {  	[sflag:s8] =	ssyncset.s32 @!p0 $0xFFFFF086;
	s6 =	sadd.s32 @!p0 s3, s7;
	s7 =	simm.s32 @!p0 $0x108  }
0x21: {  	s3 =	sadd.s32 s3, s9;
	s6 =	sadd.s32 @!p0 $0x88, s6;
	s7 =	simm.s32 @p2 $0x1082  }
0x22: {  	[simem:s7], [sflag:s8] =	dma.local @!p0 [hbm:s6], $0xF7A  }
0x23: {  	s9 =	sor.u32 $0xD0000000, s2;
	s6 =	simm.s32 $0x108;
	_ =	swait.ge @!p0 [sflag:s8], $0x0  }
0x24: {  	s3 =	sadd.s32 $0x88, s3;
	s6 =	simm.s32 @!p1 $0x1082;
	[sflag:s4] =	ssyncset.s32 $0xFFFFF086  }
0x25: {  	[simem:s6], [sflag:s4] =	dma.local [hbm:s3], $0xF7A  }
0x26: {  	[smem:$0x3F98] =	sst s1;
	(tag) =	ssettag s2;
	_ =	strace s9  }
0x27: {  	s1 =	sld [smem:$0x3FA8]  }
0x28: {  	s2 =	sld [smem:$0x3FA9]  }
0x29: {  	s4 =	sld [smem:$0x3FAB]  }
0x2a: {  	p0 =	seq.s32 s5, $0x0;
	s5 =	sld [smem:$0x3FAC]  }
0x2b: {  	s6 =	sld [smem:$0x3FAD]  }
0x2c: {  	s7 =	sld [smem:$0x3FAE]  }
0x2d: {  	s3 =	simm.s32 $0x108;
	s8 =	sld [smem:$0x3FAF]  }
0x2e: {  	s3 =	simm.s32 @!p0 $0x1082;
	s9 =	sld [smem:$0x3FB0]  }
0x2f: {  	lr =	sadd.s32 s0, s3;
	s0 =	sld [smem:$0x3FA7]  }
0x30: {  	s3 =	sld [smem:$0x3FAA]  }
0x31: {  	[smem:$0x3FB3] =	sst s10  }
0x32: {  	s10 =	sld [smem:$0x3FB1];
	_ =	sdelay $0x3  }
0x33: {  	p0 =	seq.s32 s10, $0x1;
	s10 =	sld [smem:$0x3FB3];
	_ =	sdelay $0x3  }
0x34: {  	[smem:$0x3FB3] =	sst s10  }
0x35: {  	s10 =	sld [smem:$0x3FB2];
	_ =	sdelay $0x3  }
0x36: {  	p1 =	seq.s32 s10, $0x1;
	s10 =	sld [smem:$0x3FB3];
	_ =	sdelay $0x3  }
0x37: {  	[smem:$0x3FB3] =	sst s10  }
0x38: {  	s10 =	sld [smem:$0x3FB4]  }
0x39: {  	_ = 	snop;
	(pc) =	sbr.ind lr, $3  }
0x3a: {  	_ = 	snop  }
0x3b: {  	_ = 	snop  }
0x3c: {  	p2 =	seq.s32 s10, $0x1;
	s10 =	sld [smem:$0x3FB3]  }
0x3d: {  	_ =	shalt  }
0x3e: {  	_ =	shalt  }
0x3f: {  	_ =	shalt  }
0x40: {  	_ =	shalt  }
0x41: {  	_ =	shalt  }
0x42: {  	_ =	shalt  }
0x43: {  	_ =	shalt  }
0x44: {  	_ =	shalt  }
0x45: {  	_ =	shalt  }
0x46: {  	_ =	shalt  }
0x47: {  	_ =	shalt  }
0x48: {  	_ =	shalt  }
0x49: {  	_ =	shalt  }
0x4a: {  	_ =	shalt  }
0x4b: {  	_ =	shalt  }
0x4c: {  	_ =	shalt  }
0x4d: {  	_ =	shalt  }
0x4e: {  	_ =	shalt  }
0x4f: {  	_ =	shalt  }
0x50: {  	_ =	shalt  }
0x51: {  	_ =	shalt  }
0x52: {  	_ =	shalt  }
0x53: {  	_ =	shalt  }
0x54: {  	_ =	shalt  }
0x55: {  	_ =	shalt  }
0x56: {  	_ =	shalt  }
0x57: {  	_ =	shalt  }
0x58: {  	_ =	shalt  }
0x59: {  	_ =	shalt  }
0x5a: {  	_ =	shalt  }
0x5b: {  	_ =	shalt  }
0x5c: {  	_ =	shalt  }
0x5d: {  	_ =	shalt  }
0x5e: {  	_ =	shalt  }
0x5f: {  	_ =	shalt  }
0x60: {  	_ =	shalt  }
0x61: {  	_ =	shalt  }
0x62: {  	_ =	shalt  }
0x63: {  	_ =	shalt  }
0x64: {  	_ =	shalt  }
0x65: {  	_ =	shalt  }
0x66: {  	_ =	shalt  }
0x67: {  	_ =	shalt  }
0x68: {  	_ =	shalt  }
0x69: {  	_ =	shalt  }
0x6a: {  	_ =	shalt  }
0x6b: {  	_ =	shalt  }
0x6c: {  	_ =	shalt  }
0x6d: {  	_ =	shalt  }
0x6e: {  	_ =	shalt  }
0x6f: {  	_ =	shalt  }
0x70: {  	_ =	shalt  }
0x71: {  	_ =	shalt  }
0x72: {  	_ =	shalt  }
0x73: {  	_ =	shalt  }
0x74: {  	_ =	shalt  }
0x75: {  	_ =	shalt  }
0x76: {  	_ =	shalt  }
0x77: {  	_ =	shalt  }
0x78: {  	_ =	shalt  }
0x79: {  	_ =	shalt  }
0x7a: {  	_ =	shalt  }
0x7b: {  	_ =	shalt  }
0x7c: {  	_ =	shalt  }
0x7d: {  	_ =	shalt  }
0x7e: {  	_ =	shalt  }
0x7f: {  	_ =	shalt  }
0x80: {  	_ =	shalt  }
0x81: {  	_ =	shalt  }
0x82: {  	_ =	shalt  }
0x83: {  	_ =	shalt  }
0x84: {  	_ =	shalt  }
0x85: {  	_ =	shalt  }
0x86: {  	_ =	shalt  }
0x87: {  	_ =	shalt  }
.Lfunc_end0:
.L_simem_size_0:
called_computation_lowered:
.L_overlay_start_0:
0x88: {  	s2 =	sld [smem:$0x3FD9]  }
0x89: {  	s3 =	sld [smem:$0x3FFE];
	_ =	sdelay $0x1  }
0x8a: {  	s1 =	srdreg.scid  }
0x8b: {  	s0 =	sand.u32 $0x1, s1  }
0x8c: {  	s16 =	sshll.u32 s0, $0xA;
	s2 =	sadd.s32 s3, s2  }
0x8d: {  	s2 =	sadd.s32 s2, s16  }
0x8e: {  	[smem:$0x3FBF] =	sst s2  }
0x8f: {  	_ = 	snop  }
0x90: {  	(tm) =	ssettm $0x1  }
0x91: {  	s17 =	sld [smem:$0x3FFB];
	_ =	sdelay $0x3  }
0x92: {  	_ =	strace s17  }
0x93: {  	s2 =	sld [smem:$0x3FFC];
	_ =	sdelay $0x3  }
0x94: {  	_ =	strace s2  }
0x95: {  	s2 =	sld [smem:$0x3FFD];
	_ =	sdelay $0x3  }
0x96: {  	_ =	strace s2  }
0x97: {  	_ =	strace $0x8FFFFFFF  }
0x98: {  	s18 =	sld [smem:$0x3FDB];
	_ =	sdelay $0x1  }
0x99: {  	s19 =	simm.s32 $_scs_section_size  }
0x9a: {  	s4 =	simm.s32 $_size__tile_overlayer_lowered;
	s5 =	simm.s32 $_tile_overlayer_lowered  }
0x9b: {  	s22 =	simm.s32 $0x1BFF;
	s21 =	sshll.u32 s5, $0x1;
	s2 =	sadd.s32 s19, s18  }
0x9c: {  	s6 =	simm.s32 $0x0;
	s20 =	sshll.u32 s4, $0x1;
	s4 =	sadd.s32 s21, s2  }
0x9d: {  	[timem:s6], [sflag:s22] =	dma.local [hbm:s4], s20  }
0x9e: {  	_ =	swait.ge [sflag:s22], s20  }
0x9f: {  	s3 =	ssub.s32 $0x0, s20;
	[sflag:s22] =	ssyncset.done $0x0  }
0xa0: {  	[sflag:s22] =	ssyncadd.s32 s3;
	_ =	sdelay $0x1  }
0xa1: {  	s23 =	simm.s32 $0x1B8B  }
0xa2: {  	_ =	swait.ge [sflag:s23], $0x1  }
0xa3: {  	[sflag:s23] =	ssyncset.done $0x0  }
0xa4: {  	s25 =	simm.s32 $0x1B8E;
	s24 =	sld [smem:$0x3FFE];
	[sflag:s23] =	ssyncadd.s32 $0xFFFFFFFF  }
0xa5: {  	s26 =	simm.s32 $execute0_lowered;
	[smem:$0x3FD2] =	sst s25  }
0xa6: {  	s4 =	sshll.u32 s26, $0x1;
	_ =	strace $0x80000046;
	[dreg:$0x1] =	wrdreg $0xFFFFFFFF  }
0xa7: {  	s28 =	simm.s32 $_size_execute0_lowered;
	s2 =	sadd.s32 s2, s4;
	[dreg:$0x0] =	wrdreg $0x0  }
0xa8: {  	s4 =	sshll.u32 s28, $0x1;
	[dreg:$0x2] =	wrdreg s2  }
0xa9: {  	[dreg:$0x3] =	wrdreg s4  }
0xaa: {  	[dreg:$0x4] =	wrdreg $0xC0  }
0xab: {  	_ =	task [dreg:s6], $0x5FFFF  }
0xac: {  	[dreg:$0x1] =	wrdreg $0xFFFFFFFF  }
0xad: {  	[dreg:$0x0] =	wrdreg $0x60  }
0xae: {  	[dreg:$0x2] =	wrdreg s24  }
0xaf: {  	[dreg:$0x3] =	wrdreg $0x68000  }
0xb0: {  	[dreg:$0x4] =	wrdreg $0x9  }
0xb1: {  	_ =	task.clear_ibuf [dreg:s6], $0x5FFFF;
	_ =	strace $0x90000046  }
0xb2: {  	s29 =	simm.s32 $0x9;
	_ =	strace $0x80000048  }
0xb3: {  	_ =	swait.ge [sflag:s29], $0x1  }
0xb4: {  	[sflag:s29] =	ssyncadd.s32 $0xFFFFFFFF  }
0xb5: {  	_ =	strace $0x90000048  }
0xb6: {  	_ =	sfence  }
0xb7: {  	s30 =	sld [smem:$0x0];
	_ =	sdelay $0x2  }
0xb8: {  	s31 =	sshll.u32 s1, $0xD;
	s1 =	sshrl.u32 s1, $0x2  }
0xb9: {  	s3 =	sand.u32 $0x4000, s31;
	s1 =	sadd.s32 s1, s30  }
0xba: {  	s0 =	sor.u32 s3, s0;
	s1 =	sshll.u32 s1, $0x11  }
0xbb: {  	s0 =	sor.u32 s1, s0  }
0xbc: {  	s0 =	sadd.s32 $0x8F2B, s0  }
0xbd: {  	[sflag:s0] =	ssyncadd.remote.s32 $0x1  }
0xbe: {  	_ =	sfence.sel $0xFFFF  }
0xbf: {  	[dreg:$0x0] =	wrdreg $0xFFFFFFFF;
	(pc) =	sbr.abs _section_cstart, $3  }
0xc0: {  	[dreg:$0x1] =	wrdreg $0xFFFFFFFF  }
0xc1: {  	_ =	task.clear_ibuf [dreg:s6], $0x2FFFF;
	_ =	strace $0x9FFFFFFF  }
0xc2: {  	(tm) =	ssettm $0x7FFFFFFF  }
0xc3: {  	_ =	shalt  }
tec
execute0_lowered:
.L_overlay_start_1:
0x0: {  	(tag) =	ssettag $0x1  }
0x1: {  	s1 =	stileid.u32  }
0x2: {  	s5 =	rddreg [dreg:$0x0];
	s4 =	smul.u32 $0x500, s1  }
0x3: {  	s6 =	srdreg.scid;
	s7 =	smul.u32 $0x13C00, s1  }
0x4: {  	s2 =	rddreg [dreg:$0x1];
	s9 =	sand.u32 $0x1, s6;
	s11 =	smul.u32 $0x4F000, s1  }
0x5: {  	s0 =	rddreg [dreg:$0x2];
	s3 =	simm.s32 $0x0;
	s6 =	smul.u32 $0x13C000, s9  }
0x6: {  	s16 =	simm.s32 $0x0;
	[smem:$0x7FF] =	sst s3;
	s28 =	smul.u32 $0x27, s9  }
0x7: {  	s31 =	sshll.u32 s1, $0x6;
	_ =	strace $0x80000047;
	s29 =	smul.u32 $0x28, s9  }
0x8: {  	s24 =	ssub.s32 $0x2, s9;
	s30 =	smul.u32 $0x5000, s9;
	s9 =	ssub.s32 $0x28, s9  }
0x9: {  	s8 =	sadd.s32 s4, s5;
	s4 =	sadd.s32 $0x9000, s5;
	s10 =	sshrl.u32 s7, $0x3  }
0xa: {  	s25 =	sshrl.u32 s24, $0x1;
	s26 =	sshrl.u32 s11, $0x2;
	s11 =	simm.s32 $0x1  }
0xb: {  	s6 =	sadd.s32 s7, s6;
	s10 =	sadd.s32 s10, s5;
	s13 =	ssub.s32 s24, s25  }
.Ltmp0:
0xc: {  	s14 =	sadd.s32 s26, s2;
	s15 =	sadd.s32 $0x28, s28;
	(pc) =	sbr.rel .LBB2_1-.Ltmp0, $4  }
0xd: {  	s6 =	sshrl.u32 s6, $0x3;
	p0 =	sge.u32 s29, s15;
	s14 =	sshrl.u32 s14, $0x3  }
0xe: {  	s15 =	simm.s32 $0x80;
	s12 =	sadd.s32 s6, s5;
	s5 =	sadd.s32 $0x4000, s8  }
0xf: {  	s6 =	sadd.s32 $0x9800, s10;
	s8 =	smax.u32 s13, $0x1;
	s10 =	sshrl.u32 s30, $0x2  }
0x10: {  	s13 =	sor.u32 $0x1C01, s31;
	s7 =	sadd.s32 $0x31000, s12;
	s12 =	simm.s32 $0x2800  }
.LBB2_4:
0x11: {  	[sflag:s11] =	ssyncadd.s32 $0xFFFFC000  }
.LBB2_5:
0x12: {  	s16 =	sadd.s32 $0x1, s16  }
0x13: {  	p1 =	sne.s32 s16, s8  }
.Ltmp1:
0x14: {  	[bflag:$0x0] =	sbarrier.arrive $0xFFFF;
	(pc) =	sbr.rel @!p1 .LBB2_6-.Ltmp1, $4  }
0x15: {  	[hbm:s7], [sflag:s13] =	dma.local [spmem:s14], $0x2780  }
0x16: {  	_ =	swait.ge [sflag:s11], $0x2780  }
0x17: {  	[sflag:s11] =	ssyncset.done $0x0  }
0x18: {  	[sflag:s11] =	ssyncadd.s32 $0xFFFFD880  }
.LBB2_1:
0x19: {  	[tilespmem:s3], [sflag:$0x1] =	stream.linear.gather [hbm4b:s5+s3], $0x2780, $0x38;
	[tilespmem:$0x1A400] =	vst v63  }
0x1a: {  	_ =	swait.ge [sflag:s11], $0x2780  }
0x1b: {  	[sflag:s11] =	ssyncset.done $0x0  }
0x1c: {  	[sflag:s11] =	ssyncadd.s32 $0xFFFFD880  }
0x1d: {  	[tilespmem:s12], [sflag:$0x1] =	stream.linear.gather [hbm4b:s4+s3], $0x4000, $0x38;
	[tilespmem:$0x1A400] =	vst v63  }
0x1e: {  	_ =	swait.ge [sflag:s11], $0x4000  }
0x1f: {  	[sflag:s11] =	ssyncset.done $0x0  }
0x20: {  	[sflag:s11] =	ssyncadd.s32 $0xFFFFC000  }
0x21: {  	[spmem:s14], [sflag:s13] =	dma.local [hbm:s6], $0x2780  }
.Ltmp2:
0x22: {  	_ =	swait.ge [sflag:s11], $0x2780;
	(pc) =	sbr.rel @p0 .LBB2_5-.Ltmp2, $3  }
0x23: {  	[sflag:s11] =	ssyncset.done $0x0  }
0x24: {  	[sflag:s11] =	ssyncadd.s32 $0xFFFFD880  }
0x25: {  	[bflag:$0x0] =	sbarrier.arrive $0xFFFF;
	_ =	sdelay $0x1  }
0x26: {  	p1 =	sne.s32 s9, $0x1  }
.Ltmp3:
0x27: {  	_ = 	snop;
	(pc) =	sbr.rel @!p1 .LBB2_4-.Ltmp3, $4  }
0x28: {  	_ = 	snop  }
0x29: {  	[spmem:s2] =	stream.indirect.scatter.add.f32 [tilespmem:s12], [sflag:$0x1], $0x80, s10, s15, $0xb8;
	[tilespmem:$0x1A400] =	vst v63  }
0x2a: {  	_ =	swait.ge [sflag:s11], $0x4000  }
0x2b: {  	s17 =	sadd.s32 $0xFFFFFFFF, s9;
	s18 =	smov.u32 s10;
	[sflag:s11] =	ssyncset.done $0x0  }
.LBB2_3:
0x2c: {  	p1 =	sne.s32 s17, $0x1;
	[sflag:s11] =	ssyncadd.s32 $0xFFFFC000;
	s18 =	sadd.s32 $0x80, s18  }
.Ltmp4:
0x2d: {  	s17 =	sadd.s32 $0xFFFFFFFF, s17;
	(pc) =	sbr.rel @p1 .LBB2_3-.Ltmp4, $4  }
0x2e: {  	_ = 	snop  }
0x2f: {  	[spmem:s2] =	stream.indirect.scatter.add.f32 [tilespmem:s12], [sflag:$0x1], $0x80, s18, s15, $0xb8;
	[tilespmem:$0x1A400] =	vst v63  }
0x30: {  	_ =	swait.ge [sflag:s11], $0x4000  }
0x31: {  	[sflag:s11] =	ssyncset.done $0x0  }
.Ltmp5:
0x32: {  	_ = 	snop;
	(pc) =	sbr.rel .LBB2_4-.Ltmp5, $1  }
0x33: {  	_ =	sdelay $0x3  }
.LBB2_6:
0x34: {  	_ =	sfence.sel $0x180000  }
0x35: {  	[bflag:$0x0] =	sbarrier.arrive $0xFFFF  }
0x36: {  	p0 =	sne.s32 s1, $0x0;
	_ =	strace $0x90000047  }
0x37: {  	s0 =	sadd.s32 @!p0 $0x100000, s0;
	[bflag:$0x2] =	sbarrier.arrive $0xFFFF  }
0x38: {  	[sflag:s0] =	ssyncadd.tile.s32 @!p0 $0x1;
	_ =	shalt  }
.Lfunc_end2:
_tile_overlayer_lowered:
.L_overlay_start_2:
0x39: {  	(tag) =	ssettag $0x2  }
0x3a: {  	s0 =	rddreg [dreg:$0x0];
	s2 =	stileid.u32  }
0x3b: {  	s1 =	rddreg [dreg:$0x1];
	p0 =	sne.s32 s2, $0x0  }
0x3c: {  	s3 =	rddreg [dreg:$0x2];
	[bflag:$0x3] =	sbarrier.arrive $0xFFFF;
	s2 =	simm.s32 @!p0 $0x1C01  }
0x3d: {  	[timem:s3], [sflag:s2] =	dma.local @!p0 [hbm:s0], s1  }
0x3e: {  	s0 =	simm.s32 @!p0 $0x1  }
0x3f: {  	_ =	swait.ge @!p0 [sflag:s0], s1  }
0x40: {  	s1 =	ssub.s32 @!p0 $0x0, s1;
	[sflag:s0] =	ssyncset.done @!p0 $0x0  }
0x41: {  	[sflag:s0] =	ssyncadd.s32 @!p0 s1  }
0x42: {  	[bflag:$0x3] =	sbarrier.arrive $0xFFFF  }
0x43: {  	_ =	shalt  }

// kernel: kernel.19.cloned.1.call-start
scs
__scs_entry_jumppad:
0x0: {  	(pc) =	sbr.rel $0x88, $3  }
0x1: {  	(tag) =	ssettag $0x0;
	lr =	simm.s32 $0x1  }
0x2: {  	[smem:$0x3F98] =	sst lr;
	_ =	strace $0xD0000000  }
0x3: {  	_ = 	snop  }
0x4: {  	_ = 	snop  }
0x5: {  	_ = 	snop  }
0x6: {  	_ = 	snop  }
0x7: {  	_ = 	snop  }
__scs_overlays_trampoline_lowered:
0x8: {  	[smem:$0x3FA7] =	sst s0  }
0x9: {  	[smem:$0x3FA8] =	sst s1  }
0xa: {  	[smem:$0x3FA9] =	sst s2  }
0xb: {  	[smem:$0x3FAA] =	sst s3  }
0xc: {  	[smem:$0x3FAB] =	sst s4  }
0xd: {  	[smem:$0x3FAC] =	sst s5  }
0xe: {  	[smem:$0x3FAD] =	sst s6  }
0xf: {  	[smem:$0x3FAE] =	sst s7  }
0x10: {  	[smem:$0x3FAF] =	sst s8  }
0x11: {  	[smem:$0x3FB0] =	sst s9;
	s0 =	simm.s32 @!p0 $0x0  }
0x12: {  	s1 =	sld [smem:$0x3F96];
	s0 =	simm.s32 @p0 $0x1  }
0x13: {  	[smem:$0x3FB1] =	sst s0;
	s0 =	simm.s32 @!p1 $0x0  }
0x14: {  	s2 =	sld [smem:$0x3F95];
	s0 =	simm.s32 @p1 $0x1  }
0x15: {  	[smem:$0x3FB2] =	sst s0;
	s0 =	simm.s32 @!p2 $0x0  }
0x16: {  	s3 =	sld [smem:$0x3FDB];
	s0 =	simm.s32 @p2 $0x1  }
0x17: {  	s4 =	simm.s32 $0x1BF5;
	[smem:$0x3FB4] =	sst s0  }
0x18: {  	s0 =	sld [smem:$0x3F97];
	_ =	swait.ge [sflag:s4], $0x0  }
0x19: {  	s7 =	sld [smem:$0x3F98]  }
0x1a: {  	s8 =	sadd.s32 $0xFFFFE003, lr  }
0x1b: {  	s9 =	sadd.s32 $0xFFFFFEF7, lr;
	s5 =	simm.s32 $0xFFFFFFFF;
	p2 =	slt.u32 s8, $0xFFFFF086  }
0x1c: {  	p1 =	slt.u32 s9, $0xF7A;
	s5 =	simm.s32 @!p2 $0x0  }
0x1d: {  	s5 =	simm.s32 @p1 $0x1;
	p0 =	seq.s32 s7, s2  }
0x1e: {  	s7 =	smul.u32 @!p0 $0xF7A, s2;
	p2 =	seq.s32 @!p0 s5, $0x0  }
0x1f: {  	s9 =	smul.u32 $0xF7A, s1;
	s8 =	simm.s32 @!p0 $0x1BF5;
	p2 =	por !p2, p0  }
0x20: {  	[sflag:s8] =	ssyncset.s32 @!p0 $0xFFFFF086;
	s6 =	sadd.s32 @!p0 s3, s7;
	s7 =	simm.s32 @!p0 $0x108  }
0x21: {  	s3 =	sadd.s32 s3, s9;
	s6 =	sadd.s32 @!p0 $0x88, s6;
	s7 =	simm.s32 @p2 $0x1082  }
0x22: {  	[simem:s7], [sflag:s8] =	dma.local @!p0 [hbm:s6], $0xF7A  }
0x23: {  	s9 =	sor.u32 $0xD0000000, s2;
	s6 =	simm.s32 $0x108;
	_ =	swait.ge @!p0 [sflag:s8], $0x0  }
0x24: {  	s3 =	sadd.s32 $0x88, s3;
	s6 =	simm.s32 @!p1 $0x1082;
	[sflag:s4] =	ssyncset.s32 $0xFFFFF086  }
0x25: {  	[simem:s6], [sflag:s4] =	dma.local [hbm:s3], $0xF7A  }
0x26: {  	[smem:$0x3F98] =	sst s1;
	(tag) =	ssettag s2;
	_ =	strace s9  }
0x27: {  	s1 =	sld [smem:$0x3FA8]  }
0x28: {  	s2 =	sld [smem:$0x3FA9]  }
0x29: {  	s4 =	sld [smem:$0x3FAB]  }
0x2a: {  	p0 =	seq.s32 s5, $0x0;
	s5 =	sld [smem:$0x3FAC]  }
0x2b: {  	s6 =	sld [smem:$0x3FAD]  }
0x2c: {  	s7 =	sld [smem:$0x3FAE]  }
0x2d: {  	s3 =	simm.s32 $0x108;
	s8 =	sld [smem:$0x3FAF]  }
0x2e: {  	s3 =	simm.s32 @!p0 $0x1082;
	s9 =	sld [smem:$0x3FB0]  }
0x2f: {  	lr =	sadd.s32 s0, s3;
	s0 =	sld [smem:$0x3FA7]  }
0x30: {  	s3 =	sld [smem:$0x3FAA]  }
0x31: {  	[smem:$0x3FB3] =	sst s10  }
0x32: {  	s10 =	sld [smem:$0x3FB1];
	_ =	sdelay $0x3  }
0x33: {  	p0 =	seq.s32 s10, $0x1;
	s10 =	sld [smem:$0x3FB3];
	_ =	sdelay $0x3  }
0x34: {  	[smem:$0x3FB3] =	sst s10  }
0x35: {  	s10 =	sld [smem:$0x3FB2];
	_ =	sdelay $0x3  }
0x36: {  	p1 =	seq.s32 s10, $0x1;
	s10 =	sld [smem:$0x3FB3];
	_ =	sdelay $0x3  }
0x37: {  	[smem:$0x3FB3] =	sst s10  }
0x38: {  	s10 =	sld [smem:$0x3FB4]  }
0x39: {  	_ = 	snop;
	(pc) =	sbr.ind lr, $3  }
0x3a: {  	_ = 	snop  }
0x3b: {  	_ = 	snop  }
0x3c: {  	p2 =	seq.s32 s10, $0x1;
	s10 =	sld [smem:$0x3FB3]  }
0x3d: {  	_ =	shalt  }
0x3e: {  	_ =	shalt  }
0x3f: {  	_ =	shalt  }
0x40: {  	_ =	shalt  }
0x41: {  	_ =	shalt  }
0x42: {  	_ =	shalt  }
0x43: {  	_ =	shalt  }
0x44: {  	_ =	shalt  }
0x45: {  	_ =	shalt  }
0x46: {  	_ =	shalt  }
0x47: {  	_ =	shalt  }
0x48: {  	_ =	shalt  }
0x49: {  	_ =	shalt  }
0x4a: {  	_ =	shalt  }
0x4b: {  	_ =	shalt  }
0x4c: {  	_ =	shalt  }
0x4d: {  	_ =	shalt  }
0x4e: {  	_ =	shalt  }
0x4f: {  	_ =	shalt  }
0x50: {  	_ =	shalt  }
0x51: {  	_ =	shalt  }
0x52: {  	_ =	shalt  }
0x53: {  	_ =	shalt  }
0x54: {  	_ =	shalt  }
0x55: {  	_ =	shalt  }
0x56: {  	_ =	shalt  }
0x57: {  	_ =	shalt  }
0x58: {  	_ =	shalt  }
0x59: {  	_ =	shalt  }
0x5a: {  	_ =	shalt  }
0x5b: {  	_ =	shalt  }
0x5c: {  	_ =	shalt  }
0x5d: {  	_ =	shalt  }
0x5e: {  	_ =	shalt  }
0x5f: {  	_ =	shalt  }
0x60: {  	_ =	shalt  }
0x61: {  	_ =	shalt  }
0x62: {  	_ =	shalt  }
0x63: {  	_ =	shalt  }
0x64: {  	_ =	shalt  }
0x65: {  	_ =	shalt  }
0x66: {  	_ =	shalt  }
0x67: {  	_ =	shalt  }
0x68: {  	_ =	shalt  }
0x69: {  	_ =	shalt  }
0x6a: {  	_ =	shalt  }
0x6b: {  	_ =	shalt  }
0x6c: {  	_ =	shalt  }
0x6d: {  	_ =	shalt  }
0x6e: {  	_ =	shalt  }
0x6f: {  	_ =	shalt  }
0x70: {  	_ =	shalt  }
0x71: {  	_ =	shalt  }
0x72: {  	_ =	shalt  }
0x73: {  	_ =	shalt  }
0x74: {  	_ =	shalt  }
0x75: {  	_ =	shalt  }
0x76: {  	_ =	shalt  }
0x77: {  	_ =	shalt  }
0x78: {  	_ =	shalt  }
0x79: {  	_ =	shalt  }
0x7a: {  	_ =	shalt  }
0x7b: {  	_ =	shalt  }
0x7c: {  	_ =	shalt  }
0x7d: {  	_ =	shalt  }
0x7e: {  	_ =	shalt  }
0x7f: {  	_ =	shalt  }
0x80: {  	_ =	shalt  }
0x81: {  	_ =	shalt  }
0x82: {  	_ =	shalt  }
0x83: {  	_ =	shalt  }
0x84: {  	_ =	shalt  }
0x85: {  	_ =	shalt  }
0x86: {  	_ =	shalt  }
0x87: {  	_ =	shalt  }
.Lfunc_end0:
.L_simem_size_0:
called_computation.1_lowered:
.L_overlay_start_0:
0x88: {  	s2 =	sld [smem:$0x3FD9]  }
0x89: {  	s3 =	sld [smem:$0x3FFE];
	_ =	sdelay $0x1  }
0x8a: {  	s1 =	srdreg.scid  }
0x8b: {  	s0 =	sand.u32 $0x1, s1  }
0x8c: {  	s16 =	sshll.u32 s0, $0xA;
	s2 =	sadd.s32 s3, s2  }
0x8d: {  	s2 =	sadd.s32 s2, s16  }
0x8e: {  	[smem:$0x3FBF] =	sst s2  }
0x8f: {  	_ = 	snop  }
0x90: {  	(tm) =	ssettm $0x1  }
0x91: {  	s17 =	sld [smem:$0x3FFB];
	_ =	sdelay $0x3  }
0x92: {  	_ =	strace s17  }
0x93: {  	s2 =	sld [smem:$0x3FFC];
	_ =	sdelay $0x3  }
0x94: {  	_ =	strace s2  }
0x95: {  	s2 =	sld [smem:$0x3FFD];
	_ =	sdelay $0x3  }
0x96: {  	_ =	strace s2  }
0x97: {  	_ =	strace $0x8FFFFFFF  }
0x98: {  	s18 =	sld [smem:$0x3FDB];
	_ =	sdelay $0x1  }
0x99: {  	s19 =	simm.s32 $_scs_section_size  }
0x9a: {  	s4 =	simm.s32 $_size__tile_overlayer_lowered;
	s5 =	simm.s32 $_tile_overlayer_lowered  }
0x9b: {  	s22 =	simm.s32 $0x1BFF;
	s21 =	sshll.u32 s5, $0x1;
	s2 =	sadd.s32 s19, s18  }
0x9c: {  	s6 =	simm.s32 $0x0;
	s20 =	sshll.u32 s4, $0x1;
	s4 =	sadd.s32 s21, s2  }
0x9d: {  	[timem:s6], [sflag:s22] =	dma.local [hbm:s4], s20  }
0x9e: {  	_ =	swait.ge [sflag:s22], s20  }
0x9f: {  	s3 =	ssub.s32 $0x0, s20;
	[sflag:s22] =	ssyncset.done $0x0  }
0xa0: {  	[sflag:s22] =	ssyncadd.s32 s3;
	_ =	sdelay $0x1  }
0xa1: {  	s23 =	simm.s32 $0x1B8B  }
0xa2: {  	_ =	swait.ge [sflag:s23], $0x1  }
0xa3: {  	[sflag:s23] =	ssyncset.done $0x0  }
0xa4: {  	s25 =	simm.s32 $0x1B8E;
	s24 =	sld [smem:$0x3FFE];
	[sflag:s23] =	ssyncadd.s32 $0xFFFFFFFF  }
0xa5: {  	s26 =	simm.s32 $execute0_lowered;
	[smem:$0x3FD2] =	sst s25  }
0xa6: {  	s4 =	sshll.u32 s26, $0x1;
	_ =	strace $0x80000049;
	[dreg:$0x1] =	wrdreg $0xFFFFFFFF  }
0xa7: {  	s28 =	simm.s32 $_size_execute0_lowered;
	s2 =	sadd.s32 s2, s4;
	[dreg:$0x0] =	wrdreg $0x0  }
0xa8: {  	s4 =	sshll.u32 s28, $0x1;
	[dreg:$0x2] =	wrdreg s2  }
0xa9: {  	[dreg:$0x3] =	wrdreg s4  }
0xaa: {  	[dreg:$0x4] =	wrdreg $0xC0  }
0xab: {  	_ =	task [dreg:s6], $0x5FFFF  }
0xac: {  	[dreg:$0x1] =	wrdreg $0xFFFFFFFF  }
0xad: {  	[dreg:$0x0] =	wrdreg $0x60  }
0xae: {  	[dreg:$0x2] =	wrdreg s24  }
0xaf: {  	[dreg:$0x3] =	wrdreg $0x90000  }
0xb0: {  	[dreg:$0x4] =	wrdreg $0x9  }
0xb1: {  	_ =	task.clear_ibuf [dreg:s6], $0x5FFFF;
	_ =	strace $0x90000049  }
0xb2: {  	s29 =	simm.s32 $0x9;
	_ =	strace $0x8000004B  }
0xb3: {  	_ =	swait.ge [sflag:s29], $0x1  }
0xb4: {  	[sflag:s29] =	ssyncadd.s32 $0xFFFFFFFF  }
0xb5: {  	_ =	strace $0x9000004B  }
0xb6: {  	_ =	sfence  }
0xb7: {  	s30 =	sld [smem:$0x0];
	_ =	sdelay $0x2  }
0xb8: {  	s31 =	sshll.u32 s1, $0xD;
	s1 =	sshrl.u32 s1, $0x2  }
0xb9: {  	s3 =	sand.u32 $0x4000, s31;
	s1 =	sadd.s32 s1, s30  }
0xba: {  	s0 =	sor.u32 s3, s0;
	s1 =	sshll.u32 s1, $0x11  }
0xbb: {  	s0 =	sor.u32 s1, s0  }
0xbc: {  	s0 =	sadd.s32 $0x8F2B, s0  }
0xbd: {  	[sflag:s0] =	ssyncadd.remote.s32 $0x1  }
0xbe: {  	_ =	sfence.sel $0xFFFF  }
0xbf: {  	[dreg:$0x0] =	wrdreg $0xFFFFFFFF;
	(pc) =	sbr.abs _section_cstart, $3  }
0xc0: {  	[dreg:$0x1] =	wrdreg $0xFFFFFFFF  }
0xc1: {  	_ =	task.clear_ibuf [dreg:s6], $0x2FFFF;
	_ =	strace $0x9FFFFFFF  }
0xc2: {  	(tm) =	ssettm $0x7FFFFFFF  }
0xc3: {  	_ =	shalt  }
tec
execute0_lowered:
.L_overlay_start_1:
0x0: {  	(tag) =	ssettag $0x1  }
0x1: {  	s5 =	rddreg [dreg:$0x0]  }
0x2: {  	s2 =	rddreg [dreg:$0x1]  }
0x3: {  	s0 =	rddreg [dreg:$0x2];
	s3 =	simm.s32 $0x0  }
0x4: {  	s1 =	stileid.u32;
	s8 =	srdreg.scid;
	s16 =	simm.s32 $0x4F80  }
0x5: {  	s18 =	simm.s32 $0x1;
	s19 =	simm.s32 $0x0;
	s7 =	smul.u32 $0x500, s1  }
0x6: {  	[smem:$0x7FF] =	sst s3;
	s4 =	sshrl.u32 s1, $0x3;
	s9 =	smul.u32 $0x13C00, s1  }
0x7: {  	s6 =	sshll.u32 s1, $0x7;
	s8 =	sand.u32 $0x1, s8;
	s13 =	smul.u32 $0x4F000, s1  }
0x8: {  	s14 =	sshll.u32 s1, $0x6;
	_ =	strace $0x8000004A;
	s4 =	smul.u32 $0x13C00, s4  }
0x9: {  	s6 =	sand.u32 $0x380, s6;
	s10 =	smul.u32 $0x13C000, s8;
	s30 =	ssub.s32 $0x2, s8  }
0xa: {  	s17 =	smul.u32 $0x2710, s8;
	s14 =	sor.u32 $0x1C02, s14;
	s7 =	sadd.s32 s7, s5  }
0xb: {  	s11 =	sshrl.u32 s9, $0x3;
	s12 =	sshrl.u32 s30, $0x1;
	s31 =	sshrl.u32 s13, $0x2  }
0xc: {  	s13 =	simm.s32 $0x2780;
	s6 =	sor.u32 s6, s4;
	s4 =	sadd.s32 $0x31000, s5  }
0xd: {  	s11 =	sadd.s32 s11, s5;
	s9 =	sadd.s32 s9, s10;
	s10 =	ssub.s32 s30, s12  }
0xe: {  	s15 =	sadd.s32 s31, s2;
	s12 =	simm.s32 $0x2;
	s6 =	sshrl.u32 s6, $0x3  }
0xf: {  	v0 =	vmov s17;
	s17 =	simm.s32 $0x5000;
	s9 =	sshrl.u32 s9, $0x3;
	s6 =	sadd.s32 s6, s5  }
0x10: {  	s15 =	sshrl.u32 s15, $0x3;
	s9 =	sadd.s32 s9, s5;
	s5 =	sadd.s32 $0x80000, s6  }
0x11: {  	s6 =	sadd.s32 $0x4000, s7;
	s7 =	sadd.s32 $0x9800, s11;
	s8 =	sadd.s32 $0xAC200, s9  }
0x12: {  	s9 =	smax.u32 s10, $0x1;
	s10 =	simm.s32 $0x80;
	s11 =	simm.s32 $0x400  }
.LBB2_1:
0x13: {  	[tilespmem:s3], [sflag:$0x2] =	stream.strided.gather [hbm4b:s5+s10], $0x2780, s11, s10, $0x38;
	[tilespmem:$0x1CC00] =	vst v63  }
0x14: {  	_ =	swait.ge [sflag:s12], $0x2780  }
0x15: {  	[sflag:s12] =	ssyncset.done $0x0  }
0x16: {  	[sflag:s12] =	ssyncadd.s32 $0xFFFFD880  }
0x17: {  	[tilespmem:s13], [sflag:$0x2] =	stream.linear.gather [hbm4b:s6+s3], $0x2780, $0x38;
	[tilespmem:$0x1CC00] =	vst v63  }
0x18: {  	_ =	swait.ge [sflag:s12], $0x2780  }
0x19: {  	[sflag:s12] =	ssyncset.done $0x0  }
0x1a: {  	[sflag:s12] =	ssyncadd.s32 $0xFFFFD880  }
0x1b: {  	[spmem:s15], [sflag:s14] =	dma.local [hbm:s7], $0x2780  }
0x1c: {  	_ =	swait.ge [sflag:s12], $0x2780  }
0x1d: {  	[sflag:s12] =	ssyncset.done $0x0  }
0x1e: {  	[sflag:s12] =	ssyncadd.s32 $0xFFFFD880  }
0x1f: {  	s20 =	simm.s32 $0x0;
	[bflag:$0x0] =	sbarrier.arrive $0xFFFF  }
0x20: {  	v1 =	vld [tilespmem:s20+$0x0];
	_ =	sdelay $0x4  }
0x21: {  	v1 =	vadd.s32 v0, v1  }
0x22: {  	[tilespmem:$0x4F80] =	vst v1  }
0x23: {  	v1 =	vld [tilespmem:s20+$0x10];
	_ =	sdelay $0x4  }
0x24: {  	v1 =	vadd.s32 v0, v1  }
0x25: {  	[tilespmem:$0x4F90] =	vst v1  }
0x26: {  	v1 =	vld [tilespmem:s20+$0x20];
	_ =	sdelay $0x4  }
0x27: {  	v1 =	vadd.s32 v0, v1  }
0x28: {  	[tilespmem:$0x4FA0] =	vst v1  }
0x29: {  	v1 =	vld [tilespmem:s20+$0x30];
	_ =	sdelay $0x4  }
0x2a: {  	v1 =	vadd.s32 v0, v1  }
0x2b: {  	[tilespmem:$0x4FB0] =	vst v1  }
0x2c: {  	v1 =	vld [tilespmem:s20+$0x40];
	_ =	sdelay $0x4  }
0x2d: {  	v1 =	vadd.s32 v0, v1  }
0x2e: {  	[tilespmem:$0x4FC0] =	vst v1  }
0x2f: {  	v1 =	vld [tilespmem:s20+$0x50];
	_ =	sdelay $0x4  }
0x30: {  	v1 =	vadd.s32 v0, v1  }
0x31: {  	[tilespmem:$0x4FD0] =	vst v1  }
0x32: {  	v1 =	vld [tilespmem:s20+$0x60];
	_ =	sdelay $0x4  }
0x33: {  	v1 =	vadd.s32 v0, v1  }
0x34: {  	[tilespmem:$0x4FE0] =	vst v1  }
0x35: {  	v1 =	vld [tilespmem:s20+$0x70];
	_ =	sdelay $0x4  }
0x36: {  	v1 =	vadd.s32 v0, v1  }
0x37: {  	[tilespmem:$0x4FF0] =	vst v1  }
0x38: {  	[tilespmem:s17], [sflag:$0x1] =	stream.indirect.gather [hbm4b:s4+s10], $0x80, s16, s10, $0xb8;
	[tilespmem:$0x1CC00] =	vst v63  }
0x39: {  	_ =	swait.ge [sflag:s18], $0x4000  }
0x3a: {  	[sflag:s18] =	ssyncset.done $0x0  }
0x3b: {  	s31 =	simm.s32 $0x2780;
	[sflag:s18] =	ssyncadd.s32 $0xFFFFC000  }
0x3c: {  	[spmem:s2] =	stream.indirect.scatter.add.f32 [tilespmem:s17], [sflag:$0x2], $0x80, s31, s10, $0xb8;
	[tilespmem:$0x1CC00] =	vst v63  }
0x3d: {  	_ =	swait.ge [sflag:s12], $0x4000  }
0x3e: {  	s23 =	simm.s32 $0x400;
	s20 =	simm.s32 $0x200;
	[sflag:s12] =	ssyncset.done $0x0  }
.LBB2_2:
0x3f: {  	s22 =	sshra.s32 s20, $0x2  }
0x40: {  	[sflag:s12] =	ssyncadd.s32 $0xFFFFC000;
	s20 =	smov.u32 s23;
	s21 =	sadd.s32 $0x200, s23  }
0x41: {  	p0 =	sne.s32 s23, $0x9C00;
	v1 =	vld [tilespmem:s22+$0x0];
	_ =	sdelay $0x4  }
0x42: {  	v1 =	vadd.s32 v0, v1  }
0x43: {  	[tilespmem:$0x4F80] =	vst v1  }
0x44: {  	v1 =	vld [tilespmem:s22+$0x10];
	_ =	sdelay $0x4  }
0x45: {  	v1 =	vadd.s32 v0, v1  }
0x46: {  	[tilespmem:$0x4F90] =	vst v1  }
0x47: {  	v1 =	vld [tilespmem:s22+$0x20];
	_ =	sdelay $0x4  }
0x48: {  	v1 =	vadd.s32 v0, v1  }
0x49: {  	[tilespmem:$0x4FA0] =	vst v1  }
0x4a: {  	v1 =	vld [tilespmem:s22+$0x30];
	_ =	sdelay $0x4  }
0x4b: {  	v1 =	vadd.s32 v0, v1  }
0x4c: {  	[tilespmem:$0x4FB0] =	vst v1  }
0x4d: {  	v1 =	vld [tilespmem:s22+$0x40];
	_ =	sdelay $0x4  }
0x4e: {  	v1 =	vadd.s32 v0, v1  }
0x4f: {  	[tilespmem:$0x4FC0] =	vst v1  }
0x50: {  	v1 =	vld [tilespmem:s22+$0x50];
	_ =	sdelay $0x4  }
0x51: {  	v1 =	vadd.s32 v0, v1  }
0x52: {  	[tilespmem:$0x4FD0] =	vst v1  }
0x53: {  	v1 =	vld [tilespmem:s22+$0x60];
	_ =	sdelay $0x4  }
0x54: {  	v1 =	vadd.s32 v0, v1  }
0x55: {  	[tilespmem:$0x4FE0] =	vst v1  }
0x56: {  	v1 =	vld [tilespmem:s22+$0x70];
	_ =	sdelay $0x4  }
0x57: {  	v1 =	vadd.s32 v0, v1  }
0x58: {  	[tilespmem:$0x4FF0] =	vst v1  }
0x59: {  	[tilespmem:s17], [sflag:$0x1] =	stream.indirect.gather [hbm4b:s4+s10], $0x80, s16, s10, $0xb8;
	[tilespmem:$0x1CC00] =	vst v63  }
0x5a: {  	_ =	swait.ge [sflag:s18], $0x4000  }
.Ltmp0:
0x5b: {  	[sflag:s18] =	ssyncset.done $0x0;
	(pc) =	sbr.rel @p0 .LBB2_2-.Ltmp0, $4  }
0x5c: {  	s22 =	sadd.s32 $0x2780, s22;
	[sflag:s18] =	ssyncadd.s32 $0xFFFFC000  }
0x5d: {  	[spmem:s2] =	stream.indirect.scatter.add.f32 [tilespmem:s17], [sflag:$0x2], $0x80, s22, s10, $0xb8;
	[tilespmem:$0x1CC00] =	vst v63  }
0x5e: {  	_ =	swait.ge [sflag:s12], $0x4000  }
0x5f: {  	s23 =	smov.u32 s21;
	[sflag:s12] =	ssyncset.done $0x0  }
0x60: {  	s20 =	sshra.s32 s20, $0x2;
	[sflag:s12] =	ssyncadd.s32 $0xFFFFC000  }
0x61: {  	v1 =	vld [tilespmem:s20+$0x0];
	_ =	sdelay $0x4  }
0x62: {  	v1 =	vadd.s32 v0, v1  }
0x63: {  	[tilespmem:$0x4F80] =	vst v1  }
0x64: {  	v1 =	vld [tilespmem:s20+$0x10];
	_ =	sdelay $0x4  }
0x65: {  	v1 =	vadd.s32 v0, v1  }
0x66: {  	[tilespmem:$0x4F90] =	vst v1  }
0x67: {  	v1 =	vld [tilespmem:s20+$0x20];
	_ =	sdelay $0x4  }
0x68: {  	v1 =	vadd.s32 v0, v1  }
0x69: {  	[tilespmem:$0x4FA0] =	vst v1  }
0x6a: {  	v1 =	vld [tilespmem:s20+$0x30];
	_ =	sdelay $0x4  }
0x6b: {  	v1 =	vadd.s32 v0, v1  }
0x6c: {  	[tilespmem:$0x4FB0] =	vst v1  }
0x6d: {  	v1 =	vld [tilespmem:s20+$0x40];
	_ =	sdelay $0x4  }
0x6e: {  	v1 =	vadd.s32 v0, v1  }
0x6f: {  	[tilespmem:$0x4FC0] =	vst v1  }
0x70: {  	v1 =	vld [tilespmem:s20+$0x50];
	_ =	sdelay $0x4  }
0x71: {  	v1 =	vadd.s32 v0, v1  }
0x72: {  	[tilespmem:$0x4FD0] =	vst v1  }
0x73: {  	v1 =	vld [tilespmem:s20+$0x60];
	_ =	sdelay $0x4  }
0x74: {  	v1 =	vadd.s32 v0, v1  }
0x75: {  	[tilespmem:$0x4FE0] =	vst v1  }
0x76: {  	v1 =	vld [tilespmem:s20+$0x70];
	_ =	sdelay $0x4  }
0x77: {  	v1 =	vadd.s32 v0, v1  }
0x78: {  	[tilespmem:$0x4FF0] =	vst v1  }
0x79: {  	[tilespmem:s17], [sflag:$0x1] =	stream.indirect.gather [hbm4b:s4+s10], $0x80, s16, s10, $0xb8;
	[tilespmem:$0x1CC00] =	vst v63  }
0x7a: {  	_ =	swait.ge [sflag:s18], $0x4000  }
0x7b: {  	[sflag:s18] =	ssyncset.done $0x0  }
0x7c: {  	s20 =	sadd.s32 $0x2780, s20;
	[sflag:s18] =	ssyncadd.s32 $0xFFFFC000  }
0x7d: {  	[spmem:s2] =	stream.indirect.scatter.add.f32 [tilespmem:s17], [sflag:$0x2], $0x80, s20, s10, $0xb8;
	[tilespmem:$0x1CC00] =	vst v63  }
0x7e: {  	_ =	swait.ge [sflag:s12], $0x4000  }
0x7f: {  	s19 =	sadd.s32 $0x1, s19;
	[sflag:s12] =	ssyncset.done $0x0  }
0x80: {  	p0 =	sne.s32 s19, s9;
	[sflag:s12] =	ssyncadd.s32 $0xFFFFC000  }
.Ltmp1:
0x81: {  	[bflag:$0x0] =	sbarrier.arrive $0xFFFF;
	(pc) =	sbr.rel @p0 .LBB2_1-.Ltmp1, $4  }
0x82: {  	[hbm:s8], [sflag:s14] =	dma.local [spmem:s15], $0x2780  }
0x83: {  	_ =	swait.ge [sflag:s12], $0x2780  }
0x84: {  	[sflag:s12] =	ssyncset.done $0x0  }
0x85: {  	[sflag:s12] =	ssyncadd.s32 $0xFFFFD880  }
0x86: {  	_ =	sfence.sel $0x180000  }
0x87: {  	[bflag:$0x0] =	sbarrier.arrive $0xFFFF  }
0x88: {  	p0 =	sne.s32 s1, $0x0;
	_ =	strace $0x9000004A  }
0x89: {  	s0 =	sadd.s32 @!p0 $0x100000, s0;
	[bflag:$0x2] =	sbarrier.arrive $0xFFFF  }
0x8a: {  	[sflag:s0] =	ssyncadd.tile.s32 @!p0 $0x1;
	_ =	shalt  }
.Lfunc_end2:
_tile_overlayer_lowered:
.L_overlay_start_2:
0x8b: {  	(tag) =	ssettag $0x2  }
0x8c: {  	s0 =	rddreg [dreg:$0x0];
	s2 =	stileid.u32  }
0x8d: {  	s1 =	rddreg [dreg:$0x1];
	p0 =	sne.s32 s2, $0x0  }
0x8e: {  	s3 =	rddreg [dreg:$0x2];
	[bflag:$0x3] =	sbarrier.arrive $0xFFFF;
	s2 =	simm.s32 @!p0 $0x1C02  }
0x8f: {  	[timem:s3], [sflag:s2] =	dma.local @!p0 [hbm:s0], s1  }
0x90: {  	s0 =	simm.s32 @!p0 $0x2  }
0x91: {  	_ =	swait.ge @!p0 [sflag:s0], s1  }
0x92: {  	s1 =	ssub.s32 @!p0 $0x0, s1;
	[sflag:s0] =	ssyncset.done @!p0 $0x0  }
0x93: {  	[sflag:s0] =	ssyncadd.s32 @!p0 s1  }
0x94: {  	[bflag:$0x3] =	sbarrier.arrive $0xFFFF  }
0x95: {  	_ =	shalt  }

// kernel: kernel.22.cloned.1.call-start
scs
__scs_entry_jumppad:
0x0: {  	(pc) =	sbr.rel $0x88, $3  }
0x1: {  	(tag) =	ssettag $0x0;
	lr =	simm.s32 $0x1  }
0x2: {  	[smem:$0x3F98] =	sst lr;
	_ =	strace $0xD0000000  }
0x3: {  	_ = 	snop  }
0x4: {  	_ = 	snop  }
0x5: {  	_ = 	snop  }
0x6: {  	_ = 	snop  }
0x7: {  	_ = 	snop  }
__scs_overlays_trampoline_lowered:
0x8: {  	[smem:$0x3FA7] =	sst s0  }
0x9: {  	[smem:$0x3FA8] =	sst s1  }
0xa: {  	[smem:$0x3FA9] =	sst s2  }
0xb: {  	[smem:$0x3FAA] =	sst s3  }
0xc: {  	[smem:$0x3FAB] =	sst s4  }
0xd: {  	[smem:$0x3FAC] =	sst s5  }
0xe: {  	[smem:$0x3FAD] =	sst s6  }
0xf: {  	[smem:$0x3FAE] =	sst s7  }
0x10: {  	[smem:$0x3FAF] =	sst s8  }
0x11: {  	[smem:$0x3FB0] =	sst s9;
	s0 =	simm.s32 @!p0 $0x0  }
0x12: {  	s1 =	sld [smem:$0x3F96];
	s0 =	simm.s32 @p0 $0x1  }
0x13: {  	[smem:$0x3FB1] =	sst s0;
	s0 =	simm.s32 @!p1 $0x0  }
0x14: {  	s2 =	sld [smem:$0x3F95];
	s0 =	simm.s32 @p1 $0x1  }
0x15: {  	[smem:$0x3FB2] =	sst s0;
	s0 =	simm.s32 @!p2 $0x0  }
0x16: {  	s3 =	sld [smem:$0x3FDB];
	s0 =	simm.s32 @p2 $0x1  }
0x17: {  	s4 =	simm.s32 $0x1BF5;
	[smem:$0x3FB4] =	sst s0  }
0x18: {  	s0 =	sld [smem:$0x3F97];
	_ =	swait.ge [sflag:s4], $0x0  }
0x19: {  	s7 =	sld [smem:$0x3F98]  }
0x1a: {  	s8 =	sadd.s32 $0xFFFFE003, lr  }
0x1b: {  	s9 =	sadd.s32 $0xFFFFFEF7, lr;
	s5 =	simm.s32 $0xFFFFFFFF;
	p2 =	slt.u32 s8, $0xFFFFF086  }
0x1c: {  	p1 =	slt.u32 s9, $0xF7A;
	s5 =	simm.s32 @!p2 $0x0  }
0x1d: {  	s5 =	simm.s32 @p1 $0x1;
	p0 =	seq.s32 s7, s2  }
0x1e: {  	s7 =	smul.u32 @!p0 $0xF7A, s2;
	p2 =	seq.s32 @!p0 s5, $0x0  }
0x1f: {  	s9 =	smul.u32 $0xF7A, s1;
	s8 =	simm.s32 @!p0 $0x1BF5;
	p2 =	por !p2, p0  }
0x20: {  	[sflag:s8] =	ssyncset.s32 @!p0 $0xFFFFF086;
	s6 =	sadd.s32 @!p0 s3, s7;
	s7 =	simm.s32 @!p0 $0x108  }
0x21: {  	s3 =	sadd.s32 s3, s9;
	s6 =	sadd.s32 @!p0 $0x88, s6;
	s7 =	simm.s32 @p2 $0x1082  }
0x22: {  	[simem:s7], [sflag:s8] =	dma.local @!p0 [hbm:s6], $0xF7A  }
0x23: {  	s9 =	sor.u32 $0xD0000000, s2;
	s6 =	simm.s32 $0x108;
	_ =	swait.ge @!p0 [sflag:s8], $0x0  }
0x24: {  	s3 =	sadd.s32 $0x88, s3;
	s6 =	simm.s32 @!p1 $0x1082;
	[sflag:s4] =	ssyncset.s32 $0xFFFFF086  }
0x25: {  	[simem:s6], [sflag:s4] =	dma.local [hbm:s3], $0xF7A  }
0x26: {  	[smem:$0x3F98] =	sst s1;
	(tag) =	ssettag s2;
	_ =	strace s9  }
0x27: {  	s1 =	sld [smem:$0x3FA8]  }
0x28: {  	s2 =	sld [smem:$0x3FA9]  }
0x29: {  	s4 =	sld [smem:$0x3FAB]  }
0x2a: {  	p0 =	seq.s32 s5, $0x0;
	s5 =	sld [smem:$0x3FAC]  }
0x2b: {  	s6 =	sld [smem:$0x3FAD]  }
0x2c: {  	s7 =	sld [smem:$0x3FAE]  }
0x2d: {  	s3 =	simm.s32 $0x108;
	s8 =	sld [smem:$0x3FAF]  }
0x2e: {  	s3 =	simm.s32 @!p0 $0x1082;
	s9 =	sld [smem:$0x3FB0]  }
0x2f: {  	lr =	sadd.s32 s0, s3;
	s0 =	sld [smem:$0x3FA7]  }
0x30: {  	s3 =	sld [smem:$0x3FAA]  }
0x31: {  	[smem:$0x3FB3] =	sst s10  }
0x32: {  	s10 =	sld [smem:$0x3FB1];
	_ =	sdelay $0x3  }
0x33: {  	p0 =	seq.s32 s10, $0x1;
	s10 =	sld [smem:$0x3FB3];
	_ =	sdelay $0x3  }
0x34: {  	[smem:$0x3FB3] =	sst s10  }
0x35: {  	s10 =	sld [smem:$0x3FB2];
	_ =	sdelay $0x3  }
0x36: {  	p1 =	seq.s32 s10, $0x1;
	s10 =	sld [smem:$0x3FB3];
	_ =	sdelay $0x3  }
0x37: {  	[smem:$0x3FB3] =	sst s10  }
0x38: {  	s10 =	sld [smem:$0x3FB4]  }
0x39: {  	_ = 	snop;
	(pc) =	sbr.ind lr, $3  }
0x3a: {  	_ = 	snop  }
0x3b: {  	_ = 	snop  }
0x3c: {  	p2 =	seq.s32 s10, $0x1;
	s10 =	sld [smem:$0x3FB3]  }
0x3d: {  	_ =	shalt  }
0x3e: {  	_ =	shalt  }
0x3f: {  	_ =	shalt  }
0x40: {  	_ =	shalt  }
0x41: {  	_ =	shalt  }
0x42: {  	_ =	shalt  }
0x43: {  	_ =	shalt  }
0x44: {  	_ =	shalt  }
0x45: {  	_ =	shalt  }
0x46: {  	_ =	shalt  }
0x47: {  	_ =	shalt  }
0x48: {  	_ =	shalt  }
0x49: {  	_ =	shalt  }
0x4a: {  	_ =	shalt  }
0x4b: {  	_ =	shalt  }
0x4c: {  	_ =	shalt  }
0x4d: {  	_ =	shalt  }
0x4e: {  	_ =	shalt  }
0x4f: {  	_ =	shalt  }
0x50: {  	_ =	shalt  }
0x51: {  	_ =	shalt  }
0x52: {  	_ =	shalt  }
0x53: {  	_ =	shalt  }
0x54: {  	_ =	shalt  }
0x55: {  	_ =	shalt  }
0x56: {  	_ =	shalt  }
0x57: {  	_ =	shalt  }
0x58: {  	_ =	shalt  }
0x59: {  	_ =	shalt  }
0x5a: {  	_ =	shalt  }
0x5b: {  	_ =	shalt  }
0x5c: {  	_ =	shalt  }
0x5d: {  	_ =	shalt  }
0x5e: {  	_ =	shalt  }
0x5f: {  	_ =	shalt  }
0x60: {  	_ =	shalt  }
0x61: {  	_ =	shalt  }
0x62: {  	_ =	shalt  }
0x63: {  	_ =	shalt  }
0x64: {  	_ =	shalt  }
0x65: {  	_ =	shalt  }
0x66: {  	_ =	shalt  }
0x67: {  	_ =	shalt  }
0x68: {  	_ =	shalt  }
0x69: {  	_ =	shalt  }
0x6a: {  	_ =	shalt  }
0x6b: {  	_ =	shalt  }
0x6c: {  	_ =	shalt  }
0x6d: {  	_ =	shalt  }
0x6e: {  	_ =	shalt  }
0x6f: {  	_ =	shalt  }
0x70: {  	_ =	shalt  }
0x71: {  	_ =	shalt  }
0x72: {  	_ =	shalt  }
0x73: {  	_ =	shalt  }
0x74: {  	_ =	shalt  }
0x75: {  	_ =	shalt  }
0x76: {  	_ =	shalt  }
0x77: {  	_ =	shalt  }
0x78: {  	_ =	shalt  }
0x79: {  	_ =	shalt  }
0x7a: {  	_ =	shalt  }
0x7b: {  	_ =	shalt  }
0x7c: {  	_ =	shalt  }
0x7d: {  	_ =	shalt  }
0x7e: {  	_ =	shalt  }
0x7f: {  	_ =	shalt  }
0x80: {  	_ =	shalt  }
0x81: {  	_ =	shalt  }
0x82: {  	_ =	shalt  }
0x83: {  	_ =	shalt  }
0x84: {  	_ =	shalt  }
0x85: {  	_ =	shalt  }
0x86: {  	_ =	shalt  }
0x87: {  	_ =	shalt  }
.Lfunc_end0:
.L_simem_size_0:
called_computation.2_lowered:
.L_overlay_start_0:
0x88: {  	s2 =	sld [smem:$0x3FD9]  }
0x89: {  	s3 =	sld [smem:$0x3FFE];
	_ =	sdelay $0x1  }
0x8a: {  	s1 =	srdreg.scid  }
0x8b: {  	s0 =	sand.u32 $0x1, s1  }
0x8c: {  	s16 =	sshll.u32 s0, $0xA;
	s2 =	sadd.s32 s3, s2  }
0x8d: {  	s2 =	sadd.s32 s2, s16  }
0x8e: {  	[smem:$0x3FBF] =	sst s2  }
0x8f: {  	_ = 	snop  }
0x90: {  	(tm) =	ssettm $0x1  }
0x91: {  	s17 =	sld [smem:$0x3FFB];
	_ =	sdelay $0x3  }
0x92: {  	_ =	strace s17  }
0x93: {  	s2 =	sld [smem:$0x3FFC];
	_ =	sdelay $0x3  }
0x94: {  	_ =	strace s2  }
0x95: {  	s2 =	sld [smem:$0x3FFD];
	_ =	sdelay $0x3  }
0x96: {  	_ =	strace s2  }
0x97: {  	_ =	strace $0x8FFFFFFF  }
0x98: {  	s18 =	sld [smem:$0x3FDB];
	_ =	sdelay $0x1  }
0x99: {  	s19 =	simm.s32 $_scs_section_size  }
0x9a: {  	s4 =	simm.s32 $_size__tile_overlayer_lowered;
	s5 =	simm.s32 $_tile_overlayer_lowered  }
0x9b: {  	s22 =	simm.s32 $0x1BFF;
	s21 =	sshll.u32 s5, $0x1;
	s2 =	sadd.s32 s19, s18  }
0x9c: {  	s6 =	simm.s32 $0x0;
	s20 =	sshll.u32 s4, $0x1;
	s4 =	sadd.s32 s21, s2  }
0x9d: {  	[timem:s6], [sflag:s22] =	dma.local [hbm:s4], s20  }
0x9e: {  	_ =	swait.ge [sflag:s22], s20  }
0x9f: {  	s3 =	ssub.s32 $0x0, s20;
	[sflag:s22] =	ssyncset.done $0x0  }
0xa0: {  	[sflag:s22] =	ssyncadd.s32 s3;
	_ =	sdelay $0x1  }
0xa1: {  	s23 =	simm.s32 $0x1B8B  }
0xa2: {  	_ =	swait.ge [sflag:s23], $0x1  }
0xa3: {  	[sflag:s23] =	ssyncset.done $0x0  }
0xa4: {  	s25 =	simm.s32 $0x1B8E;
	s24 =	sld [smem:$0x3FFE];
	[sflag:s23] =	ssyncadd.s32 $0xFFFFFFFF  }
0xa5: {  	s26 =	simm.s32 $execute0_lowered;
	[smem:$0x3FD2] =	sst s25  }
0xa6: {  	s4 =	sshll.u32 s26, $0x1;
	_ =	strace $0x8000004C;
	[dreg:$0x1] =	wrdreg $0xFFFFFFFF  }
0xa7: {  	s28 =	simm.s32 $_size_execute0_lowered;
	s2 =	sadd.s32 s2, s4;
	[dreg:$0x0] =	wrdreg $0x0  }
0xa8: {  	s4 =	sshll.u32 s28, $0x1;
	[dreg:$0x2] =	wrdreg s2  }
0xa9: {  	[dreg:$0x3] =	wrdreg s4  }
0xaa: {  	[dreg:$0x4] =	wrdreg $0xC0  }
0xab: {  	_ =	task [dreg:s6], $0x5FFFF  }
0xac: {  	[dreg:$0x1] =	wrdreg $0xFFFFFFFF  }
0xad: {  	[dreg:$0x0] =	wrdreg $0x60  }
0xae: {  	[dreg:$0x2] =	wrdreg s24  }
0xaf: {  	[dreg:$0x3] =	wrdreg $0x90000  }
0xb0: {  	[dreg:$0x4] =	wrdreg $0x9  }
0xb1: {  	_ =	task.clear_ibuf [dreg:s6], $0x5FFFF;
	_ =	strace $0x9000004C  }
0xb2: {  	s29 =	simm.s32 $0x9;
	_ =	strace $0x8000004E  }
0xb3: {  	_ =	swait.ge [sflag:s29], $0x1  }
0xb4: {  	[sflag:s29] =	ssyncadd.s32 $0xFFFFFFFF  }
0xb5: {  	_ =	strace $0x9000004E  }
0xb6: {  	_ =	sfence  }
0xb7: {  	s30 =	sld [smem:$0x0];
	_ =	sdelay $0x2  }
0xb8: {  	s31 =	sshll.u32 s1, $0xD;
	s1 =	sshrl.u32 s1, $0x2  }
0xb9: {  	s3 =	sand.u32 $0x4000, s31;
	s1 =	sadd.s32 s1, s30  }
0xba: {  	s0 =	sor.u32 s3, s0;
	s1 =	sshll.u32 s1, $0x11  }
0xbb: {  	s0 =	sor.u32 s1, s0  }
0xbc: {  	s0 =	sadd.s32 $0x8F2B, s0  }
0xbd: {  	[sflag:s0] =	ssyncadd.remote.s32 $0x1  }
0xbe: {  	_ =	sfence.sel $0xFFFF  }
0xbf: {  	[dreg:$0x0] =	wrdreg $0xFFFFFFFF;
	(pc) =	sbr.abs _section_cstart, $3  }
0xc0: {  	[dreg:$0x1] =	wrdreg $0xFFFFFFFF  }
0xc1: {  	_ =	task.clear_ibuf [dreg:s6], $0x2FFFF;
	_ =	strace $0x9FFFFFFF  }
0xc2: {  	(tm) =	ssettm $0x7FFFFFFF  }
0xc3: {  	_ =	shalt  }
tec
execute0_lowered:
.L_overlay_start_1:
0x0: {  	(tag) =	ssettag $0x1  }
0x1: {  	s5 =	rddreg [dreg:$0x0]  }
0x2: {  	s2 =	rddreg [dreg:$0x1]  }
0x3: {  	s0 =	rddreg [dreg:$0x2];
	s3 =	simm.s32 $0x0  }
0x4: {  	s1 =	stileid.u32;
	s8 =	srdreg.scid;
	s16 =	simm.s32 $0x4F80  }
0x5: {  	s18 =	simm.s32 $0x1;
	s19 =	simm.s32 $0x0;
	s7 =	smul.u32 $0x500, s1  }
0x6: {  	[smem:$0x7FF] =	sst s3;
	s4 =	sshrl.u32 s1, $0x3;
	s9 =	smul.u32 $0x13C00, s1  }
0x7: {  	s6 =	sshll.u32 s1, $0x7;
	s8 =	sand.u32 $0x1, s8;
	s13 =	smul.u32 $0x4F000, s1  }
0x8: {  	s14 =	sshll.u32 s1, $0x6;
	_ =	strace $0x8000004D;
	s4 =	smul.u32 $0x13C00, s4  }
0x9: {  	s6 =	sand.u32 $0x380, s6;
	s10 =	smul.u32 $0x13C000, s8;
	s30 =	ssub.s32 $0x2, s8  }
0xa: {  	s17 =	smul.u32 $0x2710, s8;
	s14 =	sor.u32 $0x1C02, s14;
	s7 =	sadd.s32 s7, s5  }
0xb: {  	s11 =	sshrl.u32 s9, $0x3;
	s12 =	sshrl.u32 s30, $0x1;
	s31 =	sshrl.u32 s13, $0x2  }
0xc: {  	s13 =	simm.s32 $0x2780;
	s6 =	sor.u32 s6, s4;
	s4 =	sadd.s32 $0xAC200, s5  }
0xd: {  	s11 =	sadd.s32 s11, s5;
	s9 =	sadd.s32 s9, s10;
	s10 =	ssub.s32 s30, s12  }
0xe: {  	s15 =	sadd.s32 s31, s2;
	s12 =	simm.s32 $0x2;
	s6 =	sshrl.u32 s6, $0x3  }
0xf: {  	v0 =	vmov s17;
	s17 =	simm.s32 $0x5000;
	s9 =	sshrl.u32 s9, $0x3;
	s6 =	sadd.s32 s6, s5  }
0x10: {  	s15 =	sshrl.u32 s15, $0x3;
	s9 =	sadd.s32 s9, s5;
	s5 =	sadd.s32 $0x80000, s6  }
0x11: {  	s6 =	sadd.s32 $0x4000, s7;
	s7 =	sadd.s32 $0x9800, s11;
	s8 =	sadd.s32 $0xFA400, s9  }
0x12: {  	s9 =	smax.u32 s10, $0x1;
	s10 =	simm.s32 $0x80;
	s11 =	simm.s32 $0x400  }
.LBB2_1:
0x13: {  	[tilespmem:s3], [sflag:$0x2] =	stream.strided.gather [hbm4b:s5+s10], $0x2780, s11, s10, $0x38;
	[tilespmem:$0x1CC00] =	vst v63  }
0x14: {  	_ =	swait.ge [sflag:s12], $0x2780  }
0x15: {  	[sflag:s12] =	ssyncset.done $0x0  }
0x16: {  	[sflag:s12] =	ssyncadd.s32 $0xFFFFD880  }
0x17: {  	[tilespmem:s13], [sflag:$0x2] =	stream.linear.gather [hbm4b:s6+s3], $0x2780, $0x38;
	[tilespmem:$0x1CC00] =	vst v63  }
0x18: {  	_ =	swait.ge [sflag:s12], $0x2780  }
0x19: {  	[sflag:s12] =	ssyncset.done $0x0  }
0x1a: {  	[sflag:s12] =	ssyncadd.s32 $0xFFFFD880  }
0x1b: {  	[spmem:s15], [sflag:s14] =	dma.local [hbm:s7], $0x2780  }
0x1c: {  	_ =	swait.ge [sflag:s12], $0x2780  }
0x1d: {  	[sflag:s12] =	ssyncset.done $0x0  }
0x1e: {  	[sflag:s12] =	ssyncadd.s32 $0xFFFFD880  }
0x1f: {  	s20 =	simm.s32 $0x0;
	[bflag:$0x0] =	sbarrier.arrive $0xFFFF  }
0x20: {  	v1 =	vld [tilespmem:s20+$0x0];
	_ =	sdelay $0x4  }
0x21: {  	v1 =	vadd.s32 v0, v1  }
0x22: {  	[tilespmem:$0x4F80] =	vst v1  }
0x23: {  	v1 =	vld [tilespmem:s20+$0x10];
	_ =	sdelay $0x4  }
0x24: {  	v1 =	vadd.s32 v0, v1  }
0x25: {  	[tilespmem:$0x4F90] =	vst v1  }
0x26: {  	v1 =	vld [tilespmem:s20+$0x20];
	_ =	sdelay $0x4  }
0x27: {  	v1 =	vadd.s32 v0, v1  }
0x28: {  	[tilespmem:$0x4FA0] =	vst v1  }
0x29: {  	v1 =	vld [tilespmem:s20+$0x30];
	_ =	sdelay $0x4  }
0x2a: {  	v1 =	vadd.s32 v0, v1  }
0x2b: {  	[tilespmem:$0x4FB0] =	vst v1  }
0x2c: {  	v1 =	vld [tilespmem:s20+$0x40];
	_ =	sdelay $0x4  }
0x2d: {  	v1 =	vadd.s32 v0, v1  }
0x2e: {  	[tilespmem:$0x4FC0] =	vst v1  }
0x2f: {  	v1 =	vld [tilespmem:s20+$0x50];
	_ =	sdelay $0x4  }
0x30: {  	v1 =	vadd.s32 v0, v1  }
0x31: {  	[tilespmem:$0x4FD0] =	vst v1  }
0x32: {  	v1 =	vld [tilespmem:s20+$0x60];
	_ =	sdelay $0x4  }
0x33: {  	v1 =	vadd.s32 v0, v1  }
0x34: {  	[tilespmem:$0x4FE0] =	vst v1  }
0x35: {  	v1 =	vld [tilespmem:s20+$0x70];
	_ =	sdelay $0x4  }
0x36: {  	v1 =	vadd.s32 v0, v1  }
0x37: {  	[tilespmem:$0x4FF0] =	vst v1  }
0x38: {  	[tilespmem:s17], [sflag:$0x1] =	stream.indirect.gather [hbm4b:s4+s10], $0x80, s16, s10, $0xb8;
	[tilespmem:$0x1CC00] =	vst v63  }
0x39: {  	_ =	swait.ge [sflag:s18], $0x4000  }
0x3a: {  	[sflag:s18] =	ssyncset.done $0x0  }
0x3b: {  	s31 =	simm.s32 $0x2780;
	[sflag:s18] =	ssyncadd.s32 $0xFFFFC000  }
0x3c: {  	[spmem:s2] =	stream.indirect.scatter.add.f32 [tilespmem:s17], [sflag:$0x2], $0x80, s31, s10, $0xb8;
	[tilespmem:$0x1CC00] =	vst v63  }
0x3d: {  	_ =	swait.ge [sflag:s12], $0x4000  }
0x3e: {  	s23 =	simm.s32 $0x400;
	s20 =	simm.s32 $0x200;
	[sflag:s12] =	ssyncset.done $0x0  }
.LBB2_2:
0x3f: {  	s22 =	sshra.s32 s20, $0x2  }
0x40: {  	[sflag:s12] =	ssyncadd.s32 $0xFFFFC000;
	s20 =	smov.u32 s23;
	s21 =	sadd.s32 $0x200, s23  }
0x41: {  	p0 =	sne.s32 s23, $0x9C00;
	v1 =	vld [tilespmem:s22+$0x0];
	_ =	sdelay $0x4  }
0x42: {  	v1 =	vadd.s32 v0, v1  }
0x43: {  	[tilespmem:$0x4F80] =	vst v1  }
0x44: {  	v1 =	vld [tilespmem:s22+$0x10];
	_ =	sdelay $0x4  }
0x45: {  	v1 =	vadd.s32 v0, v1  }
0x46: {  	[tilespmem:$0x4F90] =	vst v1  }
0x47: {  	v1 =	vld [tilespmem:s22+$0x20];
	_ =	sdelay $0x4  }
0x48: {  	v1 =	vadd.s32 v0, v1  }
0x49: {  	[tilespmem:$0x4FA0] =	vst v1  }
0x4a: {  	v1 =	vld [tilespmem:s22+$0x30];
	_ =	sdelay $0x4  }
0x4b: {  	v1 =	vadd.s32 v0, v1  }
0x4c: {  	[tilespmem:$0x4FB0] =	vst v1  }
0x4d: {  	v1 =	vld [tilespmem:s22+$0x40];
	_ =	sdelay $0x4  }
0x4e: {  	v1 =	vadd.s32 v0, v1  }
0x4f: {  	[tilespmem:$0x4FC0] =	vst v1  }
0x50: {  	v1 =	vld [tilespmem:s22+$0x50];
	_ =	sdelay $0x4  }
0x51: {  	v1 =	vadd.s32 v0, v1  }
0x52: {  	[tilespmem:$0x4FD0] =	vst v1  }
0x53: {  	v1 =	vld [tilespmem:s22+$0x60];
	_ =	sdelay $0x4  }
0x54: {  	v1 =	vadd.s32 v0, v1  }
0x55: {  	[tilespmem:$0x4FE0] =	vst v1  }
0x56: {  	v1 =	vld [tilespmem:s22+$0x70];
	_ =	sdelay $0x4  }
0x57: {  	v1 =	vadd.s32 v0, v1  }
0x58: {  	[tilespmem:$0x4FF0] =	vst v1  }
0x59: {  	[tilespmem:s17], [sflag:$0x1] =	stream.indirect.gather [hbm4b:s4+s10], $0x80, s16, s10, $0xb8;
	[tilespmem:$0x1CC00] =	vst v63  }
0x5a: {  	_ =	swait.ge [sflag:s18], $0x4000  }
.Ltmp0:
0x5b: {  	[sflag:s18] =	ssyncset.done $0x0;
	(pc) =	sbr.rel @p0 .LBB2_2-.Ltmp0, $4  }
0x5c: {  	s22 =	sadd.s32 $0x2780, s22;
	[sflag:s18] =	ssyncadd.s32 $0xFFFFC000  }
0x5d: {  	[spmem:s2] =	stream.indirect.scatter.add.f32 [tilespmem:s17], [sflag:$0x2], $0x80, s22, s10, $0xb8;
	[tilespmem:$0x1CC00] =	vst v63  }
0x5e: {  	_ =	swait.ge [sflag:s12], $0x4000  }
0x5f: {  	s23 =	smov.u32 s21;
	[sflag:s12] =	ssyncset.done $0x0  }
0x60: {  	s20 =	sshra.s32 s20, $0x2;
	[sflag:s12] =	ssyncadd.s32 $0xFFFFC000  }
0x61: {  	v1 =	vld [tilespmem:s20+$0x0];
	_ =	sdelay $0x4  }
0x62: {  	v1 =	vadd.s32 v0, v1  }
0x63: {  	[tilespmem:$0x4F80] =	vst v1  }
0x64: {  	v1 =	vld [tilespmem:s20+$0x10];
	_ =	sdelay $0x4  }
0x65: {  	v1 =	vadd.s32 v0, v1  }
0x66: {  	[tilespmem:$0x4F90] =	vst v1  }
0x67: {  	v1 =	vld [tilespmem:s20+$0x20];
	_ =	sdelay $0x4  }
0x68: {  	v1 =	vadd.s32 v0, v1  }
0x69: {  	[tilespmem:$0x4FA0] =	vst v1  }
0x6a: {  	v1 =	vld [tilespmem:s20+$0x30];
	_ =	sdelay $0x4  }
0x6b: {  	v1 =	vadd.s32 v0, v1  }
0x6c: {  	[tilespmem:$0x4FB0] =	vst v1  }
0x6d: {  	v1 =	vld [tilespmem:s20+$0x40];
	_ =	sdelay $0x4  }
0x6e: {  	v1 =	vadd.s32 v0, v1  }
0x6f: {  	[tilespmem:$0x4FC0] =	vst v1  }
0x70: {  	v1 =	vld [tilespmem:s20+$0x50];
	_ =	sdelay $0x4  }
0x71: {  	v1 =	vadd.s32 v0, v1  }
0x72: {  	[tilespmem:$0x4FD0] =	vst v1  }
0x73: {  	v1 =	vld [tilespmem:s20+$0x60];
	_ =	sdelay $0x4  }
0x74: {  	v1 =	vadd.s32 v0, v1  }
0x75: {  	[tilespmem:$0x4FE0] =	vst v1  }
0x76: {  	v1 =	vld [tilespmem:s20+$0x70];
	_ =	sdelay $0x4  }
0x77: {  	v1 =	vadd.s32 v0, v1  }
0x78: {  	[tilespmem:$0x4FF0] =	vst v1  }
0x79: {  	[tilespmem:s17], [sflag:$0x1] =	stream.indirect.gather [hbm4b:s4+s10], $0x80, s16, s10, $0xb8;
	[tilespmem:$0x1CC00] =	vst v63  }
0x7a: {  	_ =	swait.ge [sflag:s18], $0x4000  }
0x7b: {  	[sflag:s18] =	ssyncset.done $0x0  }
0x7c: {  	s20 =	sadd.s32 $0x2780, s20;
	[sflag:s18] =	ssyncadd.s32 $0xFFFFC000  }
0x7d: {  	[spmem:s2] =	stream.indirect.scatter.add.f32 [tilespmem:s17], [sflag:$0x2], $0x80, s20, s10, $0xb8;
	[tilespmem:$0x1CC00] =	vst v63  }
0x7e: {  	_ =	swait.ge [sflag:s12], $0x4000  }
0x7f: {  	s19 =	sadd.s32 $0x1, s19;
	[sflag:s12] =	ssyncset.done $0x0  }
0x80: {  	p0 =	sne.s32 s19, s9;
	[sflag:s12] =	ssyncadd.s32 $0xFFFFC000  }
.Ltmp1:
0x81: {  	[bflag:$0x0] =	sbarrier.arrive $0xFFFF;
	(pc) =	sbr.rel @p0 .LBB2_1-.Ltmp1, $4  }
0x82: {  	[hbm:s8], [sflag:s14] =	dma.local [spmem:s15], $0x2780  }
0x83: {  	_ =	swait.ge [sflag:s12], $0x2780  }
0x84: {  	[sflag:s12] =	ssyncset.done $0x0  }
0x85: {  	[sflag:s12] =	ssyncadd.s32 $0xFFFFD880  }
0x86: {  	_ =	sfence.sel $0x180000  }
0x87: {  	[bflag:$0x0] =	sbarrier.arrive $0xFFFF  }
0x88: {  	p0 =	sne.s32 s1, $0x0;
	_ =	strace $0x9000004D  }
0x89: {  	s0 =	sadd.s32 @!p0 $0x100000, s0;
	[bflag:$0x2] =	sbarrier.arrive $0xFFFF  }
0x8a: {  	[sflag:s0] =	ssyncadd.tile.s32 @!p0 $0x1;
	_ =	shalt  }
.Lfunc_end2:
_tile_overlayer_lowered:
.L_overlay_start_2:
0x8b: {  	(tag) =	ssettag $0x2  }
0x8c: {  	s0 =	rddreg [dreg:$0x0];
	s2 =	stileid.u32  }
0x8d: {  	s1 =	rddreg [dreg:$0x1];
	p0 =	sne.s32 s2, $0x0  }
0x8e: {  	s3 =	rddreg [dreg:$0x2];
	[bflag:$0x3] =	sbarrier.arrive $0xFFFF;
	s2 =	simm.s32 @!p0 $0x1C02  }
0x8f: {  	[timem:s3], [sflag:s2] =	dma.local @!p0 [hbm:s0], s1  }
0x90: {  	s0 =	simm.s32 @!p0 $0x2  }
0x91: {  	_ =	swait.ge @!p0 [sflag:s0], s1  }
0x92: {  	s1 =	ssub.s32 @!p0 $0x0, s1;
	[sflag:s0] =	ssyncset.done @!p0 $0x0  }
0x93: {  	[sflag:s0] =	ssyncadd.s32 @!p0 s1  }
0x94: {  	[bflag:$0x3] =	sbarrier.arrive $0xFFFF  }
0x95: {  	_ =	shalt  }

// kernel: kernel.25.cloned.1.call-start
scs
__scs_entry_jumppad:
0x0: {  	(pc) =	sbr.rel $0x88, $3  }
0x1: {  	(tag) =	ssettag $0x0;
	lr =	simm.s32 $0x1  }
0x2: {  	[smem:$0x3F98] =	sst lr;
	_ =	strace $0xD0000000  }
0x3: {  	_ = 	snop  }
0x4: {  	_ = 	snop  }
0x5: {  	_ = 	snop  }
0x6: {  	_ = 	snop  }
0x7: {  	_ = 	snop  }
__scs_overlays_trampoline_lowered:
0x8: {  	[smem:$0x3FA7] =	sst s0  }
0x9: {  	[smem:$0x3FA8] =	sst s1  }
0xa: {  	[smem:$0x3FA9] =	sst s2  }
0xb: {  	[smem:$0x3FAA] =	sst s3  }
0xc: {  	[smem:$0x3FAB] =	sst s4  }
0xd: {  	[smem:$0x3FAC] =	sst s5  }
0xe: {  	[smem:$0x3FAD] =	sst s6  }
0xf: {  	[smem:$0x3FAE] =	sst s7  }
0x10: {  	[smem:$0x3FAF] =	sst s8  }
0x11: {  	[smem:$0x3FB0] =	sst s9;
	s0 =	simm.s32 @!p0 $0x0  }
0x12: {  	s1 =	sld [smem:$0x3F96];
	s0 =	simm.s32 @p0 $0x1  }
0x13: {  	[smem:$0x3FB1] =	sst s0;
	s0 =	simm.s32 @!p1 $0x0  }
0x14: {  	s2 =	sld [smem:$0x3F95];
	s0 =	simm.s32 @p1 $0x1  }
0x15: {  	[smem:$0x3FB2] =	sst s0;
	s0 =	simm.s32 @!p2 $0x0  }
0x16: {  	s3 =	sld [smem:$0x3FDB];
	s0 =	simm.s32 @p2 $0x1  }
0x17: {  	s4 =	simm.s32 $0x1BF5;
	[smem:$0x3FB4] =	sst s0  }
0x18: {  	s0 =	sld [smem:$0x3F97];
	_ =	swait.ge [sflag:s4], $0x0  }
0x19: {  	s7 =	sld [smem:$0x3F98]  }
0x1a: {  	s8 =	sadd.s32 $0xFFFFE003, lr  }
0x1b: {  	s9 =	sadd.s32 $0xFFFFFEF7, lr;
	s5 =	simm.s32 $0xFFFFFFFF;
	p2 =	slt.u32 s8, $0xFFFFF086  }
0x1c: {  	p1 =	slt.u32 s9, $0xF7A;
	s5 =	simm.s32 @!p2 $0x0  }
0x1d: {  	s5 =	simm.s32 @p1 $0x1;
	p0 =	seq.s32 s7, s2  }
0x1e: {  	s7 =	smul.u32 @!p0 $0xF7A, s2;
	p2 =	seq.s32 @!p0 s5, $0x0  }
0x1f: {  	s9 =	smul.u32 $0xF7A, s1;
	s8 =	simm.s32 @!p0 $0x1BF5;
	p2 =	por !p2, p0  }
0x20: {  	[sflag:s8] =	ssyncset.s32 @!p0 $0xFFFFF086;
	s6 =	sadd.s32 @!p0 s3, s7;
	s7 =	simm.s32 @!p0 $0x108  }
0x21: {  	s3 =	sadd.s32 s3, s9;
	s6 =	sadd.s32 @!p0 $0x88, s6;
	s7 =	simm.s32 @p2 $0x1082  }
0x22: {  	[simem:s7], [sflag:s8] =	dma.local @!p0 [hbm:s6], $0xF7A  }
0x23: {  	s9 =	sor.u32 $0xD0000000, s2;
	s6 =	simm.s32 $0x108;
	_ =	swait.ge @!p0 [sflag:s8], $0x0  }
0x24: {  	s3 =	sadd.s32 $0x88, s3;
	s6 =	simm.s32 @!p1 $0x1082;
	[sflag:s4] =	ssyncset.s32 $0xFFFFF086  }
0x25: {  	[simem:s6], [sflag:s4] =	dma.local [hbm:s3], $0xF7A  }
0x26: {  	[smem:$0x3F98] =	sst s1;
	(tag) =	ssettag s2;
	_ =	strace s9  }
0x27: {  	s1 =	sld [smem:$0x3FA8]  }
0x28: {  	s2 =	sld [smem:$0x3FA9]  }
0x29: {  	s4 =	sld [smem:$0x3FAB]  }
0x2a: {  	p0 =	seq.s32 s5, $0x0;
	s5 =	sld [smem:$0x3FAC]  }
0x2b: {  	s6 =	sld [smem:$0x3FAD]  }
0x2c: {  	s7 =	sld [smem:$0x3FAE]  }
0x2d: {  	s3 =	simm.s32 $0x108;
	s8 =	sld [smem:$0x3FAF]  }
0x2e: {  	s3 =	simm.s32 @!p0 $0x1082;
	s9 =	sld [smem:$0x3FB0]  }
0x2f: {  	lr =	sadd.s32 s0, s3;
	s0 =	sld [smem:$0x3FA7]  }
0x30: {  	s3 =	sld [smem:$0x3FAA]  }
0x31: {  	[smem:$0x3FB3] =	sst s10  }
0x32: {  	s10 =	sld [smem:$0x3FB1];
	_ =	sdelay $0x3  }
0x33: {  	p0 =	seq.s32 s10, $0x1;
	s10 =	sld [smem:$0x3FB3];
	_ =	sdelay $0x3  }
0x34: {  	[smem:$0x3FB3] =	sst s10  }
0x35: {  	s10 =	sld [smem:$0x3FB2];
	_ =	sdelay $0x3  }
0x36: {  	p1 =	seq.s32 s10, $0x1;
	s10 =	sld [smem:$0x3FB3];
	_ =	sdelay $0x3  }
0x37: {  	[smem:$0x3FB3] =	sst s10  }
0x38: {  	s10 =	sld [smem:$0x3FB4]  }
0x39: {  	_ = 	snop;
	(pc) =	sbr.ind lr, $3  }
0x3a: {  	_ = 	snop  }
0x3b: {  	_ = 	snop  }
0x3c: {  	p2 =	seq.s32 s10, $0x1;
	s10 =	sld [smem:$0x3FB3]  }
0x3d: {  	_ =	shalt  }
0x3e: {  	_ =	shalt  }
0x3f: {  	_ =	shalt  }
0x40: {  	_ =	shalt  }
0x41: {  	_ =	shalt  }
0x42: {  	_ =	shalt  }
0x43: {  	_ =	shalt  }
0x44: {  	_ =	shalt  }
0x45: {  	_ =	shalt  }
0x46: {  	_ =	shalt  }
0x47: {  	_ =	shalt  }
0x48: {  	_ =	shalt  }
0x49: {  	_ =	shalt  }
0x4a: {  	_ =	shalt  }
0x4b: {  	_ =	shalt  }
0x4c: {  	_ =	shalt  }
0x4d: {  	_ =	shalt  }
0x4e: {  	_ =	shalt  }
0x4f: {  	_ =	shalt  }
0x50: {  	_ =	shalt  }
0x51: {  	_ =	shalt  }
0x52: {  	_ =	shalt  }
0x53: {  	_ =	shalt  }
0x54: {  	_ =	shalt  }
0x55: {  	_ =	shalt  }
0x56: {  	_ =	shalt  }
0x57: {  	_ =	shalt  }
0x58: {  	_ =	shalt  }
0x59: {  	_ =	shalt  }
0x5a: {  	_ =	shalt  }
0x5b: {  	_ =	shalt  }
0x5c: {  	_ =	shalt  }
0x5d: {  	_ =	shalt  }
0x5e: {  	_ =	shalt  }
0x5f: {  	_ =	shalt  }
0x60: {  	_ =	shalt  }
0x61: {  	_ =	shalt  }
0x62: {  	_ =	shalt  }
0x63: {  	_ =	shalt  }
0x64: {  	_ =	shalt  }
0x65: {  	_ =	shalt  }
0x66: {  	_ =	shalt  }
0x67: {  	_ =	shalt  }
0x68: {  	_ =	shalt  }
0x69: {  	_ =	shalt  }
0x6a: {  	_ =	shalt  }
0x6b: {  	_ =	shalt  }
0x6c: {  	_ =	shalt  }
0x6d: {  	_ =	shalt  }
0x6e: {  	_ =	shalt  }
0x6f: {  	_ =	shalt  }
0x70: {  	_ =	shalt  }
0x71: {  	_ =	shalt  }
0x72: {  	_ =	shalt  }
0x73: {  	_ =	shalt  }
0x74: {  	_ =	shalt  }
0x75: {  	_ =	shalt  }
0x76: {  	_ =	shalt  }
0x77: {  	_ =	shalt  }
0x78: {  	_ =	shalt  }
0x79: {  	_ =	shalt  }
0x7a: {  	_ =	shalt  }
0x7b: {  	_ =	shalt  }
0x7c: {  	_ =	shalt  }
0x7d: {  	_ =	shalt  }
0x7e: {  	_ =	shalt  }
0x7f: {  	_ =	shalt  }
0x80: {  	_ =	shalt  }
0x81: {  	_ =	shalt  }
0x82: {  	_ =	shalt  }
0x83: {  	_ =	shalt  }
0x84: {  	_ =	shalt  }
0x85: {  	_ =	shalt  }
0x86: {  	_ =	shalt  }
0x87: {  	_ =	shalt  }
.Lfunc_end0:
.L_simem_size_0:
called_computation.3_lowered:
.L_overlay_start_0:
0x88: {  	s2 =	sld [smem:$0x3FD9]  }
0x89: {  	s3 =	sld [smem:$0x3FFE];
	_ =	sdelay $0x1  }
0x8a: {  	s1 =	srdreg.scid  }
0x8b: {  	s0 =	sand.u32 $0x1, s1  }
0x8c: {  	s16 =	sshll.u32 s0, $0xA;
	s2 =	sadd.s32 s3, s2  }
0x8d: {  	s2 =	sadd.s32 s2, s16  }
0x8e: {  	[smem:$0x3FBF] =	sst s2  }
0x8f: {  	_ = 	snop  }
0x90: {  	(tm) =	ssettm $0x1  }
0x91: {  	s17 =	sld [smem:$0x3FFB];
	_ =	sdelay $0x3  }
0x92: {  	_ =	strace s17  }
0x93: {  	s2 =	sld [smem:$0x3FFC];
	_ =	sdelay $0x3  }
0x94: {  	_ =	strace s2  }
0x95: {  	s2 =	sld [smem:$0x3FFD];
	_ =	sdelay $0x3  }
0x96: {  	_ =	strace s2  }
0x97: {  	_ =	strace $0x8FFFFFFF  }
0x98: {  	s18 =	sld [smem:$0x3FDB];
	_ =	sdelay $0x1  }
0x99: {  	s19 =	simm.s32 $_scs_section_size  }
0x9a: {  	s4 =	simm.s32 $_size__tile_overlayer_lowered;
	s5 =	simm.s32 $_tile_overlayer_lowered  }
0x9b: {  	s22 =	simm.s32 $0x1BFF;
	s21 =	sshll.u32 s5, $0x1;
	s2 =	sadd.s32 s19, s18  }
0x9c: {  	s6 =	simm.s32 $0x0;
	s20 =	sshll.u32 s4, $0x1;
	s4 =	sadd.s32 s21, s2  }
0x9d: {  	[timem:s6], [sflag:s22] =	dma.local [hbm:s4], s20  }
0x9e: {  	_ =	swait.ge [sflag:s22], s20  }
0x9f: {  	s3 =	ssub.s32 $0x0, s20;
	[sflag:s22] =	ssyncset.done $0x0  }
0xa0: {  	[sflag:s22] =	ssyncadd.s32 s3;
	_ =	sdelay $0x1  }
0xa1: {  	s23 =	simm.s32 $0x1B8B  }
0xa2: {  	_ =	swait.ge [sflag:s23], $0x1  }
0xa3: {  	[sflag:s23] =	ssyncset.done $0x0  }
0xa4: {  	s25 =	simm.s32 $0x1B8E;
	s24 =	sld [smem:$0x3FFE];
	[sflag:s23] =	ssyncadd.s32 $0xFFFFFFFF  }
0xa5: {  	s26 =	simm.s32 $execute0_lowered;
	[smem:$0x3FD2] =	sst s25  }
0xa6: {  	s4 =	sshll.u32 s26, $0x1;
	_ =	strace $0x8000004F;
	[dreg:$0x1] =	wrdreg $0xFFFFFFFF  }
0xa7: {  	s28 =	simm.s32 $_size_execute0_lowered;
	s2 =	sadd.s32 s2, s4;
	[dreg:$0x0] =	wrdreg $0x0  }
0xa8: {  	s4 =	sshll.u32 s28, $0x1;
	[dreg:$0x2] =	wrdreg s2  }
0xa9: {  	[dreg:$0x3] =	wrdreg s4  }
0xaa: {  	[dreg:$0x4] =	wrdreg $0xC0  }
0xab: {  	_ =	task [dreg:s6], $0x5FFFF  }
0xac: {  	[dreg:$0x1] =	wrdreg $0xFFFFFFFF  }
0xad: {  	[dreg:$0x0] =	wrdreg $0x60  }
0xae: {  	[dreg:$0x2] =	wrdreg s24  }
0xaf: {  	[dreg:$0x3] =	wrdreg $0x90000  }
0xb0: {  	[dreg:$0x4] =	wrdreg $0x9  }
0xb1: {  	_ =	task.clear_ibuf [dreg:s6], $0x5FFFF;
	_ =	strace $0x9000004F  }
0xb2: {  	s29 =	simm.s32 $0x9;
	_ =	strace $0x80000051  }
0xb3: {  	_ =	swait.ge [sflag:s29], $0x1  }
0xb4: {  	[sflag:s29] =	ssyncadd.s32 $0xFFFFFFFF  }
0xb5: {  	_ =	strace $0x90000051  }
0xb6: {  	_ =	sfence  }
0xb7: {  	s30 =	sld [smem:$0x0];
	_ =	sdelay $0x2  }
0xb8: {  	s31 =	sshll.u32 s1, $0xD;
	s1 =	sshrl.u32 s1, $0x2  }
0xb9: {  	s3 =	sand.u32 $0x4000, s31;
	s1 =	sadd.s32 s1, s30  }
0xba: {  	s0 =	sor.u32 s3, s0;
	s1 =	sshll.u32 s1, $0x11  }
0xbb: {  	s0 =	sor.u32 s1, s0  }
0xbc: {  	s0 =	sadd.s32 $0x8F2B, s0  }
0xbd: {  	[sflag:s0] =	ssyncadd.remote.s32 $0x1  }
0xbe: {  	_ =	sfence.sel $0xFFFF  }
0xbf: {  	[dreg:$0x0] =	wrdreg $0xFFFFFFFF;
	(pc) =	sbr.abs _section_cstart, $3  }
0xc0: {  	[dreg:$0x1] =	wrdreg $0xFFFFFFFF  }
0xc1: {  	_ =	task.clear_ibuf [dreg:s6], $0x2FFFF;
	_ =	strace $0x9FFFFFFF  }
0xc2: {  	(tm) =	ssettm $0x7FFFFFFF  }
0xc3: {  	_ =	shalt  }
tec
execute0_lowered:
.L_overlay_start_1:
0x0: {  	(tag) =	ssettag $0x1  }
0x1: {  	s5 =	rddreg [dreg:$0x0]  }
0x2: {  	s2 =	rddreg [dreg:$0x1]  }
0x3: {  	s0 =	rddreg [dreg:$0x2];
	s3 =	simm.s32 $0x0  }
0x4: {  	s1 =	stileid.u32;
	s8 =	srdreg.scid;
	s16 =	simm.s32 $0x4F80  }
0x5: {  	s18 =	simm.s32 $0x1;
	s19 =	simm.s32 $0x0;
	s7 =	smul.u32 $0x500, s1  }
0x6: {  	[smem:$0x7FF] =	sst s3;
	s4 =	sshrl.u32 s1, $0x3;
	s9 =	smul.u32 $0x13C00, s1  }
0x7: {  	s6 =	sshll.u32 s1, $0x7;
	s8 =	sand.u32 $0x1, s8;
	s13 =	smul.u32 $0x4F000, s1  }
0x8: {  	s14 =	sshll.u32 s1, $0x6;
	_ =	strace $0x80000050;
	s4 =	smul.u32 $0x13C00, s4  }
0x9: {  	s6 =	sand.u32 $0x380, s6;
	s10 =	smul.u32 $0x13C000, s8;
	s30 =	ssub.s32 $0x2, s8  }
0xa: {  	s17 =	smul.u32 $0x2710, s8;
	s14 =	sor.u32 $0x1C02, s14;
	s7 =	sadd.s32 s7, s5  }
0xb: {  	s11 =	sshrl.u32 s9, $0x3;
	s12 =	sshrl.u32 s30, $0x1;
	s31 =	sshrl.u32 s13, $0x2  }
0xc: {  	s13 =	simm.s32 $0x2780;
	s6 =	sor.u32 s6, s4;
	s4 =	sadd.s32 $0xFA400, s5  }
0xd: {  	s11 =	sadd.s32 s11, s5;
	s9 =	sadd.s32 s9, s10;
	s10 =	ssub.s32 s30, s12  }
0xe: {  	s15 =	sadd.s32 s31, s2;
	s12 =	simm.s32 $0x2;
	s6 =	sshrl.u32 s6, $0x3  }
0xf: {  	v0 =	vmov s17;
	s17 =	simm.s32 $0x5000;
	s9 =	sshrl.u32 s9, $0x3;
	s6 =	sadd.s32 s6, s5  }
0x10: {  	s15 =	sshrl.u32 s15, $0x3;
	s9 =	sadd.s32 s9, s5;
	s5 =	sadd.s32 $0x80000, s6  }
0x11: {  	s6 =	sadd.s32 $0x4000, s7;
	s7 =	sadd.s32 $0x9800, s11;
	s8 =	sadd.s32 $0x148600, s9  }
0x12: {  	s9 =	smax.u32 s10, $0x1;
	s10 =	simm.s32 $0x80;
	s11 =	simm.s32 $0x400  }
.LBB2_1:
0x13: {  	[tilespmem:s3], [sflag:$0x2] =	stream.strided.gather [hbm4b:s5+s10], $0x2780, s11, s10, $0x38;
	[tilespmem:$0x1CC00] =	vst v63  }
0x14: {  	_ =	swait.ge [sflag:s12], $0x2780  }
0x15: {  	[sflag:s12] =	ssyncset.done $0x0  }
0x16: {  	[sflag:s12] =	ssyncadd.s32 $0xFFFFD880  }
0x17: {  	[tilespmem:s13], [sflag:$0x2] =	stream.linear.gather [hbm4b:s6+s3], $0x2780, $0x38;
	[tilespmem:$0x1CC00] =	vst v63  }
0x18: {  	_ =	swait.ge [sflag:s12], $0x2780  }
0x19: {  	[sflag:s12] =	ssyncset.done $0x0  }
0x1a: {  	[sflag:s12] =	ssyncadd.s32 $0xFFFFD880  }
0x1b: {  	[spmem:s15], [sflag:s14] =	dma.local [hbm:s7], $0x2780  }
0x1c: {  	_ =	swait.ge [sflag:s12], $0x2780  }
0x1d: {  	[sflag:s12] =	ssyncset.done $0x0  }
0x1e: {  	[sflag:s12] =	ssyncadd.s32 $0xFFFFD880  }
0x1f: {  	s20 =	simm.s32 $0x0;
	[bflag:$0x0] =	sbarrier.arrive $0xFFFF  }
0x20: {  	v1 =	vld [tilespmem:s20+$0x0];
	_ =	sdelay $0x4  }
0x21: {  	v1 =	vadd.s32 v0, v1  }
0x22: {  	[tilespmem:$0x4F80] =	vst v1  }
0x23: {  	v1 =	vld [tilespmem:s20+$0x10];
	_ =	sdelay $0x4  }
0x24: {  	v1 =	vadd.s32 v0, v1  }
0x25: {  	[tilespmem:$0x4F90] =	vst v1  }
0x26: {  	v1 =	vld [tilespmem:s20+$0x20];
	_ =	sdelay $0x4  }
0x27: {  	v1 =	vadd.s32 v0, v1  }
0x28: {  	[tilespmem:$0x4FA0] =	vst v1  }
0x29: {  	v1 =	vld [tilespmem:s20+$0x30];
	_ =	sdelay $0x4  }
0x2a: {  	v1 =	vadd.s32 v0, v1  }
0x2b: {  	[tilespmem:$0x4FB0] =	vst v1  }
0x2c: {  	v1 =	vld [tilespmem:s20+$0x40];
	_ =	sdelay $0x4  }
0x2d: {  	v1 =	vadd.s32 v0, v1  }
0x2e: {  	[tilespmem:$0x4FC0] =	vst v1  }
0x2f: {  	v1 =	vld [tilespmem:s20+$0x50];
	_ =	sdelay $0x4  }
0x30: {  	v1 =	vadd.s32 v0, v1  }
0x31: {  	[tilespmem:$0x4FD0] =	vst v1  }
0x32: {  	v1 =	vld [tilespmem:s20+$0x60];
	_ =	sdelay $0x4  }
0x33: {  	v1 =	vadd.s32 v0, v1  }
0x34: {  	[tilespmem:$0x4FE0] =	vst v1  }
0x35: {  	v1 =	vld [tilespmem:s20+$0x70];
	_ =	sdelay $0x4  }
0x36: {  	v1 =	vadd.s32 v0, v1  }
0x37: {  	[tilespmem:$0x4FF0] =	vst v1  }
0x38: {  	[tilespmem:s17], [sflag:$0x1] =	stream.indirect.gather [hbm4b:s4+s10], $0x80, s16, s10, $0xb8;
	[tilespmem:$0x1CC00] =	vst v63  }
0x39: {  	_ =	swait.ge [sflag:s18], $0x4000  }
0x3a: {  	[sflag:s18] =	ssyncset.done $0x0  }
0x3b: {  	s31 =	simm.s32 $0x2780;
	[sflag:s18] =	ssyncadd.s32 $0xFFFFC000  }
0x3c: {  	[spmem:s2] =	stream.indirect.scatter.add.f32 [tilespmem:s17], [sflag:$0x2], $0x80, s31, s10, $0xb8;
	[tilespmem:$0x1CC00] =	vst v63  }
0x3d: {  	_ =	swait.ge [sflag:s12], $0x4000  }
0x3e: {  	s23 =	simm.s32 $0x400;
	s20 =	simm.s32 $0x200;
	[sflag:s12] =	ssyncset.done $0x0  }
.LBB2_2:
0x3f: {  	s22 =	sshra.s32 s20, $0x2  }
0x40: {  	[sflag:s12] =	ssyncadd.s32 $0xFFFFC000;
	s20 =	smov.u32 s23;
	s21 =	sadd.s32 $0x200, s23  }
0x41: {  	p0 =	sne.s32 s23, $0x9C00;
	v1 =	vld [tilespmem:s22+$0x0];
	_ =	sdelay $0x4  }
0x42: {  	v1 =	vadd.s32 v0, v1  }
0x43: {  	[tilespmem:$0x4F80] =	vst v1  }
0x44: {  	v1 =	vld [tilespmem:s22+$0x10];
	_ =	sdelay $0x4  }
0x45: {  	v1 =	vadd.s32 v0, v1  }
0x46: {  	[tilespmem:$0x4F90] =	vst v1  }
0x47: {  	v1 =	vld [tilespmem:s22+$0x20];
	_ =	sdelay $0x4  }
0x48: {  	v1 =	vadd.s32 v0, v1  }
0x49: {  	[tilespmem:$0x4FA0] =	vst v1  }
0x4a: {  	v1 =	vld [tilespmem:s22+$0x30];
	_ =	sdelay $0x4  }
0x4b: {  	v1 =	vadd.s32 v0, v1  }
0x4c: {  	[tilespmem:$0x4FB0] =	vst v1  }
0x4d: {  	v1 =	vld [tilespmem:s22+$0x40];
	_ =	sdelay $0x4  }
0x4e: {  	v1 =	vadd.s32 v0, v1  }
0x4f: {  	[tilespmem:$0x4FC0] =	vst v1  }
0x50: {  	v1 =	vld [tilespmem:s22+$0x50];
	_ =	sdelay $0x4  }
0x51: {  	v1 =	vadd.s32 v0, v1  }
0x52: {  	[tilespmem:$0x4FD0] =	vst v1  }
0x53: {  	v1 =	vld [tilespmem:s22+$0x60];
	_ =	sdelay $0x4  }
0x54: {  	v1 =	vadd.s32 v0, v1  }
0x55: {  	[tilespmem:$0x4FE0] =	vst v1  }
0x56: {  	v1 =	vld [tilespmem:s22+$0x70];
	_ =	sdelay $0x4  }
0x57: {  	v1 =	vadd.s32 v0, v1  }
0x58: {  	[tilespmem:$0x4FF0] =	vst v1  }
0x59: {  	[tilespmem:s17], [sflag:$0x1] =	stream.indirect.gather [hbm4b:s4+s10], $0x80, s16, s10, $0xb8;
	[tilespmem:$0x1CC00] =	vst v63  }
0x5a: {  	_ =	swait.ge [sflag:s18], $0x4000  }
.Ltmp0:
0x5b: {  	[sflag:s18] =	ssyncset.done $0x0;
	(pc) =	sbr.rel @p0 .LBB2_2-.Ltmp0, $4  }
0x5c: {  	s22 =	sadd.s32 $0x2780, s22;
	[sflag:s18] =	ssyncadd.s32 $0xFFFFC000  }
0x5d: {  	[spmem:s2] =	stream.indirect.scatter.add.f32 [tilespmem:s17], [sflag:$0x2], $0x80, s22, s10, $0xb8;
	[tilespmem:$0x1CC00] =	vst v63  }
0x5e: {  	_ =	swait.ge [sflag:s12], $0x4000  }
0x5f: {  	s23 =	smov.u32 s21;
	[sflag:s12] =	ssyncset.done $0x0  }
0x60: {  	s20 =	sshra.s32 s20, $0x2;
	[sflag:s12] =	ssyncadd.s32 $0xFFFFC000  }
0x61: {  	v1 =	vld [tilespmem:s20+$0x0];
	_ =	sdelay $0x4  }
0x62: {  	v1 =	vadd.s32 v0, v1  }
0x63: {  	[tilespmem:$0x4F80] =	vst v1  }
0x64: {  	v1 =	vld [tilespmem:s20+$0x10];
	_ =	sdelay $0x4  }
0x65: {  	v1 =	vadd.s32 v0, v1  }
0x66: {  	[tilespmem:$0x4F90] =	vst v1  }
0x67: {  	v1 =	vld [tilespmem:s20+$0x20];
	_ =	sdelay $0x4  }
0x68: {  	v1 =	vadd.s32 v0, v1  }
0x69: {  	[tilespmem:$0x4FA0] =	vst v1  }
0x6a: {  	v1 =	vld [tilespmem:s20+$0x30];
	_ =	sdelay $0x4  }
0x6b: {  	v1 =	vadd.s32 v0, v1  }
0x6c: {  	[tilespmem:$0x4FB0] =	vst v1  }
0x6d: {  	v1 =	vld [tilespmem:s20+$0x40];
	_ =	sdelay $0x4  }
0x6e: {  	v1 =	vadd.s32 v0, v1  }
0x6f: {  	[tilespmem:$0x4FC0] =	vst v1  }
0x70: {  	v1 =	vld [tilespmem:s20+$0x50];
	_ =	sdelay $0x4  }
0x71: {  	v1 =	vadd.s32 v0, v1  }
0x72: {  	[tilespmem:$0x4FD0] =	vst v1  }
0x73: {  	v1 =	vld [tilespmem:s20+$0x60];
	_ =	sdelay $0x4  }
0x74: {  	v1 =	vadd.s32 v0, v1  }
0x75: {  	[tilespmem:$0x4FE0] =	vst v1  }
0x76: {  	v1 =	vld [tilespmem:s20+$0x70];
	_ =	sdelay $0x4  }
0x77: {  	v1 =	vadd.s32 v0, v1  }
0x78: {  	[tilespmem:$0x4FF0] =	vst v1  }
0x79: {  	[tilespmem:s17], [sflag:$0x1] =	stream.indirect.gather [hbm4b:s4+s10], $0x80, s16, s10, $0xb8;
	[tilespmem:$0x1CC00] =	vst v63  }
0x7a: {  	_ =	swait.ge [sflag:s18], $0x4000  }
0x7b: {  	[sflag:s18] =	ssyncset.done $0x0  }
0x7c: {  	s20 =	sadd.s32 $0x2780, s20;
	[sflag:s18] =	ssyncadd.s32 $0xFFFFC000  }
0x7d: {  	[spmem:s2] =	stream.indirect.scatter.add.f32 [tilespmem:s17], [sflag:$0x2], $0x80, s20, s10, $0xb8;
	[tilespmem:$0x1CC00] =	vst v63  }
0x7e: {  	_ =	swait.ge [sflag:s12], $0x4000  }
0x7f: {  	s19 =	sadd.s32 $0x1, s19;
	[sflag:s12] =	ssyncset.done $0x0  }
0x80: {  	p0 =	sne.s32 s19, s9;
	[sflag:s12] =	ssyncadd.s32 $0xFFFFC000  }
.Ltmp1:
0x81: {  	[bflag:$0x0] =	sbarrier.arrive $0xFFFF;
	(pc) =	sbr.rel @p0 .LBB2_1-.Ltmp1, $4  }
0x82: {  	[hbm:s8], [sflag:s14] =	dma.local [spmem:s15], $0x2780  }
0x83: {  	_ =	swait.ge [sflag:s12], $0x2780  }
0x84: {  	[sflag:s12] =	ssyncset.done $0x0  }
0x85: {  	[sflag:s12] =	ssyncadd.s32 $0xFFFFD880  }
0x86: {  	_ =	sfence.sel $0x180000  }
0x87: {  	[bflag:$0x0] =	sbarrier.arrive $0xFFFF  }
0x88: {  	p0 =	sne.s32 s1, $0x0;
	_ =	strace $0x90000050  }
0x89: {  	s0 =	sadd.s32 @!p0 $0x100000, s0;
	[bflag:$0x2] =	sbarrier.arrive $0xFFFF  }
0x8a: {  	[sflag:s0] =	ssyncadd.tile.s32 @!p0 $0x1;
	_ =	shalt  }
.Lfunc_end2:
_tile_overlayer_lowered:
.L_overlay_start_2:
0x8b: {  	(tag) =	ssettag $0x2  }
0x8c: {  	s0 =	rddreg [dreg:$0x0];
	s2 =	stileid.u32  }
0x8d: {  	s1 =	rddreg [dreg:$0x1];
	p0 =	sne.s32 s2, $0x0  }
0x8e: {  	s3 =	rddreg [dreg:$0x2];
	[bflag:$0x3] =	sbarrier.arrive $0xFFFF;
	s2 =	simm.s32 @!p0 $0x1C02  }
0x8f: {  	[timem:s3], [sflag:s2] =	dma.local @!p0 [hbm:s0], s1  }
0x90: {  	s0 =	simm.s32 @!p0 $0x2  }
0x91: {  	_ =	swait.ge @!p0 [sflag:s0], s1  }
0x92: {  	s1 =	ssub.s32 @!p0 $0x0, s1;
	[sflag:s0] =	ssyncset.done @!p0 $0x0  }
0x93: {  	[sflag:s0] =	ssyncadd.s32 @!p0 s1  }
0x94: {  	[bflag:$0x3] =	sbarrier.arrive $0xFFFF  }
0x95: {  	_ =	shalt  }

// kernel: kernel.28.cloned.1.call-start
scs
__scs_entry_jumppad:
0x0: {  	(pc) =	sbr.rel $0x88, $3  }
0x1: {  	(tag) =	ssettag $0x0;
	lr =	simm.s32 $0x1  }
0x2: {  	[smem:$0x3F98] =	sst lr;
	_ =	strace $0xD0000000  }
0x3: {  	_ = 	snop  }
0x4: {  	_ = 	snop  }
0x5: {  	_ = 	snop  }
0x6: {  	_ = 	snop  }
0x7: {  	_ = 	snop  }
__scs_overlays_trampoline_lowered:
0x8: {  	[smem:$0x3FA7] =	sst s0  }
0x9: {  	[smem:$0x3FA8] =	sst s1  }
0xa: {  	[smem:$0x3FA9] =	sst s2  }
0xb: {  	[smem:$0x3FAA] =	sst s3  }
0xc: {  	[smem:$0x3FAB] =	sst s4  }
0xd: {  	[smem:$0x3FAC] =	sst s5  }
0xe: {  	[smem:$0x3FAD] =	sst s6  }
0xf: {  	[smem:$0x3FAE] =	sst s7  }
0x10: {  	[smem:$0x3FAF] =	sst s8  }
0x11: {  	[smem:$0x3FB0] =	sst s9;
	s0 =	simm.s32 @!p0 $0x0  }
0x12: {  	s1 =	sld [smem:$0x3F96];
	s0 =	simm.s32 @p0 $0x1  }
0x13: {  	[smem:$0x3FB1] =	sst s0;
	s0 =	simm.s32 @!p1 $0x0  }
0x14: {  	s2 =	sld [smem:$0x3F95];
	s0 =	simm.s32 @p1 $0x1  }
0x15: {  	[smem:$0x3FB2] =	sst s0;
	s0 =	simm.s32 @!p2 $0x0  }
0x16: {  	s3 =	sld [smem:$0x3FDB];
	s0 =	simm.s32 @p2 $0x1  }
0x17: {  	s4 =	simm.s32 $0x1BF5;
	[smem:$0x3FB4] =	sst s0  }
0x18: {  	s0 =	sld [smem:$0x3F97];
	_ =	swait.ge [sflag:s4], $0x0  }
0x19: {  	s7 =	sld [smem:$0x3F98]  }
0x1a: {  	s8 =	sadd.s32 $0xFFFFE003, lr  }
0x1b: {  	s9 =	sadd.s32 $0xFFFFFEF7, lr;
	s5 =	simm.s32 $0xFFFFFFFF;
	p2 =	slt.u32 s8, $0xFFFFF086  }
0x1c: {  	p1 =	slt.u32 s9, $0xF7A;
	s5 =	simm.s32 @!p2 $0x0  }
0x1d: {  	s5 =	simm.s32 @p1 $0x1;
	p0 =	seq.s32 s7, s2  }
0x1e: {  	s7 =	smul.u32 @!p0 $0xF7A, s2;
	p2 =	seq.s32 @!p0 s5, $0x0  }
0x1f: {  	s9 =	smul.u32 $0xF7A, s1;
	s8 =	simm.s32 @!p0 $0x1BF5;
	p2 =	por !p2, p0  }
0x20: {  	[sflag:s8] =	ssyncset.s32 @!p0 $0xFFFFF086;
	s6 =	sadd.s32 @!p0 s3, s7;
	s7 =	simm.s32 @!p0 $0x108  }
0x21: {  	s3 =	sadd.s32 s3, s9;
	s6 =	sadd.s32 @!p0 $0x88, s6;
	s7 =	simm.s32 @p2 $0x1082  }
0x22: {  	[simem:s7], [sflag:s8] =	dma.local @!p0 [hbm:s6], $0xF7A  }
0x23: {  	s9 =	sor.u32 $0xD0000000, s2;
	s6 =	simm.s32 $0x108;
	_ =	swait.ge @!p0 [sflag:s8], $0x0  }
0x24: {  	s3 =	sadd.s32 $0x88, s3;
	s6 =	simm.s32 @!p1 $0x1082;
	[sflag:s4] =	ssyncset.s32 $0xFFFFF086  }
0x25: {  	[simem:s6], [sflag:s4] =	dma.local [hbm:s3], $0xF7A  }
0x26: {  	[smem:$0x3F98] =	sst s1;
	(tag) =	ssettag s2;
	_ =	strace s9  }
0x27: {  	s1 =	sld [smem:$0x3FA8]  }
0x28: {  	s2 =	sld [smem:$0x3FA9]  }
0x29: {  	s4 =	sld [smem:$0x3FAB]  }
0x2a: {  	p0 =	seq.s32 s5, $0x0;
	s5 =	sld [smem:$0x3FAC]  }
0x2b: {  	s6 =	sld [smem:$0x3FAD]  }
0x2c: {  	s7 =	sld [smem:$0x3FAE]  }
0x2d: {  	s3 =	simm.s32 $0x108;
	s8 =	sld [smem:$0x3FAF]  }
0x2e: {  	s3 =	simm.s32 @!p0 $0x1082;
	s9 =	sld [smem:$0x3FB0]  }
0x2f: {  	lr =	sadd.s32 s0, s3;
	s0 =	sld [smem:$0x3FA7]  }
0x30: {  	s3 =	sld [smem:$0x3FAA]  }
0x31: {  	[smem:$0x3FB3] =	sst s10  }
0x32: {  	s10 =	sld [smem:$0x3FB1];
	_ =	sdelay $0x3  }
0x33: {  	p0 =	seq.s32 s10, $0x1;
	s10 =	sld [smem:$0x3FB3];
	_ =	sdelay $0x3  }
0x34: {  	[smem:$0x3FB3] =	sst s10  }
0x35: {  	s10 =	sld [smem:$0x3FB2];
	_ =	sdelay $0x3  }
0x36: {  	p1 =	seq.s32 s10, $0x1;
	s10 =	sld [smem:$0x3FB3];
	_ =	sdelay $0x3  }
0x37: {  	[smem:$0x3FB3] =	sst s10  }
0x38: {  	s10 =	sld [smem:$0x3FB4]  }
0x39: {  	_ = 	snop;
	(pc) =	sbr.ind lr, $3  }
0x3a: {  	_ = 	snop  }
0x3b: {  	_ = 	snop  }
0x3c: {  	p2 =	seq.s32 s10, $0x1;
	s10 =	sld [smem:$0x3FB3]  }
0x3d: {  	_ =	shalt  }
0x3e: {  	_ =	shalt  }
0x3f: {  	_ =	shalt  }
0x40: {  	_ =	shalt  }
0x41: {  	_ =	shalt  }
0x42: {  	_ =	shalt  }
0x43: {  	_ =	shalt  }
0x44: {  	_ =	shalt  }
0x45: {  	_ =	shalt  }
0x46: {  	_ =	shalt  }
0x47: {  	_ =	shalt  }
0x48: {  	_ =	shalt  }
0x49: {  	_ =	shalt  }
0x4a: {  	_ =	shalt  }
0x4b: {  	_ =	shalt  }
0x4c: {  	_ =	shalt  }
0x4d: {  	_ =	shalt  }
0x4e: {  	_ =	shalt  }
0x4f: {  	_ =	shalt  }
0x50: {  	_ =	shalt  }
0x51: {  	_ =	shalt  }
0x52: {  	_ =	shalt  }
0x53: {  	_ =	shalt  }
0x54: {  	_ =	shalt  }
0x55: {  	_ =	shalt  }
0x56: {  	_ =	shalt  }
0x57: {  	_ =	shalt  }
0x58: {  	_ =	shalt  }
0x59: {  	_ =	shalt  }
0x5a: {  	_ =	shalt  }
0x5b: {  	_ =	shalt  }
0x5c: {  	_ =	shalt  }
0x5d: {  	_ =	shalt  }
0x5e: {  	_ =	shalt  }
0x5f: {  	_ =	shalt  }
0x60: {  	_ =	shalt  }
0x61: {  	_ =	shalt  }
0x62: {  	_ =	shalt  }
0x63: {  	_ =	shalt  }
0x64: {  	_ =	shalt  }
0x65: {  	_ =	shalt  }
0x66: {  	_ =	shalt  }
0x67: {  	_ =	shalt  }
0x68: {  	_ =	shalt  }
0x69: {  	_ =	shalt  }
0x6a: {  	_ =	shalt  }
0x6b: {  	_ =	shalt  }
0x6c: {  	_ =	shalt  }
0x6d: {  	_ =	shalt  }
0x6e: {  	_ =	shalt  }
0x6f: {  	_ =	shalt  }
0x70: {  	_ =	shalt  }
0x71: {  	_ =	shalt  }
0x72: {  	_ =	shalt  }
0x73: {  	_ =	shalt  }
0x74: {  	_ =	shalt  }
0x75: {  	_ =	shalt  }
0x76: {  	_ =	shalt  }
0x77: {  	_ =	shalt  }
0x78: {  	_ =	shalt  }
0x79: {  	_ =	shalt  }
0x7a: {  	_ =	shalt  }
0x7b: {  	_ =	shalt  }
0x7c: {  	_ =	shalt  }
0x7d: {  	_ =	shalt  }
0x7e: {  	_ =	shalt  }
0x7f: {  	_ =	shalt  }
0x80: {  	_ =	shalt  }
0x81: {  	_ =	shalt  }
0x82: {  	_ =	shalt  }
0x83: {  	_ =	shalt  }
0x84: {  	_ =	shalt  }
0x85: {  	_ =	shalt  }
0x86: {  	_ =	shalt  }
0x87: {  	_ =	shalt  }
.Lfunc_end0:
.L_simem_size_0:
called_computation.4_lowered:
.L_overlay_start_0:
0x88: {  	s2 =	sld [smem:$0x3FD9]  }
0x89: {  	s3 =	sld [smem:$0x3FFE];
	_ =	sdelay $0x1  }
0x8a: {  	s1 =	srdreg.scid  }
0x8b: {  	s0 =	sand.u32 $0x1, s1  }
0x8c: {  	s16 =	sshll.u32 s0, $0xA;
	s2 =	sadd.s32 s3, s2  }
0x8d: {  	s2 =	sadd.s32 s2, s16  }
0x8e: {  	[smem:$0x3FBF] =	sst s2  }
0x8f: {  	_ = 	snop  }
0x90: {  	(tm) =	ssettm $0x1  }
0x91: {  	s17 =	sld [smem:$0x3FFB];
	_ =	sdelay $0x3  }
0x92: {  	_ =	strace s17  }
0x93: {  	s2 =	sld [smem:$0x3FFC];
	_ =	sdelay $0x3  }
0x94: {  	_ =	strace s2  }
0x95: {  	s2 =	sld [smem:$0x3FFD];
	_ =	sdelay $0x3  }
0x96: {  	_ =	strace s2  }
0x97: {  	_ =	strace $0x8FFFFFFF  }
0x98: {  	s18 =	sld [smem:$0x3FDB];
	_ =	sdelay $0x1  }
0x99: {  	s19 =	simm.s32 $_scs_section_size  }
0x9a: {  	s4 =	simm.s32 $_size__tile_overlayer_lowered;
	s5 =	simm.s32 $_tile_overlayer_lowered  }
0x9b: {  	s22 =	simm.s32 $0x1BFF;
	s21 =	sshll.u32 s5, $0x1;
	s2 =	sadd.s32 s19, s18  }
0x9c: {  	s6 =	simm.s32 $0x0;
	s20 =	sshll.u32 s4, $0x1;
	s4 =	sadd.s32 s21, s2  }
0x9d: {  	[timem:s6], [sflag:s22] =	dma.local [hbm:s4], s20  }
0x9e: {  	_ =	swait.ge [sflag:s22], s20  }
0x9f: {  	s3 =	ssub.s32 $0x0, s20;
	[sflag:s22] =	ssyncset.done $0x0  }
0xa0: {  	[sflag:s22] =	ssyncadd.s32 s3;
	_ =	sdelay $0x1  }
0xa1: {  	s23 =	simm.s32 $0x1B8B  }
0xa2: {  	_ =	swait.ge [sflag:s23], $0x1  }
0xa3: {  	[sflag:s23] =	ssyncset.done $0x0  }
0xa4: {  	s25 =	simm.s32 $0x1B8E;
	s24 =	sld [smem:$0x3FFE];
	[sflag:s23] =	ssyncadd.s32 $0xFFFFFFFF  }
0xa5: {  	s26 =	simm.s32 $execute0_lowered;
	[smem:$0x3FD2] =	sst s25  }
0xa6: {  	s4 =	sshll.u32 s26, $0x1;
	_ =	strace $0x80000052;
	[dreg:$0x1] =	wrdreg $0xFFFFFFFF  }
0xa7: {  	s28 =	simm.s32 $_size_execute0_lowered;
	s2 =	sadd.s32 s2, s4;
	[dreg:$0x0] =	wrdreg $0x0  }
0xa8: {  	s4 =	sshll.u32 s28, $0x1;
	[dreg:$0x2] =	wrdreg s2  }
0xa9: {  	[dreg:$0x3] =	wrdreg s4  }
0xaa: {  	[dreg:$0x4] =	wrdreg $0xC0  }
0xab: {  	_ =	task [dreg:s6], $0x5FFFF  }
0xac: {  	[dreg:$0x1] =	wrdreg $0xFFFFFFFF  }
0xad: {  	[dreg:$0x0] =	wrdreg $0x60  }
0xae: {  	[dreg:$0x2] =	wrdreg s24  }
0xaf: {  	[dreg:$0x3] =	wrdreg $0x90000  }
0xb0: {  	[dreg:$0x4] =	wrdreg $0x9  }
0xb1: {  	_ =	task.clear_ibuf [dreg:s6], $0x5FFFF;
	_ =	strace $0x90000052  }
0xb2: {  	s29 =	simm.s32 $0x9;
	_ =	strace $0x80000054  }
0xb3: {  	_ =	swait.ge [sflag:s29], $0x1  }
0xb4: {  	[sflag:s29] =	ssyncadd.s32 $0xFFFFFFFF  }
0xb5: {  	_ =	strace $0x90000054  }
0xb6: {  	_ =	sfence  }
0xb7: {  	s30 =	sld [smem:$0x0];
	_ =	sdelay $0x2  }
0xb8: {  	s31 =	sshll.u32 s1, $0xD;
	s1 =	sshrl.u32 s1, $0x2  }
0xb9: {  	s3 =	sand.u32 $0x4000, s31;
	s1 =	sadd.s32 s1, s30  }
0xba: {  	s0 =	sor.u32 s3, s0;
	s1 =	sshll.u32 s1, $0x11  }
0xbb: {  	s0 =	sor.u32 s1, s0  }
0xbc: {  	s0 =	sadd.s32 $0x8F2B, s0  }
0xbd: {  	[sflag:s0] =	ssyncadd.remote.s32 $0x1  }
0xbe: {  	_ =	sfence.sel $0xFFFF  }
0xbf: {  	[dreg:$0x0] =	wrdreg $0xFFFFFFFF;
	(pc) =	sbr.abs _section_cstart, $3  }
0xc0: {  	[dreg:$0x1] =	wrdreg $0xFFFFFFFF  }
0xc1: {  	_ =	task.clear_ibuf [dreg:s6], $0x2FFFF;
	_ =	strace $0x9FFFFFFF  }
0xc2: {  	(tm) =	ssettm $0x7FFFFFFF  }
0xc3: {  	_ =	shalt  }
tec
execute0_lowered:
.L_overlay_start_1:
0x0: {  	(tag) =	ssettag $0x1  }
0x1: {  	s5 =	rddreg [dreg:$0x0]  }
0x2: {  	s2 =	rddreg [dreg:$0x1]  }
0x3: {  	s1 =	stileid.u32;
	s0 =	rddreg [dreg:$0x2]  }
0x4: {  	s3 =	simm.s32 $0x0;
	s10 =	srdreg.scid;
	s20 =	simm.s32 $0x0  }
0x5: {  	s4 =	sshrl.u32 s1, $0x3;
	s6 =	sshll.u32 s1, $0x7;
	s7 =	smul.u32 $0x13C00, s1  }
0x6: {  	[smem:$0x7FF] =	sst s3;
	s8 =	smul.u32 $0x500, s1;
	s10 =	sand.u32 $0x1, s10  }
0x7: {  	s11 =	sadd.s32 $0x280E00, s5;
	s12 =	smul.u32 $0x4F000, s1;
	s31 =	sshll.u32 s1, $0x6  }
0x8: {  	s4 =	smul.u32 $0x13C00, s4;
	s6 =	sand.u32 $0x380, s6;
	_ =	strace $0x80000053  }
0x9: {  	s25 =	ssub.s32 $0x2, s10;
	s14 =	smul.u32 $0x13C000, s10;
	s15 =	sor.u32 $0x2, s10  }
0xa: {  	s18 =	smul.u32 $0x2710, s10;
	s9 =	sshrl.u32 s7, $0x3;
	s8 =	sadd.s32 s8, s5  }
0xb: {  	s13 =	sshrl.u32 s25, $0x1;
	s16 =	smul.u32 $0x13C000, s15;
	s26 =	sshrl.u32 s12, $0x2  }
0xc: {  	s19 =	smul.u32 $0x2710, s15;
	s12 =	simm.s32 $0x400;
	s15 =	sor.u32 $0x1C02, s31  }
0xd: {  	s6 =	sor.u32 s6, s4;
	s4 =	sadd.s32 $0x148600, s5;
	s9 =	sadd.s32 s9, s5  }
0xe: {  	s13 =	ssub.s32 s25, s13;
	s17 =	sadd.s32 s26, s2;
	s28 =	sadd.s32 s7, s14  }
0xf: {  	s14 =	simm.s32 $0x2780;
	v0 =	vmov s18;
	s18 =	simm.s32 $0x5000;
	s6 =	sshrl.u32 s6, $0x3  }
0x10: {  	s29 =	sadd.s32 s7, s16;
	s7 =	sadd.s32 $0x9800, s9;
	s10 =	smax.u32 s13, $0x1  }
0x11: {  	s13 =	simm.s32 $0x2;
	s16 =	sshrl.u32 s17, $0x3;
	s17 =	simm.s32 $0x4F80  }
0x12: {  	v1 =	vmov s19;
	s19 =	simm.s32 $0x1;
	s6 =	sadd.s32 s6, s5;
	s30 =	sshrl.u32 s29, $0x3  }
0x13: {  	s5 =	sadd.s32 $0x80000, s6;
	s6 =	sadd.s32 $0x4000, s8;
	s8 =	sshrl.u32 s28, $0x3  }
0x14: {  	s9 =	sadd.s32 s11, s30;
	s8 =	sadd.s32 s11, s8;
	s11 =	simm.s32 $0x80  }
.LBB2_1:
0x15: {  	[tilespmem:s3], [sflag:$0x2] =	stream.strided.gather [hbm4b:s5+s11], $0x2780, s12, s11, $0x38;
	[tilespmem:$0x1CC00] =	vst v63  }
0x16: {  	_ =	swait.ge [sflag:s13], $0x2780  }
0x17: {  	[sflag:s13] =	ssyncset.done $0x0  }
0x18: {  	[sflag:s13] =	ssyncadd.s32 $0xFFFFD880  }
0x19: {  	[tilespmem:s14], [sflag:$0x2] =	stream.linear.gather [hbm4b:s6+s3], $0x2780, $0x38;
	[tilespmem:$0x1CC00] =	vst v63  }
0x1a: {  	_ =	swait.ge [sflag:s13], $0x2780  }
0x1b: {  	[sflag:s13] =	ssyncset.done $0x0  }
0x1c: {  	[sflag:s13] =	ssyncadd.s32 $0xFFFFD880  }
0x1d: {  	[spmem:s16], [sflag:s15] =	dma.local [hbm:s7], $0x2780  }
0x1e: {  	_ =	swait.ge [sflag:s13], $0x2780  }
0x1f: {  	[sflag:s13] =	ssyncset.done $0x0  }
0x20: {  	[sflag:s13] =	ssyncadd.s32 $0xFFFFD880  }
0x21: {  	s21 =	simm.s32 $0x0;
	[bflag:$0x0] =	sbarrier.arrive $0xFFFF  }
0x22: {  	v2 =	vld [tilespmem:s21+$0x0];
	_ =	sdelay $0x4  }
0x23: {  	v2 =	vadd.s32 v0, v2  }
0x24: {  	[tilespmem:$0x4F80] =	vst v2  }
0x25: {  	v2 =	vld [tilespmem:s21+$0x10];
	_ =	sdelay $0x4  }
0x26: {  	v2 =	vadd.s32 v0, v2  }
0x27: {  	[tilespmem:$0x4F90] =	vst v2  }
0x28: {  	v2 =	vld [tilespmem:s21+$0x20];
	_ =	sdelay $0x4  }
0x29: {  	v2 =	vadd.s32 v0, v2  }
0x2a: {  	[tilespmem:$0x4FA0] =	vst v2  }
0x2b: {  	v2 =	vld [tilespmem:s21+$0x30];
	_ =	sdelay $0x4  }
0x2c: {  	v2 =	vadd.s32 v0, v2  }
0x2d: {  	[tilespmem:$0x4FB0] =	vst v2  }
0x2e: {  	v2 =	vld [tilespmem:s21+$0x40];
	_ =	sdelay $0x4  }
0x2f: {  	v2 =	vadd.s32 v0, v2  }
0x30: {  	[tilespmem:$0x4FC0] =	vst v2  }
0x31: {  	v2 =	vld [tilespmem:s21+$0x50];
	_ =	sdelay $0x4  }
0x32: {  	v2 =	vadd.s32 v0, v2  }
0x33: {  	[tilespmem:$0x4FD0] =	vst v2  }
0x34: {  	v2 =	vld [tilespmem:s21+$0x60];
	_ =	sdelay $0x4  }
0x35: {  	v2 =	vadd.s32 v0, v2  }
0x36: {  	[tilespmem:$0x4FE0] =	vst v2  }
0x37: {  	v2 =	vld [tilespmem:s21+$0x70];
	_ =	sdelay $0x4  }
0x38: {  	v2 =	vadd.s32 v0, v2  }
0x39: {  	[tilespmem:$0x4FF0] =	vst v2  }
0x3a: {  	[tilespmem:s18], [sflag:$0x1] =	stream.indirect.gather [hbm4b:s4+s11], $0x80, s17, s11, $0xb8;
	[tilespmem:$0x1CC00] =	vst v63  }
0x3b: {  	_ =	swait.ge [sflag:s19], $0x4000  }
0x3c: {  	[sflag:s19] =	ssyncset.done $0x0  }
0x3d: {  	s31 =	simm.s32 $0x2780;
	[sflag:s19] =	ssyncadd.s32 $0xFFFFC000  }
0x3e: {  	[spmem:s2] =	stream.indirect.scatter.add.f32 [tilespmem:s18], [sflag:$0x2], $0x80, s31, s11, $0xb8;
	[tilespmem:$0x1CC00] =	vst v63  }
0x3f: {  	_ =	swait.ge [sflag:s13], $0x4000  }
0x40: {  	s24 =	simm.s32 $0x400;
	s21 =	simm.s32 $0x200;
	[sflag:s13] =	ssyncset.done $0x0  }
.LBB2_2:
0x41: {  	s23 =	sshra.s32 s21, $0x2  }
0x42: {  	[sflag:s13] =	ssyncadd.s32 $0xFFFFC000;
	s21 =	smov.u32 s24;
	s22 =	sadd.s32 $0x200, s24  }
0x43: {  	p0 =	sne.s32 s24, $0x9C00;
	v2 =	vld [tilespmem:s23+$0x0];
	_ =	sdelay $0x4  }
0x44: {  	v2 =	vadd.s32 v0, v2  }
0x45: {  	[tilespmem:$0x4F80] =	vst v2  }
0x46: {  	v2 =	vld [tilespmem:s23+$0x10];
	_ =	sdelay $0x4  }
0x47: {  	v2 =	vadd.s32 v0, v2  }
0x48: {  	[tilespmem:$0x4F90] =	vst v2  }
0x49: {  	v2 =	vld [tilespmem:s23+$0x20];
	_ =	sdelay $0x4  }
0x4a: {  	v2 =	vadd.s32 v0, v2  }
0x4b: {  	[tilespmem:$0x4FA0] =	vst v2  }
0x4c: {  	v2 =	vld [tilespmem:s23+$0x30];
	_ =	sdelay $0x4  }
0x4d: {  	v2 =	vadd.s32 v0, v2  }
0x4e: {  	[tilespmem:$0x4FB0] =	vst v2  }
0x4f: {  	v2 =	vld [tilespmem:s23+$0x40];
	_ =	sdelay $0x4  }
0x50: {  	v2 =	vadd.s32 v0, v2  }
0x51: {  	[tilespmem:$0x4FC0] =	vst v2  }
0x52: {  	v2 =	vld [tilespmem:s23+$0x50];
	_ =	sdelay $0x4  }
0x53: {  	v2 =	vadd.s32 v0, v2  }
0x54: {  	[tilespmem:$0x4FD0] =	vst v2  }
0x55: {  	v2 =	vld [tilespmem:s23+$0x60];
	_ =	sdelay $0x4  }
0x56: {  	v2 =	vadd.s32 v0, v2  }
0x57: {  	[tilespmem:$0x4FE0] =	vst v2  }
0x58: {  	v2 =	vld [tilespmem:s23+$0x70];
	_ =	sdelay $0x4  }
0x59: {  	v2 =	vadd.s32 v0, v2  }
0x5a: {  	[tilespmem:$0x4FF0] =	vst v2  }
0x5b: {  	[tilespmem:s18], [sflag:$0x1] =	stream.indirect.gather [hbm4b:s4+s11], $0x80, s17, s11, $0xb8;
	[tilespmem:$0x1CC00] =	vst v63  }
0x5c: {  	_ =	swait.ge [sflag:s19], $0x4000  }
.Ltmp0:
0x5d: {  	[sflag:s19] =	ssyncset.done $0x0;
	(pc) =	sbr.rel @p0 .LBB2_2-.Ltmp0, $4  }
0x5e: {  	s23 =	sadd.s32 $0x2780, s23;
	[sflag:s19] =	ssyncadd.s32 $0xFFFFC000  }
0x5f: {  	[spmem:s2] =	stream.indirect.scatter.add.f32 [tilespmem:s18], [sflag:$0x2], $0x80, s23, s11, $0xb8;
	[tilespmem:$0x1CC00] =	vst v63  }
0x60: {  	_ =	swait.ge [sflag:s13], $0x4000  }
0x61: {  	s24 =	smov.u32 s22;
	[sflag:s13] =	ssyncset.done $0x0  }
0x62: {  	s21 =	sshra.s32 s21, $0x2;
	[sflag:s13] =	ssyncadd.s32 $0xFFFFC000  }
0x63: {  	v2 =	vld [tilespmem:s21+$0x0];
	_ =	sdelay $0x4  }
0x64: {  	v2 =	vadd.s32 v0, v2  }
0x65: {  	[tilespmem:$0x4F80] =	vst v2  }
0x66: {  	v2 =	vld [tilespmem:s21+$0x10];
	_ =	sdelay $0x4  }
0x67: {  	v2 =	vadd.s32 v0, v2  }
0x68: {  	[tilespmem:$0x4F90] =	vst v2  }
0x69: {  	v2 =	vld [tilespmem:s21+$0x20];
	_ =	sdelay $0x4  }
0x6a: {  	v2 =	vadd.s32 v0, v2  }
0x6b: {  	[tilespmem:$0x4FA0] =	vst v2  }
0x6c: {  	v2 =	vld [tilespmem:s21+$0x30];
	_ =	sdelay $0x4  }
0x6d: {  	v2 =	vadd.s32 v0, v2  }
0x6e: {  	[tilespmem:$0x4FB0] =	vst v2  }
0x6f: {  	v2 =	vld [tilespmem:s21+$0x40];
	_ =	sdelay $0x4  }
0x70: {  	v2 =	vadd.s32 v0, v2  }
0x71: {  	[tilespmem:$0x4FC0] =	vst v2  }
0x72: {  	v2 =	vld [tilespmem:s21+$0x50];
	_ =	sdelay $0x4  }
0x73: {  	v2 =	vadd.s32 v0, v2  }
0x74: {  	[tilespmem:$0x4FD0] =	vst v2  }
0x75: {  	v2 =	vld [tilespmem:s21+$0x60];
	_ =	sdelay $0x4  }
0x76: {  	v2 =	vadd.s32 v0, v2  }
0x77: {  	[tilespmem:$0x4FE0] =	vst v2  }
0x78: {  	v2 =	vld [tilespmem:s21+$0x70];
	_ =	sdelay $0x4  }
0x79: {  	v2 =	vadd.s32 v0, v2  }
0x7a: {  	[tilespmem:$0x4FF0] =	vst v2  }
0x7b: {  	[tilespmem:s18], [sflag:$0x1] =	stream.indirect.gather [hbm4b:s4+s11], $0x80, s17, s11, $0xb8;
	[tilespmem:$0x1CC00] =	vst v63  }
0x7c: {  	_ =	swait.ge [sflag:s19], $0x4000  }
0x7d: {  	[sflag:s19] =	ssyncset.done $0x0  }
0x7e: {  	s21 =	sadd.s32 $0x2780, s21;
	[sflag:s19] =	ssyncadd.s32 $0xFFFFC000  }
0x7f: {  	[spmem:s2] =	stream.indirect.scatter.add.f32 [tilespmem:s18], [sflag:$0x2], $0x80, s21, s11, $0xb8;
	[tilespmem:$0x1CC00] =	vst v63  }
0x80: {  	_ =	swait.ge [sflag:s13], $0x4000  }
0x81: {  	[sflag:s13] =	ssyncset.done $0x0  }
0x82: {  	[sflag:s13] =	ssyncadd.s32 $0xFFFFC000  }
0x83: {  	[bflag:$0x0] =	sbarrier.arrive $0xFFFF  }
0x84: {  	[hbm:s8], [sflag:s15] =	dma.local [spmem:s16], $0x2780  }
0x85: {  	_ =	swait.ge [sflag:s13], $0x2780  }
0x86: {  	[sflag:s13] =	ssyncset.done $0x0  }
0x87: {  	[sflag:s13] =	ssyncadd.s32 $0xFFFFD880  }
0x88: {  	[spmem:s16], [sflag:s15] =	dma.local [hbm:s7], $0x2780  }
0x89: {  	_ =	swait.ge [sflag:s13], $0x2780  }
0x8a: {  	[sflag:s13] =	ssyncset.done $0x0  }
0x8b: {  	[sflag:s13] =	ssyncadd.s32 $0xFFFFD880  }
0x8c: {  	s30 =	simm.s32 $0x0;
	[bflag:$0x0] =	sbarrier.arrive $0xFFFF  }
0x8d: {  	v2 =	vld [tilespmem:s30+$0x0];
	_ =	sdelay $0x4  }
0x8e: {  	v2 =	vadd.s32 v1, v2  }
0x8f: {  	[tilespmem:$0x4F80] =	vst v2  }
0x90: {  	v2 =	vld [tilespmem:s30+$0x10];
	_ =	sdelay $0x4  }
0x91: {  	v2 =	vadd.s32 v1, v2  }
0x92: {  	[tilespmem:$0x4F90] =	vst v2  }
0x93: {  	v2 =	vld [tilespmem:s30+$0x20];
	_ =	sdelay $0x4  }
0x94: {  	v2 =	vadd.s32 v1, v2  }
0x95: {  	[tilespmem:$0x4FA0] =	vst v2  }
0x96: {  	v2 =	vld [tilespmem:s30+$0x30];
	_ =	sdelay $0x4  }
0x97: {  	v2 =	vadd.s32 v1, v2  }
0x98: {  	[tilespmem:$0x4FB0] =	vst v2  }
0x99: {  	v2 =	vld [tilespmem:s30+$0x40];
	_ =	sdelay $0x4  }
0x9a: {  	v2 =	vadd.s32 v1, v2  }
0x9b: {  	[tilespmem:$0x4FC0] =	vst v2  }
0x9c: {  	v2 =	vld [tilespmem:s30+$0x50];
	_ =	sdelay $0x4  }
0x9d: {  	v2 =	vadd.s32 v1, v2  }
0x9e: {  	[tilespmem:$0x4FD0] =	vst v2  }
0x9f: {  	v2 =	vld [tilespmem:s30+$0x60];
	_ =	sdelay $0x4  }
0xa0: {  	v2 =	vadd.s32 v1, v2  }
0xa1: {  	[tilespmem:$0x4FE0] =	vst v2  }
0xa2: {  	v2 =	vld [tilespmem:s30+$0x70];
	_ =	sdelay $0x4  }
0xa3: {  	v2 =	vadd.s32 v1, v2  }
0xa4: {  	[tilespmem:$0x4FF0] =	vst v2  }
0xa5: {  	[tilespmem:s18], [sflag:$0x1] =	stream.indirect.gather [hbm4b:s4+s11], $0x80, s17, s11, $0xb8;
	[tilespmem:$0x1CC00] =	vst v63  }
0xa6: {  	_ =	swait.ge [sflag:s19], $0x4000  }
0xa7: {  	[sflag:s19] =	ssyncset.done $0x0  }
0xa8: {  	s31 =	simm.s32 $0x2780;
	[sflag:s19] =	ssyncadd.s32 $0xFFFFC000  }
0xa9: {  	[spmem:s2] =	stream.indirect.scatter.add.f32 [tilespmem:s18], [sflag:$0x2], $0x80, s31, s11, $0xb8;
	[tilespmem:$0x1CC00] =	vst v63  }
0xaa: {  	_ =	swait.ge [sflag:s13], $0x4000  }
0xab: {  	s24 =	simm.s32 $0x400;
	s21 =	simm.s32 $0x200;
	[sflag:s13] =	ssyncset.done $0x0  }
.LBB2_4:
0xac: {  	s23 =	sshra.s32 s21, $0x2  }
0xad: {  	[sflag:s13] =	ssyncadd.s32 $0xFFFFC000;
	s21 =	smov.u32 s24;
	s22 =	sadd.s32 $0x200, s24  }
0xae: {  	p0 =	sne.s32 s24, $0x9C00;
	v2 =	vld [tilespmem:s23+$0x0];
	_ =	sdelay $0x4  }
0xaf: {  	v2 =	vadd.s32 v1, v2  }
0xb0: {  	[tilespmem:$0x4F80] =	vst v2  }
0xb1: {  	v2 =	vld [tilespmem:s23+$0x10];
	_ =	sdelay $0x4  }
0xb2: {  	v2 =	vadd.s32 v1, v2  }
0xb3: {  	[tilespmem:$0x4F90] =	vst v2  }
0xb4: {  	v2 =	vld [tilespmem:s23+$0x20];
	_ =	sdelay $0x4  }
0xb5: {  	v2 =	vadd.s32 v1, v2  }
0xb6: {  	[tilespmem:$0x4FA0] =	vst v2  }
0xb7: {  	v2 =	vld [tilespmem:s23+$0x30];
	_ =	sdelay $0x4  }
0xb8: {  	v2 =	vadd.s32 v1, v2  }
0xb9: {  	[tilespmem:$0x4FB0] =	vst v2  }
0xba: {  	v2 =	vld [tilespmem:s23+$0x40];
	_ =	sdelay $0x4  }
0xbb: {  	v2 =	vadd.s32 v1, v2  }
0xbc: {  	[tilespmem:$0x4FC0] =	vst v2  }
0xbd: {  	v2 =	vld [tilespmem:s23+$0x50];
	_ =	sdelay $0x4  }
0xbe: {  	v2 =	vadd.s32 v1, v2  }
0xbf: {  	[tilespmem:$0x4FD0] =	vst v2  }
0xc0: {  	v2 =	vld [tilespmem:s23+$0x60];
	_ =	sdelay $0x4  }
0xc1: {  	v2 =	vadd.s32 v1, v2  }
0xc2: {  	[tilespmem:$0x4FE0] =	vst v2  }
0xc3: {  	v2 =	vld [tilespmem:s23+$0x70];
	_ =	sdelay $0x4  }
0xc4: {  	v2 =	vadd.s32 v1, v2  }
0xc5: {  	[tilespmem:$0x4FF0] =	vst v2  }
0xc6: {  	[tilespmem:s18], [sflag:$0x1] =	stream.indirect.gather [hbm4b:s4+s11], $0x80, s17, s11, $0xb8;
	[tilespmem:$0x1CC00] =	vst v63  }
0xc7: {  	_ =	swait.ge [sflag:s19], $0x4000  }
.Ltmp1:
0xc8: {  	[sflag:s19] =	ssyncset.done $0x0;
	(pc) =	sbr.rel @p0 .LBB2_4-.Ltmp1, $4  }
0xc9: {  	s23 =	sadd.s32 $0x2780, s23;
	[sflag:s19] =	ssyncadd.s32 $0xFFFFC000  }
0xca: {  	[spmem:s2] =	stream.indirect.scatter.add.f32 [tilespmem:s18], [sflag:$0x2], $0x80, s23, s11, $0xb8;
	[tilespmem:$0x1CC00] =	vst v63  }
0xcb: {  	_ =	swait.ge [sflag:s13], $0x4000  }
0xcc: {  	s24 =	smov.u32 s22;
	[sflag:s13] =	ssyncset.done $0x0  }
0xcd: {  	s21 =	sshra.s32 s21, $0x2;
	[sflag:s13] =	ssyncadd.s32 $0xFFFFC000  }
0xce: {  	v2 =	vld [tilespmem:s21+$0x0];
	_ =	sdelay $0x4  }
0xcf: {  	v2 =	vadd.s32 v1, v2  }
0xd0: {  	[tilespmem:$0x4F80] =	vst v2  }
0xd1: {  	v2 =	vld [tilespmem:s21+$0x10];
	_ =	sdelay $0x4  }
0xd2: {  	v2 =	vadd.s32 v1, v2  }
0xd3: {  	[tilespmem:$0x4F90] =	vst v2  }
0xd4: {  	v2 =	vld [tilespmem:s21+$0x20];
	_ =	sdelay $0x4  }
0xd5: {  	v2 =	vadd.s32 v1, v2  }
0xd6: {  	[tilespmem:$0x4FA0] =	vst v2  }
0xd7: {  	v2 =	vld [tilespmem:s21+$0x30];
	_ =	sdelay $0x4  }
0xd8: {  	v2 =	vadd.s32 v1, v2  }
0xd9: {  	[tilespmem:$0x4FB0] =	vst v2  }
0xda: {  	v2 =	vld [tilespmem:s21+$0x40];
	_ =	sdelay $0x4  }
0xdb: {  	v2 =	vadd.s32 v1, v2  }
0xdc: {  	[tilespmem:$0x4FC0] =	vst v2  }
0xdd: {  	v2 =	vld [tilespmem:s21+$0x50];
	_ =	sdelay $0x4  }
0xde: {  	v2 =	vadd.s32 v1, v2  }
0xdf: {  	[tilespmem:$0x4FD0] =	vst v2  }
0xe0: {  	v2 =	vld [tilespmem:s21+$0x60];
	_ =	sdelay $0x4  }
0xe1: {  	v2 =	vadd.s32 v1, v2  }
0xe2: {  	[tilespmem:$0x4FE0] =	vst v2  }
0xe3: {  	v2 =	vld [tilespmem:s21+$0x70];
	_ =	sdelay $0x4  }
0xe4: {  	v2 =	vadd.s32 v1, v2  }
0xe5: {  	[tilespmem:$0x4FF0] =	vst v2  }
0xe6: {  	[tilespmem:s18], [sflag:$0x1] =	stream.indirect.gather [hbm4b:s4+s11], $0x80, s17, s11, $0xb8;
	[tilespmem:$0x1CC00] =	vst v63  }
0xe7: {  	_ =	swait.ge [sflag:s19], $0x4000  }
0xe8: {  	[sflag:s19] =	ssyncset.done $0x0  }
0xe9: {  	s21 =	sadd.s32 $0x2780, s21;
	[sflag:s19] =	ssyncadd.s32 $0xFFFFC000  }
0xea: {  	[spmem:s2] =	stream.indirect.scatter.add.f32 [tilespmem:s18], [sflag:$0x2], $0x80, s21, s11, $0xb8;
	[tilespmem:$0x1CC00] =	vst v63  }
0xeb: {  	_ =	swait.ge [sflag:s13], $0x4000  }
0xec: {  	s20 =	sadd.s32 $0x1, s20;
	[sflag:s13] =	ssyncset.done $0x0  }
0xed: {  	p0 =	sne.s32 s20, s10;
	[sflag:s13] =	ssyncadd.s32 $0xFFFFC000  }
.Ltmp2:
0xee: {  	[bflag:$0x0] =	sbarrier.arrive $0xFFFF;
	(pc) =	sbr.rel @p0 .LBB2_1-.Ltmp2, $4  }
0xef: {  	[hbm:s9], [sflag:s15] =	dma.local [spmem:s16], $0x2780  }
0xf0: {  	_ =	swait.ge [sflag:s13], $0x2780  }
0xf1: {  	[sflag:s13] =	ssyncset.done $0x0  }
0xf2: {  	[sflag:s13] =	ssyncadd.s32 $0xFFFFD880  }
0xf3: {  	_ =	sfence.sel $0x180000  }
0xf4: {  	[bflag:$0x0] =	sbarrier.arrive $0xFFFF  }
0xf5: {  	p0 =	sne.s32 s1, $0x0;
	_ =	strace $0x90000053  }
0xf6: {  	s0 =	sadd.s32 @!p0 $0x100000, s0;
	[bflag:$0x2] =	sbarrier.arrive $0xFFFF  }
0xf7: {  	[sflag:s0] =	ssyncadd.tile.s32 @!p0 $0x1;
	_ =	shalt  }
.Lfunc_end2:
_tile_overlayer_lowered:
.L_overlay_start_2:
0xf8: {  	(tag) =	ssettag $0x2  }
0xf9: {  	s0 =	rddreg [dreg:$0x0];
	s2 =	stileid.u32  }
0xfa: {  	s1 =	rddreg [dreg:$0x1];
	p0 =	sne.s32 s2, $0x0  }
0xfb: {  	s3 =	rddreg [dreg:$0x2];
	[bflag:$0x3] =	sbarrier.arrive $0xFFFF;
	s2 =	simm.s32 @!p0 $0x1C02  }
0xfc: {  	[timem:s3], [sflag:s2] =	dma.local @!p0 [hbm:s0], s1  }
0xfd: {  	s0 =	simm.s32 @!p0 $0x2  }
0xfe: {  	_ =	swait.ge @!p0 [sflag:s0], s1  }
0xff: {  	s1 =	ssub.s32 @!p0 $0x0, s1;
	[sflag:s0] =	ssyncset.done @!p0 $0x0  }
0x100: {  	[sflag:s0] =	ssyncadd.s32 @!p0 s1  }
0x101: {  	[bflag:$0x3] =	sbarrier.arrive $0xFFFF  }
0x102: {  	_ =	shalt  }

// kernel: kernel.31.cloned.1.call-start
scs
__scs_entry_jumppad:
0x0: {  	(pc) =	sbr.rel $0x88, $3  }
0x1: {  	(tag) =	ssettag $0x0;
	lr =	simm.s32 $0x1  }
0x2: {  	[smem:$0x3F98] =	sst lr;
	_ =	strace $0xD0000000  }
0x3: {  	_ = 	snop  }
0x4: {  	_ = 	snop  }
0x5: {  	_ = 	snop  }
0x6: {  	_ = 	snop  }
0x7: {  	_ = 	snop  }
__scs_overlays_trampoline_lowered:
0x8: {  	[smem:$0x3FA7] =	sst s0  }
0x9: {  	[smem:$0x3FA8] =	sst s1  }
0xa: {  	[smem:$0x3FA9] =	sst s2  }
0xb: {  	[smem:$0x3FAA] =	sst s3  }
0xc: {  	[smem:$0x3FAB] =	sst s4  }
0xd: {  	[smem:$0x3FAC] =	sst s5  }
0xe: {  	[smem:$0x3FAD] =	sst s6  }
0xf: {  	[smem:$0x3FAE] =	sst s7  }
0x10: {  	[smem:$0x3FAF] =	sst s8  }
0x11: {  	[smem:$0x3FB0] =	sst s9;
	s0 =	simm.s32 @!p0 $0x0  }
0x12: {  	s1 =	sld [smem:$0x3F96];
	s0 =	simm.s32 @p0 $0x1  }
0x13: {  	[smem:$0x3FB1] =	sst s0;
	s0 =	simm.s32 @!p1 $0x0  }
0x14: {  	s2 =	sld [smem:$0x3F95];
	s0 =	simm.s32 @p1 $0x1  }
0x15: {  	[smem:$0x3FB2] =	sst s0;
	s0 =	simm.s32 @!p2 $0x0  }
0x16: {  	s3 =	sld [smem:$0x3FDB];
	s0 =	simm.s32 @p2 $0x1  }
0x17: {  	s4 =	simm.s32 $0x1BF5;
	[smem:$0x3FB4] =	sst s0  }
0x18: {  	s0 =	sld [smem:$0x3F97];
	_ =	swait.ge [sflag:s4], $0x0  }
0x19: {  	s7 =	sld [smem:$0x3F98]  }
0x1a: {  	s8 =	sadd.s32 $0xFFFFE003, lr  }
0x1b: {  	s9 =	sadd.s32 $0xFFFFFEF7, lr;
	s5 =	simm.s32 $0xFFFFFFFF;
	p2 =	slt.u32 s8, $0xFFFFF086  }
0x1c: {  	p1 =	slt.u32 s9, $0xF7A;
	s5 =	simm.s32 @!p2 $0x0  }
0x1d: {  	s5 =	simm.s32 @p1 $0x1;
	p0 =	seq.s32 s7, s2  }
0x1e: {  	s7 =	smul.u32 @!p0 $0xF7A, s2;
	p2 =	seq.s32 @!p0 s5, $0x0  }
0x1f: {  	s9 =	smul.u32 $0xF7A, s1;
	s8 =	simm.s32 @!p0 $0x1BF5;
	p2 =	por !p2, p0  }
0x20: {  	[sflag:s8] =	ssyncset.s32 @!p0 $0xFFFFF086;
	s6 =	sadd.s32 @!p0 s3, s7;
	s7 =	simm.s32 @!p0 $0x108  }
0x21: {  	s3 =	sadd.s32 s3, s9;
	s6 =	sadd.s32 @!p0 $0x88, s6;
	s7 =	simm.s32 @p2 $0x1082  }
0x22: {  	[simem:s7], [sflag:s8] =	dma.local @!p0 [hbm:s6], $0xF7A  }
0x23: {  	s9 =	sor.u32 $0xD0000000, s2;
	s6 =	simm.s32 $0x108;
	_ =	swait.ge @!p0 [sflag:s8], $0x0  }
0x24: {  	s3 =	sadd.s32 $0x88, s3;
	s6 =	simm.s32 @!p1 $0x1082;
	[sflag:s4] =	ssyncset.s32 $0xFFFFF086  }
0x25: {  	[simem:s6], [sflag:s4] =	dma.local [hbm:s3], $0xF7A  }
0x26: {  	[smem:$0x3F98] =	sst s1;
	(tag) =	ssettag s2;
	_ =	strace s9  }
0x27: {  	s1 =	sld [smem:$0x3FA8]  }
0x28: {  	s2 =	sld [smem:$0x3FA9]  }
0x29: {  	s4 =	sld [smem:$0x3FAB]  }
0x2a: {  	p0 =	seq.s32 s5, $0x0;
	s5 =	sld [smem:$0x3FAC]  }
0x2b: {  	s6 =	sld [smem:$0x3FAD]  }
0x2c: {  	s7 =	sld [smem:$0x3FAE]  }
0x2d: {  	s3 =	simm.s32 $0x108;
	s8 =	sld [smem:$0x3FAF]  }
0x2e: {  	s3 =	simm.s32 @!p0 $0x1082;
	s9 =	sld [smem:$0x3FB0]  }
0x2f: {  	lr =	sadd.s32 s0, s3;
	s0 =	sld [smem:$0x3FA7]  }
0x30: {  	s3 =	sld [smem:$0x3FAA]  }
0x31: {  	[smem:$0x3FB3] =	sst s10  }
0x32: {  	s10 =	sld [smem:$0x3FB1];
	_ =	sdelay $0x3  }
0x33: {  	p0 =	seq.s32 s10, $0x1;
	s10 =	sld [smem:$0x3FB3];
	_ =	sdelay $0x3  }
0x34: {  	[smem:$0x3FB3] =	sst s10  }
0x35: {  	s10 =	sld [smem:$0x3FB2];
	_ =	sdelay $0x3  }
0x36: {  	p1 =	seq.s32 s10, $0x1;
	s10 =	sld [smem:$0x3FB3];
	_ =	sdelay $0x3  }
0x37: {  	[smem:$0x3FB3] =	sst s10  }
0x38: {  	s10 =	sld [smem:$0x3FB4]  }
0x39: {  	_ = 	snop;
	(pc) =	sbr.ind lr, $3  }
0x3a: {  	_ = 	snop  }
0x3b: {  	_ = 	snop  }
0x3c: {  	p2 =	seq.s32 s10, $0x1;
	s10 =	sld [smem:$0x3FB3]  }
0x3d: {  	_ =	shalt  }
0x3e: {  	_ =	shalt  }
0x3f: {  	_ =	shalt  }
0x40: {  	_ =	shalt  }
0x41: {  	_ =	shalt  }
0x42: {  	_ =	shalt  }
0x43: {  	_ =	shalt  }
0x44: {  	_ =	shalt  }
0x45: {  	_ =	shalt  }
0x46: {  	_ =	shalt  }
0x47: {  	_ =	shalt  }
0x48: {  	_ =	shalt  }
0x49: {  	_ =	shalt  }
0x4a: {  	_ =	shalt  }
0x4b: {  	_ =	shalt  }
0x4c: {  	_ =	shalt  }
0x4d: {  	_ =	shalt  }
0x4e: {  	_ =	shalt  }
0x4f: {  	_ =	shalt  }
0x50: {  	_ =	shalt  }
0x51: {  	_ =	shalt  }
0x52: {  	_ =	shalt  }
0x53: {  	_ =	shalt  }
0x54: {  	_ =	shalt  }
0x55: {  	_ =	shalt  }
0x56: {  	_ =	shalt  }
0x57: {  	_ =	shalt  }
0x58: {  	_ =	shalt  }
0x59: {  	_ =	shalt  }
0x5a: {  	_ =	shalt  }
0x5b: {  	_ =	shalt  }
0x5c: {  	_ =	shalt  }
0x5d: {  	_ =	shalt  }
0x5e: {  	_ =	shalt  }
0x5f: {  	_ =	shalt  }
0x60: {  	_ =	shalt  }
0x61: {  	_ =	shalt  }
0x62: {  	_ =	shalt  }
0x63: {  	_ =	shalt  }
0x64: {  	_ =	shalt  }
0x65: {  	_ =	shalt  }
0x66: {  	_ =	shalt  }
0x67: {  	_ =	shalt  }
0x68: {  	_ =	shalt  }
0x69: {  	_ =	shalt  }
0x6a: {  	_ =	shalt  }
0x6b: {  	_ =	shalt  }
0x6c: {  	_ =	shalt  }
0x6d: {  	_ =	shalt  }
0x6e: {  	_ =	shalt  }
0x6f: {  	_ =	shalt  }
0x70: {  	_ =	shalt  }
0x71: {  	_ =	shalt  }
0x72: {  	_ =	shalt  }
0x73: {  	_ =	shalt  }
0x74: {  	_ =	shalt  }
0x75: {  	_ =	shalt  }
0x76: {  	_ =	shalt  }
0x77: {  	_ =	shalt  }
0x78: {  	_ =	shalt  }
0x79: {  	_ =	shalt  }
0x7a: {  	_ =	shalt  }
0x7b: {  	_ =	shalt  }
0x7c: {  	_ =	shalt  }
0x7d: {  	_ =	shalt  }
0x7e: {  	_ =	shalt  }
0x7f: {  	_ =	shalt  }
0x80: {  	_ =	shalt  }
0x81: {  	_ =	shalt  }
0x82: {  	_ =	shalt  }
0x83: {  	_ =	shalt  }
0x84: {  	_ =	shalt  }
0x85: {  	_ =	shalt  }
0x86: {  	_ =	shalt  }
0x87: {  	_ =	shalt  }
.Lfunc_end0:
.L_simem_size_0:
called_computation.5_lowered:
.L_overlay_start_0:
0x88: {  	s2 =	sld [smem:$0x3FD9]  }
0x89: {  	s3 =	sld [smem:$0x3FFE];
	_ =	sdelay $0x1  }
0x8a: {  	s1 =	srdreg.scid  }
0x8b: {  	s0 =	sand.u32 $0x1, s1  }
0x8c: {  	s16 =	sshll.u32 s0, $0xA;
	s2 =	sadd.s32 s3, s2  }
0x8d: {  	s2 =	sadd.s32 s2, s16  }
0x8e: {  	[smem:$0x3FBF] =	sst s2  }
0x8f: {  	_ = 	snop  }
0x90: {  	(tm) =	ssettm $0x1  }
0x91: {  	s17 =	sld [smem:$0x3FFB];
	_ =	sdelay $0x3  }
0x92: {  	_ =	strace s17  }
0x93: {  	s2 =	sld [smem:$0x3FFC];
	_ =	sdelay $0x3  }
0x94: {  	_ =	strace s2  }
0x95: {  	s2 =	sld [smem:$0x3FFD];
	_ =	sdelay $0x3  }
0x96: {  	_ =	strace s2  }
0x97: {  	_ =	strace $0x8FFFFFFF  }
0x98: {  	s18 =	sld [smem:$0x3FDB];
	_ =	sdelay $0x1  }
0x99: {  	s19 =	simm.s32 $_scs_section_size  }
0x9a: {  	s4 =	simm.s32 $_size__tile_overlayer_lowered;
	s5 =	simm.s32 $_tile_overlayer_lowered  }
0x9b: {  	s22 =	simm.s32 $0x1BFF;
	s21 =	sshll.u32 s5, $0x1;
	s2 =	sadd.s32 s19, s18  }
0x9c: {  	s6 =	simm.s32 $0x0;
	s20 =	sshll.u32 s4, $0x1;
	s4 =	sadd.s32 s21, s2  }
0x9d: {  	[timem:s6], [sflag:s22] =	dma.local [hbm:s4], s20  }
0x9e: {  	_ =	swait.ge [sflag:s22], s20  }
0x9f: {  	s3 =	ssub.s32 $0x0, s20;
	[sflag:s22] =	ssyncset.done $0x0  }
0xa0: {  	[sflag:s22] =	ssyncadd.s32 s3;
	_ =	sdelay $0x1  }
0xa1: {  	s23 =	simm.s32 $0x1B8B  }
0xa2: {  	_ =	swait.ge [sflag:s23], $0x1  }
0xa3: {  	[sflag:s23] =	ssyncset.done $0x0  }
0xa4: {  	s25 =	simm.s32 $0x1B8E;
	s24 =	sld [smem:$0x3FFE];
	[sflag:s23] =	ssyncadd.s32 $0xFFFFFFFF  }
0xa5: {  	s26 =	simm.s32 $execute0_lowered;
	[smem:$0x3FD2] =	sst s25  }
0xa6: {  	s4 =	sshll.u32 s26, $0x1;
	_ =	strace $0x80000055;
	[dreg:$0x1] =	wrdreg $0xFFFFFFFF  }
0xa7: {  	s28 =	simm.s32 $_size_execute0_lowered;
	s2 =	sadd.s32 s2, s4;
	[dreg:$0x0] =	wrdreg $0x0  }
0xa8: {  	s4 =	sshll.u32 s28, $0x1;
	[dreg:$0x2] =	wrdreg s2  }
0xa9: {  	[dreg:$0x3] =	wrdreg s4  }
0xaa: {  	[dreg:$0x4] =	wrdreg $0xC0  }
0xab: {  	_ =	task [dreg:s6], $0x5FFFF  }
0xac: {  	[dreg:$0x1] =	wrdreg $0xFFFFFFFF  }
0xad: {  	[dreg:$0x0] =	wrdreg $0x60  }
0xae: {  	[dreg:$0x2] =	wrdreg s24  }
0xaf: {  	[dreg:$0x3] =	wrdreg $0x90000  }
0xb0: {  	[dreg:$0x4] =	wrdreg $0x9  }
0xb1: {  	_ =	task.clear_ibuf [dreg:s6], $0x5FFFF;
	_ =	strace $0x90000055  }
0xb2: {  	s29 =	simm.s32 $0x9;
	_ =	strace $0x80000057  }
0xb3: {  	_ =	swait.ge [sflag:s29], $0x1  }
0xb4: {  	[sflag:s29] =	ssyncadd.s32 $0xFFFFFFFF  }
0xb5: {  	_ =	strace $0x90000057  }
0xb6: {  	_ =	sfence  }
0xb7: {  	s30 =	sld [smem:$0x0];
	_ =	sdelay $0x2  }
0xb8: {  	s31 =	sshll.u32 s1, $0xD;
	s1 =	sshrl.u32 s1, $0x2  }
0xb9: {  	s3 =	sand.u32 $0x4000, s31;
	s1 =	sadd.s32 s1, s30  }
0xba: {  	s0 =	sor.u32 s3, s0;
	s1 =	sshll.u32 s1, $0x11  }
0xbb: {  	s0 =	sor.u32 s1, s0  }
0xbc: {  	s0 =	sadd.s32 $0x8F2B, s0  }
0xbd: {  	[sflag:s0] =	ssyncadd.remote.s32 $0x1  }
0xbe: {  	_ =	sfence.sel $0xFFFF  }
0xbf: {  	[dreg:$0x0] =	wrdreg $0xFFFFFFFF;
	(pc) =	sbr.abs _section_cstart, $3  }
0xc0: {  	[dreg:$0x1] =	wrdreg $0xFFFFFFFF  }
0xc1: {  	_ =	task.clear_ibuf [dreg:s6], $0x2FFFF;
	_ =	strace $0x9FFFFFFF  }
0xc2: {  	(tm) =	ssettm $0x7FFFFFFF  }
0xc3: {  	_ =	shalt  }
tec
execute0_lowered:
.L_overlay_start_1:
0x0: {  	(tag) =	ssettag $0x1  }
0x1: {  	s5 =	rddreg [dreg:$0x0]  }
0x2: {  	s2 =	rddreg [dreg:$0x1]  }
0x3: {  	s1 =	stileid.u32;
	s0 =	rddreg [dreg:$0x2]  }
0x4: {  	s3 =	simm.s32 $0x0;
	s10 =	srdreg.scid;
	s20 =	simm.s32 $0x0  }
0x5: {  	s4 =	sshrl.u32 s1, $0x3;
	s6 =	sshll.u32 s1, $0x7;
	s7 =	smul.u32 $0x13C00, s1  }
0x6: {  	[smem:$0x7FF] =	sst s3;
	s8 =	smul.u32 $0x500, s1;
	s10 =	sand.u32 $0x1, s10  }
0x7: {  	s11 =	sadd.s32 $0x280E00, s5;
	s12 =	smul.u32 $0x4F000, s1;
	s31 =	sshll.u32 s1, $0x6  }
0x8: {  	s4 =	smul.u32 $0x13C00, s4;
	s6 =	sand.u32 $0x380, s6;
	_ =	strace $0x80000056  }
0x9: {  	s25 =	ssub.s32 $0x2, s10;
	s14 =	smul.u32 $0x13C000, s10;
	s15 =	sor.u32 $0x2, s10  }
0xa: {  	s18 =	smul.u32 $0x2710, s10;
	s9 =	sshrl.u32 s7, $0x3;
	s8 =	sadd.s32 s8, s5  }
0xb: {  	s13 =	sshrl.u32 s25, $0x1;
	s16 =	smul.u32 $0x13C000, s15;
	s26 =	sshrl.u32 s12, $0x2  }
0xc: {  	s19 =	smul.u32 $0x2710, s15;
	s12 =	simm.s32 $0x400;
	s15 =	sor.u32 $0x1C02, s31  }
0xd: {  	s6 =	sor.u32 s6, s4;
	s4 =	sadd.s32 $0x148600, s5;
	s9 =	sadd.s32 s9, s5  }
0xe: {  	s13 =	ssub.s32 s25, s13;
	s17 =	sadd.s32 s26, s2;
	s28 =	sadd.s32 s7, s14  }
0xf: {  	s14 =	simm.s32 $0x2780;
	v0 =	vmov s18;
	s18 =	simm.s32 $0x5000;
	s6 =	sshrl.u32 s6, $0x3  }
0x10: {  	s29 =	sadd.s32 s7, s16;
	s7 =	sadd.s32 $0x9800, s9;
	s10 =	smax.u32 s13, $0x1  }
0x11: {  	s13 =	simm.s32 $0x2;
	s16 =	sshrl.u32 s17, $0x3;
	s17 =	simm.s32 $0x4F80  }
0x12: {  	v1 =	vmov s19;
	s19 =	simm.s32 $0x1;
	s6 =	sadd.s32 s6, s5;
	s30 =	sshrl.u32 s29, $0x3  }
0x13: {  	s5 =	sadd.s32 $0x80000, s6;
	s6 =	sadd.s32 $0x4000, s8;
	s8 =	sshrl.u32 s28, $0x3  }
0x14: {  	s9 =	sadd.s32 s11, s30;
	s8 =	sadd.s32 s11, s8;
	s11 =	simm.s32 $0x80  }
.LBB2_1:
0x15: {  	[tilespmem:s3], [sflag:$0x2] =	stream.strided.gather [hbm4b:s5+s11], $0x2780, s12, s11, $0x38;
	[tilespmem:$0x1CC00] =	vst v63  }
0x16: {  	_ =	swait.ge [sflag:s13], $0x2780  }
0x17: {  	[sflag:s13] =	ssyncset.done $0x0  }
0x18: {  	[sflag:s13] =	ssyncadd.s32 $0xFFFFD880  }
0x19: {  	[tilespmem:s14], [sflag:$0x2] =	stream.linear.gather [hbm4b:s6+s3], $0x2780, $0x38;
	[tilespmem:$0x1CC00] =	vst v63  }
0x1a: {  	_ =	swait.ge [sflag:s13], $0x2780  }
0x1b: {  	[sflag:s13] =	ssyncset.done $0x0  }
0x1c: {  	[sflag:s13] =	ssyncadd.s32 $0xFFFFD880  }
0x1d: {  	[spmem:s16], [sflag:s15] =	dma.local [hbm:s7], $0x2780  }
0x1e: {  	_ =	swait.ge [sflag:s13], $0x2780  }
0x1f: {  	[sflag:s13] =	ssyncset.done $0x0  }
0x20: {  	[sflag:s13] =	ssyncadd.s32 $0xFFFFD880  }
0x21: {  	s21 =	simm.s32 $0x0;
	[bflag:$0x0] =	sbarrier.arrive $0xFFFF  }
0x22: {  	v2 =	vld [tilespmem:s21+$0x0];
	_ =	sdelay $0x4  }
0x23: {  	v2 =	vadd.s32 v0, v2  }
0x24: {  	[tilespmem:$0x4F80] =	vst v2  }
0x25: {  	v2 =	vld [tilespmem:s21+$0x10];
	_ =	sdelay $0x4  }
0x26: {  	v2 =	vadd.s32 v0, v2  }
0x27: {  	[tilespmem:$0x4F90] =	vst v2  }
0x28: {  	v2 =	vld [tilespmem:s21+$0x20];
	_ =	sdelay $0x4  }
0x29: {  	v2 =	vadd.s32 v0, v2  }
0x2a: {  	[tilespmem:$0x4FA0] =	vst v2  }
0x2b: {  	v2 =	vld [tilespmem:s21+$0x30];
	_ =	sdelay $0x4  }
0x2c: {  	v2 =	vadd.s32 v0, v2  }
0x2d: {  	[tilespmem:$0x4FB0] =	vst v2  }
0x2e: {  	v2 =	vld [tilespmem:s21+$0x40];
	_ =	sdelay $0x4  }
0x2f: {  	v2 =	vadd.s32 v0, v2  }
0x30: {  	[tilespmem:$0x4FC0] =	vst v2  }
0x31: {  	v2 =	vld [tilespmem:s21+$0x50];
	_ =	sdelay $0x4  }
0x32: {  	v2 =	vadd.s32 v0, v2  }
0x33: {  	[tilespmem:$0x4FD0] =	vst v2  }
0x34: {  	v2 =	vld [tilespmem:s21+$0x60];
	_ =	sdelay $0x4  }
0x35: {  	v2 =	vadd.s32 v0, v2  }
0x36: {  	[tilespmem:$0x4FE0] =	vst v2  }
0x37: {  	v2 =	vld [tilespmem:s21+$0x70];
	_ =	sdelay $0x4  }
0x38: {  	v2 =	vadd.s32 v0, v2  }
0x39: {  	[tilespmem:$0x4FF0] =	vst v2  }
0x3a: {  	[tilespmem:s18], [sflag:$0x1] =	stream.indirect.gather [hbm4b:s4+s11], $0x80, s17, s11, $0xb8;
	[tilespmem:$0x1CC00] =	vst v63  }
0x3b: {  	_ =	swait.ge [sflag:s19], $0x4000  }
0x3c: {  	[sflag:s19] =	ssyncset.done $0x0  }
0x3d: {  	s31 =	simm.s32 $0x2780;
	[sflag:s19] =	ssyncadd.s32 $0xFFFFC000  }
0x3e: {  	[spmem:s2] =	stream.indirect.scatter.add.f32 [tilespmem:s18], [sflag:$0x2], $0x80, s31, s11, $0xb8;
	[tilespmem:$0x1CC00] =	vst v63  }
0x3f: {  	_ =	swait.ge [sflag:s13], $0x4000  }
0x40: {  	s24 =	simm.s32 $0x400;
	s21 =	simm.s32 $0x200;
	[sflag:s13] =	ssyncset.done $0x0  }
.LBB2_2:
0x41: {  	s23 =	sshra.s32 s21, $0x2  }
0x42: {  	[sflag:s13] =	ssyncadd.s32 $0xFFFFC000;
	s21 =	smov.u32 s24;
	s22 =	sadd.s32 $0x200, s24  }
0x43: {  	p0 =	sne.s32 s24, $0x9C00;
	v2 =	vld [tilespmem:s23+$0x0];
	_ =	sdelay $0x4  }
0x44: {  	v2 =	vadd.s32 v0, v2  }
0x45: {  	[tilespmem:$0x4F80] =	vst v2  }
0x46: {  	v2 =	vld [tilespmem:s23+$0x10];
	_ =	sdelay $0x4  }
0x47: {  	v2 =	vadd.s32 v0, v2  }
0x48: {  	[tilespmem:$0x4F90] =	vst v2  }
0x49: {  	v2 =	vld [tilespmem:s23+$0x20];
	_ =	sdelay $0x4  }
0x4a: {  	v2 =	vadd.s32 v0, v2  }
0x4b: {  	[tilespmem:$0x4FA0] =	vst v2  }
0x4c: {  	v2 =	vld [tilespmem:s23+$0x30];
	_ =	sdelay $0x4  }
0x4d: {  	v2 =	vadd.s32 v0, v2  }
0x4e: {  	[tilespmem:$0x4FB0] =	vst v2  }
0x4f: {  	v2 =	vld [tilespmem:s23+$0x40];
	_ =	sdelay $0x4  }
0x50: {  	v2 =	vadd.s32 v0, v2  }
0x51: {  	[tilespmem:$0x4FC0] =	vst v2  }
0x52: {  	v2 =	vld [tilespmem:s23+$0x50];
	_ =	sdelay $0x4  }
0x53: {  	v2 =	vadd.s32 v0, v2  }
0x54: {  	[tilespmem:$0x4FD0] =	vst v2  }
0x55: {  	v2 =	vld [tilespmem:s23+$0x60];
	_ =	sdelay $0x4  }
0x56: {  	v2 =	vadd.s32 v0, v2  }
0x57: {  	[tilespmem:$0x4FE0] =	vst v2  }
0x58: {  	v2 =	vld [tilespmem:s23+$0x70];
	_ =	sdelay $0x4  }
0x59: {  	v2 =	vadd.s32 v0, v2  }
0x5a: {  	[tilespmem:$0x4FF0] =	vst v2  }
0x5b: {  	[tilespmem:s18], [sflag:$0x1] =	stream.indirect.gather [hbm4b:s4+s11], $0x80, s17, s11, $0xb8;
	[tilespmem:$0x1CC00] =	vst v63  }
0x5c: {  	_ =	swait.ge [sflag:s19], $0x4000  }
.Ltmp0:
0x5d: {  	[sflag:s19] =	ssyncset.done $0x0;
	(pc) =	sbr.rel @p0 .LBB2_2-.Ltmp0, $4  }
0x5e: {  	s23 =	sadd.s32 $0x2780, s23;
	[sflag:s19] =	ssyncadd.s32 $0xFFFFC000  }
0x5f: {  	[spmem:s2] =	stream.indirect.scatter.add.f32 [tilespmem:s18], [sflag:$0x2], $0x80, s23, s11, $0xb8;
	[tilespmem:$0x1CC00] =	vst v63  }
0x60: {  	_ =	swait.ge [sflag:s13], $0x4000  }
0x61: {  	s24 =	smov.u32 s22;
	[sflag:s13] =	ssyncset.done $0x0  }
0x62: {  	s21 =	sshra.s32 s21, $0x2;
	[sflag:s13] =	ssyncadd.s32 $0xFFFFC000  }
0x63: {  	v2 =	vld [tilespmem:s21+$0x0];
	_ =	sdelay $0x4  }
0x64: {  	v2 =	vadd.s32 v0, v2  }
0x65: {  	[tilespmem:$0x4F80] =	vst v2  }
0x66: {  	v2 =	vld [tilespmem:s21+$0x10];
	_ =	sdelay $0x4  }
0x67: {  	v2 =	vadd.s32 v0, v2  }
0x68: {  	[tilespmem:$0x4F90] =	vst v2  }
0x69: {  	v2 =	vld [tilespmem:s21+$0x20];
	_ =	sdelay $0x4  }
0x6a: {  	v2 =	vadd.s32 v0, v2  }
0x6b: {  	[tilespmem:$0x4FA0] =	vst v2  }
0x6c: {  	v2 =	vld [tilespmem:s21+$0x30];
	_ =	sdelay $0x4  }
0x6d: {  	v2 =	vadd.s32 v0, v2  }
0x6e: {  	[tilespmem:$0x4FB0] =	vst v2  }
0x6f: {  	v2 =	vld [tilespmem:s21+$0x40];
	_ =	sdelay $0x4  }
0x70: {  	v2 =	vadd.s32 v0, v2  }
0x71: {  	[tilespmem:$0x4FC0] =	vst v2  }
0x72: {  	v2 =	vld [tilespmem:s21+$0x50];
	_ =	sdelay $0x4  }
0x73: {  	v2 =	vadd.s32 v0, v2  }
0x74: {  	[tilespmem:$0x4FD0] =	vst v2  }
0x75: {  	v2 =	vld [tilespmem:s21+$0x60];
	_ =	sdelay $0x4  }
0x76: {  	v2 =	vadd.s32 v0, v2  }
0x77: {  	[tilespmem:$0x4FE0] =	vst v2  }
0x78: {  	v2 =	vld [tilespmem:s21+$0x70];
	_ =	sdelay $0x4  }
0x79: {  	v2 =	vadd.s32 v0, v2  }
0x7a: {  	[tilespmem:$0x4FF0] =	vst v2  }
0x7b: {  	[tilespmem:s18], [sflag:$0x1] =	stream.indirect.gather [hbm4b:s4+s11], $0x80, s17, s11, $0xb8;
	[tilespmem:$0x1CC00] =	vst v63  }
0x7c: {  	_ =	swait.ge [sflag:s19], $0x4000  }
0x7d: {  	[sflag:s19] =	ssyncset.done $0x0  }
0x7e: {  	s21 =	sadd.s32 $0x2780, s21;
	[sflag:s19] =	ssyncadd.s32 $0xFFFFC000  }
0x7f: {  	[spmem:s2] =	stream.indirect.scatter.add.f32 [tilespmem:s18], [sflag:$0x2], $0x80, s21, s11, $0xb8;
	[tilespmem:$0x1CC00] =	vst v63  }
0x80: {  	_ =	swait.ge [sflag:s13], $0x4000  }
0x81: {  	[sflag:s13] =	ssyncset.done $0x0  }
0x82: {  	[sflag:s13] =	ssyncadd.s32 $0xFFFFC000  }
0x83: {  	[bflag:$0x0] =	sbarrier.arrive $0xFFFF  }
0x84: {  	[hbm:s8], [sflag:s15] =	dma.local [spmem:s16], $0x2780  }
0x85: {  	_ =	swait.ge [sflag:s13], $0x2780  }
0x86: {  	[sflag:s13] =	ssyncset.done $0x0  }
0x87: {  	[sflag:s13] =	ssyncadd.s32 $0xFFFFD880  }
0x88: {  	[spmem:s16], [sflag:s15] =	dma.local [hbm:s7], $0x2780  }
0x89: {  	_ =	swait.ge [sflag:s13], $0x2780  }
0x8a: {  	[sflag:s13] =	ssyncset.done $0x0  }
0x8b: {  	[sflag:s13] =	ssyncadd.s32 $0xFFFFD880  }
0x8c: {  	s30 =	simm.s32 $0x0;
	[bflag:$0x0] =	sbarrier.arrive $0xFFFF  }
0x8d: {  	v2 =	vld [tilespmem:s30+$0x0];
	_ =	sdelay $0x4  }
0x8e: {  	v2 =	vadd.s32 v1, v2  }
0x8f: {  	[tilespmem:$0x4F80] =	vst v2  }
0x90: {  	v2 =	vld [tilespmem:s30+$0x10];
	_ =	sdelay $0x4  }
0x91: {  	v2 =	vadd.s32 v1, v2  }
0x92: {  	[tilespmem:$0x4F90] =	vst v2  }
0x93: {  	v2 =	vld [tilespmem:s30+$0x20];
	_ =	sdelay $0x4  }
0x94: {  	v2 =	vadd.s32 v1, v2  }
0x95: {  	[tilespmem:$0x4FA0] =	vst v2  }
0x96: {  	v2 =	vld [tilespmem:s30+$0x30];
	_ =	sdelay $0x4  }
0x97: {  	v2 =	vadd.s32 v1, v2  }
0x98: {  	[tilespmem:$0x4FB0] =	vst v2  }
0x99: {  	v2 =	vld [tilespmem:s30+$0x40];
	_ =	sdelay $0x4  }
0x9a: {  	v2 =	vadd.s32 v1, v2  }
0x9b: {  	[tilespmem:$0x4FC0] =	vst v2  }
0x9c: {  	v2 =	vld [tilespmem:s30+$0x50];
	_ =	sdelay $0x4  }
0x9d: {  	v2 =	vadd.s32 v1, v2  }
0x9e: {  	[tilespmem:$0x4FD0] =	vst v2  }
0x9f: {  	v2 =	vld [tilespmem:s30+$0x60];
	_ =	sdelay $0x4  }
0xa0: {  	v2 =	vadd.s32 v1, v2  }
0xa1: {  	[tilespmem:$0x4FE0] =	vst v2  }
0xa2: {  	v2 =	vld [tilespmem:s30+$0x70];
	_ =	sdelay $0x4  }
0xa3: {  	v2 =	vadd.s32 v1, v2  }
0xa4: {  	[tilespmem:$0x4FF0] =	vst v2  }
0xa5: {  	[tilespmem:s18], [sflag:$0x1] =	stream.indirect.gather [hbm4b:s4+s11], $0x80, s17, s11, $0xb8;
	[tilespmem:$0x1CC00] =	vst v63  }
0xa6: {  	_ =	swait.ge [sflag:s19], $0x4000  }
0xa7: {  	[sflag:s19] =	ssyncset.done $0x0  }
0xa8: {  	s31 =	simm.s32 $0x2780;
	[sflag:s19] =	ssyncadd.s32 $0xFFFFC000  }
0xa9: {  	[spmem:s2] =	stream.indirect.scatter.add.f32 [tilespmem:s18], [sflag:$0x2], $0x80, s31, s11, $0xb8;
	[tilespmem:$0x1CC00] =	vst v63  }
0xaa: {  	_ =	swait.ge [sflag:s13], $0x4000  }
0xab: {  	s24 =	simm.s32 $0x400;
	s21 =	simm.s32 $0x200;
	[sflag:s13] =	ssyncset.done $0x0  }
.LBB2_4:
0xac: {  	s23 =	sshra.s32 s21, $0x2  }
0xad: {  	[sflag:s13] =	ssyncadd.s32 $0xFFFFC000;
	s21 =	smov.u32 s24;
	s22 =	sadd.s32 $0x200, s24  }
0xae: {  	p0 =	sne.s32 s24, $0x9C00;
	v2 =	vld [tilespmem:s23+$0x0];
	_ =	sdelay $0x4  }
0xaf: {  	v2 =	vadd.s32 v1, v2  }
0xb0: {  	[tilespmem:$0x4F80] =	vst v2  }
0xb1: {  	v2 =	vld [tilespmem:s23+$0x10];
	_ =	sdelay $0x4  }
0xb2: {  	v2 =	vadd.s32 v1, v2  }
0xb3: {  	[tilespmem:$0x4F90] =	vst v2  }
0xb4: {  	v2 =	vld [tilespmem:s23+$0x20];
	_ =	sdelay $0x4  }
0xb5: {  	v2 =	vadd.s32 v1, v2  }
0xb6: {  	[tilespmem:$0x4FA0] =	vst v2  }
0xb7: {  	v2 =	vld [tilespmem:s23+$0x30];
	_ =	sdelay $0x4  }
0xb8: {  	v2 =	vadd.s32 v1, v2  }
0xb9: {  	[tilespmem:$0x4FB0] =	vst v2  }
0xba: {  	v2 =	vld [tilespmem:s23+$0x40];
	_ =	sdelay $0x4  }
0xbb: {  	v2 =	vadd.s32 v1, v2  }
0xbc: {  	[tilespmem:$0x4FC0] =	vst v2  }
0xbd: {  	v2 =	vld [tilespmem:s23+$0x50];
	_ =	sdelay $0x4  }
0xbe: {  	v2 =	vadd.s32 v1, v2  }
0xbf: {  	[tilespmem:$0x4FD0] =	vst v2  }
0xc0: {  	v2 =	vld [tilespmem:s23+$0x60];
	_ =	sdelay $0x4  }
0xc1: {  	v2 =	vadd.s32 v1, v2  }
0xc2: {  	[tilespmem:$0x4FE0] =	vst v2  }
0xc3: {  	v2 =	vld [tilespmem:s23+$0x70];
	_ =	sdelay $0x4  }
0xc4: {  	v2 =	vadd.s32 v1, v2  }
0xc5: {  	[tilespmem:$0x4FF0] =	vst v2  }
0xc6: {  	[tilespmem:s18], [sflag:$0x1] =	stream.indirect.gather [hbm4b:s4+s11], $0x80, s17, s11, $0xb8;
	[tilespmem:$0x1CC00] =	vst v63  }
0xc7: {  	_ =	swait.ge [sflag:s19], $0x4000  }
.Ltmp1:
0xc8: {  	[sflag:s19] =	ssyncset.done $0x0;
	(pc) =	sbr.rel @p0 .LBB2_4-.Ltmp1, $4  }
0xc9: {  	s23 =	sadd.s32 $0x2780, s23;
	[sflag:s19] =	ssyncadd.s32 $0xFFFFC000  }
0xca: {  	[spmem:s2] =	stream.indirect.scatter.add.f32 [tilespmem:s18], [sflag:$0x2], $0x80, s23, s11, $0xb8;
	[tilespmem:$0x1CC00] =	vst v63  }
0xcb: {  	_ =	swait.ge [sflag:s13], $0x4000  }
0xcc: {  	s24 =	smov.u32 s22;
	[sflag:s13] =	ssyncset.done $0x0  }
0xcd: {  	s21 =	sshra.s32 s21, $0x2;
	[sflag:s13] =	ssyncadd.s32 $0xFFFFC000  }
0xce: {  	v2 =	vld [tilespmem:s21+$0x0];
	_ =	sdelay $0x4  }
0xcf: {  	v2 =	vadd.s32 v1, v2  }
0xd0: {  	[tilespmem:$0x4F80] =	vst v2  }
0xd1: {  	v2 =	vld [tilespmem:s21+$0x10];
	_ =	sdelay $0x4  }
0xd2: {  	v2 =	vadd.s32 v1, v2  }
0xd3: {  	[tilespmem:$0x4F90] =	vst v2  }
0xd4: {  	v2 =	vld [tilespmem:s21+$0x20];
	_ =	sdelay $0x4  }
0xd5: {  	v2 =	vadd.s32 v1, v2  }
0xd6: {  	[tilespmem:$0x4FA0] =	vst v2  }
0xd7: {  	v2 =	vld [tilespmem:s21+$0x30];
	_ =	sdelay $0x4  }
0xd8: {  	v2 =	vadd.s32 v1, v2  }
0xd9: {  	[tilespmem:$0x4FB0] =	vst v2  }
0xda: {  	v2 =	vld [tilespmem:s21+$0x40];
	_ =	sdelay $0x4  }
0xdb: {  	v2 =	vadd.s32 v1, v2  }
0xdc: {  	[tilespmem:$0x4FC0] =	vst v2  }
0xdd: {  	v2 =	vld [tilespmem:s21+$0x50];
	_ =	sdelay $0x4  }
0xde: {  	v2 =	vadd.s32 v1, v2  }
0xdf: {  	[tilespmem:$0x4FD0] =	vst v2  }
0xe0: {  	v2 =	vld [tilespmem:s21+$0x60];
	_ =	sdelay $0x4  }
0xe1: {  	v2 =	vadd.s32 v1, v2  }
0xe2: {  	[tilespmem:$0x4FE0] =	vst v2  }
0xe3: {  	v2 =	vld [tilespmem:s21+$0x70];
	_ =	sdelay $0x4  }
0xe4: {  	v2 =	vadd.s32 v1, v2  }
0xe5: {  	[tilespmem:$0x4FF0] =	vst v2  }
0xe6: {  	[tilespmem:s18], [sflag:$0x1] =	stream.indirect.gather [hbm4b:s4+s11], $0x80, s17, s11, $0xb8;
	[tilespmem:$0x1CC00] =	vst v63  }
0xe7: {  	_ =	swait.ge [sflag:s19], $0x4000  }
0xe8: {  	[sflag:s19] =	ssyncset.done $0x0  }
0xe9: {  	s21 =	sadd.s32 $0x2780, s21;
	[sflag:s19] =	ssyncadd.s32 $0xFFFFC000  }
0xea: {  	[spmem:s2] =	stream.indirect.scatter.add.f32 [tilespmem:s18], [sflag:$0x2], $0x80, s21, s11, $0xb8;
	[tilespmem:$0x1CC00] =	vst v63  }
0xeb: {  	_ =	swait.ge [sflag:s13], $0x4000  }
0xec: {  	s20 =	sadd.s32 $0x1, s20;
	[sflag:s13] =	ssyncset.done $0x0  }
0xed: {  	p0 =	sne.s32 s20, s10;
	[sflag:s13] =	ssyncadd.s32 $0xFFFFC000  }
.Ltmp2:
0xee: {  	[bflag:$0x0] =	sbarrier.arrive $0xFFFF;
	(pc) =	sbr.rel @p0 .LBB2_1-.Ltmp2, $4  }
0xef: {  	[hbm:s9], [sflag:s15] =	dma.local [spmem:s16], $0x2780  }
0xf0: {  	_ =	swait.ge [sflag:s13], $0x2780  }
0xf1: {  	[sflag:s13] =	ssyncset.done $0x0  }
0xf2: {  	[sflag:s13] =	ssyncadd.s32 $0xFFFFD880  }
0xf3: {  	_ =	sfence.sel $0x180000  }
0xf4: {  	[bflag:$0x0] =	sbarrier.arrive $0xFFFF  }
0xf5: {  	p0 =	sne.s32 s1, $0x0;
	_ =	strace $0x90000056  }
0xf6: {  	s0 =	sadd.s32 @!p0 $0x100000, s0;
	[bflag:$0x2] =	sbarrier.arrive $0xFFFF  }
0xf7: {  	[sflag:s0] =	ssyncadd.tile.s32 @!p0 $0x1;
	_ =	shalt  }
.Lfunc_end2:
_tile_overlayer_lowered:
.L_overlay_start_2:
0xf8: {  	(tag) =	ssettag $0x2  }
0xf9: {  	s0 =	rddreg [dreg:$0x0];
	s2 =	stileid.u32  }
0xfa: {  	s1 =	rddreg [dreg:$0x1];
	p0 =	sne.s32 s2, $0x0  }
0xfb: {  	s3 =	rddreg [dreg:$0x2];
	[bflag:$0x3] =	sbarrier.arrive $0xFFFF;
	s2 =	simm.s32 @!p0 $0x1C02  }
0xfc: {  	[timem:s3], [sflag:s2] =	dma.local @!p0 [hbm:s0], s1  }
0xfd: {  	s0 =	simm.s32 @!p0 $0x2  }
0xfe: {  	_ =	swait.ge @!p0 [sflag:s0], s1  }
0xff: {  	s1 =	ssub.s32 @!p0 $0x0, s1;
	[sflag:s0] =	ssyncset.done @!p0 $0x0  }
0x100: {  	[sflag:s0] =	ssyncadd.s32 @!p0 s1  }
0x101: {  	[bflag:$0x3] =	sbarrier.arrive $0xFFFF  }
0x102: {  	_ =	shalt  }

// kernel: kernel.34.cloned.1.call-start
scs
__scs_entry_jumppad:
0x0: {  	(pc) =	sbr.rel $0x88, $3  }
0x1: {  	(tag) =	ssettag $0x0;
	lr =	simm.s32 $0x1  }
0x2: {  	[smem:$0x3F98] =	sst lr;
	_ =	strace $0xD0000000  }
0x3: {  	_ = 	snop  }
0x4: {  	_ = 	snop  }
0x5: {  	_ = 	snop  }
0x6: {  	_ = 	snop  }
0x7: {  	_ = 	snop  }
__scs_overlays_trampoline_lowered:
0x8: {  	[smem:$0x3FA7] =	sst s0  }
0x9: {  	[smem:$0x3FA8] =	sst s1  }
0xa: {  	[smem:$0x3FA9] =	sst s2  }
0xb: {  	[smem:$0x3FAA] =	sst s3  }
0xc: {  	[smem:$0x3FAB] =	sst s4  }
0xd: {  	[smem:$0x3FAC] =	sst s5  }
0xe: {  	[smem:$0x3FAD] =	sst s6  }
0xf: {  	[smem:$0x3FAE] =	sst s7  }
0x10: {  	[smem:$0x3FAF] =	sst s8  }
0x11: {  	[smem:$0x3FB0] =	sst s9;
	s0 =	simm.s32 @!p0 $0x0  }
0x12: {  	s1 =	sld [smem:$0x3F96];
	s0 =	simm.s32 @p0 $0x1  }
0x13: {  	[smem:$0x3FB1] =	sst s0;
	s0 =	simm.s32 @!p1 $0x0  }
0x14: {  	s2 =	sld [smem:$0x3F95];
	s0 =	simm.s32 @p1 $0x1  }
0x15: {  	[smem:$0x3FB2] =	sst s0;
	s0 =	simm.s32 @!p2 $0x0  }
0x16: {  	s3 =	sld [smem:$0x3FDB];
	s0 =	simm.s32 @p2 $0x1  }
0x17: {  	s4 =	simm.s32 $0x1BF5;
	[smem:$0x3FB4] =	sst s0  }
0x18: {  	s0 =	sld [smem:$0x3F97];
	_ =	swait.ge [sflag:s4], $0x0  }
0x19: {  	s7 =	sld [smem:$0x3F98]  }
0x1a: {  	s8 =	sadd.s32 $0xFFFFE003, lr  }
0x1b: {  	s9 =	sadd.s32 $0xFFFFFEF7, lr;
	s5 =	simm.s32 $0xFFFFFFFF;
	p2 =	slt.u32 s8, $0xFFFFF086  }
0x1c: {  	p1 =	slt.u32 s9, $0xF7A;
	s5 =	simm.s32 @!p2 $0x0  }
0x1d: {  	s5 =	simm.s32 @p1 $0x1;
	p0 =	seq.s32 s7, s2  }
0x1e: {  	s7 =	smul.u32 @!p0 $0xF7A, s2;
	p2 =	seq.s32 @!p0 s5, $0x0  }
0x1f: {  	s9 =	smul.u32 $0xF7A, s1;
	s8 =	simm.s32 @!p0 $0x1BF5;
	p2 =	por !p2, p0  }
0x20: {  	[sflag:s8] =	ssyncset.s32 @!p0 $0xFFFFF086;
	s6 =	sadd.s32 @!p0 s3, s7;
	s7 =	simm.s32 @!p0 $0x108  }
0x21: {  	s3 =	sadd.s32 s3, s9;
	s6 =	sadd.s32 @!p0 $0x88, s6;
	s7 =	simm.s32 @p2 $0x1082  }
0x22: {  	[simem:s7], [sflag:s8] =	dma.local @!p0 [hbm:s6], $0xF7A  }
0x23: {  	s9 =	sor.u32 $0xD0000000, s2;
	s6 =	simm.s32 $0x108;
	_ =	swait.ge @!p0 [sflag:s8], $0x0  }
0x24: {  	s3 =	sadd.s32 $0x88, s3;
	s6 =	simm.s32 @!p1 $0x1082;
	[sflag:s4] =	ssyncset.s32 $0xFFFFF086  }
0x25: {  	[simem:s6], [sflag:s4] =	dma.local [hbm:s3], $0xF7A  }
0x26: {  	[smem:$0x3F98] =	sst s1;
	(tag) =	ssettag s2;
	_ =	strace s9  }
0x27: {  	s1 =	sld [smem:$0x3FA8]  }
0x28: {  	s2 =	sld [smem:$0x3FA9]  }
0x29: {  	s4 =	sld [smem:$0x3FAB]  }
0x2a: {  	p0 =	seq.s32 s5, $0x0;
	s5 =	sld [smem:$0x3FAC]  }
0x2b: {  	s6 =	sld [smem:$0x3FAD]  }
0x2c: {  	s7 =	sld [smem:$0x3FAE]  }
0x2d: {  	s3 =	simm.s32 $0x108;
	s8 =	sld [smem:$0x3FAF]  }
0x2e: {  	s3 =	simm.s32 @!p0 $0x1082;
	s9 =	sld [smem:$0x3FB0]  }
0x2f: {  	lr =	sadd.s32 s0, s3;
	s0 =	sld [smem:$0x3FA7]  }
0x30: {  	s3 =	sld [smem:$0x3FAA]  }
0x31: {  	[smem:$0x3FB3] =	sst s10  }
0x32: {  	s10 =	sld [smem:$0x3FB1];
	_ =	sdelay $0x3  }
0x33: {  	p0 =	seq.s32 s10, $0x1;
	s10 =	sld [smem:$0x3FB3];
	_ =	sdelay $0x3  }
0x34: {  	[smem:$0x3FB3] =	sst s10  }
0x35: {  	s10 =	sld [smem:$0x3FB2];
	_ =	sdelay $0x3  }
0x36: {  	p1 =	seq.s32 s10, $0x1;
	s10 =	sld [smem:$0x3FB3];
	_ =	sdelay $0x3  }
0x37: {  	[smem:$0x3FB3] =	sst s10  }
0x38: {  	s10 =	sld [smem:$0x3FB4]  }
0x39: {  	_ = 	snop;
	(pc) =	sbr.ind lr, $3  }
0x3a: {  	_ = 	snop  }
0x3b: {  	_ = 	snop  }
0x3c: {  	p2 =	seq.s32 s10, $0x1;
	s10 =	sld [smem:$0x3FB3]  }
0x3d: {  	_ =	shalt  }
0x3e: {  	_ =	shalt  }
0x3f: {  	_ =	shalt  }
0x40: {  	_ =	shalt  }
0x41: {  	_ =	shalt  }
0x42: {  	_ =	shalt  }
0x43: {  	_ =	shalt  }
0x44: {  	_ =	shalt  }
0x45: {  	_ =	shalt  }
0x46: {  	_ =	shalt  }
0x47: {  	_ =	shalt  }
0x48: {  	_ =	shalt  }
0x49: {  	_ =	shalt  }
0x4a: {  	_ =	shalt  }
0x4b: {  	_ =	shalt  }
0x4c: {  	_ =	shalt  }
0x4d: {  	_ =	shalt  }
0x4e: {  	_ =	shalt  }
0x4f: {  	_ =	shalt  }
0x50: {  	_ =	shalt  }
0x51: {  	_ =	shalt  }
0x52: {  	_ =	shalt  }
0x53: {  	_ =	shalt  }
0x54: {  	_ =	shalt  }
0x55: {  	_ =	shalt  }
0x56: {  	_ =	shalt  }
0x57: {  	_ =	shalt  }
0x58: {  	_ =	shalt  }
0x59: {  	_ =	shalt  }
0x5a: {  	_ =	shalt  }
0x5b: {  	_ =	shalt  }
0x5c: {  	_ =	shalt  }
0x5d: {  	_ =	shalt  }
0x5e: {  	_ =	shalt  }
0x5f: {  	_ =	shalt  }
0x60: {  	_ =	shalt  }
0x61: {  	_ =	shalt  }
0x62: {  	_ =	shalt  }
0x63: {  	_ =	shalt  }
0x64: {  	_ =	shalt  }
0x65: {  	_ =	shalt  }
0x66: {  	_ =	shalt  }
0x67: {  	_ =	shalt  }
0x68: {  	_ =	shalt  }
0x69: {  	_ =	shalt  }
0x6a: {  	_ =	shalt  }
0x6b: {  	_ =	shalt  }
0x6c: {  	_ =	shalt  }
0x6d: {  	_ =	shalt  }
0x6e: {  	_ =	shalt  }
0x6f: {  	_ =	shalt  }
0x70: {  	_ =	shalt  }
0x71: {  	_ =	shalt  }
0x72: {  	_ =	shalt  }
0x73: {  	_ =	shalt  }
0x74: {  	_ =	shalt  }
0x75: {  	_ =	shalt  }
0x76: {  	_ =	shalt  }
0x77: {  	_ =	shalt  }
0x78: {  	_ =	shalt  }
0x79: {  	_ =	shalt  }
0x7a: {  	_ =	shalt  }
0x7b: {  	_ =	shalt  }
0x7c: {  	_ =	shalt  }
0x7d: {  	_ =	shalt  }
0x7e: {  	_ =	shalt  }
0x7f: {  	_ =	shalt  }
0x80: {  	_ =	shalt  }
0x81: {  	_ =	shalt  }
0x82: {  	_ =	shalt  }
0x83: {  	_ =	shalt  }
0x84: {  	_ =	shalt  }
0x85: {  	_ =	shalt  }
0x86: {  	_ =	shalt  }
0x87: {  	_ =	shalt  }
.Lfunc_end0:
.L_simem_size_0:
called_computation.6_lowered:
.L_overlay_start_0:
0x88: {  	s2 =	sld [smem:$0x3FD9]  }
0x89: {  	s3 =	sld [smem:$0x3FFE];
	_ =	sdelay $0x1  }
0x8a: {  	s1 =	srdreg.scid  }
0x8b: {  	s0 =	sand.u32 $0x1, s1  }
0x8c: {  	s16 =	sshll.u32 s0, $0xA;
	s2 =	sadd.s32 s3, s2  }
0x8d: {  	s2 =	sadd.s32 s2, s16  }
0x8e: {  	[smem:$0x3FBF] =	sst s2  }
0x8f: {  	_ = 	snop  }
0x90: {  	(tm) =	ssettm $0x1  }
0x91: {  	s17 =	sld [smem:$0x3FFB];
	_ =	sdelay $0x3  }
0x92: {  	_ =	strace s17  }
0x93: {  	s2 =	sld [smem:$0x3FFC];
	_ =	sdelay $0x3  }
0x94: {  	_ =	strace s2  }
0x95: {  	s2 =	sld [smem:$0x3FFD];
	_ =	sdelay $0x3  }
0x96: {  	_ =	strace s2  }
0x97: {  	_ =	strace $0x8FFFFFFF  }
0x98: {  	s18 =	sld [smem:$0x3FDB];
	_ =	sdelay $0x1  }
0x99: {  	s19 =	simm.s32 $_scs_section_size  }
0x9a: {  	s4 =	simm.s32 $_size__tile_overlayer_lowered;
	s5 =	simm.s32 $_tile_overlayer_lowered  }
0x9b: {  	s22 =	simm.s32 $0x1BFF;
	s21 =	sshll.u32 s5, $0x1;
	s2 =	sadd.s32 s19, s18  }
0x9c: {  	s6 =	simm.s32 $0x0;
	s20 =	sshll.u32 s4, $0x1;
	s4 =	sadd.s32 s21, s2  }
0x9d: {  	[timem:s6], [sflag:s22] =	dma.local [hbm:s4], s20  }
0x9e: {  	_ =	swait.ge [sflag:s22], s20  }
0x9f: {  	s3 =	ssub.s32 $0x0, s20;
	[sflag:s22] =	ssyncset.done $0x0  }
0xa0: {  	[sflag:s22] =	ssyncadd.s32 s3;
	_ =	sdelay $0x1  }
0xa1: {  	s23 =	simm.s32 $0x1B8B  }
0xa2: {  	_ =	swait.ge [sflag:s23], $0x1  }
0xa3: {  	[sflag:s23] =	ssyncset.done $0x0  }
0xa4: {  	s25 =	simm.s32 $0x1B8E;
	s24 =	sld [smem:$0x3FFE];
	[sflag:s23] =	ssyncadd.s32 $0xFFFFFFFF  }
0xa5: {  	s26 =	simm.s32 $execute0_lowered;
	[smem:$0x3FD2] =	sst s25  }
0xa6: {  	s4 =	sshll.u32 s26, $0x1;
	_ =	strace $0x80000058;
	[dreg:$0x1] =	wrdreg $0xFFFFFFFF  }
0xa7: {  	s28 =	simm.s32 $_size_execute0_lowered;
	s2 =	sadd.s32 s2, s4;
	[dreg:$0x0] =	wrdreg $0x0  }
0xa8: {  	s4 =	sshll.u32 s28, $0x1;
	[dreg:$0x2] =	wrdreg s2  }
0xa9: {  	[dreg:$0x3] =	wrdreg s4  }
0xaa: {  	[dreg:$0x4] =	wrdreg $0xC0  }
0xab: {  	_ =	task [dreg:s6], $0x5FFFF  }
0xac: {  	[dreg:$0x1] =	wrdreg $0xFFFFFFFF  }
0xad: {  	[dreg:$0x0] =	wrdreg $0x60  }
0xae: {  	[dreg:$0x2] =	wrdreg s24  }
0xaf: {  	[dreg:$0x3] =	wrdreg $0x90000  }
0xb0: {  	[dreg:$0x4] =	wrdreg $0x9  }
0xb1: {  	_ =	task.clear_ibuf [dreg:s6], $0x5FFFF;
	_ =	strace $0x90000058  }
0xb2: {  	s29 =	simm.s32 $0x9;
	_ =	strace $0x8000005A  }
0xb3: {  	_ =	swait.ge [sflag:s29], $0x1  }
0xb4: {  	[sflag:s29] =	ssyncadd.s32 $0xFFFFFFFF  }
0xb5: {  	_ =	strace $0x9000005A  }
0xb6: {  	_ =	sfence  }
0xb7: {  	s30 =	sld [smem:$0x0];
	_ =	sdelay $0x2  }
0xb8: {  	s31 =	sshll.u32 s1, $0xD;
	s1 =	sshrl.u32 s1, $0x2  }
0xb9: {  	s3 =	sand.u32 $0x4000, s31;
	s1 =	sadd.s32 s1, s30  }
0xba: {  	s0 =	sor.u32 s3, s0;
	s1 =	sshll.u32 s1, $0x11  }
0xbb: {  	s0 =	sor.u32 s1, s0  }
0xbc: {  	s0 =	sadd.s32 $0x8F2B, s0  }
0xbd: {  	[sflag:s0] =	ssyncadd.remote.s32 $0x1  }
0xbe: {  	_ =	sfence.sel $0xFFFF  }
0xbf: {  	[dreg:$0x0] =	wrdreg $0xFFFFFFFF;
	(pc) =	sbr.abs _section_cstart, $3  }
0xc0: {  	[dreg:$0x1] =	wrdreg $0xFFFFFFFF  }
0xc1: {  	_ =	task.clear_ibuf [dreg:s6], $0x2FFFF;
	_ =	strace $0x9FFFFFFF  }
0xc2: {  	(tm) =	ssettm $0x7FFFFFFF  }
0xc3: {  	_ =	shalt  }
tec
execute0_lowered:
.L_overlay_start_1:
0x0: {  	(tag) =	ssettag $0x1  }
0x1: {  	s5 =	rddreg [dreg:$0x0]  }
0x2: {  	s2 =	rddreg [dreg:$0x1]  }
0x3: {  	s1 =	stileid.u32;
	s0 =	rddreg [dreg:$0x2]  }
0x4: {  	s3 =	simm.s32 $0x0;
	s10 =	srdreg.scid;
	s20 =	simm.s32 $0x0  }
0x5: {  	s4 =	sshrl.u32 s1, $0x3;
	s6 =	sshll.u32 s1, $0x7;
	s7 =	smul.u32 $0x13C00, s1  }
0x6: {  	[smem:$0x7FF] =	sst s3;
	s8 =	smul.u32 $0x500, s1;
	s10 =	sand.u32 $0x1, s10  }
0x7: {  	s11 =	sadd.s32 $0x31D200, s5;
	s12 =	smul.u32 $0x4F000, s1;
	s31 =	sshll.u32 s1, $0x6  }
0x8: {  	s4 =	smul.u32 $0x13C00, s4;
	s6 =	sand.u32 $0x380, s6;
	_ =	strace $0x80000059  }
0x9: {  	s25 =	ssub.s32 $0x2, s10;
	s14 =	smul.u32 $0x13C000, s10;
	s15 =	sor.u32 $0x2, s10  }
0xa: {  	s18 =	smul.u32 $0x2710, s10;
	s9 =	sshrl.u32 s7, $0x3;
	s8 =	sadd.s32 s8, s5  }
0xb: {  	s13 =	sshrl.u32 s25, $0x1;
	s16 =	smul.u32 $0x13C000, s15;
	s26 =	sshrl.u32 s12, $0x2  }
0xc: {  	s19 =	smul.u32 $0x2710, s15;
	s12 =	simm.s32 $0x400;
	s15 =	sor.u32 $0x1C02, s31  }
0xd: {  	s6 =	sor.u32 s6, s4;
	s4 =	sadd.s32 $0x280E00, s5;
	s9 =	sadd.s32 s9, s5  }
0xe: {  	s13 =	ssub.s32 s25, s13;
	s17 =	sadd.s32 s26, s2;
	s28 =	sadd.s32 s7, s14  }
0xf: {  	s14 =	simm.s32 $0x2780;
	v0 =	vmov s18;
	s18 =	simm.s32 $0x5000;
	s6 =	sshrl.u32 s6, $0x3  }
0x10: {  	s29 =	sadd.s32 s7, s16;
	s7 =	sadd.s32 $0x9800, s9;
	s10 =	smax.u32 s13, $0x1  }
0x11: {  	s13 =	simm.s32 $0x2;
	s16 =	sshrl.u32 s17, $0x3;
	s17 =	simm.s32 $0x4F80  }
0x12: {  	v1 =	vmov s19;
	s19 =	simm.s32 $0x1;
	s6 =	sadd.s32 s6, s5;
	s30 =	sshrl.u32 s29, $0x3  }
0x13: {  	s5 =	sadd.s32 $0x80000, s6;
	s6 =	sadd.s32 $0x4000, s8;
	s8 =	sshrl.u32 s28, $0x3  }
0x14: {  	s9 =	sadd.s32 s11, s30;
	s8 =	sadd.s32 s11, s8;
	s11 =	simm.s32 $0x80  }
.LBB2_1:
0x15: {  	[tilespmem:s3], [sflag:$0x2] =	stream.strided.gather [hbm4b:s5+s11], $0x2780, s12, s11, $0x38;
	[tilespmem:$0x1CC00] =	vst v63  }
0x16: {  	_ =	swait.ge [sflag:s13], $0x2780  }
0x17: {  	[sflag:s13] =	ssyncset.done $0x0  }
0x18: {  	[sflag:s13] =	ssyncadd.s32 $0xFFFFD880  }
0x19: {  	[tilespmem:s14], [sflag:$0x2] =	stream.linear.gather [hbm4b:s6+s3], $0x2780, $0x38;
	[tilespmem:$0x1CC00] =	vst v63  }
0x1a: {  	_ =	swait.ge [sflag:s13], $0x2780  }
0x1b: {  	[sflag:s13] =	ssyncset.done $0x0  }
0x1c: {  	[sflag:s13] =	ssyncadd.s32 $0xFFFFD880  }
0x1d: {  	[spmem:s16], [sflag:s15] =	dma.local [hbm:s7], $0x2780  }
0x1e: {  	_ =	swait.ge [sflag:s13], $0x2780  }
0x1f: {  	[sflag:s13] =	ssyncset.done $0x0  }
0x20: {  	[sflag:s13] =	ssyncadd.s32 $0xFFFFD880  }
0x21: {  	s21 =	simm.s32 $0x0;
	[bflag:$0x0] =	sbarrier.arrive $0xFFFF  }
0x22: {  	v2 =	vld [tilespmem:s21+$0x0];
	_ =	sdelay $0x4  }
0x23: {  	v2 =	vadd.s32 v0, v2  }
0x24: {  	[tilespmem:$0x4F80] =	vst v2  }
0x25: {  	v2 =	vld [tilespmem:s21+$0x10];
	_ =	sdelay $0x4  }
0x26: {  	v2 =	vadd.s32 v0, v2  }
0x27: {  	[tilespmem:$0x4F90] =	vst v2  }
0x28: {  	v2 =	vld [tilespmem:s21+$0x20];
	_ =	sdelay $0x4  }
0x29: {  	v2 =	vadd.s32 v0, v2  }
0x2a: {  	[tilespmem:$0x4FA0] =	vst v2  }
0x2b: {  	v2 =	vld [tilespmem:s21+$0x30];
	_ =	sdelay $0x4  }
0x2c: {  	v2 =	vadd.s32 v0, v2  }
0x2d: {  	[tilespmem:$0x4FB0] =	vst v2  }
0x2e: {  	v2 =	vld [tilespmem:s21+$0x40];
	_ =	sdelay $0x4  }
0x2f: {  	v2 =	vadd.s32 v0, v2  }
0x30: {  	[tilespmem:$0x4FC0] =	vst v2  }
0x31: {  	v2 =	vld [tilespmem:s21+$0x50];
	_ =	sdelay $0x4  }
0x32: {  	v2 =	vadd.s32 v0, v2  }
0x33: {  	[tilespmem:$0x4FD0] =	vst v2  }
0x34: {  	v2 =	vld [tilespmem:s21+$0x60];
	_ =	sdelay $0x4  }
0x35: {  	v2 =	vadd.s32 v0, v2  }
0x36: {  	[tilespmem:$0x4FE0] =	vst v2  }
0x37: {  	v2 =	vld [tilespmem:s21+$0x70];
	_ =	sdelay $0x4  }
0x38: {  	v2 =	vadd.s32 v0, v2  }
0x39: {  	[tilespmem:$0x4FF0] =	vst v2  }
0x3a: {  	[tilespmem:s18], [sflag:$0x1] =	stream.indirect.gather [hbm4b:s4+s11], $0x80, s17, s11, $0xb8;
	[tilespmem:$0x1CC00] =	vst v63  }
0x3b: {  	_ =	swait.ge [sflag:s19], $0x4000  }
0x3c: {  	[sflag:s19] =	ssyncset.done $0x0  }
0x3d: {  	s31 =	simm.s32 $0x2780;
	[sflag:s19] =	ssyncadd.s32 $0xFFFFC000  }
0x3e: {  	[spmem:s2] =	stream.indirect.scatter.add.f32 [tilespmem:s18], [sflag:$0x2], $0x80, s31, s11, $0xb8;
	[tilespmem:$0x1CC00] =	vst v63  }
0x3f: {  	_ =	swait.ge [sflag:s13], $0x4000  }
0x40: {  	s24 =	simm.s32 $0x400;
	s21 =	simm.s32 $0x200;
	[sflag:s13] =	ssyncset.done $0x0  }
.LBB2_2:
0x41: {  	s23 =	sshra.s32 s21, $0x2  }
0x42: {  	[sflag:s13] =	ssyncadd.s32 $0xFFFFC000;
	s21 =	smov.u32 s24;
	s22 =	sadd.s32 $0x200, s24  }
0x43: {  	p0 =	sne.s32 s24, $0x9C00;
	v2 =	vld [tilespmem:s23+$0x0];
	_ =	sdelay $0x4  }
0x44: {  	v2 =	vadd.s32 v0, v2  }
0x45: {  	[tilespmem:$0x4F80] =	vst v2  }
0x46: {  	v2 =	vld [tilespmem:s23+$0x10];
	_ =	sdelay $0x4  }
0x47: {  	v2 =	vadd.s32 v0, v2  }
0x48: {  	[tilespmem:$0x4F90] =	vst v2  }
0x49: {  	v2 =	vld [tilespmem:s23+$0x20];
	_ =	sdelay $0x4  }
0x4a: {  	v2 =	vadd.s32 v0, v2  }
0x4b: {  	[tilespmem:$0x4FA0] =	vst v2  }
0x4c: {  	v2 =	vld [tilespmem:s23+$0x30];
	_ =	sdelay $0x4  }
0x4d: {  	v2 =	vadd.s32 v0, v2  }
0x4e: {  	[tilespmem:$0x4FB0] =	vst v2  }
0x4f: {  	v2 =	vld [tilespmem:s23+$0x40];
	_ =	sdelay $0x4  }
0x50: {  	v2 =	vadd.s32 v0, v2  }
0x51: {  	[tilespmem:$0x4FC0] =	vst v2  }
0x52: {  	v2 =	vld [tilespmem:s23+$0x50];
	_ =	sdelay $0x4  }
0x53: {  	v2 =	vadd.s32 v0, v2  }
0x54: {  	[tilespmem:$0x4FD0] =	vst v2  }
0x55: {  	v2 =	vld [tilespmem:s23+$0x60];
	_ =	sdelay $0x4  }
0x56: {  	v2 =	vadd.s32 v0, v2  }
0x57: {  	[tilespmem:$0x4FE0] =	vst v2  }
0x58: {  	v2 =	vld [tilespmem:s23+$0x70];
	_ =	sdelay $0x4  }
0x59: {  	v2 =	vadd.s32 v0, v2  }
0x5a: {  	[tilespmem:$0x4FF0] =	vst v2  }
0x5b: {  	[tilespmem:s18], [sflag:$0x1] =	stream.indirect.gather [hbm4b:s4+s11], $0x80, s17, s11, $0xb8;
	[tilespmem:$0x1CC00] =	vst v63  }
0x5c: {  	_ =	swait.ge [sflag:s19], $0x4000  }
.Ltmp0:
0x5d: {  	[sflag:s19] =	ssyncset.done $0x0;
	(pc) =	sbr.rel @p0 .LBB2_2-.Ltmp0, $4  }
0x5e: {  	s23 =	sadd.s32 $0x2780, s23;
	[sflag:s19] =	ssyncadd.s32 $0xFFFFC000  }
0x5f: {  	[spmem:s2] =	stream.indirect.scatter.add.f32 [tilespmem:s18], [sflag:$0x2], $0x80, s23, s11, $0xb8;
	[tilespmem:$0x1CC00] =	vst v63  }
0x60: {  	_ =	swait.ge [sflag:s13], $0x4000  }
0x61: {  	s24 =	smov.u32 s22;
	[sflag:s13] =	ssyncset.done $0x0  }
0x62: {  	s21 =	sshra.s32 s21, $0x2;
	[sflag:s13] =	ssyncadd.s32 $0xFFFFC000  }
0x63: {  	v2 =	vld [tilespmem:s21+$0x0];
	_ =	sdelay $0x4  }
0x64: {  	v2 =	vadd.s32 v0, v2  }
0x65: {  	[tilespmem:$0x4F80] =	vst v2  }
0x66: {  	v2 =	vld [tilespmem:s21+$0x10];
	_ =	sdelay $0x4  }
0x67: {  	v2 =	vadd.s32 v0, v2  }
0x68: {  	[tilespmem:$0x4F90] =	vst v2  }
0x69: {  	v2 =	vld [tilespmem:s21+$0x20];
	_ =	sdelay $0x4  }
0x6a: {  	v2 =	vadd.s32 v0, v2  }
0x6b: {  	[tilespmem:$0x4FA0] =	vst v2  }
0x6c: {  	v2 =	vld [tilespmem:s21+$0x30];
	_ =	sdelay $0x4  }
0x6d: {  	v2 =	vadd.s32 v0, v2  }
0x6e: {  	[tilespmem:$0x4FB0] =	vst v2  }
0x6f: {  	v2 =	vld [tilespmem:s21+$0x40];
	_ =	sdelay $0x4  }
0x70: {  	v2 =	vadd.s32 v0, v2  }
0x71: {  	[tilespmem:$0x4FC0] =	vst v2  }
0x72: {  	v2 =	vld [tilespmem:s21+$0x50];
	_ =	sdelay $0x4  }
0x73: {  	v2 =	vadd.s32 v0, v2  }
0x74: {  	[tilespmem:$0x4FD0] =	vst v2  }
0x75: {  	v2 =	vld [tilespmem:s21+$0x60];
	_ =	sdelay $0x4  }
0x76: {  	v2 =	vadd.s32 v0, v2  }
0x77: {  	[tilespmem:$0x4FE0] =	vst v2  }
0x78: {  	v2 =	vld [tilespmem:s21+$0x70];
	_ =	sdelay $0x4  }
0x79: {  	v2 =	vadd.s32 v0, v2  }
0x7a: {  	[tilespmem:$0x4FF0] =	vst v2  }
0x7b: {  	[tilespmem:s18], [sflag:$0x1] =	stream.indirect.gather [hbm4b:s4+s11], $0x80, s17, s11, $0xb8;
	[tilespmem:$0x1CC00] =	vst v63  }
0x7c: {  	_ =	swait.ge [sflag:s19], $0x4000  }
0x7d: {  	[sflag:s19] =	ssyncset.done $0x0  }
0x7e: {  	s21 =	sadd.s32 $0x2780, s21;
	[sflag:s19] =	ssyncadd.s32 $0xFFFFC000  }
0x7f: {  	[spmem:s2] =	stream.indirect.scatter.add.f32 [tilespmem:s18], [sflag:$0x2], $0x80, s21, s11, $0xb8;
	[tilespmem:$0x1CC00] =	vst v63  }
0x80: {  	_ =	swait.ge [sflag:s13], $0x4000  }
0x81: {  	[sflag:s13] =	ssyncset.done $0x0  }
0x82: {  	[sflag:s13] =	ssyncadd.s32 $0xFFFFC000  }
0x83: {  	[bflag:$0x0] =	sbarrier.arrive $0xFFFF  }
0x84: {  	[hbm:s8], [sflag:s15] =	dma.local [spmem:s16], $0x2780  }
0x85: {  	_ =	swait.ge [sflag:s13], $0x2780  }
0x86: {  	[sflag:s13] =	ssyncset.done $0x0  }
0x87: {  	[sflag:s13] =	ssyncadd.s32 $0xFFFFD880  }
0x88: {  	[spmem:s16], [sflag:s15] =	dma.local [hbm:s7], $0x2780  }
0x89: {  	_ =	swait.ge [sflag:s13], $0x2780  }
0x8a: {  	[sflag:s13] =	ssyncset.done $0x0  }
0x8b: {  	[sflag:s13] =	ssyncadd.s32 $0xFFFFD880  }
0x8c: {  	s30 =	simm.s32 $0x0;
	[bflag:$0x0] =	sbarrier.arrive $0xFFFF  }
0x8d: {  	v2 =	vld [tilespmem:s30+$0x0];
	_ =	sdelay $0x4  }
0x8e: {  	v2 =	vadd.s32 v1, v2  }
0x8f: {  	[tilespmem:$0x4F80] =	vst v2  }
0x90: {  	v2 =	vld [tilespmem:s30+$0x10];
	_ =	sdelay $0x4  }
0x91: {  	v2 =	vadd.s32 v1, v2  }
0x92: {  	[tilespmem:$0x4F90] =	vst v2  }
0x93: {  	v2 =	vld [tilespmem:s30+$0x20];
	_ =	sdelay $0x4  }
0x94: {  	v2 =	vadd.s32 v1, v2  }
0x95: {  	[tilespmem:$0x4FA0] =	vst v2  }
0x96: {  	v2 =	vld [tilespmem:s30+$0x30];
	_ =	sdelay $0x4  }
0x97: {  	v2 =	vadd.s32 v1, v2  }
0x98: {  	[tilespmem:$0x4FB0] =	vst v2  }
0x99: {  	v2 =	vld [tilespmem:s30+$0x40];
	_ =	sdelay $0x4  }
0x9a: {  	v2 =	vadd.s32 v1, v2  }
0x9b: {  	[tilespmem:$0x4FC0] =	vst v2  }
0x9c: {  	v2 =	vld [tilespmem:s30+$0x50];
	_ =	sdelay $0x4  }
0x9d: {  	v2 =	vadd.s32 v1, v2  }
0x9e: {  	[tilespmem:$0x4FD0] =	vst v2  }
0x9f: {  	v2 =	vld [tilespmem:s30+$0x60];
	_ =	sdelay $0x4  }
0xa0: {  	v2 =	vadd.s32 v1, v2  }
0xa1: {  	[tilespmem:$0x4FE0] =	vst v2  }
0xa2: {  	v2 =	vld [tilespmem:s30+$0x70];
	_ =	sdelay $0x4  }
0xa3: {  	v2 =	vadd.s32 v1, v2  }
0xa4: {  	[tilespmem:$0x4FF0] =	vst v2  }
0xa5: {  	[tilespmem:s18], [sflag:$0x1] =	stream.indirect.gather [hbm4b:s4+s11], $0x80, s17, s11, $0xb8;
	[tilespmem:$0x1CC00] =	vst v63  }
0xa6: {  	_ =	swait.ge [sflag:s19], $0x4000  }
0xa7: {  	[sflag:s19] =	ssyncset.done $0x0  }
0xa8: {  	s31 =	simm.s32 $0x2780;
	[sflag:s19] =	ssyncadd.s32 $0xFFFFC000  }
0xa9: {  	[spmem:s2] =	stream.indirect.scatter.add.f32 [tilespmem:s18], [sflag:$0x2], $0x80, s31, s11, $0xb8;
	[tilespmem:$0x1CC00] =	vst v63  }
0xaa: {  	_ =	swait.ge [sflag:s13], $0x4000  }
0xab: {  	s24 =	simm.s32 $0x400;
	s21 =	simm.s32 $0x200;
	[sflag:s13] =	ssyncset.done $0x0  }
.LBB2_4:
0xac: {  	s23 =	sshra.s32 s21, $0x2  }
0xad: {  	[sflag:s13] =	ssyncadd.s32 $0xFFFFC000;
	s21 =	smov.u32 s24;
	s22 =	sadd.s32 $0x200, s24  }
0xae: {  	p0 =	sne.s32 s24, $0x9C00;
	v2 =	vld [tilespmem:s23+$0x0];
	_ =	sdelay $0x4  }
0xaf: {  	v2 =	vadd.s32 v1, v2  }
0xb0: {  	[tilespmem:$0x4F80] =	vst v2  }
0xb1: {  	v2 =	vld [tilespmem:s23+$0x10];
	_ =	sdelay $0x4  }
0xb2: {  	v2 =	vadd.s32 v1, v2  }
0xb3: {  	[tilespmem:$0x4F90] =	vst v2  }
0xb4: {  	v2 =	vld [tilespmem:s23+$0x20];
	_ =	sdelay $0x4  }
0xb5: {  	v2 =	vadd.s32 v1, v2  }
0xb6: {  	[tilespmem:$0x4FA0] =	vst v2  }
0xb7: {  	v2 =	vld [tilespmem:s23+$0x30];
	_ =	sdelay $0x4  }
0xb8: {  	v2 =	vadd.s32 v1, v2  }
0xb9: {  	[tilespmem:$0x4FB0] =	vst v2  }
0xba: {  	v2 =	vld [tilespmem:s23+$0x40];
	_ =	sdelay $0x4  }
0xbb: {  	v2 =	vadd.s32 v1, v2  }
0xbc: {  	[tilespmem:$0x4FC0] =	vst v2  }
0xbd: {  	v2 =	vld [tilespmem:s23+$0x50];
	_ =	sdelay $0x4  }
0xbe: {  	v2 =	vadd.s32 v1, v2  }
0xbf: {  	[tilespmem:$0x4FD0] =	vst v2  }
0xc0: {  	v2 =	vld [tilespmem:s23+$0x60];
	_ =	sdelay $0x4  }
0xc1: {  	v2 =	vadd.s32 v1, v2  }
0xc2: {  	[tilespmem:$0x4FE0] =	vst v2  }
0xc3: {  	v2 =	vld [tilespmem:s23+$0x70];
	_ =	sdelay $0x4  }
0xc4: {  	v2 =	vadd.s32 v1, v2  }
0xc5: {  	[tilespmem:$0x4FF0] =	vst v2  }
0xc6: {  	[tilespmem:s18], [sflag:$0x1] =	stream.indirect.gather [hbm4b:s4+s11], $0x80, s17, s11, $0xb8;
	[tilespmem:$0x1CC00] =	vst v63  }
0xc7: {  	_ =	swait.ge [sflag:s19], $0x4000  }
.Ltmp1:
0xc8: {  	[sflag:s19] =	ssyncset.done $0x0;
	(pc) =	sbr.rel @p0 .LBB2_4-.Ltmp1, $4  }
0xc9: {  	s23 =	sadd.s32 $0x2780, s23;
	[sflag:s19] =	ssyncadd.s32 $0xFFFFC000  }
0xca: {  	[spmem:s2] =	stream.indirect.scatter.add.f32 [tilespmem:s18], [sflag:$0x2], $0x80, s23, s11, $0xb8;
	[tilespmem:$0x1CC00] =	vst v63  }
0xcb: {  	_ =	swait.ge [sflag:s13], $0x4000  }
0xcc: {  	s24 =	smov.u32 s22;
	[sflag:s13] =	ssyncset.done $0x0  }
0xcd: {  	s21 =	sshra.s32 s21, $0x2;
	[sflag:s13] =	ssyncadd.s32 $0xFFFFC000  }
0xce: {  	v2 =	vld [tilespmem:s21+$0x0];
	_ =	sdelay $0x4  }
0xcf: {  	v2 =	vadd.s32 v1, v2  }
0xd0: {  	[tilespmem:$0x4F80] =	vst v2  }
0xd1: {  	v2 =	vld [tilespmem:s21+$0x10];
	_ =	sdelay $0x4  }
0xd2: {  	v2 =	vadd.s32 v1, v2  }
0xd3: {  	[tilespmem:$0x4F90] =	vst v2  }
0xd4: {  	v2 =	vld [tilespmem:s21+$0x20];
	_ =	sdelay $0x4  }
0xd5: {  	v2 =	vadd.s32 v1, v2  }
0xd6: {  	[tilespmem:$0x4FA0] =	vst v2  }
0xd7: {  	v2 =	vld [tilespmem:s21+$0x30];
	_ =	sdelay $0x4  }
0xd8: {  	v2 =	vadd.s32 v1, v2  }
0xd9: {  	[tilespmem:$0x4FB0] =	vst v2  }
0xda: {  	v2 =	vld [tilespmem:s21+$0x40];
	_ =	sdelay $0x4  }
0xdb: {  	v2 =	vadd.s32 v1, v2  }
0xdc: {  	[tilespmem:$0x4FC0] =	vst v2  }
0xdd: {  	v2 =	vld [tilespmem:s21+$0x50];
	_ =	sdelay $0x4  }
0xde: {  	v2 =	vadd.s32 v1, v2  }
0xdf: {  	[tilespmem:$0x4FD0] =	vst v2  }
0xe0: {  	v2 =	vld [tilespmem:s21+$0x60];
	_ =	sdelay $0x4  }
0xe1: {  	v2 =	vadd.s32 v1, v2  }
0xe2: {  	[tilespmem:$0x4FE0] =	vst v2  }
0xe3: {  	v2 =	vld [tilespmem:s21+$0x70];
	_ =	sdelay $0x4  }
0xe4: {  	v2 =	vadd.s32 v1, v2  }
0xe5: {  	[tilespmem:$0x4FF0] =	vst v2  }
0xe6: {  	[tilespmem:s18], [sflag:$0x1] =	stream.indirect.gather [hbm4b:s4+s11], $0x80, s17, s11, $0xb8;
	[tilespmem:$0x1CC00] =	vst v63  }
0xe7: {  	_ =	swait.ge [sflag:s19], $0x4000  }
0xe8: {  	[sflag:s19] =	ssyncset.done $0x0  }
0xe9: {  	s21 =	sadd.s32 $0x2780, s21;
	[sflag:s19] =	ssyncadd.s32 $0xFFFFC000  }
0xea: {  	[spmem:s2] =	stream.indirect.scatter.add.f32 [tilespmem:s18], [sflag:$0x2], $0x80, s21, s11, $0xb8;
	[tilespmem:$0x1CC00] =	vst v63  }
0xeb: {  	_ =	swait.ge [sflag:s13], $0x4000  }
0xec: {  	s20 =	sadd.s32 $0x1, s20;
	[sflag:s13] =	ssyncset.done $0x0  }
0xed: {  	p0 =	sne.s32 s20, s10;
	[sflag:s13] =	ssyncadd.s32 $0xFFFFC000  }
.Ltmp2:
0xee: {  	[bflag:$0x0] =	sbarrier.arrive $0xFFFF;
	(pc) =	sbr.rel @p0 .LBB2_1-.Ltmp2, $4  }
0xef: {  	[hbm:s9], [sflag:s15] =	dma.local [spmem:s16], $0x2780  }
0xf0: {  	_ =	swait.ge [sflag:s13], $0x2780  }
0xf1: {  	[sflag:s13] =	ssyncset.done $0x0  }
0xf2: {  	[sflag:s13] =	ssyncadd.s32 $0xFFFFD880  }
0xf3: {  	_ =	sfence.sel $0x180000  }
0xf4: {  	[bflag:$0x0] =	sbarrier.arrive $0xFFFF  }
0xf5: {  	p0 =	sne.s32 s1, $0x0;
	_ =	strace $0x90000059  }
0xf6: {  	s0 =	sadd.s32 @!p0 $0x100000, s0;
	[bflag:$0x2] =	sbarrier.arrive $0xFFFF  }
0xf7: {  	[sflag:s0] =	ssyncadd.tile.s32 @!p0 $0x1;
	_ =	shalt  }
.Lfunc_end2:
_tile_overlayer_lowered:
.L_overlay_start_2:
0xf8: {  	(tag) =	ssettag $0x2  }
0xf9: {  	s0 =	rddreg [dreg:$0x0];
	s2 =	stileid.u32  }
0xfa: {  	s1 =	rddreg [dreg:$0x1];
	p0 =	sne.s32 s2, $0x0  }
0xfb: {  	s3 =	rddreg [dreg:$0x2];
	[bflag:$0x3] =	sbarrier.arrive $0xFFFF;
	s2 =	simm.s32 @!p0 $0x1C02  }
0xfc: {  	[timem:s3], [sflag:s2] =	dma.local @!p0 [hbm:s0], s1  }
0xfd: {  	s0 =	simm.s32 @!p0 $0x2  }
0xfe: {  	_ =	swait.ge @!p0 [sflag:s0], s1  }
0xff: {  	s1 =	ssub.s32 @!p0 $0x0, s1;
	[sflag:s0] =	ssyncset.done @!p0 $0x0  }
0x100: {  	[sflag:s0] =	ssyncadd.s32 @!p0 s1  }
0x101: {  	[bflag:$0x3] =	sbarrier.arrive $0xFFFF  }
0x102: {  	_ =	shalt  }

</sc_bundles>
